<compile_context>
chip_gen: v7x
topology: tpu7x:2x2x1
jax: 0.10.2.dev20260603
libtpu: 0.0.44.dev20260713+nightly
codegen_flags: <defaults>
</compile_context>

<pallas_src>
import jax
import jax.numpy as jnp
from jax import lax
from jax.experimental import pallas as pl
from jax.experimental.pallas import tpu as pltpu
from jax.experimental.pallas import tpu_sc as plsc

_MAX_BEAT = 256
_MAX_DUR = 192
_L = 16
_NC = 2
_NS = 16
_NW = _NC * _NS
_F = 129
_B, _S = 256, 2048
_T = _B * _S
_CT = 8192
_NCHUNK = _T // _CT
_NROW = 603

_OFF_POS = 129
_OFF_BEAT = 129 + 24
_OFF_DUR = 129 + 24 + 257


def _mask_body(p_ref, o_ref):
    o_ref[...] = p_ref[...] != 0


def _sc_body(tallT_hbm, freq_hbm, time_hbm, pitch_hbm, dur_hbm, hint_hbm,
             out_hbm,
             tallT_v, freq_v, hint_v,
             ib0, ib1, sa0, sa1, sb0, sb1, sf0, sf1,
             sin0, sin1, sout0, sout1):
    wid = lax.axis_index("s") * _NC + lax.axis_index("c")
    kk = wid >> 3
    j0 = 2 * (wid & 7)
    f0 = 2 * wid
    iota = lax.broadcasted_iota(jnp.int32, (_L,), 0)

    pltpu.sync_copy(tallT_hbm, tallT_v)
    pltpu.sync_copy(freq_hbm, freq_v)
    pltpu.sync_copy(hint_hbm, hint_v)

    def issue_in(c, ib, sem):
        src = pl.ds(c * _CT, _CT)

        @pl.when(kk == 0)
        def _():
            pltpu.async_copy(pitch_hbm.at[src], ib, sem)

        @pl.when(jnp.logical_or(kk == 1, kk == 2))
        def _():
            pltpu.async_copy(time_hbm.at[src], ib, sem)

        @pl.when(kk == 3)
        def _():
            pltpu.async_copy(dur_hbm.at[src], ib, sem)

    def wait_in(ib, sem):
        pltpu.make_async_copy(time_hbm.at[pl.ds(0, _CT)], ib, sem).wait()

    def tok_fill(ib, sa, sb, sf, fwid):
        base = j0 * _NROW

        def g_pitch(gi, carry):
            pv = ib[pl.ds(gi * _L, _L)]
            adr = pv + base
            sa[pl.ds(gi * _L, _L)] = plsc.load_gather(tallT_v, [adr])
            sb[pl.ds(gi * _L, _L)] = plsc.load_gather(tallT_v, [adr + _NROW])
            return carry

        def g_pos(gi, carry):
            tv = ib[pl.ds(gi * _L, _L)]
            qv = (tv * 43691) >> 20
            adr = (tv - qv * 24) + (base + _OFF_POS)
            sa[pl.ds(gi * _L, _L)] = plsc.load_gather(tallT_v, [adr])
            sb[pl.ds(gi * _L, _L)] = plsc.load_gather(tallT_v, [adr + _NROW])
            return carry

        def g_beat(gi, carry):
            tv = ib[pl.ds(gi * _L, _L)]
            qv = (tv * 43691) >> 20
            adr = jnp.minimum(qv, _MAX_BEAT) + (base + _OFF_BEAT)
            sa[pl.ds(gi * _L, _L)] = plsc.load_gather(tallT_v, [adr])
            sb[pl.ds(gi * _L, _L)] = plsc.load_gather(tallT_v, [adr + _NROW])
            return carry

        def g_dur(gi, carry):
            dv = ib[pl.ds(gi * _L, _L)]
            adr = jnp.minimum(dv, _MAX_DUR) + (base + _OFF_DUR)
            sa[pl.ds(gi * _L, _L)] = plsc.load_gather(tallT_v, [adr])
            sb[pl.ds(gi * _L, _L)] = plsc.load_gather(tallT_v, [adr + _NROW])
            return carry

        def g_freq(gi, carry):
            pv = ib[pl.ds(gi * _L, _L)]
            sf[pl.ds(gi * _L, _L)] = plsc.load_gather(freq_v, [pv])
            return carry

        @pl.when(kk == 0)
        def _():
            lax.fori_loop(0, _CT // _L, g_pitch, 0)

        @pl.when(kk == 1)
        def _():
            lax.fori_loop(0, _CT // _L, g_pos, 0)

        @pl.when(kk == 2)
        def _():
            lax.fori_loop(0, _CT // _L, g_beat, 0)

        @pl.when(kk == 3)
        def _():
            lax.fori_loop(0, _CT // _L, g_dur, 0)

        @pl.when(wid == fwid)
        def _():
            lax.fori_loop(0, _CT // _L, g_freq, 0)

    def issue_out(c, sa, sb, sf, fwid, sem):
        dst = pl.ds(f0 * _T + c * _CT, _CT)
        pltpu.async_copy(sa, out_hbm.at[dst], sem)
        dstb = pl.ds((f0 + 1) * _T + c * _CT, _CT)
        pltpu.async_copy(sb, out_hbm.at[dstb], sem)

        @pl.when(wid == fwid)
        def _():
            pltpu.async_copy(sf, out_hbm.at[pl.ds(64 * _T + c * _CT, _CT)],
                             sem)

    def wait_out(sa, sb, sf, fwid, sem):
        pltpu.make_async_copy(sa, out_hbm.at[pl.ds(0, _CT)], sem).wait()
        pltpu.make_async_copy(sb, out_hbm.at[pl.ds(0, _CT)], sem).wait()

        @pl.when(wid == fwid)
        def _():
            pltpu.make_async_copy(sf, out_hbm.at[pl.ds(0, _CT)], sem).wait()

    issue_in(0, ib0, sin0)
    issue_in(1, ib1, sin1)

    def tok_pair(m, carry):
        c0 = 2 * m
        c1 = 2 * m + 1

        wait_in(ib0, sin0)

        @pl.when(m >= 1)
        def _():
            wait_out(sa0, sb0, sf0, 0, sout0)

        tok_fill(ib0, sa0, sb0, sf0, 0)
        issue_out(c0, sa0, sb0, sf0, 0, sout0)

        @pl.when(m < _NCHUNK // 2 - 1)
        def _():
            issue_in(c0 + 2, ib0, sin0)

        wait_in(ib1, sin1)

        @pl.when(m >= 1)
        def _():
            wait_out(sa1, sb1, sf1, 1, sout1)

        tok_fill(ib1, sa1, sb1, sf1, 1)
        issue_out(c1, sa1, sb1, sf1, 1, sout1)

        @pl.when(m < _NCHUNK // 2 - 1)
        def _():
            issue_in(c1 + 2, ib1, sin1)

        return carry

    lax.fori_loop(0, _NCHUNK // 2, tok_pair, 0)
    wait_out(sa0, sb0, sf0, 0, sout0)
    wait_out(sa1, sb1, sf1, 1, sout1)

    qh = (2 * wid) >> 4
    jh = (2 * wid) & 15
    m0 = 65 + 2 * wid

    def hint_fill(c, sa, sb):
        bt = c // 2
        bvec = (bt * 8 + jnp.minimum(iota, 7)) * 4 + qh
        phv = plsc.load_gather(hint_v, [bvec])
        va = plsc.load_gather(tallT_v, [jh * _NROW + phv])
        vb = plsc.load_gather(tallT_v, [(jh + 1) * _NROW + phv])
        for bi in range(8):
            sva = jnp.full((_L,), va[bi], jnp.float32)
            svb = jnp.full((_L,), vb[bi], jnp.float32)

            def w_body(st, carry):
                off = st * 1024 + bi * 128
                for jj in range(8):
                    sa[pl.ds(off + jj * _L, _L)] = sva
                    sb[pl.ds(off + jj * _L, _L)] = svb
                return carry

            lax.fori_loop(0, 8, w_body, 0)

    def issue_hout(c, sa, sb, sem):
        pltpu.async_copy(sa, out_hbm.at[pl.ds(m0 * _T + c * _CT, _CT)], sem)
        pltpu.async_copy(sb, out_hbm.at[pl.ds((m0 + 1) * _T + c * _CT, _CT)],
                         sem)

    def wait_hout(sa, sb, sem):
        pltpu.make_async_copy(sa, out_hbm.at[pl.ds(0, _CT)], sem).wait()
        pltpu.make_async_copy(sb, out_hbm.at[pl.ds(0, _CT)], sem).wait()

    def hint_pair(m, carry):
        c0 = 2 * m
        c1 = 2 * m + 1

        @pl.when(m >= 1)
        def _():
            wait_hout(sa0, sb0, sout0)

        hint_fill(c0, sa0, sb0)
        issue_hout(c0, sa0, sb0, sout0)

        @pl.when(m >= 1)
        def _():
            wait_hout(sa1, sb1, sout1)

        hint_fill(c1, sa1, sb1)
        issue_hout(c1, sa1, sb1, sout1)
        return carry

    lax.fori_loop(0, _NCHUNK // 2, hint_pair, 0)
    wait_hout(sa0, sb0, sout0)
    wait_hout(sa1, sb1, sout1)


def kernel(time, pitch, duration, pitch_hint, W_pitch, W_pos, W_dur, W_beat,
           freq_table):
    B, S = time.shape
    tallT = jnp.concatenate([W_pitch, W_pos, W_beat, W_dur],
                            axis=0).T.reshape(-1)
    freq = jnp.pad(freq_table.reshape(-1), (0, 7))

    mesh = plsc.VectorSubcoreMesh(core_axis_name="c", subcore_axis_name="s",
                                  num_cores=_NC, num_subcores=_NS)
    buf_i = pltpu.VMEM((_CT,), jnp.int32)
    buf_f = pltpu.VMEM((_CT,), jnp.float32)
    sc = pl.kernel(
        _sc_body,
        out_type=jax.ShapeDtypeStruct((_F * _T,), jnp.float32),
        mesh=mesh,
        compiler_params=pltpu.CompilerParams(needs_layout_passes=False),
        scratch_types=[
            pltpu.VMEM((16 * _NROW,), jnp.float32),
            pltpu.VMEM((136,), jnp.float32),
            pltpu.VMEM((B * 4,), jnp.int32),
            buf_i, buf_i, buf_f, buf_f, buf_f, buf_f, buf_f, buf_f,
            pltpu.SemaphoreType.DMA,
            pltpu.SemaphoreType.DMA,
            pltpu.SemaphoreType.DMA,
            pltpu.SemaphoreType.DMA,
        ],
    )
    def tiled_flat(x):
        return x.reshape(B // 8, 8, S // 128, 128).transpose(
            0, 2, 1, 3).reshape(-1)

    out_flat = sc(tallT, freq, tiled_flat(time), tiled_flat(pitch),
                  tiled_flat(duration), pitch_hint.reshape(-1))
    x = out_flat.reshape(_F, _B // 8, _S // 128, 8, 128)
    tensor_out = x.transpose(1, 3, 2, 4, 0).reshape(_B, _S, _F)

    mask = pl.pallas_call(
        _mask_body,
        out_shape=jax.ShapeDtypeStruct((B, S), jnp.bool_),
        grid=(B // 8,),
        in_specs=[pl.BlockSpec((8, S), lambda i: (i, 0))],
        out_specs=pl.BlockSpec((8, S), lambda i: (i, 0)),
    )(pitch)
    return tensor_out, mask

# --- scband reference (transcript-rebuilt; emitter-appended) ---
"""Pipeline reference for scband-input-layer-5265629905325 (READ-ONLY COPY).

The authoritative reference and input builder live on the scoring server;
editing this copy changes nothing except your own understanding.
"""

import jax, jax.numpy as jnp
import numpy as np

MAX_BEAT = 256
MAX_DURATION = 192
N_TRACKS = 4


def positional_encoding(position, d_model):
    pos = np.arange(position)[:, np.newaxis]
    i = np.arange(d_model)[np.newaxis, :]
    angle_rates = 1 / np.power(10000, 2 * (i // 2) / np.float32(d_model))
    pe = pos * angle_rates
    pe[:, 0::2] = np.sin(pe[:, 0::2])
    pe[:, 1::2] = np.cos(pe[:, 1::2])
    return jnp.asarray(pe, dtype=jnp.float32)


def setup_inputs(seed: int = 0) -> dict:
    key = jax.random.key(seed)
    ks = jax.random.split(key, 8)
    B, S = 256, 2048
    time = jax.random.randint(ks[0], (B, S), 0, 6144)
    pitch = jax.random.randint(ks[1], (B, S), 0, 129)
    duration = jax.random.randint(ks[2], (B, S), 0, 256)
    pitch_hint = jax.random.randint(ks[3], (B, N_TRACKS), 0, 129)
    W_pitch = jax.random.normal(ks[4], (129, 16), dtype=jnp.float32) * 0.05
    W_pos = jax.random.normal(ks[5], (24, 16), dtype=jnp.float32) * 0.05
    W_dur = jax.random.normal(ks[6], (MAX_DURATION + 1, 16), dtype=jnp.float32) * 0.05
    W_beat = positional_encoding(MAX_BEAT + 1, 16)
    freq = 440.0 * 2 ** ((np.arange(128) - 69) / 12)
    freq = np.pad(freq, (1, 0))
    freq = freq / freq.max()
    freq_table = jnp.asarray(freq[:, np.newaxis], dtype=jnp.float32)
    return {"time": time, "pitch": pitch, "duration": duration, "pitch_hint": pitch_hint,
            "W_pitch": W_pitch, "W_pos": W_pos, "W_dur": W_dur, "W_beat": W_beat,
            "freq_table": freq_table}


def reference(time, pitch, duration, pitch_hint, W_pitch, W_pos, W_dur, W_beat, freq_table):
    S = time.shape[1]
    tensors = []
    # pitch embedding (trainable)
    tensors.append(jnp.take(W_pitch, pitch, axis=0))
    # beat-position embeddings (use_beat_postion + use_beat_embedding)
    tensors.append(jnp.take(W_pos, time % 24, axis=0))
    tensors.append(jnp.take(W_beat, jnp.clip(time // 24, 0, MAX_BEAT), axis=0))
    # duration embedding
    tensors.append(jnp.take(W_dur, jnp.clip(duration, 0, MAX_DURATION), axis=0))
    # frequency mapping (fixed lookup)
    tensors.append(jnp.take(freq_table, pitch, axis=0))
    # pitch hint: per-track embedding tiled across sequence
    for i in range(N_TRACKS):
        emb = jnp.take(W_pitch, pitch_hint[:, i:i + 1], axis=0)  # (B, 1, 16)
        tensors.append(jnp.tile(emb, (1, S, 1)))
    tensor_out = jnp.concatenate(tensors, axis=-1)
    mask = jnp.not_equal(pitch, 0)
    return (tensor_out, mask)

if __name__ == "__main__":
    import jax
    _d = setup_inputs()
    print(jax.jit(kernel)(*tuple(_d.values())))

</pallas_src>

<mosaic_0001>
#map = affine_map<(d0, d1) -> (0)>
module attributes {stable_mosaic.version = 14 : i64} {
  func.func @_sc_body(%arg0: i32, %arg1: i32, %arg2: memref<9648xf32, #tpu.memory_space<hbm>>, %arg3: memref<136xf32, #tpu.memory_space<hbm>>, %arg4: memref<524288xi32, #tpu.memory_space<hbm>>, %arg5: memref<524288xi32, #tpu.memory_space<hbm>>, %arg6: memref<524288xi32, #tpu.memory_space<hbm>>, %arg7: memref<1024xi32, #tpu.memory_space<hbm>>, %arg8: memref<67633152xf32, #tpu.memory_space<hbm>>, %arg9: memref<9648xf32, #tpu.memory_space<vmem>>, %arg10: memref<136xf32, #tpu.memory_space<vmem>>, %arg11: memref<1024xi32, #tpu.memory_space<vmem>>, %arg12: memref<8192xi32, #tpu.memory_space<vmem>>, %arg13: memref<8192xi32, #tpu.memory_space<vmem>>, %arg14: memref<8192xf32, #tpu.memory_space<vmem>>, %arg15: memref<8192xf32, #tpu.memory_space<vmem>>, %arg16: memref<8192xf32, #tpu.memory_space<vmem>>, %arg17: memref<8192xf32, #tpu.memory_space<vmem>>, %arg18: memref<8192xf32, #tpu.memory_space<vmem>>, %arg19: memref<8192xf32, #tpu.memory_space<vmem>>, %arg20: memref<!tpu.dma_semaphore, #tpu.memory_space<semaphore_mem>>, %arg21: memref<!tpu.dma_semaphore, #tpu.memory_space<semaphore_mem>>, %arg22: memref<!tpu.dma_semaphore, #tpu.memory_space<semaphore_mem>>, %arg23: memref<!tpu.dma_semaphore, #tpu.memory_space<semaphore_mem>>) attributes {dimension_semantics = [#tpu.dimension_semantics<core_parallel>, #tpu.dimension_semantics<subcore_parallel>], iteration_bounds = array<i64: 2, 16>, scalar_prefetch = 0 : i64, scratch_operands = 15 : i64, tpu.core_type = #tpu.core_type<sc_vector_subcore>, window_params = [{transform_indices = #map}, {transform_indices = #map}, {transform_indices = #map}, {transform_indices = #map}, {transform_indices = #map}, {transform_indices = #map}, {transform_indices = #map}]} {
    %mul3A = arith.constant 2 : i32
    %mul3A_0 = arith.muli %arg1, %mul3A : i32
    %add3A = arith.addi %mul3A_0, %arg0 : i32
    %shift_right_arithmetic3A = arith.constant 3 : i32
    %shift_right_arithmetic3A_1 = arith.shrsi %add3A, %shift_right_arithmetic3A : i32
    %and3A = arith.constant 7 : i32
    %and3A_2 = arith.andi %add3A, %and3A : i32
    %mul3A_3 = arith.constant 2 : i32
    %mul3A_4 = arith.muli %mul3A_3, %and3A_2 : i32
    %mul3A_5 = arith.constant 2 : i32
    %mul3A_6 = arith.muli %mul3A_5, %add3A : i32
    %iota3A = tpu.iota {dimensions = array<i32: 0>} : vector<16xi32>
    "tpu.region"() ({
      %run_scoped3A = tpu.sem_alloc : memref<!tpu.dma_semaphore, #tpu.memory_space<semaphore_mem>>
      tpu.enqueue_dma source(%arg2 : memref<9648xf32, #tpu.memory_space<hbm>>) target(%arg9 : memref<9648xf32, #tpu.memory_space<vmem>>) target_semaphore(%run_scoped3A : memref<!tpu.dma_semaphore, #tpu.memory_space<semaphore_mem>>)
      tpu.wait_dma2 semaphore(%run_scoped3A : memref<!tpu.dma_semaphore, #tpu.memory_space<semaphore_mem>>) src(%arg2 : memref<9648xf32, #tpu.memory_space<hbm>>) dst(%arg9 : memref<9648xf32, #tpu.memory_space<vmem>>)
      tpu.yield
    }) : () -> ()
    "tpu.region"() ({
      %run_scoped3A = tpu.sem_alloc : memref<!tpu.dma_semaphore, #tpu.memory_space<semaphore_mem>>
      tpu.enqueue_dma source(%arg3 : memref<136xf32, #tpu.memory_space<hbm>>) target(%arg10 : memref<136xf32, #tpu.memory_space<vmem>>) target_semaphore(%run_scoped3A : memref<!tpu.dma_semaphore, #tpu.memory_space<semaphore_mem>>)
      tpu.wait_dma2 semaphore(%run_scoped3A : memref<!tpu.dma_semaphore, #tpu.memory_space<semaphore_mem>>) src(%arg3 : memref<136xf32, #tpu.memory_space<hbm>>) dst(%arg10 : memref<136xf32, #tpu.memory_space<vmem>>)
      tpu.yield
    }) : () -> ()
    "tpu.region"() ({
      %run_scoped3A = tpu.sem_alloc : memref<!tpu.dma_semaphore, #tpu.memory_space<semaphore_mem>>
      tpu.enqueue_dma source(%arg7 : memref<1024xi32, #tpu.memory_space<hbm>>) target(%arg11 : memref<1024xi32, #tpu.memory_space<vmem>>) target_semaphore(%run_scoped3A : memref<!tpu.dma_semaphore, #tpu.memory_space<semaphore_mem>>)
      tpu.wait_dma2 semaphore(%run_scoped3A : memref<!tpu.dma_semaphore, #tpu.memory_space<semaphore_mem>>) src(%arg7 : memref<1024xi32, #tpu.memory_space<hbm>>) dst(%arg11 : memref<1024xi32, #tpu.memory_space<vmem>>)
      tpu.yield
    }) : () -> ()
    %eq3A = arith.constant 0 : i32
    %eq3A_7 = arith.cmpi eq, %shift_right_arithmetic3A_1, %eq3A : i32
    %convert_element_type3A = arith.extui %eq3A_7 : i1 to i32
    %cond3A = arith.constant 0 : i32
    %cond3A_8 = arith.cmpi ne, %convert_element_type3A, %cond3A : i32
    scf.if %cond3A_8 {
      %dma_start3A = arith.constant 0 : i32
      %dma_start3A_103 = tpu.memref_slice %arg5[%dma_start3A] : memref<524288xi32, #tpu.memory_space<hbm>> -> memref<8192xi32, #tpu.memory_space<hbm>>
      %dma_start3A_104 = arith.constant 0 : i32
      %dma_start3A_105 = tpu.memref_slice %arg5[%dma_start3A_104] : memref<524288xi32, #tpu.memory_space<hbm>> -> memref<8192xi32, #tpu.memory_space<hbm>>
      tpu.enqueue_dma source(%dma_start3A_105 : memref<8192xi32, #tpu.memory_space<hbm>>) target(%arg12 : memref<8192xi32, #tpu.memory_space<vmem>>) target_semaphore(%arg20 : memref<!tpu.dma_semaphore, #tpu.memory_space<semaphore_mem>>)
    } else {
    }
    %eq3A_9 = arith.constant 1 : i32
    %eq3A_10 = arith.cmpi eq, %shift_right_arithmetic3A_1, %eq3A_9 : i32
    %eq3A_11 = arith.constant 2 : i32
    %eq3A_12 = arith.cmpi eq, %shift_right_arithmetic3A_1, %eq3A_11 : i32
    %or3A = arith.ori %eq3A_10, %eq3A_12 : i1
    %convert_element_type3A_13 = arith.extui %or3A : i1 to i32
    %cond3A_14 = arith.constant 0 : i32
    %cond3A_15 = arith.cmpi ne, %convert_element_type3A_13, %cond3A_14 : i32
    scf.if %cond3A_15 {
      %dma_start3A = arith.constant 0 : i32
      %dma_start3A_103 = tpu.memref_slice %arg4[%dma_start3A] : memref<524288xi32, #tpu.memory_space<hbm>> -> memref<8192xi32, #tpu.memory_space<hbm>>
      %dma_start3A_104 = arith.constant 0 : i32
      %dma_start3A_105 = tpu.memref_slice %arg4[%dma_start3A_104] : memref<524288xi32, #tpu.memory_space<hbm>> -> memref<8192xi32, #tpu.memory_space<hbm>>
      tpu.enqueue_dma source(%dma_start3A_105 : memref<8192xi32, #tpu.memory_space<hbm>>) target(%arg12 : memref<8192xi32, #tpu.memory_space<vmem>>) target_semaphore(%arg20 : memref<!tpu.dma_semaphore, #tpu.memory_space<semaphore_mem>>)
    } else {
    }
    %eq3A_16 = arith.constant 3 : i32
    %eq3A_17 = arith.cmpi eq, %shift_right_arithmetic3A_1, %eq3A_16 : i32
    %convert_element_type3A_18 = arith.extui %eq3A_17 : i1 to i32
    %cond3A_19 = arith.constant 0 : i32
    %cond3A_20 = arith.cmpi ne, %convert_element_type3A_18, %cond3A_19 : i32
    scf.if %cond3A_20 {
      %dma_start3A = arith.constant 0 : i32
      %dma_start3A_103 = tpu.memref_slice %arg6[%dma_start3A] : memref<524288xi32, #tpu.memory_space<hbm>> -> memref<8192xi32, #tpu.memory_space<hbm>>
      %dma_start3A_104 = arith.constant 0 : i32
      %dma_start3A_105 = tpu.memref_slice %arg6[%dma_start3A_104] : memref<524288xi32, #tpu.memory_space<hbm>> -> memref<8192xi32, #tpu.memory_space<hbm>>
      tpu.enqueue_dma source(%dma_start3A_105 : memref<8192xi32, #tpu.memory_space<hbm>>) target(%arg12 : memref<8192xi32, #tpu.memory_space<vmem>>) target_semaphore(%arg20 : memref<!tpu.dma_semaphore, #tpu.memory_space<semaphore_mem>>)
    } else {
    }
    %eq3A_21 = arith.constant 0 : i32
    %eq3A_22 = arith.cmpi eq, %shift_right_arithmetic3A_1, %eq3A_21 : i32
    %convert_element_type3A_23 = arith.extui %eq3A_22 : i1 to i32
    %cond3A_24 = arith.constant 0 : i32
    %cond3A_25 = arith.cmpi ne, %convert_element_type3A_23, %cond3A_24 : i32
    scf.if %cond3A_25 {
      %dma_start3A = arith.constant 8192 : i32
      %dma_start3A_103 = tpu.memref_slice %arg5[%dma_start3A] : memref<524288xi32, #tpu.memory_space<hbm>> -> memref<8192xi32, #tpu.memory_space<hbm>>
      %dma_start3A_104 = arith.constant 8192 : i32
      %dma_start3A_105 = tpu.memref_slice %arg5[%dma_start3A_104] : memref<524288xi32, #tpu.memory_space<hbm>> -> memref<8192xi32, #tpu.memory_space<hbm>>
      tpu.enqueue_dma source(%dma_start3A_105 : memref<8192xi32, #tpu.memory_space<hbm>>) target(%arg13 : memref<8192xi32, #tpu.memory_space<vmem>>) target_semaphore(%arg21 : memref<!tpu.dma_semaphore, #tpu.memory_space<semaphore_mem>>)
    } else {
    }
    %eq3A_26 = arith.constant 1 : i32
    %eq3A_27 = arith.cmpi eq, %shift_right_arithmetic3A_1, %eq3A_26 : i32
    %eq3A_28 = arith.constant 2 : i32
    %eq3A_29 = arith.cmpi eq, %shift_right_arithmetic3A_1, %eq3A_28 : i32
    %or3A_30 = arith.ori %eq3A_27, %eq3A_29 : i1
    %convert_element_type3A_31 = arith.extui %or3A_30 : i1 to i32
    %cond3A_32 = arith.constant 0 : i32
    %cond3A_33 = arith.cmpi ne, %convert_element_type3A_31, %cond3A_32 : i32
    scf.if %cond3A_33 {
      %dma_start3A = arith.constant 8192 : i32
      %dma_start3A_103 = tpu.memref_slice %arg4[%dma_start3A] : memref<524288xi32, #tpu.memory_space<hbm>> -> memref<8192xi32, #tpu.memory_space<hbm>>
      %dma_start3A_104 = arith.constant 8192 : i32
      %dma_start3A_105 = tpu.memref_slice %arg4[%dma_start3A_104] : memref<524288xi32, #tpu.memory_space<hbm>> -> memref<8192xi32, #tpu.memory_space<hbm>>
      tpu.enqueue_dma source(%dma_start3A_105 : memref<8192xi32, #tpu.memory_space<hbm>>) target(%arg13 : memref<8192xi32, #tpu.memory_space<vmem>>) target_semaphore(%arg21 : memref<!tpu.dma_semaphore, #tpu.memory_space<semaphore_mem>>)
    } else {
    }
    %eq3A_34 = arith.constant 3 : i32
    %eq3A_35 = arith.cmpi eq, %shift_right_arithmetic3A_1, %eq3A_34 : i32
    %convert_element_type3A_36 = arith.extui %eq3A_35 : i1 to i32
    %cond3A_37 = arith.constant 0 : i32
    %cond3A_38 = arith.cmpi ne, %convert_element_type3A_36, %cond3A_37 : i32
    scf.if %cond3A_38 {
      %dma_start3A = arith.constant 8192 : i32
      %dma_start3A_103 = tpu.memref_slice %arg6[%dma_start3A] : memref<524288xi32, #tpu.memory_space<hbm>> -> memref<8192xi32, #tpu.memory_space<hbm>>
      %dma_start3A_104 = arith.constant 8192 : i32
      %dma_start3A_105 = tpu.memref_slice %arg6[%dma_start3A_104] : memref<524288xi32, #tpu.memory_space<hbm>> -> memref<8192xi32, #tpu.memory_space<hbm>>
      tpu.enqueue_dma source(%dma_start3A_105 : memref<8192xi32, #tpu.memory_space<hbm>>) target(%arg13 : memref<8192xi32, #tpu.memory_space<vmem>>) target_semaphore(%arg21 : memref<!tpu.dma_semaphore, #tpu.memory_space<semaphore_mem>>)
    } else {
    }
    %scan3A = arith.constant 0 : i32
    %scan3A_39 = arith.constant 0 : i32
    %scan3A_40 = arith.constant 32 : i32
    %scan3A_41 = arith.addi %scan3A_39, %scan3A_40 : i32
    %scan3A_42 = arith.constant 1 : i32
    scf.for %scan3A_103 = %scan3A_39 to %scan3A_41 step %scan3A_42  : i32 {
      %mul3A_104 = arith.constant 2 : i32
      %mul3A_105 = arith.muli %mul3A_104, %scan3A_103 : i32
      %mul3A_106 = arith.constant 2 : i32
      %mul3A_107 = arith.muli %mul3A_106, %scan3A_103 : i32
      %add3A_108 = arith.constant 1 : i32
      %add3A_109 = arith.addi %mul3A_107, %add3A_108 : i32
      %dma_wait3A_110 = arith.constant 0 : i32
      %dma_wait3A_111 = tpu.memref_slice %arg4[%dma_wait3A_110] : memref<524288xi32, #tpu.memory_space<hbm>> -> memref<8192xi32, #tpu.memory_space<hbm>>
      %dma_wait3A_112 = arith.constant 0 : i32
      %dma_wait3A_113 = tpu.memref_slice %arg4[%dma_wait3A_112] : memref<524288xi32, #tpu.memory_space<hbm>> -> memref<8192xi32, #tpu.memory_space<hbm>>
      tpu.wait_dma2 semaphore(%arg20 : memref<!tpu.dma_semaphore, #tpu.memory_space<semaphore_mem>>) src(%dma_wait3A_113 : memref<8192xi32, #tpu.memory_space<hbm>>) dst(%arg12 : memref<8192xi32, #tpu.memory_space<vmem>>)
      %ge3A = arith.constant 1 : i32
      %ge3A_114 = arith.cmpi sge, %scan3A_103, %ge3A : i32
      %convert_element_type3A_115 = arith.extui %ge3A_114 : i1 to i32
      %cond3A_116 = arith.constant 0 : i32
      %cond3A_117 = arith.cmpi ne, %convert_element_type3A_115, %cond3A_116 : i32
      scf.if %cond3A_117 {
        %dma_wait3A_231 = arith.constant 0 : i32
        %dma_wait3A_232 = tpu.memref_slice %arg8[%dma_wait3A_231] : memref<67633152xf32, #tpu.memory_space<hbm>> -> memref<8192xf32, #tpu.memory_space<hbm>>
        %dma_wait3A_233 = arith.constant 0 : i32
        %dma_wait3A_234 = tpu.memref_slice %arg8[%dma_wait3A_233] : memref<67633152xf32, #tpu.memory_space<hbm>> -> memref<8192xf32, #tpu.memory_space<hbm>>
        tpu.wait_dma2 semaphore(%arg22 : memref<!tpu.dma_semaphore, #tpu.memory_space<semaphore_mem>>) src(%arg14 : memref<8192xf32, #tpu.memory_space<vmem>>) dst(%dma_wait3A_234 : memref<8192xf32, #tpu.memory_space<hbm>>)
        %dma_wait3A_235 = arith.constant 0 : i32
        %dma_wait3A_236 = tpu.memref_slice %arg8[%dma_wait3A_235] : memref<67633152xf32, #tpu.memory_space<hbm>> -> memref<8192xf32, #tpu.memory_space<hbm>>
        %dma_wait3A_237 = arith.constant 0 : i32
        %dma_wait3A_238 = tpu.memref_slice %arg8[%dma_wait3A_237] : memref<67633152xf32, #tpu.memory_space<hbm>> -> memref<8192xf32, #tpu.memory_space<hbm>>
        tpu.wait_dma2 semaphore(%arg22 : memref<!tpu.dma_semaphore, #tpu.memory_space<semaphore_mem>>) src(%arg16 : memref<8192xf32, #tpu.memory_space<vmem>>) dst(%dma_wait3A_238 : memref<8192xf32, #tpu.memory_space<hbm>>)
        %eq3A_239 = arith.constant 0 : i32
        %eq3A_240 = arith.cmpi eq, %add3A, %eq3A_239 : i32
        %convert_element_type3A_241 = arith.extui %eq3A_240 : i1 to i32
        %cond3A_242 = arith.constant 0 : i32
        %cond3A_243 = arith.cmpi ne, %convert_element_type3A_241, %cond3A_242 : i32
        scf.if %cond3A_243 {
          %dma_wait3A_244 = arith.constant 0 : i32
          %dma_wait3A_245 = tpu.memref_slice %arg8[%dma_wait3A_244] : memref<67633152xf32, #tpu.memory_space<hbm>> -> memref<8192xf32, #tpu.memory_space<hbm>>
          %dma_wait3A_246 = arith.constant 0 : i32
          %dma_wait3A_247 = tpu.memref_slice %arg8[%dma_wait3A_246] : memref<67633152xf32, #tpu.memory_space<hbm>> -> memref<8192xf32, #tpu.memory_space<hbm>>
          tpu.wait_dma2 semaphore(%arg22 : memref<!tpu.dma_semaphore, #tpu.memory_space<semaphore_mem>>) src(%arg18 : memref<8192xf32, #tpu.memory_space<vmem>>) dst(%dma_wait3A_247 : memref<8192xf32, #tpu.memory_space<hbm>>)
        } else {
        }
      } else {
      }
      %mul3A_118 = arith.constant 603 : i32
      %mul3A_119 = arith.muli %mul3A_4, %mul3A_118 : i32
      %eq3A_120 = arith.constant 0 : i32
      %eq3A_121 = arith.cmpi eq, %shift_right_arithmetic3A_1, %eq3A_120 : i32
      %convert_element_type3A_122 = arith.extui %eq3A_121 : i1 to i32
      %cond3A_123 = arith.constant 0 : i32
      %cond3A_124 = arith.cmpi ne, %convert_element_type3A_122, %cond3A_123 : i32
      scf.if %cond3A_124 {
        %scan3A_231 = arith.constant 0 : i32
        %scan3A_232 = arith.constant 0 : i32
        %scan3A_233 = arith.constant 512 : i32
        %scan3A_234 = arith.addi %scan3A_232, %scan3A_233 : i32
        %scan3A_235 = arith.constant 1 : i32
        scf.for %scan3A_237 = %scan3A_232 to %scan3A_234 step %scan3A_235  : i32 {
          %mul3A_238 = arith.constant 16 : i32
          %mul3A_239 = arith.muli %scan3A_237, %mul3A_238 : i32
          %get3A = arith.index_cast %mul3A_239 : i32 to index
          %get3A_240 = tpu.vector_load %arg12[%get3A] {strides = array<i32>} : memref<8192xi32, #tpu.memory_space<vmem>>, vector<16xi32>,
          %add3A_241 = vector.broadcast %mul3A_119 : i32 to vector<16xi32>
          %add3A_242 = arith.addi %get3A_240, %add3A_241 : vector<16xi32>
          %gather3A = tpu.vector_load_idx %arg9[%add3A_242] : memref<9648xf32, #tpu.memory_space<vmem>>[vector<16xi32>], vector<16xf32>,
          %mul3A_243 = arith.constant 16 : i32
          %mul3A_244 = arith.muli %scan3A_237, %mul3A_243 : i32
          %swap3A = arith.index_cast %mul3A_244 : i32 to index
          %swap3A_245 = tpu.vector_load %arg14[%swap3A] {strides = array<i32>} : memref<8192xf32, #tpu.memory_space<vmem>>, vector<16xf32>,
          tpu.vector_store %arg14[%swap3A], %gather3A {strides = array<i32>} : memref<8192xf32, #tpu.memory_space<vmem>>, vector<16xf32>,
          %add3A_246 = arith.constant 603 : i32
          %add3A_247 = vector.broadcast %add3A_246 : i32 to vector<16xi32>
          %add3A_248 = arith.addi %add3A_242, %add3A_247 : vector<16xi32>
          %gather3A_249 = tpu.vector_load_idx %arg9[%add3A_248] : memref<9648xf32, #tpu.memory_space<vmem>>[vector<16xi32>], vector<16xf32>,
          %mul3A_250 = arith.constant 16 : i32
          %mul3A_251 = arith.muli %scan3A_237, %mul3A_250 : i32
          %swap3A_252 = arith.index_cast %mul3A_251 : i32 to index
          %swap3A_253 = tpu.vector_load %arg16[%swap3A_252] {strides = array<i32>} : memref<8192xf32, #tpu.memory_space<vmem>>, vector<16xf32>,
          tpu.vector_store %arg16[%swap3A_252], %gather3A_249 {strides = array<i32>} : memref<8192xf32, #tpu.memory_space<vmem>>, vector<16xf32>,
        }
        %scan3A_236 = arith.constant 512 : i32
      } else {
      }
      %eq3A_125 = arith.constant 1 : i32
      %eq3A_126 = arith.cmpi eq, %shift_right_arithmetic3A_1, %eq3A_125 : i32
      %convert_element_type3A_127 = arith.extui %eq3A_126 : i1 to i32
      %cond3A_128 = arith.constant 0 : i32
      %cond3A_129 = arith.cmpi ne, %convert_element_type3A_127, %cond3A_128 : i32
      scf.if %cond3A_129 {
        %scan3A_231 = arith.constant 0 : i32
        %scan3A_232 = arith.constant 0 : i32
        %scan3A_233 = arith.constant 512 : i32
        %scan3A_234 = arith.addi %scan3A_232, %scan3A_233 : i32
        %scan3A_235 = arith.constant 1 : i32
        scf.for %scan3A_237 = %scan3A_232 to %scan3A_234 step %scan3A_235  : i32 {
          %mul3A_238 = arith.constant 16 : i32
          %mul3A_239 = arith.muli %scan3A_237, %mul3A_238 : i32
          %get3A = arith.index_cast %mul3A_239 : i32 to index
          %get3A_240 = tpu.vector_load %arg12[%get3A] {strides = array<i32>} : memref<8192xi32, #tpu.memory_space<vmem>>, vector<16xi32>,
          %mul3A_241 = arith.constant 43691 : i32
          %mul3A_242 = vector.broadcast %mul3A_241 : i32 to vector<16xi32>
          %mul3A_243 = arith.muli %get3A_240, %mul3A_242 : vector<16xi32>
          %shift_right_arithmetic3A_244 = arith.constant 20 : i32
          %shift_right_arithmetic3A_245 = vector.broadcast %shift_right_arithmetic3A_244 : i32 to vector<16xi32>
          %shift_right_arithmetic3A_246 = arith.shrsi %mul3A_243, %shift_right_arithmetic3A_245 : vector<16xi32>
          %mul3A_247 = arith.constant 24 : i32
          %mul3A_248 = vector.broadcast %mul3A_247 : i32 to vector<16xi32>
          %mul3A_249 = arith.muli %shift_right_arithmetic3A_246, %mul3A_248 : vector<16xi32>
          %sub3A = arith.subi %get3A_240, %mul3A_249 : vector<16xi32>
          %add3A_250 = arith.constant 129 : i32
          %add3A_251 = arith.addi %mul3A_119, %add3A_250 : i32
          %add3A_252 = vector.broadcast %add3A_251 : i32 to vector<16xi32>
          %add3A_253 = arith.addi %sub3A, %add3A_252 : vector<16xi32>
          %gather3A = tpu.vector_load_idx %arg9[%add3A_253] : memref<9648xf32, #tpu.memory_space<vmem>>[vector<16xi32>], vector<16xf32>,
          %mul3A_254 = arith.constant 16 : i32
          %mul3A_255 = arith.muli %scan3A_237, %mul3A_254 : i32
          %swap3A = arith.index_cast %mul3A_255 : i32 to index
          %swap3A_256 = tpu.vector_load %arg14[%swap3A] {strides = array<i32>} : memref<8192xf32, #tpu.memory_space<vmem>>, vector<16xf32>,
          tpu.vector_store %arg14[%swap3A], %gather3A {strides = array<i32>} : memref<8192xf32, #tpu.memory_space<vmem>>, vector<16xf32>,
          %add3A_257 = arith.constant 603 : i32
          %add3A_258 = vector.broadcast %add3A_257 : i32 to vector<16xi32>
          %add3A_259 = arith.addi %add3A_253, %add3A_258 : vector<16xi32>
          %gather3A_260 = tpu.vector_load_idx %arg9[%add3A_259] : memref<9648xf32, #tpu.memory_space<vmem>>[vector<16xi32>], vector<16xf32>,
          %mul3A_261 = arith.constant 16 : i32
          %mul3A_262 = arith.muli %scan3A_237, %mul3A_261 : i32
          %swap3A_263 = arith.index_cast %mul3A_262 : i32 to index
          %swap3A_264 = tpu.vector_load %arg16[%swap3A_263] {strides = array<i32>} : memref<8192xf32, #tpu.memory_space<vmem>>, vector<16xf32>,
          tpu.vector_store %arg16[%swap3A_263], %gather3A_260 {strides = array<i32>} : memref<8192xf32, #tpu.memory_space<vmem>>, vector<16xf32>,
        }
        %scan3A_236 = arith.constant 512 : i32
      } else {
      }
      %eq3A_130 = arith.constant 2 : i32
      %eq3A_131 = arith.cmpi eq, %shift_right_arithmetic3A_1, %eq3A_130 : i32
      %convert_element_type3A_132 = arith.extui %eq3A_131 : i1 to i32
      %cond3A_133 = arith.constant 0 : i32
      %cond3A_134 = arith.cmpi ne, %convert_element_type3A_132, %cond3A_133 : i32
      scf.if %cond3A_134 {
        %scan3A_231 = arith.constant 0 : i32
        %scan3A_232 = arith.constant 0 : i32
        %scan3A_233 = arith.constant 512 : i32
        %scan3A_234 = arith.addi %scan3A_232, %scan3A_233 : i32
        %scan3A_235 = arith.constant 1 : i32
        scf.for %scan3A_237 = %scan3A_232 to %scan3A_234 step %scan3A_235  : i32 {
          %mul3A_238 = arith.constant 16 : i32
          %mul3A_239 = arith.muli %scan3A_237, %mul3A_238 : i32
          %get3A = arith.index_cast %mul3A_239 : i32 to index
          %get3A_240 = tpu.vector_load %arg12[%get3A] {strides = array<i32>} : memref<8192xi32, #tpu.memory_space<vmem>>, vector<16xi32>,
          %mul3A_241 = arith.constant 43691 : i32
          %mul3A_242 = vector.broadcast %mul3A_241 : i32 to vector<16xi32>
          %mul3A_243 = arith.muli %get3A_240, %mul3A_242 : vector<16xi32>
          %shift_right_arithmetic3A_244 = arith.constant 20 : i32
          %shift_right_arithmetic3A_245 = vector.broadcast %shift_right_arithmetic3A_244 : i32 to vector<16xi32>
          %shift_right_arithmetic3A_246 = arith.shrsi %mul3A_243, %shift_right_arithmetic3A_245 : vector<16xi32>
          %min3A = arith.constant 256 : i32
          %min3A_247 = vector.broadcast %min3A : i32 to vector<16xi32>
          %min3A_248 = arith.minsi %shift_right_arithmetic3A_246, %min3A_247 : vector<16xi32>
          %add3A_249 = arith.constant 153 : i32
          %add3A_250 = arith.addi %mul3A_119, %add3A_249 : i32
          %add3A_251 = vector.broadcast %add3A_250 : i32 to vector<16xi32>
          %add3A_252 = arith.addi %min3A_248, %add3A_251 : vector<16xi32>
          %gather3A = tpu.vector_load_idx %arg9[%add3A_252] : memref<9648xf32, #tpu.memory_space<vmem>>[vector<16xi32>], vector<16xf32>,
          %mul3A_253 = arith.constant 16 : i32
          %mul3A_254 = arith.muli %scan3A_237, %mul3A_253 : i32
          %swap3A = arith.index_cast %mul3A_254 : i32 to index
          %swap3A_255 = tpu.vector_load %arg14[%swap3A] {strides = array<i32>} : memref<8192xf32, #tpu.memory_space<vmem>>, vector<16xf32>,
          tpu.vector_store %arg14[%swap3A], %gather3A {strides = array<i32>} : memref<8192xf32, #tpu.memory_space<vmem>>, vector<16xf32>,
          %add3A_256 = arith.constant 603 : i32
          %add3A_257 = vector.broadcast %add3A_256 : i32 to vector<16xi32>
          %add3A_258 = arith.addi %add3A_252, %add3A_257 : vector<16xi32>
          %gather3A_259 = tpu.vector_load_idx %arg9[%add3A_258] : memref<9648xf32, #tpu.memory_space<vmem>>[vector<16xi32>], vector<16xf32>,
          %mul3A_260 = arith.constant 16 : i32
          %mul3A_261 = arith.muli %scan3A_237, %mul3A_260 : i32
          %swap3A_262 = arith.index_cast %mul3A_261 : i32 to index
          %swap3A_263 = tpu.vector_load %arg16[%swap3A_262] {strides = array<i32>} : memref<8192xf32, #tpu.memory_space<vmem>>, vector<16xf32>,
          tpu.vector_store %arg16[%swap3A_262], %gather3A_259 {strides = array<i32>} : memref<8192xf32, #tpu.memory_space<vmem>>, vector<16xf32>,
        }
        %scan3A_236 = arith.constant 512 : i32
      } else {
      }
      %eq3A_135 = arith.constant 3 : i32
      %eq3A_136 = arith.cmpi eq, %shift_right_arithmetic3A_1, %eq3A_135 : i32
      %convert_element_type3A_137 = arith.extui %eq3A_136 : i1 to i32
      %cond3A_138 = arith.constant 0 : i32
      %cond3A_139 = arith.cmpi ne, %convert_element_type3A_137, %cond3A_138 : i32
      scf.if %cond3A_139 {
        %scan3A_231 = arith.constant 0 : i32
        %scan3A_232 = arith.constant 0 : i32
        %scan3A_233 = arith.constant 512 : i32
        %scan3A_234 = arith.addi %scan3A_232, %scan3A_233 : i32
        %scan3A_235 = arith.constant 1 : i32
        scf.for %scan3A_237 = %scan3A_232 to %scan3A_234 step %scan3A_235  : i32 {
          %mul3A_238 = arith.constant 16 : i32
          %mul3A_239 = arith.muli %scan3A_237, %mul3A_238 : i32
          %get3A = arith.index_cast %mul3A_239 : i32 to index
          %get3A_240 = tpu.vector_load %arg12[%get3A] {strides = array<i32>} : memref<8192xi32, #tpu.memory_space<vmem>>, vector<16xi32>,
          %min3A = arith.constant 192 : i32
          %min3A_241 = vector.broadcast %min3A : i32 to vector<16xi32>
          %min3A_242 = arith.minsi %get3A_240, %min3A_241 : vector<16xi32>
          %add3A_243 = arith.constant 410 : i32
          %add3A_244 = arith.addi %mul3A_119, %add3A_243 : i32
          %add3A_245 = vector.broadcast %add3A_244 : i32 to vector<16xi32>
          %add3A_246 = arith.addi %min3A_242, %add3A_245 : vector<16xi32>
          %gather3A = tpu.vector_load_idx %arg9[%add3A_246] : memref<9648xf32, #tpu.memory_space<vmem>>[vector<16xi32>], vector<16xf32>,
          %mul3A_247 = arith.constant 16 : i32
          %mul3A_248 = arith.muli %scan3A_237, %mul3A_247 : i32
          %swap3A = arith.index_cast %mul3A_248 : i32 to index
          %swap3A_249 = tpu.vector_load %arg14[%swap3A] {strides = array<i32>} : memref<8192xf32, #tpu.memory_space<vmem>>, vector<16xf32>,
          tpu.vector_store %arg14[%swap3A], %gather3A {strides = array<i32>} : memref<8192xf32, #tpu.memory_space<vmem>>, vector<16xf32>,
          %add3A_250 = arith.constant 603 : i32
          %add3A_251 = vector.broadcast %add3A_250 : i32 to vector<16xi32>
          %add3A_252 = arith.addi %add3A_246, %add3A_251 : vector<16xi32>
          %gather3A_253 = tpu.vector_load_idx %arg9[%add3A_252] : memref<9648xf32, #tpu.memory_space<vmem>>[vector<16xi32>], vector<16xf32>,
          %mul3A_254 = arith.constant 16 : i32
          %mul3A_255 = arith.muli %scan3A_237, %mul3A_254 : i32
          %swap3A_256 = arith.index_cast %mul3A_255 : i32 to index
          %swap3A_257 = tpu.vector_load %arg16[%swap3A_256] {strides = array<i32>} : memref<8192xf32, #tpu.memory_space<vmem>>, vector<16xf32>,
          tpu.vector_store %arg16[%swap3A_256], %gather3A_253 {strides = array<i32>} : memref<8192xf32, #tpu.memory_space<vmem>>, vector<16xf32>,
        }
        %scan3A_236 = arith.constant 512 : i32
      } else {
      }
      %eq3A_140 = arith.constant 0 : i32
      %eq3A_141 = arith.cmpi eq, %add3A, %eq3A_140 : i32
      %convert_element_type3A_142 = arith.extui %eq3A_141 : i1 to i32
      %cond3A_143 = arith.constant 0 : i32
      %cond3A_144 = arith.cmpi ne, %convert_element_type3A_142, %cond3A_143 : i32
      scf.if %cond3A_144 {
        %scan3A_231 = arith.constant 0 : i32
        %scan3A_232 = arith.constant 0 : i32
        %scan3A_233 = arith.constant 512 : i32
        %scan3A_234 = arith.addi %scan3A_232, %scan3A_233 : i32
        %scan3A_235 = arith.constant 1 : i32
        scf.for %scan3A_237 = %scan3A_232 to %scan3A_234 step %scan3A_235  : i32 {
          %mul3A_238 = arith.constant 16 : i32
          %mul3A_239 = arith.muli %scan3A_237, %mul3A_238 : i32
          %get3A = arith.index_cast %mul3A_239 : i32 to index
          %get3A_240 = tpu.vector_load %arg12[%get3A] {strides = array<i32>} : memref<8192xi32, #tpu.memory_space<vmem>>, vector<16xi32>,
          %gather3A = tpu.vector_load_idx %arg10[%get3A_240] : memref<136xf32, #tpu.memory_space<vmem>>[vector<16xi32>], vector<16xf32>,
          %mul3A_241 = arith.constant 16 : i32
          %mul3A_242 = arith.muli %scan3A_237, %mul3A_241 : i32
          %swap3A = arith.index_cast %mul3A_242 : i32 to index
          %swap3A_243 = tpu.vector_load %arg18[%swap3A] {strides = array<i32>} : memref<8192xf32, #tpu.memory_space<vmem>>, vector<16xf32>,
          tpu.vector_store %arg18[%swap3A], %gather3A {strides = array<i32>} : memref<8192xf32, #tpu.memory_space<vmem>>, vector<16xf32>,
        }
        %scan3A_236 = arith.constant 512 : i32
      } else {
      }
      %mul3A_145 = arith.constant 524288 : i32
      %mul3A_146 = arith.muli %mul3A_6, %mul3A_145 : i32
      %mul3A_147 = arith.constant 8192 : i32
      %mul3A_148 = arith.muli %mul3A_105, %mul3A_147 : i32
      %add3A_149 = arith.addi %mul3A_146, %mul3A_148 : i32
      %dma_start3A = tpu.memref_slice %arg8[%add3A_149] : memref<67633152xf32, #tpu.memory_space<hbm>> -> memref<8192xf32, #tpu.memory_space<hbm>>
      %dma_start3A_150 = tpu.memref_slice %arg8[%add3A_149] : memref<67633152xf32, #tpu.memory_space<hbm>> -> memref<8192xf32, #tpu.memory_space<hbm>>
      tpu.enqueue_dma source(%arg14 : memref<8192xf32, #tpu.memory_space<vmem>>) target(%dma_start3A_150 : memref<8192xf32, #tpu.memory_space<hbm>>) target_semaphore(%arg22 : memref<!tpu.dma_semaphore, #tpu.memory_space<semaphore_mem>>)
      %add3A_151 = arith.constant 1 : i32
      %add3A_152 = arith.addi %mul3A_6, %add3A_151 : i32
      %mul3A_153 = arith.constant 524288 : i32
      %mul3A_154 = arith.muli %add3A_152, %mul3A_153 : i32
      %mul3A_155 = arith.constant 8192 : i32
      %mul3A_156 = arith.muli %mul3A_105, %mul3A_155 : i32
      %add3A_157 = arith.addi %mul3A_154, %mul3A_156 : i32
      %dma_start3A_158 = tpu.memref_slice %arg8[%add3A_157] : memref<67633152xf32, #tpu.memory_space<hbm>> -> memref<8192xf32, #tpu.memory_space<hbm>>
      %dma_start3A_159 = tpu.memref_slice %arg8[%add3A_157] : memref<67633152xf32, #tpu.memory_space<hbm>> -> memref<8192xf32, #tpu.memory_space<hbm>>
      tpu.enqueue_dma source(%arg16 : memref<8192xf32, #tpu.memory_space<vmem>>) target(%dma_start3A_159 : memref<8192xf32, #tpu.memory_space<hbm>>) target_semaphore(%arg22 : memref<!tpu.dma_semaphore, #tpu.memory_space<semaphore_mem>>)
      %eq3A_160 = arith.constant 0 : i32
      %eq3A_161 = arith.cmpi eq, %add3A, %eq3A_160 : i32
      %convert_element_type3A_162 = arith.extui %eq3A_161 : i1 to i32
      %cond3A_163 = arith.constant 0 : i32
      %cond3A_164 = arith.cmpi ne, %convert_element_type3A_162, %cond3A_163 : i32
      scf.if %cond3A_164 {
        %mul3A_231 = arith.constant 8192 : i32
        %mul3A_232 = arith.muli %mul3A_105, %mul3A_231 : i32
        %add3A_233 = arith.constant 33554432 : i32
        %add3A_234 = arith.addi %add3A_233, %mul3A_232 : i32
        %dma_start3A_235 = tpu.memref_slice %arg8[%add3A_234] : memref<67633152xf32, #tpu.memory_space<hbm>> -> memref<8192xf32, #tpu.memory_space<hbm>>
        %dma_start3A_236 = tpu.memref_slice %arg8[%add3A_234] : memref<67633152xf32, #tpu.memory_space<hbm>> -> memref<8192xf32, #tpu.memory_space<hbm>>
        tpu.enqueue_dma source(%arg18 : memref<8192xf32, #tpu.memory_space<vmem>>) target(%dma_start3A_236 : memref<8192xf32, #tpu.memory_space<hbm>>) target_semaphore(%arg22 : memref<!tpu.dma_semaphore, #tpu.memory_space<semaphore_mem>>)
      } else {
      }
      %lt3A = arith.constant 31 : i32
      %lt3A_165 = arith.cmpi slt, %scan3A_103, %lt3A : i32
      %convert_element_type3A_166 = arith.extui %lt3A_165 : i1 to i32
      %cond3A_167 = arith.constant 0 : i32
      %cond3A_168 = arith.cmpi ne, %convert_element_type3A_166, %cond3A_167 : i32
      scf.if %cond3A_168 {
        %add3A_231 = arith.constant 2 : i32
        %add3A_232 = arith.addi %mul3A_105, %add3A_231 : i32
        %mul3A_233 = arith.constant 8192 : i32
        %mul3A_234 = arith.muli %add3A_232, %mul3A_233 : i32
        %eq3A_235 = arith.constant 0 : i32
        %eq3A_236 = arith.cmpi eq, %shift_right_arithmetic3A_1, %eq3A_235 : i32
        %convert_element_type3A_237 = arith.extui %eq3A_236 : i1 to i32
        %cond3A_238 = arith.constant 0 : i32
        %cond3A_239 = arith.cmpi ne, %convert_element_type3A_237, %cond3A_238 : i32
        scf.if %cond3A_239 {
          %dma_start3A_253 = tpu.memref_slice %arg5[%mul3A_234] : memref<524288xi32, #tpu.memory_space<hbm>> -> memref<8192xi32, #tpu.memory_space<hbm>>
          %dma_start3A_254 = tpu.memref_slice %arg5[%mul3A_234] : memref<524288xi32, #tpu.memory_space<hbm>> -> memref<8192xi32, #tpu.memory_space<hbm>>
          tpu.enqueue_dma source(%dma_start3A_254 : memref<8192xi32, #tpu.memory_space<hbm>>) target(%arg12 : memref<8192xi32, #tpu.memory_space<vmem>>) target_semaphore(%arg20 : memref<!tpu.dma_semaphore, #tpu.memory_space<semaphore_mem>>)
        } else {
        }
        %eq3A_240 = arith.constant 1 : i32
        %eq3A_241 = arith.cmpi eq, %shift_right_arithmetic3A_1, %eq3A_240 : i32
        %eq3A_242 = arith.constant 2 : i32
        %eq3A_243 = arith.cmpi eq, %shift_right_arithmetic3A_1, %eq3A_242 : i32
        %or3A_244 = arith.ori %eq3A_241, %eq3A_243 : i1
        %convert_element_type3A_245 = arith.extui %or3A_244 : i1 to i32
        %cond3A_246 = arith.constant 0 : i32
        %cond3A_247 = arith.cmpi ne, %convert_element_type3A_245, %cond3A_246 : i32
        scf.if %cond3A_247 {
          %dma_start3A_253 = tpu.memref_slice %arg4[%mul3A_234] : memref<524288xi32, #tpu.memory_space<hbm>> -> memref<8192xi32, #tpu.memory_space<hbm>>
          %dma_start3A_254 = tpu.memref_slice %arg4[%mul3A_234] : memref<524288xi32, #tpu.memory_space<hbm>> -> memref<8192xi32, #tpu.memory_space<hbm>>
          tpu.enqueue_dma source(%dma_start3A_254 : memref<8192xi32, #tpu.memory_space<hbm>>) target(%arg12 : memref<8192xi32, #tpu.memory_space<vmem>>) target_semaphore(%arg20 : memref<!tpu.dma_semaphore, #tpu.memory_space<semaphore_mem>>)
        } else {
        }
        %eq3A_248 = arith.constant 3 : i32
        %eq3A_249 = arith.cmpi eq, %shift_right_arithmetic3A_1, %eq3A_248 : i32
        %convert_element_type3A_250 = arith.extui %eq3A_249 : i1 to i32
        %cond3A_251 = arith.constant 0 : i32
        %cond3A_252 = arith.cmpi ne, %convert_element_type3A_250, %cond3A_251 : i32
        scf.if %cond3A_252 {
          %dma_start3A_253 = tpu.memref_slice %arg6[%mul3A_234] : memref<524288xi32, #tpu.memory_space<hbm>> -> memref<8192xi32, #tpu.memory_space<hbm>>
          %dma_start3A_254 = tpu.memref_slice %arg6[%mul3A_234] : memref<524288xi32, #tpu.memory_space<hbm>> -> memref<8192xi32, #tpu.memory_space<hbm>>
          tpu.enqueue_dma source(%dma_start3A_254 : memref<8192xi32, #tpu.memory_space<hbm>>) target(%arg12 : memref<8192xi32, #tpu.memory_space<vmem>>) target_semaphore(%arg20 : memref<!tpu.dma_semaphore, #tpu.memory_space<semaphore_mem>>)
        } else {
        }
      } else {
      }
      %dma_wait3A_169 = arith.constant 0 : i32
      %dma_wait3A_170 = tpu.memref_slice %arg4[%dma_wait3A_169] : memref<524288xi32, #tpu.memory_space<hbm>> -> memref<8192xi32, #tpu.memory_space<hbm>>
      %dma_wait3A_171 = arith.constant 0 : i32
      %dma_wait3A_172 = tpu.memref_slice %arg4[%dma_wait3A_171] : memref<524288xi32, #tpu.memory_space<hbm>> -> memref<8192xi32, #tpu.memory_space<hbm>>
      tpu.wait_dma2 semaphore(%arg21 : memref<!tpu.dma_semaphore, #tpu.memory_space<semaphore_mem>>) src(%dma_wait3A_172 : memref<8192xi32, #tpu.memory_space<hbm>>) dst(%arg13 : memref<8192xi32, #tpu.memory_space<vmem>>)
      %ge3A_173 = arith.constant 1 : i32
      %ge3A_174 = arith.cmpi sge, %scan3A_103, %ge3A_173 : i32
      %convert_element_type3A_175 = arith.extui %ge3A_174 : i1 to i32
      %cond3A_176 = arith.constant 0 : i32
      %cond3A_177 = arith.cmpi ne, %convert_element_type3A_175, %cond3A_176 : i32
      scf.if %cond3A_177 {
        %dma_wait3A_231 = arith.constant 0 : i32
        %dma_wait3A_232 = tpu.memref_slice %arg8[%dma_wait3A_231] : memref<67633152xf32, #tpu.memory_space<hbm>> -> memref<8192xf32, #tpu.memory_space<hbm>>
        %dma_wait3A_233 = arith.constant 0 : i32
        %dma_wait3A_234 = tpu.memref_slice %arg8[%dma_wait3A_233] : memref<67633152xf32, #tpu.memory_space<hbm>> -> memref<8192xf32, #tpu.memory_space<hbm>>
        tpu.wait_dma2 semaphore(%arg23 : memref<!tpu.dma_semaphore, #tpu.memory_space<semaphore_mem>>) src(%arg15 : memref<8192xf32, #tpu.memory_space<vmem>>) dst(%dma_wait3A_234 : memref<8192xf32, #tpu.memory_space<hbm>>)
        %dma_wait3A_235 = arith.constant 0 : i32
        %dma_wait3A_236 = tpu.memref_slice %arg8[%dma_wait3A_235] : memref<67633152xf32, #tpu.memory_space<hbm>> -> memref<8192xf32, #tpu.memory_space<hbm>>
        %dma_wait3A_237 = arith.constant 0 : i32
        %dma_wait3A_238 = tpu.memref_slice %arg8[%dma_wait3A_237] : memref<67633152xf32, #tpu.memory_space<hbm>> -> memref<8192xf32, #tpu.memory_space<hbm>>
        tpu.wait_dma2 semaphore(%arg23 : memref<!tpu.dma_semaphore, #tpu.memory_space<semaphore_mem>>) src(%arg17 : memref<8192xf32, #tpu.memory_space<vmem>>) dst(%dma_wait3A_238 : memref<8192xf32, #tpu.memory_space<hbm>>)
        %eq3A_239 = arith.constant 1 : i32
        %eq3A_240 = arith.cmpi eq, %add3A, %eq3A_239 : i32
        %convert_element_type3A_241 = arith.extui %eq3A_240 : i1 to i32
        %cond3A_242 = arith.constant 0 : i32
        %cond3A_243 = arith.cmpi ne, %convert_element_type3A_241, %cond3A_242 : i32
        scf.if %cond3A_243 {
          %dma_wait3A_244 = arith.constant 0 : i32
          %dma_wait3A_245 = tpu.memref_slice %arg8[%dma_wait3A_244] : memref<67633152xf32, #tpu.memory_space<hbm>> -> memref<8192xf32, #tpu.memory_space<hbm>>
          %dma_wait3A_246 = arith.constant 0 : i32
          %dma_wait3A_247 = tpu.memref_slice %arg8[%dma_wait3A_246] : memref<67633152xf32, #tpu.memory_space<hbm>> -> memref<8192xf32, #tpu.memory_space<hbm>>
          tpu.wait_dma2 semaphore(%arg23 : memref<!tpu.dma_semaphore, #tpu.memory_space<semaphore_mem>>) src(%arg19 : memref<8192xf32, #tpu.memory_space<vmem>>) dst(%dma_wait3A_247 : memref<8192xf32, #tpu.memory_space<hbm>>)
        } else {
        }
      } else {
      }
      %mul3A_178 = arith.constant 603 : i32
      %mul3A_179 = arith.muli %mul3A_4, %mul3A_178 : i32
      %eq3A_180 = arith.constant 0 : i32
      %eq3A_181 = arith.cmpi eq, %shift_right_arithmetic3A_1, %eq3A_180 : i32
      %convert_element_type3A_182 = arith.extui %eq3A_181 : i1 to i32
      %cond3A_183 = arith.constant 0 : i32
      %cond3A_184 = arith.cmpi ne, %convert_element_type3A_182, %cond3A_183 : i32
      scf.if %cond3A_184 {
        %scan3A_231 = arith.constant 0 : i32
        %scan3A_232 = arith.constant 0 : i32
        %scan3A_233 = arith.constant 512 : i32
        %scan3A_234 = arith.addi %scan3A_232, %scan3A_233 : i32
        %scan3A_235 = arith.constant 1 : i32
        scf.for %scan3A_237 = %scan3A_232 to %scan3A_234 step %scan3A_235  : i32 {
          %mul3A_238 = arith.constant 16 : i32
          %mul3A_239 = arith.muli %scan3A_237, %mul3A_238 : i32
          %get3A = arith.index_cast %mul3A_239 : i32 to index
          %get3A_240 = tpu.vector_load %arg13[%get3A] {strides = array<i32>} : memref<8192xi32, #tpu.memory_space<vmem>>, vector<16xi32>,
          %add3A_241 = vector.broadcast %mul3A_179 : i32 to vector<16xi32>
          %add3A_242 = arith.addi %get3A_240, %add3A_241 : vector<16xi32>
          %gather3A = tpu.vector_load_idx %arg9[%add3A_242] : memref<9648xf32, #tpu.memory_space<vmem>>[vector<16xi32>], vector<16xf32>,
          %mul3A_243 = arith.constant 16 : i32
          %mul3A_244 = arith.muli %scan3A_237, %mul3A_243 : i32
          %swap3A = arith.index_cast %mul3A_244 : i32 to index
          %swap3A_245 = tpu.vector_load %arg15[%swap3A] {strides = array<i32>} : memref<8192xf32, #tpu.memory_space<vmem>>, vector<16xf32>,
          tpu.vector_store %arg15[%swap3A], %gather3A {strides = array<i32>} : memref<8192xf32, #tpu.memory_space<vmem>>, vector<16xf32>,
          %add3A_246 = arith.constant 603 : i32
          %add3A_247 = vector.broadcast %add3A_246 : i32 to vector<16xi32>
          %add3A_248 = arith.addi %add3A_242, %add3A_247 : vector<16xi32>
          %gather3A_249 = tpu.vector_load_idx %arg9[%add3A_248] : memref<9648xf32, #tpu.memory_space<vmem>>[vector<16xi32>], vector<16xf32>,
          %mul3A_250 = arith.constant 16 : i32
          %mul3A_251 = arith.muli %scan3A_237, %mul3A_250 : i32
          %swap3A_252 = arith.index_cast %mul3A_251 : i32 to index
          %swap3A_253 = tpu.vector_load %arg17[%swap3A_252] {strides = array<i32>} : memref<8192xf32, #tpu.memory_space<vmem>>, vector<16xf32>,
          tpu.vector_store %arg17[%swap3A_252], %gather3A_249 {strides = array<i32>} : memref<8192xf32, #tpu.memory_space<vmem>>, vector<16xf32>,
        }
        %scan3A_236 = arith.constant 512 : i32
      } else {
      }
      %eq3A_185 = arith.constant 1 : i32
      %eq3A_186 = arith.cmpi eq, %shift_right_arithmetic3A_1, %eq3A_185 : i32
      %convert_element_type3A_187 = arith.extui %eq3A_186 : i1 to i32
      %cond3A_188 = arith.constant 0 : i32
      %cond3A_189 = arith.cmpi ne, %convert_element_type3A_187, %cond3A_188 : i32
      scf.if %cond3A_189 {
        %scan3A_231 = arith.constant 0 : i32
        %scan3A_232 = arith.constant 0 : i32
        %scan3A_233 = arith.constant 512 : i32
        %scan3A_234 = arith.addi %scan3A_232, %scan3A_233 : i32
        %scan3A_235 = arith.constant 1 : i32
        scf.for %scan3A_237 = %scan3A_232 to %scan3A_234 step %scan3A_235  : i32 {
          %mul3A_238 = arith.constant 16 : i32
          %mul3A_239 = arith.muli %scan3A_237, %mul3A_238 : i32
          %get3A = arith.index_cast %mul3A_239 : i32 to index
          %get3A_240 = tpu.vector_load %arg13[%get3A] {strides = array<i32>} : memref<8192xi32, #tpu.memory_space<vmem>>, vector<16xi32>,
          %mul3A_241 = arith.constant 43691 : i32
          %mul3A_242 = vector.broadcast %mul3A_241 : i32 to vector<16xi32>
          %mul3A_243 = arith.muli %get3A_240, %mul3A_242 : vector<16xi32>
          %shift_right_arithmetic3A_244 = arith.constant 20 : i32
          %shift_right_arithmetic3A_245 = vector.broadcast %shift_right_arithmetic3A_244 : i32 to vector<16xi32>
          %shift_right_arithmetic3A_246 = arith.shrsi %mul3A_243, %shift_right_arithmetic3A_245 : vector<16xi32>
          %mul3A_247 = arith.constant 24 : i32
          %mul3A_248 = vector.broadcast %mul3A_247 : i32 to vector<16xi32>
          %mul3A_249 = arith.muli %shift_right_arithmetic3A_246, %mul3A_248 : vector<16xi32>
          %sub3A = arith.subi %get3A_240, %mul3A_249 : vector<16xi32>
          %add3A_250 = arith.constant 129 : i32
          %add3A_251 = arith.addi %mul3A_179, %add3A_250 : i32
          %add3A_252 = vector.broadcast %add3A_251 : i32 to vector<16xi32>
          %add3A_253 = arith.addi %sub3A, %add3A_252 : vector<16xi32>
          %gather3A = tpu.vector_load_idx %arg9[%add3A_253] : memref<9648xf32, #tpu.memory_space<vmem>>[vector<16xi32>], vector<16xf32>,
          %mul3A_254 = arith.constant 16 : i32
          %mul3A_255 = arith.muli %scan3A_237, %mul3A_254 : i32
          %swap3A = arith.index_cast %mul3A_255 : i32 to index
          %swap3A_256 = tpu.vector_load %arg15[%swap3A] {strides = array<i32>} : memref<8192xf32, #tpu.memory_space<vmem>>, vector<16xf32>,
          tpu.vector_store %arg15[%swap3A], %gather3A {strides = array<i32>} : memref<8192xf32, #tpu.memory_space<vmem>>, vector<16xf32>,
          %add3A_257 = arith.constant 603 : i32
          %add3A_258 = vector.broadcast %add3A_257 : i32 to vector<16xi32>
          %add3A_259 = arith.addi %add3A_253, %add3A_258 : vector<16xi32>
          %gather3A_260 = tpu.vector_load_idx %arg9[%add3A_259] : memref<9648xf32, #tpu.memory_space<vmem>>[vector<16xi32>], vector<16xf32>,
          %mul3A_261 = arith.constant 16 : i32
          %mul3A_262 = arith.muli %scan3A_237, %mul3A_261 : i32
          %swap3A_263 = arith.index_cast %mul3A_262 : i32 to index
          %swap3A_264 = tpu.vector_load %arg17[%swap3A_263] {strides = array<i32>} : memref<8192xf32, #tpu.memory_space<vmem>>, vector<16xf32>,
          tpu.vector_store %arg17[%swap3A_263], %gather3A_260 {strides = array<i32>} : memref<8192xf32, #tpu.memory_space<vmem>>, vector<16xf32>,
        }
        %scan3A_236 = arith.constant 512 : i32
      } else {
      }
      %eq3A_190 = arith.constant 2 : i32
      %eq3A_191 = arith.cmpi eq, %shift_right_arithmetic3A_1, %eq3A_190 : i32
      %convert_element_type3A_192 = arith.extui %eq3A_191 : i1 to i32
      %cond3A_193 = arith.constant 0 : i32
      %cond3A_194 = arith.cmpi ne, %convert_element_type3A_192, %cond3A_193 : i32
      scf.if %cond3A_194 {
        %scan3A_231 = arith.constant 0 : i32
        %scan3A_232 = arith.constant 0 : i32
        %scan3A_233 = arith.constant 512 : i32
        %scan3A_234 = arith.addi %scan3A_232, %scan3A_233 : i32
        %scan3A_235 = arith.constant 1 : i32
        scf.for %scan3A_237 = %scan3A_232 to %scan3A_234 step %scan3A_235  : i32 {
          %mul3A_238 = arith.constant 16 : i32
          %mul3A_239 = arith.muli %scan3A_237, %mul3A_238 : i32
          %get3A = arith.index_cast %mul3A_239 : i32 to index
          %get3A_240 = tpu.vector_load %arg13[%get3A] {strides = array<i32>} : memref<8192xi32, #tpu.memory_space<vmem>>, vector<16xi32>,
          %mul3A_241 = arith.constant 43691 : i32
          %mul3A_242 = vector.broadcast %mul3A_241 : i32 to vector<16xi32>
          %mul3A_243 = arith.muli %get3A_240, %mul3A_242 : vector<16xi32>
          %shift_right_arithmetic3A_244 = arith.constant 20 : i32
          %shift_right_arithmetic3A_245 = vector.broadcast %shift_right_arithmetic3A_244 : i32 to vector<16xi32>
          %shift_right_arithmetic3A_246 = arith.shrsi %mul3A_243, %shift_right_arithmetic3A_245 : vector<16xi32>
          %min3A = arith.constant 256 : i32
          %min3A_247 = vector.broadcast %min3A : i32 to vector<16xi32>
          %min3A_248 = arith.minsi %shift_right_arithmetic3A_246, %min3A_247 : vector<16xi32>
          %add3A_249 = arith.constant 153 : i32
          %add3A_250 = arith.addi %mul3A_179, %add3A_249 : i32
          %add3A_251 = vector.broadcast %add3A_250 : i32 to vector<16xi32>
          %add3A_252 = arith.addi %min3A_248, %add3A_251 : vector<16xi32>
          %gather3A = tpu.vector_load_idx %arg9[%add3A_252] : memref<9648xf32, #tpu.memory_space<vmem>>[vector<16xi32>], vector<16xf32>,
          %mul3A_253 = arith.constant 16 : i32
          %mul3A_254 = arith.muli %scan3A_237, %mul3A_253 : i32
          %swap3A = arith.index_cast %mul3A_254 : i32 to index
          %swap3A_255 = tpu.vector_load %arg15[%swap3A] {strides = array<i32>} : memref<8192xf32, #tpu.memory_space<vmem>>, vector<16xf32>,
          tpu.vector_store %arg15[%swap3A], %gather3A {strides = array<i32>} : memref<8192xf32, #tpu.memory_space<vmem>>, vector<16xf32>,
          %add3A_256 = arith.constant 603 : i32
          %add3A_257 = vector.broadcast %add3A_256 : i32 to vector<16xi32>
          %add3A_258 = arith.addi %add3A_252, %add3A_257 : vector<16xi32>
          %gather3A_259 = tpu.vector_load_idx %arg9[%add3A_258] : memref<9648xf32, #tpu.memory_space<vmem>>[vector<16xi32>], vector<16xf32>,
          %mul3A_260 = arith.constant 16 : i32
          %mul3A_261 = arith.muli %scan3A_237, %mul3A_260 : i32
          %swap3A_262 = arith.index_cast %mul3A_261 : i32 to index
          %swap3A_263 = tpu.vector_load %arg17[%swap3A_262] {strides = array<i32>} : memref<8192xf32, #tpu.memory_space<vmem>>, vector<16xf32>,
          tpu.vector_store %arg17[%swap3A_262], %gather3A_259 {strides = array<i32>} : memref<8192xf32, #tpu.memory_space<vmem>>, vector<16xf32>,
        }
        %scan3A_236 = arith.constant 512 : i32
      } else {
      }
      %eq3A_195 = arith.constant 3 : i32
      %eq3A_196 = arith.cmpi eq, %shift_right_arithmetic3A_1, %eq3A_195 : i32
      %convert_element_type3A_197 = arith.extui %eq3A_196 : i1 to i32
      %cond3A_198 = arith.constant 0 : i32
      %cond3A_199 = arith.cmpi ne, %convert_element_type3A_197, %cond3A_198 : i32
      scf.if %cond3A_199 {
        %scan3A_231 = arith.constant 0 : i32
        %scan3A_232 = arith.constant 0 : i32
        %scan3A_233 = arith.constant 512 : i32
        %scan3A_234 = arith.addi %scan3A_232, %scan3A_233 : i32
        %scan3A_235 = arith.constant 1 : i32
        scf.for %scan3A_237 = %scan3A_232 to %scan3A_234 step %scan3A_235  : i32 {
          %mul3A_238 = arith.constant 16 : i32
          %mul3A_239 = arith.muli %scan3A_237, %mul3A_238 : i32
          %get3A = arith.index_cast %mul3A_239 : i32 to index
          %get3A_240 = tpu.vector_load %arg13[%get3A] {strides = array<i32>} : memref<8192xi32, #tpu.memory_space<vmem>>, vector<16xi32>,
          %min3A = arith.constant 192 : i32
          %min3A_241 = vector.broadcast %min3A : i32 to vector<16xi32>
          %min3A_242 = arith.minsi %get3A_240, %min3A_241 : vector<16xi32>
          %add3A_243 = arith.constant 410 : i32
          %add3A_244 = arith.addi %mul3A_179, %add3A_243 : i32
          %add3A_245 = vector.broadcast %add3A_244 : i32 to vector<16xi32>
          %add3A_246 = arith.addi %min3A_242, %add3A_245 : vector<16xi32>
          %gather3A = tpu.vector_load_idx %arg9[%add3A_246] : memref<9648xf32, #tpu.memory_space<vmem>>[vector<16xi32>], vector<16xf32>,
          %mul3A_247 = arith.constant 16 : i32
          %mul3A_248 = arith.muli %scan3A_237, %mul3A_247 : i32
          %swap3A = arith.index_cast %mul3A_248 : i32 to index
          %swap3A_249 = tpu.vector_load %arg15[%swap3A] {strides = array<i32>} : memref<8192xf32, #tpu.memory_space<vmem>>, vector<16xf32>,
          tpu.vector_store %arg15[%swap3A], %gather3A {strides = array<i32>} : memref<8192xf32, #tpu.memory_space<vmem>>, vector<16xf32>,
          %add3A_250 = arith.constant 603 : i32
          %add3A_251 = vector.broadcast %add3A_250 : i32 to vector<16xi32>
          %add3A_252 = arith.addi %add3A_246, %add3A_251 : vector<16xi32>
          %gather3A_253 = tpu.vector_load_idx %arg9[%add3A_252] : memref<9648xf32, #tpu.memory_space<vmem>>[vector<16xi32>], vector<16xf32>,
          %mul3A_254 = arith.constant 16 : i32
          %mul3A_255 = arith.muli %scan3A_237, %mul3A_254 : i32
          %swap3A_256 = arith.index_cast %mul3A_255 : i32 to index
          %swap3A_257 = tpu.vector_load %arg17[%swap3A_256] {strides = array<i32>} : memref<8192xf32, #tpu.memory_space<vmem>>, vector<16xf32>,
          tpu.vector_store %arg17[%swap3A_256], %gather3A_253 {strides = array<i32>} : memref<8192xf32, #tpu.memory_space<vmem>>, vector<16xf32>,
        }
        %scan3A_236 = arith.constant 512 : i32
      } else {
      }
      %eq3A_200 = arith.constant 1 : i32
      %eq3A_201 = arith.cmpi eq, %add3A, %eq3A_200 : i32
      %convert_element_type3A_202 = arith.extui %eq3A_201 : i1 to i32
      %cond3A_203 = arith.constant 0 : i32
      %cond3A_204 = arith.cmpi ne, %convert_element_type3A_202, %cond3A_203 : i32
      scf.if %cond3A_204 {
        %scan3A_231 = arith.constant 0 : i32
        %scan3A_232 = arith.constant 0 : i32
        %scan3A_233 = arith.constant 512 : i32
        %scan3A_234 = arith.addi %scan3A_232, %scan3A_233 : i32
        %scan3A_235 = arith.constant 1 : i32
        scf.for %scan3A_237 = %scan3A_232 to %scan3A_234 step %scan3A_235  : i32 {
          %mul3A_238 = arith.constant 16 : i32
          %mul3A_239 = arith.muli %scan3A_237, %mul3A_238 : i32
          %get3A = arith.index_cast %mul3A_239 : i32 to index
          %get3A_240 = tpu.vector_load %arg13[%get3A] {strides = array<i32>} : memref<8192xi32, #tpu.memory_space<vmem>>, vector<16xi32>,
          %gather3A = tpu.vector_load_idx %arg10[%get3A_240] : memref<136xf32, #tpu.memory_space<vmem>>[vector<16xi32>], vector<16xf32>,
          %mul3A_241 = arith.constant 16 : i32
          %mul3A_242 = arith.muli %scan3A_237, %mul3A_241 : i32
          %swap3A = arith.index_cast %mul3A_242 : i32 to index
          %swap3A_243 = tpu.vector_load %arg19[%swap3A] {strides = array<i32>} : memref<8192xf32, #tpu.memory_space<vmem>>, vector<16xf32>,
          tpu.vector_store %arg19[%swap3A], %gather3A {strides = array<i32>} : memref<8192xf32, #tpu.memory_space<vmem>>, vector<16xf32>,
        }
        %scan3A_236 = arith.constant 512 : i32
      } else {
      }
      %mul3A_205 = arith.constant 524288 : i32
      %mul3A_206 = arith.muli %mul3A_6, %mul3A_205 : i32
      %mul3A_207 = arith.constant 8192 : i32
      %mul3A_208 = arith.muli %add3A_109, %mul3A_207 : i32
      %add3A_209 = arith.addi %mul3A_206, %mul3A_208 : i32
      %dma_start3A_210 = tpu.memref_slice %arg8[%add3A_209] : memref<67633152xf32, #tpu.memory_space<hbm>> -> memref<8192xf32, #tpu.memory_space<hbm>>
      %dma_start3A_211 = tpu.memref_slice %arg8[%add3A_209] : memref<67633152xf32, #tpu.memory_space<hbm>> -> memref<8192xf32, #tpu.memory_space<hbm>>
      tpu.enqueue_dma source(%arg15 : memref<8192xf32, #tpu.memory_space<vmem>>) target(%dma_start3A_211 : memref<8192xf32, #tpu.memory_space<hbm>>) target_semaphore(%arg23 : memref<!tpu.dma_semaphore, #tpu.memory_space<semaphore_mem>>)
      %add3A_212 = arith.constant 1 : i32
      %add3A_213 = arith.addi %mul3A_6, %add3A_212 : i32
      %mul3A_214 = arith.constant 524288 : i32
      %mul3A_215 = arith.muli %add3A_213, %mul3A_214 : i32
      %mul3A_216 = arith.constant 8192 : i32
      %mul3A_217 = arith.muli %add3A_109, %mul3A_216 : i32
      %add3A_218 = arith.addi %mul3A_215, %mul3A_217 : i32
      %dma_start3A_219 = tpu.memref_slice %arg8[%add3A_218] : memref<67633152xf32, #tpu.memory_space<hbm>> -> memref<8192xf32, #tpu.memory_space<hbm>>
      %dma_start3A_220 = tpu.memref_slice %arg8[%add3A_218] : memref<67633152xf32, #tpu.memory_space<hbm>> -> memref<8192xf32, #tpu.memory_space<hbm>>
      tpu.enqueue_dma source(%arg17 : memref<8192xf32, #tpu.memory_space<vmem>>) target(%dma_start3A_220 : memref<8192xf32, #tpu.memory_space<hbm>>) target_semaphore(%arg23 : memref<!tpu.dma_semaphore, #tpu.memory_space<semaphore_mem>>)
      %eq3A_221 = arith.constant 1 : i32
      %eq3A_222 = arith.cmpi eq, %add3A, %eq3A_221 : i32
      %convert_element_type3A_223 = arith.extui %eq3A_222 : i1 to i32
      %cond3A_224 = arith.constant 0 : i32
      %cond3A_225 = arith.cmpi ne, %convert_element_type3A_223, %cond3A_224 : i32
      scf.if %cond3A_225 {
        %mul3A_231 = arith.constant 8192 : i32
        %mul3A_232 = arith.muli %add3A_109, %mul3A_231 : i32
        %add3A_233 = arith.constant 33554432 : i32
        %add3A_234 = arith.addi %add3A_233, %mul3A_232 : i32
        %dma_start3A_235 = tpu.memref_slice %arg8[%add3A_234] : memref<67633152xf32, #tpu.memory_space<hbm>> -> memref<8192xf32, #tpu.memory_space<hbm>>
        %dma_start3A_236 = tpu.memref_slice %arg8[%add3A_234] : memref<67633152xf32, #tpu.memory_space<hbm>> -> memref<8192xf32, #tpu.memory_space<hbm>>
        tpu.enqueue_dma source(%arg19 : memref<8192xf32, #tpu.memory_space<vmem>>) target(%dma_start3A_236 : memref<8192xf32, #tpu.memory_space<hbm>>) target_semaphore(%arg23 : memref<!tpu.dma_semaphore, #tpu.memory_space<semaphore_mem>>)
      } else {
      }
      %lt3A_226 = arith.constant 31 : i32
      %lt3A_227 = arith.cmpi slt, %scan3A_103, %lt3A_226 : i32
      %convert_element_type3A_228 = arith.extui %lt3A_227 : i1 to i32
      %cond3A_229 = arith.constant 0 : i32
      %cond3A_230 = arith.cmpi ne, %convert_element_type3A_228, %cond3A_229 : i32
      scf.if %cond3A_230 {
        %add3A_231 = arith.constant 2 : i32
        %add3A_232 = arith.addi %add3A_109, %add3A_231 : i32
        %mul3A_233 = arith.constant 8192 : i32
        %mul3A_234 = arith.muli %add3A_232, %mul3A_233 : i32
        %eq3A_235 = arith.constant 0 : i32
        %eq3A_236 = arith.cmpi eq, %shift_right_arithmetic3A_1, %eq3A_235 : i32
        %convert_element_type3A_237 = arith.extui %eq3A_236 : i1 to i32
        %cond3A_238 = arith.constant 0 : i32
        %cond3A_239 = arith.cmpi ne, %convert_element_type3A_237, %cond3A_238 : i32
        scf.if %cond3A_239 {
          %dma_start3A_253 = tpu.memref_slice %arg5[%mul3A_234] : memref<524288xi32, #tpu.memory_space<hbm>> -> memref<8192xi32, #tpu.memory_space<hbm>>
          %dma_start3A_254 = tpu.memref_slice %arg5[%mul3A_234] : memref<524288xi32, #tpu.memory_space<hbm>> -> memref<8192xi32, #tpu.memory_space<hbm>>
          tpu.enqueue_dma source(%dma_start3A_254 : memref<8192xi32, #tpu.memory_space<hbm>>) target(%arg13 : memref<8192xi32, #tpu.memory_space<vmem>>) target_semaphore(%arg21 : memref<!tpu.dma_semaphore, #tpu.memory_space<semaphore_mem>>)
        } else {
        }
        %eq3A_240 = arith.constant 1 : i32
        %eq3A_241 = arith.cmpi eq, %shift_right_arithmetic3A_1, %eq3A_240 : i32
        %eq3A_242 = arith.constant 2 : i32
        %eq3A_243 = arith.cmpi eq, %shift_right_arithmetic3A_1, %eq3A_242 : i32
        %or3A_244 = arith.ori %eq3A_241, %eq3A_243 : i1
        %convert_element_type3A_245 = arith.extui %or3A_244 : i1 to i32
        %cond3A_246 = arith.constant 0 : i32
        %cond3A_247 = arith.cmpi ne, %convert_element_type3A_245, %cond3A_246 : i32
        scf.if %cond3A_247 {
          %dma_start3A_253 = tpu.memref_slice %arg4[%mul3A_234] : memref<524288xi32, #tpu.memory_space<hbm>> -> memref<8192xi32, #tpu.memory_space<hbm>>
          %dma_start3A_254 = tpu.memref_slice %arg4[%mul3A_234] : memref<524288xi32, #tpu.memory_space<hbm>> -> memref<8192xi32, #tpu.memory_space<hbm>>
          tpu.enqueue_dma source(%dma_start3A_254 : memref<8192xi32, #tpu.memory_space<hbm>>) target(%arg13 : memref<8192xi32, #tpu.memory_space<vmem>>) target_semaphore(%arg21 : memref<!tpu.dma_semaphore, #tpu.memory_space<semaphore_mem>>)
        } else {
        }
        %eq3A_248 = arith.constant 3 : i32
        %eq3A_249 = arith.cmpi eq, %shift_right_arithmetic3A_1, %eq3A_248 : i32
        %convert_element_type3A_250 = arith.extui %eq3A_249 : i1 to i32
        %cond3A_251 = arith.constant 0 : i32
        %cond3A_252 = arith.cmpi ne, %convert_element_type3A_250, %cond3A_251 : i32
        scf.if %cond3A_252 {
          %dma_start3A_253 = tpu.memref_slice %arg6[%mul3A_234] : memref<524288xi32, #tpu.memory_space<hbm>> -> memref<8192xi32, #tpu.memory_space<hbm>>
          %dma_start3A_254 = tpu.memref_slice %arg6[%mul3A_234] : memref<524288xi32, #tpu.memory_space<hbm>> -> memref<8192xi32, #tpu.memory_space<hbm>>
          tpu.enqueue_dma source(%dma_start3A_254 : memref<8192xi32, #tpu.memory_space<hbm>>) target(%arg13 : memref<8192xi32, #tpu.memory_space<vmem>>) target_semaphore(%arg21 : memref<!tpu.dma_semaphore, #tpu.memory_space<semaphore_mem>>)
        } else {
        }
      } else {
      }
    }
    %scan3A_43 = arith.constant 32 : i32
    %dma_wait3A = arith.constant 0 : i32
    %dma_wait3A_44 = tpu.memref_slice %arg8[%dma_wait3A] : memref<67633152xf32, #tpu.memory_space<hbm>> -> memref<8192xf32, #tpu.memory_space<hbm>>
    %dma_wait3A_45 = arith.constant 0 : i32
    %dma_wait3A_46 = tpu.memref_slice %arg8[%dma_wait3A_45] : memref<67633152xf32, #tpu.memory_space<hbm>> -> memref<8192xf32, #tpu.memory_space<hbm>>
    tpu.wait_dma2 semaphore(%arg22 : memref<!tpu.dma_semaphore, #tpu.memory_space<semaphore_mem>>) src(%arg14 : memref<8192xf32, #tpu.memory_space<vmem>>) dst(%dma_wait3A_46 : memref<8192xf32, #tpu.memory_space<hbm>>)
    %dma_wait3A_47 = arith.constant 0 : i32
    %dma_wait3A_48 = tpu.memref_slice %arg8[%dma_wait3A_47] : memref<67633152xf32, #tpu.memory_space<hbm>> -> memref<8192xf32, #tpu.memory_space<hbm>>
    %dma_wait3A_49 = arith.constant 0 : i32
    %dma_wait3A_50 = tpu.memref_slice %arg8[%dma_wait3A_49] : memref<67633152xf32, #tpu.memory_space<hbm>> -> memref<8192xf32, #tpu.memory_space<hbm>>
    tpu.wait_dma2 semaphore(%arg22 : memref<!tpu.dma_semaphore, #tpu.memory_space<semaphore_mem>>) src(%arg16 : memref<8192xf32, #tpu.memory_space<vmem>>) dst(%dma_wait3A_50 : memref<8192xf32, #tpu.memory_space<hbm>>)
    %eq3A_51 = arith.constant 0 : i32
    %eq3A_52 = arith.cmpi eq, %add3A, %eq3A_51 : i32
    %convert_element_type3A_53 = arith.extui %eq3A_52 : i1 to i32
    %cond3A_54 = arith.constant 0 : i32
    %cond3A_55 = arith.cmpi ne, %convert_element_type3A_53, %cond3A_54 : i32
    scf.if %cond3A_55 {
      %dma_wait3A_103 = arith.constant 0 : i32
      %dma_wait3A_104 = tpu.memref_slice %arg8[%dma_wait3A_103] : memref<67633152xf32, #tpu.memory_space<hbm>> -> memref<8192xf32, #tpu.memory_space<hbm>>
      %dma_wait3A_105 = arith.constant 0 : i32
      %dma_wait3A_106 = tpu.memref_slice %arg8[%dma_wait3A_105] : memref<67633152xf32, #tpu.memory_space<hbm>> -> memref<8192xf32, #tpu.memory_space<hbm>>
      tpu.wait_dma2 semaphore(%arg22 : memref<!tpu.dma_semaphore, #tpu.memory_space<semaphore_mem>>) src(%arg18 : memref<8192xf32, #tpu.memory_space<vmem>>) dst(%dma_wait3A_106 : memref<8192xf32, #tpu.memory_space<hbm>>)
    } else {
    }
    %dma_wait3A_56 = arith.constant 0 : i32
    %dma_wait3A_57 = tpu.memref_slice %arg8[%dma_wait3A_56] : memref<67633152xf32, #tpu.memory_space<hbm>> -> memref<8192xf32, #tpu.memory_space<hbm>>
    %dma_wait3A_58 = arith.constant 0 : i32
    %dma_wait3A_59 = tpu.memref_slice %arg8[%dma_wait3A_58] : memref<67633152xf32, #tpu.memory_space<hbm>> -> memref<8192xf32, #tpu.memory_space<hbm>>
    tpu.wait_dma2 semaphore(%arg23 : memref<!tpu.dma_semaphore, #tpu.memory_space<semaphore_mem>>) src(%arg15 : memref<8192xf32, #tpu.memory_space<vmem>>) dst(%dma_wait3A_59 : memref<8192xf32, #tpu.memory_space<hbm>>)
    %dma_wait3A_60 = arith.constant 0 : i32
    %dma_wait3A_61 = tpu.memref_slice %arg8[%dma_wait3A_60] : memref<67633152xf32, #tpu.memory_space<hbm>> -> memref<8192xf32, #tpu.memory_space<hbm>>
    %dma_wait3A_62 = arith.constant 0 : i32
    %dma_wait3A_63 = tpu.memref_slice %arg8[%dma_wait3A_62] : memref<67633152xf32, #tpu.memory_space<hbm>> -> memref<8192xf32, #tpu.memory_space<hbm>>
    tpu.wait_dma2 semaphore(%arg23 : memref<!tpu.dma_semaphore, #tpu.memory_space<semaphore_mem>>) src(%arg17 : memref<8192xf32, #tpu.memory_space<vmem>>) dst(%dma_wait3A_63 : memref<8192xf32, #tpu.memory_space<hbm>>)
    %eq3A_64 = arith.constant 1 : i32
    %eq3A_65 = arith.cmpi eq, %add3A, %eq3A_64 : i32
    %convert_element_type3A_66 = arith.extui %eq3A_65 : i1 to i32
    %cond3A_67 = arith.constant 0 : i32
    %cond3A_68 = arith.cmpi ne, %convert_element_type3A_66, %cond3A_67 : i32
    scf.if %cond3A_68 {
      %dma_wait3A_103 = arith.constant 0 : i32
      %dma_wait3A_104 = tpu.memref_slice %arg8[%dma_wait3A_103] : memref<67633152xf32, #tpu.memory_space<hbm>> -> memref<8192xf32, #tpu.memory_space<hbm>>
      %dma_wait3A_105 = arith.constant 0 : i32
      %dma_wait3A_106 = tpu.memref_slice %arg8[%dma_wait3A_105] : memref<67633152xf32, #tpu.memory_space<hbm>> -> memref<8192xf32, #tpu.memory_space<hbm>>
      tpu.wait_dma2 semaphore(%arg23 : memref<!tpu.dma_semaphore, #tpu.memory_space<semaphore_mem>>) src(%arg19 : memref<8192xf32, #tpu.memory_space<vmem>>) dst(%dma_wait3A_106 : memref<8192xf32, #tpu.memory_space<hbm>>)
    } else {
    }
    %mul3A_69 = arith.constant 2 : i32
    %mul3A_70 = arith.muli %mul3A_69, %add3A : i32
    %shift_right_arithmetic3A_71 = arith.constant 4 : i32
    %shift_right_arithmetic3A_72 = arith.shrsi %mul3A_70, %shift_right_arithmetic3A_71 : i32
    %mul3A_73 = arith.constant 2 : i32
    %mul3A_74 = arith.muli %mul3A_73, %add3A : i32
    %and3A_75 = arith.constant 15 : i32
    %and3A_76 = arith.andi %mul3A_74, %and3A_75 : i32
    %mul3A_77 = arith.constant 2 : i32
    %mul3A_78 = arith.muli %mul3A_77, %add3A : i32
    %add3A_79 = arith.constant 65 : i32
    %add3A_80 = arith.addi %add3A_79, %mul3A_78 : i32
    %scan3A_81 = arith.constant 0 : i32
    %scan3A_82 = arith.constant 0 : i32
    %scan3A_83 = arith.constant 32 : i32
    %scan3A_84 = arith.addi %scan3A_82, %scan3A_83 : i32
    %scan3A_85 = arith.constant 1 : i32
    scf.for %scan3A_103 = %scan3A_82 to %scan3A_84 step %scan3A_85  : i32 {
      %mul3A_104 = arith.constant 2 : i32
      %mul3A_105 = arith.muli %mul3A_104, %scan3A_103 : i32
      %mul3A_106 = arith.constant 2 : i32
      %mul3A_107 = arith.muli %mul3A_106, %scan3A_103 : i32
      %add3A_108 = arith.constant 1 : i32
      %add3A_109 = arith.addi %mul3A_107, %add3A_108 : i32
      %ge3A = arith.constant 1 : i32
      %ge3A_110 = arith.cmpi sge, %scan3A_103, %ge3A : i32
      %convert_element_type3A_111 = arith.extui %ge3A_110 : i1 to i32
      %cond3A_112 = arith.constant 0 : i32
      %cond3A_113 = arith.cmpi ne, %convert_element_type3A_111, %cond3A_112 : i32
      scf.if %cond3A_113 {
        %dma_wait3A_428 = arith.constant 0 : i32
        %dma_wait3A_429 = tpu.memref_slice %arg8[%dma_wait3A_428] : memref<67633152xf32, #tpu.memory_space<hbm>> -> memref<8192xf32, #tpu.memory_space<hbm>>
        %dma_wait3A_430 = arith.constant 0 : i32
        %dma_wait3A_431 = tpu.memref_slice %arg8[%dma_wait3A_430] : memref<67633152xf32, #tpu.memory_space<hbm>> -> memref<8192xf32, #tpu.memory_space<hbm>>
        tpu.wait_dma2 semaphore(%arg22 : memref<!tpu.dma_semaphore, #tpu.memory_space<semaphore_mem>>) src(%arg14 : memref<8192xf32, #tpu.memory_space<vmem>>) dst(%dma_wait3A_431 : memref<8192xf32, #tpu.memory_space<hbm>>)
        %dma_wait3A_432 = arith.constant 0 : i32
        %dma_wait3A_433 = tpu.memref_slice %arg8[%dma_wait3A_432] : memref<67633152xf32, #tpu.memory_space<hbm>> -> memref<8192xf32, #tpu.memory_space<hbm>>
        %dma_wait3A_434 = arith.constant 0 : i32
        %dma_wait3A_435 = tpu.memref_slice %arg8[%dma_wait3A_434] : memref<67633152xf32, #tpu.memory_space<hbm>> -> memref<8192xf32, #tpu.memory_space<hbm>>
        tpu.wait_dma2 semaphore(%arg22 : memref<!tpu.dma_semaphore, #tpu.memory_space<semaphore_mem>>) src(%arg16 : memref<8192xf32, #tpu.memory_space<vmem>>) dst(%dma_wait3A_435 : memref<8192xf32, #tpu.memory_space<hbm>>)
      } else {
      }
      %jit3A = arith.constant 2 : i32
      %div3A = arith.divsi %mul3A_105, %jit3A : i32
      %sign3A = arith.constant 0 : i32
      %sign3A_114 = arith.cmpi sgt, %mul3A_105, %sign3A : i32
      %sign3A_115 = arith.extui %sign3A_114 : i1 to i32
      %sign3A_116 = arith.constant 0 : i32
      %sign3A_117 = arith.cmpi slt, %mul3A_105, %sign3A_116 : i32
      %sign3A_118 = arith.extui %sign3A_117 : i1 to i32
      %sign3A_119 = arith.subi %sign3A_115, %sign3A_118 : i32
      %sign3A_120 = arith.constant 0 : i32
      %sign3A_121 = arith.cmpi sgt, %jit3A, %sign3A_120 : i32
      %sign3A_122 = arith.extui %sign3A_121 : i1 to i32
      %sign3A_123 = arith.constant 0 : i32
      %sign3A_124 = arith.cmpi slt, %jit3A, %sign3A_123 : i32
      %sign3A_125 = arith.extui %sign3A_124 : i1 to i32
      %sign3A_126 = arith.subi %sign3A_122, %sign3A_125 : i32
      %ne3A = arith.cmpi ne, %sign3A_119, %sign3A_126 : i32
      %rem3A = arith.remsi %mul3A_105, %jit3A : i32
      %ne3A_127 = arith.constant 0 : i32
      %ne3A_128 = arith.cmpi ne, %rem3A, %ne3A_127 : i32
      %and3A_129 = arith.andi %ne3A, %ne3A_128 : i1
      %sub3A = arith.constant 1 : i32
      %sub3A_130 = arith.subi %div3A, %sub3A : i32
      %select_n3A = arith.select %and3A_129, %sub3A_130, %div3A : i32
      %mul3A_131 = arith.constant 8 : i32
      %mul3A_132 = arith.muli %select_n3A, %mul3A_131 : i32
      %min3A = arith.constant 7 : i32
      %min3A_133 = vector.broadcast %min3A : i32 to vector<16xi32>
      %min3A_134 = arith.minsi %iota3A, %min3A_133 : vector<16xi32>
      %add3A_135 = vector.broadcast %mul3A_132 : i32 to vector<16xi32>
      %add3A_136 = arith.addi %add3A_135, %min3A_134 : vector<16xi32>
      %mul3A_137 = arith.constant 4 : i32
      %mul3A_138 = vector.broadcast %mul3A_137 : i32 to vector<16xi32>
      %mul3A_139 = arith.muli %add3A_136, %mul3A_138 : vector<16xi32>
      %add3A_140 = vector.broadcast %shift_right_arithmetic3A_72 : i32 to vector<16xi32>
      %add3A_141 = arith.addi %mul3A_139, %add3A_140 : vector<16xi32>
      %gather3A = tpu.vector_load_idx %arg11[%add3A_141] : memref<1024xi32, #tpu.memory_space<vmem>>[vector<16xi32>], vector<16xi32>,
      %mul3A_142 = arith.constant 603 : i32
      %mul3A_143 = arith.muli %and3A_76, %mul3A_142 : i32
      %add3A_144 = vector.broadcast %mul3A_143 : i32 to vector<16xi32>
      %add3A_145 = arith.addi %add3A_144, %gather3A : vector<16xi32>
      %gather3A_146 = tpu.vector_load_idx %arg9[%add3A_145] : memref<9648xf32, #tpu.memory_space<vmem>>[vector<16xi32>], vector<16xf32>,
      %add3A_147 = arith.constant 1 : i32
      %add3A_148 = arith.addi %and3A_76, %add3A_147 : i32
      %mul3A_149 = arith.constant 603 : i32
      %mul3A_150 = arith.muli %add3A_148, %mul3A_149 : i32
      %add3A_151 = vector.broadcast %mul3A_150 : i32 to vector<16xi32>
      %add3A_152 = arith.addi %add3A_151, %gather3A : vector<16xi32>
      %gather3A_153 = tpu.vector_load_idx %arg9[%add3A_152] : memref<9648xf32, #tpu.memory_space<vmem>>[vector<16xi32>], vector<16xf32>,
      %slice3A = vector.extract_strided_slice %gather3A_146 {offsets = [0], sizes = [1], strides = [1]} : vector<16xf32> to vector<1xf32>
      %squeeze3A = vector.extract %slice3A[0] : f32 from vector<1xf32>
      %broadcast_in_dim3A = vector.broadcast %squeeze3A : f32 to vector<16xf32>
      %slice3A_154 = vector.extract_strided_slice %gather3A_153 {offsets = [0], sizes = [1], strides = [1]} : vector<16xf32> to vector<1xf32>
      %squeeze3A_155 = vector.extract %slice3A_154[0] : f32 from vector<1xf32>
      %broadcast_in_dim3A_156 = vector.broadcast %squeeze3A_155 : f32 to vector<16xf32>
      %scan3A_157 = arith.constant 0 : i32
      %scan3A_158 = arith.constant 0 : i32
      %scan3A_159 = arith.constant 8 : i32
      %scan3A_160 = arith.addi %scan3A_158, %scan3A_159 : i32
      %scan3A_161 = arith.constant 1 : i32
      scf.for %scan3A_428 = %scan3A_158 to %scan3A_160 step %scan3A_161  : i32 {
        %mul3A_429 = arith.constant 1024 : i32
        %mul3A_430 = arith.muli %scan3A_428, %mul3A_429 : i32
        %add3A_431 = arith.constant 0 : i32
        %add3A_432 = arith.addi %mul3A_430, %add3A_431 : i32
        %add3A_433 = arith.constant 0 : i32
        %add3A_434 = arith.addi %add3A_432, %add3A_433 : i32
        %swap3A = arith.index_cast %add3A_434 : i32 to index
        %swap3A_435 = tpu.vector_load %arg14[%swap3A] {strides = array<i32>} : memref<8192xf32, #tpu.memory_space<vmem>>, vector<16xf32>,
        tpu.vector_store %arg14[%swap3A], %broadcast_in_dim3A {strides = array<i32>} : memref<8192xf32, #tpu.memory_space<vmem>>, vector<16xf32>,
        %add3A_436 = arith.constant 0 : i32
        %add3A_437 = arith.addi %add3A_432, %add3A_436 : i32
        %swap3A_438 = arith.index_cast %add3A_437 : i32 to index
        %swap3A_439 = tpu.vector_load %arg16[%swap3A_438] {strides = array<i32>} : memref<8192xf32, #tpu.memory_space<vmem>>, vector<16xf32>,
        tpu.vector_store %arg16[%swap3A_438], %broadcast_in_dim3A_156 {strides = array<i32>} : memref<8192xf32, #tpu.memory_space<vmem>>, vector<16xf32>,
        %add3A_440 = arith.constant 16 : i32
        %add3A_441 = arith.addi %add3A_432, %add3A_440 : i32
        %swap3A_442 = arith.index_cast %add3A_441 : i32 to index
        %swap3A_443 = tpu.vector_load %arg14[%swap3A_442] {strides = array<i32>} : memref<8192xf32, #tpu.memory_space<vmem>>, vector<16xf32>,
        tpu.vector_store %arg14[%swap3A_442], %broadcast_in_dim3A {strides = array<i32>} : memref<8192xf32, #tpu.memory_space<vmem>>, vector<16xf32>,
        %add3A_444 = arith.constant 16 : i32
        %add3A_445 = arith.addi %add3A_432, %add3A_444 : i32
        %swap3A_446 = arith.index_cast %add3A_445 : i32 to index
        %swap3A_447 = tpu.vector_load %arg16[%swap3A_446] {strides = array<i32>} : memref<8192xf32, #tpu.memory_space<vmem>>, vector<16xf32>,
        tpu.vector_store %arg16[%swap3A_446], %broadcast_in_dim3A_156 {strides = array<i32>} : memref<8192xf32, #tpu.memory_space<vmem>>, vector<16xf32>,
        %add3A_448 = arith.constant 32 : i32
        %add3A_449 = arith.addi %add3A_432, %add3A_448 : i32
        %swap3A_450 = arith.index_cast %add3A_449 : i32 to index
        %swap3A_451 = tpu.vector_load %arg14[%swap3A_450] {strides = array<i32>} : memref<8192xf32, #tpu.memory_space<vmem>>, vector<16xf32>,
        tpu.vector_store %arg14[%swap3A_450], %broadcast_in_dim3A {strides = array<i32>} : memref<8192xf32, #tpu.memory_space<vmem>>, vector<16xf32>,
        %add3A_452 = arith.constant 32 : i32
        %add3A_453 = arith.addi %add3A_432, %add3A_452 : i32
        %swap3A_454 = arith.index_cast %add3A_453 : i32 to index
        %swap3A_455 = tpu.vector_load %arg16[%swap3A_454] {strides = array<i32>} : memref<8192xf32, #tpu.memory_space<vmem>>, vector<16xf32>,
        tpu.vector_store %arg16[%swap3A_454], %broadcast_in_dim3A_156 {strides = array<i32>} : memref<8192xf32, #tpu.memory_space<vmem>>, vector<16xf32>,
        %add3A_456 = arith.constant 48 : i32
        %add3A_457 = arith.addi %add3A_432, %add3A_456 : i32
        %swap3A_458 = arith.index_cast %add3A_457 : i32 to index
        %swap3A_459 = tpu.vector_load %arg14[%swap3A_458] {strides = array<i32>} : memref<8192xf32, #tpu.memory_space<vmem>>, vector<16xf32>,
        tpu.vector_store %arg14[%swap3A_458], %broadcast_in_dim3A {strides = array<i32>} : memref<8192xf32, #tpu.memory_space<vmem>>, vector<16xf32>,
        %add3A_460 = arith.constant 48 : i32
        %add3A_461 = arith.addi %add3A_432, %add3A_460 : i32
        %swap3A_462 = arith.index_cast %add3A_461 : i32 to index
        %swap3A_463 = tpu.vector_load %arg16[%swap3A_462] {strides = array<i32>} : memref<8192xf32, #tpu.memory_space<vmem>>, vector<16xf32>,
        tpu.vector_store %arg16[%swap3A_462], %broadcast_in_dim3A_156 {strides = array<i32>} : memref<8192xf32, #tpu.memory_space<vmem>>, vector<16xf32>,
        %add3A_464 = arith.constant 64 : i32
        %add3A_465 = arith.addi %add3A_432, %add3A_464 : i32
        %swap3A_466 = arith.index_cast %add3A_465 : i32 to index
        %swap3A_467 = tpu.vector_load %arg14[%swap3A_466] {strides = array<i32>} : memref<8192xf32, #tpu.memory_space<vmem>>, vector<16xf32>,
        tpu.vector_store %arg14[%swap3A_466], %broadcast_in_dim3A {strides = array<i32>} : memref<8192xf32, #tpu.memory_space<vmem>>, vector<16xf32>,
        %add3A_468 = arith.constant 64 : i32
        %add3A_469 = arith.addi %add3A_432, %add3A_468 : i32
        %swap3A_470 = arith.index_cast %add3A_469 : i32 to index
        %swap3A_471 = tpu.vector_load %arg16[%swap3A_470] {strides = array<i32>} : memref<8192xf32, #tpu.memory_space<vmem>>, vector<16xf32>,
        tpu.vector_store %arg16[%swap3A_470], %broadcast_in_dim3A_156 {strides = array<i32>} : memref<8192xf32, #tpu.memory_space<vmem>>, vector<16xf32>,
        %add3A_472 = arith.constant 80 : i32
        %add3A_473 = arith.addi %add3A_432, %add3A_472 : i32
        %swap3A_474 = arith.index_cast %add3A_473 : i32 to index
        %swap3A_475 = tpu.vector_load %arg14[%swap3A_474] {strides = array<i32>} : memref<8192xf32, #tpu.memory_space<vmem>>, vector<16xf32>,
        tpu.vector_store %arg14[%swap3A_474], %broadcast_in_dim3A {strides = array<i32>} : memref<8192xf32, #tpu.memory_space<vmem>>, vector<16xf32>,
        %add3A_476 = arith.constant 80 : i32
        %add3A_477 = arith.addi %add3A_432, %add3A_476 : i32
        %swap3A_478 = arith.index_cast %add3A_477 : i32 to index
        %swap3A_479 = tpu.vector_load %arg16[%swap3A_478] {strides = array<i32>} : memref<8192xf32, #tpu.memory_space<vmem>>, vector<16xf32>,
        tpu.vector_store %arg16[%swap3A_478], %broadcast_in_dim3A_156 {strides = array<i32>} : memref<8192xf32, #tpu.memory_space<vmem>>, vector<16xf32>,
        %add3A_480 = arith.constant 96 : i32
        %add3A_481 = arith.addi %add3A_432, %add3A_480 : i32
        %swap3A_482 = arith.index_cast %add3A_481 : i32 to index
        %swap3A_483 = tpu.vector_load %arg14[%swap3A_482] {strides = array<i32>} : memref<8192xf32, #tpu.memory_space<vmem>>, vector<16xf32>,
        tpu.vector_store %arg14[%swap3A_482], %broadcast_in_dim3A {strides = array<i32>} : memref<8192xf32, #tpu.memory_space<vmem>>, vector<16xf32>,
        %add3A_484 = arith.constant 96 : i32
        %add3A_485 = arith.addi %add3A_432, %add3A_484 : i32
        %swap3A_486 = arith.index_cast %add3A_485 : i32 to index
        %swap3A_487 = tpu.vector_load %arg16[%swap3A_486] {strides = array<i32>} : memref<8192xf32, #tpu.memory_space<vmem>>, vector<16xf32>,
        tpu.vector_store %arg16[%swap3A_486], %broadcast_in_dim3A_156 {strides = array<i32>} : memref<8192xf32, #tpu.memory_space<vmem>>, vector<16xf32>,
        %add3A_488 = arith.constant 112 : i32
        %add3A_489 = arith.addi %add3A_432, %add3A_488 : i32
        %swap3A_490 = arith.index_cast %add3A_489 : i32 to index
        %swap3A_491 = tpu.vector_load %arg14[%swap3A_490] {strides = array<i32>} : memref<8192xf32, #tpu.memory_space<vmem>>, vector<16xf32>,
        tpu.vector_store %arg14[%swap3A_490], %broadcast_in_dim3A {strides = array<i32>} : memref<8192xf32, #tpu.memory_space<vmem>>, vector<16xf32>,
        %add3A_492 = arith.constant 112 : i32
        %add3A_493 = arith.addi %add3A_432, %add3A_492 : i32
        %swap3A_494 = arith.index_cast %add3A_493 : i32 to index
        %swap3A_495 = tpu.vector_load %arg16[%swap3A_494] {strides = array<i32>} : memref<8192xf32, #tpu.memory_space<vmem>>, vector<16xf32>,
        tpu.vector_store %arg16[%swap3A_494], %broadcast_in_dim3A_156 {strides = array<i32>} : memref<8192xf32, #tpu.memory_space<vmem>>, vector<16xf32>,
      }
      %scan3A_162 = arith.constant 8 : i32
      %slice3A_163 = vector.extract_strided_slice %gather3A_146 {offsets = [1], sizes = [1], strides = [1]} : vector<16xf32> to vector<1xf32>
      %squeeze3A_164 = vector.extract %slice3A_163[0] : f32 from vector<1xf32>
      %broadcast_in_dim3A_165 = vector.broadcast %squeeze3A_164 : f32 to vector<16xf32>
      %slice3A_166 = vector.extract_strided_slice %gather3A_153 {offsets = [1], sizes = [1], strides = [1]} : vector<16xf32> to vector<1xf32>
      %squeeze3A_167 = vector.extract %slice3A_166[0] : f32 from vector<1xf32>
      %broadcast_in_dim3A_168 = vector.broadcast %squeeze3A_167 : f32 to vector<16xf32>
      %scan3A_169 = arith.constant 0 : i32
      %scan3A_170 = arith.constant 0 : i32
      %scan3A_171 = arith.constant 8 : i32
      %scan3A_172 = arith.addi %scan3A_170, %scan3A_171 : i32
      %scan3A_173 = arith.constant 1 : i32
      scf.for %scan3A_428 = %scan3A_170 to %scan3A_172 step %scan3A_173  : i32 {
        %mul3A_429 = arith.constant 1024 : i32
        %mul3A_430 = arith.muli %scan3A_428, %mul3A_429 : i32
        %add3A_431 = arith.constant 128 : i32
        %add3A_432 = arith.addi %mul3A_430, %add3A_431 : i32
        %add3A_433 = arith.constant 0 : i32
        %add3A_434 = arith.addi %add3A_432, %add3A_433 : i32
        %swap3A = arith.index_cast %add3A_434 : i32 to index
        %swap3A_435 = tpu.vector_load %arg14[%swap3A] {strides = array<i32>} : memref<8192xf32, #tpu.memory_space<vmem>>, vector<16xf32>,
        tpu.vector_store %arg14[%swap3A], %broadcast_in_dim3A_165 {strides = array<i32>} : memref<8192xf32, #tpu.memory_space<vmem>>, vector<16xf32>,
        %add3A_436 = arith.constant 0 : i32
        %add3A_437 = arith.addi %add3A_432, %add3A_436 : i32
        %swap3A_438 = arith.index_cast %add3A_437 : i32 to index
        %swap3A_439 = tpu.vector_load %arg16[%swap3A_438] {strides = array<i32>} : memref<8192xf32, #tpu.memory_space<vmem>>, vector<16xf32>,
        tpu.vector_store %arg16[%swap3A_438], %broadcast_in_dim3A_168 {strides = array<i32>} : memref<8192xf32, #tpu.memory_space<vmem>>, vector<16xf32>,
        %add3A_440 = arith.constant 16 : i32
        %add3A_441 = arith.addi %add3A_432, %add3A_440 : i32
        %swap3A_442 = arith.index_cast %add3A_441 : i32 to index
        %swap3A_443 = tpu.vector_load %arg14[%swap3A_442] {strides = array<i32>} : memref<8192xf32, #tpu.memory_space<vmem>>, vector<16xf32>,
        tpu.vector_store %arg14[%swap3A_442], %broadcast_in_dim3A_165 {strides = array<i32>} : memref<8192xf32, #tpu.memory_space<vmem>>, vector<16xf32>,
        %add3A_444 = arith.constant 16 : i32
        %add3A_445 = arith.addi %add3A_432, %add3A_444 : i32
        %swap3A_446 = arith.index_cast %add3A_445 : i32 to index
        %swap3A_447 = tpu.vector_load %arg16[%swap3A_446] {strides = array<i32>} : memref<8192xf32, #tpu.memory_space<vmem>>, vector<16xf32>,
        tpu.vector_store %arg16[%swap3A_446], %broadcast_in_dim3A_168 {strides = array<i32>} : memref<8192xf32, #tpu.memory_space<vmem>>, vector<16xf32>,
        %add3A_448 = arith.constant 32 : i32
        %add3A_449 = arith.addi %add3A_432, %add3A_448 : i32
        %swap3A_450 = arith.index_cast %add3A_449 : i32 to index
        %swap3A_451 = tpu.vector_load %arg14[%swap3A_450] {strides = array<i32>} : memref<8192xf32, #tpu.memory_space<vmem>>, vector<16xf32>,
        tpu.vector_store %arg14[%swap3A_450], %broadcast_in_dim3A_165 {strides = array<i32>} : memref<8192xf32, #tpu.memory_space<vmem>>, vector<16xf32>,
        %add3A_452 = arith.constant 32 : i32
        %add3A_453 = arith.addi %add3A_432, %add3A_452 : i32
        %swap3A_454 = arith.index_cast %add3A_453 : i32 to index
        %swap3A_455 = tpu.vector_load %arg16[%swap3A_454] {strides = array<i32>} : memref<8192xf32, #tpu.memory_space<vmem>>, vector<16xf32>,
        tpu.vector_store %arg16[%swap3A_454], %broadcast_in_dim3A_168 {strides = array<i32>} : memref<8192xf32, #tpu.memory_space<vmem>>, vector<16xf32>,
        %add3A_456 = arith.constant 48 : i32
        %add3A_457 = arith.addi %add3A_432, %add3A_456 : i32
        %swap3A_458 = arith.index_cast %add3A_457 : i32 to index
        %swap3A_459 = tpu.vector_load %arg14[%swap3A_458] {strides = array<i32>} : memref<8192xf32, #tpu.memory_space<vmem>>, vector<16xf32>,
        tpu.vector_store %arg14[%swap3A_458], %broadcast_in_dim3A_165 {strides = array<i32>} : memref<8192xf32, #tpu.memory_space<vmem>>, vector<16xf32>,
        %add3A_460 = arith.constant 48 : i32
        %add3A_461 = arith.addi %add3A_432, %add3A_460 : i32
        %swap3A_462 = arith.index_cast %add3A_461 : i32 to index
        %swap3A_463 = tpu.vector_load %arg16[%swap3A_462] {strides = array<i32>} : memref<8192xf32, #tpu.memory_space<vmem>>, vector<16xf32>,
        tpu.vector_store %arg16[%swap3A_462], %broadcast_in_dim3A_168 {strides = array<i32>} : memref<8192xf32, #tpu.memory_space<vmem>>, vector<16xf32>,
        %add3A_464 = arith.constant 64 : i32
        %add3A_465 = arith.addi %add3A_432, %add3A_464 : i32
        %swap3A_466 = arith.index_cast %add3A_465 : i32 to index
        %swap3A_467 = tpu.vector_load %arg14[%swap3A_466] {strides = array<i32>} : memref<8192xf32, #tpu.memory_space<vmem>>, vector<16xf32>,
        tpu.vector_store %arg14[%swap3A_466], %broadcast_in_dim3A_165 {strides = array<i32>} : memref<8192xf32, #tpu.memory_space<vmem>>, vector<16xf32>,
        %add3A_468 = arith.constant 64 : i32
        %add3A_469 = arith.addi %add3A_432, %add3A_468 : i32
        %swap3A_470 = arith.index_cast %add3A_469 : i32 to index
        %swap3A_471 = tpu.vector_load %arg16[%swap3A_470] {strides = array<i32>} : memref<8192xf32, #tpu.memory_space<vmem>>, vector<16xf32>,
        tpu.vector_store %arg16[%swap3A_470], %broadcast_in_dim3A_168 {strides = array<i32>} : memref<8192xf32, #tpu.memory_space<vmem>>, vector<16xf32>,
        %add3A_472 = arith.constant 80 : i32
        %add3A_473 = arith.addi %add3A_432, %add3A_472 : i32
        %swap3A_474 = arith.index_cast %add3A_473 : i32 to index
        %swap3A_475 = tpu.vector_load %arg14[%swap3A_474] {strides = array<i32>} : memref<8192xf32, #tpu.memory_space<vmem>>, vector<16xf32>,
        tpu.vector_store %arg14[%swap3A_474], %broadcast_in_dim3A_165 {strides = array<i32>} : memref<8192xf32, #tpu.memory_space<vmem>>, vector<16xf32>,
        %add3A_476 = arith.constant 80 : i32
        %add3A_477 = arith.addi %add3A_432, %add3A_476 : i32
        %swap3A_478 = arith.index_cast %add3A_477 : i32 to index
        %swap3A_479 = tpu.vector_load %arg16[%swap3A_478] {strides = array<i32>} : memref<8192xf32, #tpu.memory_space<vmem>>, vector<16xf32>,
        tpu.vector_store %arg16[%swap3A_478], %broadcast_in_dim3A_168 {strides = array<i32>} : memref<8192xf32, #tpu.memory_space<vmem>>, vector<16xf32>,
        %add3A_480 = arith.constant 96 : i32
        %add3A_481 = arith.addi %add3A_432, %add3A_480 : i32
        %swap3A_482 = arith.index_cast %add3A_481 : i32 to index
        %swap3A_483 = tpu.vector_load %arg14[%swap3A_482] {strides = array<i32>} : memref<8192xf32, #tpu.memory_space<vmem>>, vector<16xf32>,
        tpu.vector_store %arg14[%swap3A_482], %broadcast_in_dim3A_165 {strides = array<i32>} : memref<8192xf32, #tpu.memory_space<vmem>>, vector<16xf32>,
        %add3A_484 = arith.constant 96 : i32
        %add3A_485 = arith.addi %add3A_432, %add3A_484 : i32
        %swap3A_486 = arith.index_cast %add3A_485 : i32 to index
        %swap3A_487 = tpu.vector_load %arg16[%swap3A_486] {strides = array<i32>} : memref<8192xf32, #tpu.memory_space<vmem>>, vector<16xf32>,
        tpu.vector_store %arg16[%swap3A_486], %broadcast_in_dim3A_168 {strides = array<i32>} : memref<8192xf32, #tpu.memory_space<vmem>>, vector<16xf32>,
        %add3A_488 = arith.constant 112 : i32
        %add3A_489 = arith.addi %add3A_432, %add3A_488 : i32
        %swap3A_490 = arith.index_cast %add3A_489 : i32 to index
        %swap3A_491 = tpu.vector_load %arg14[%swap3A_490] {strides = array<i32>} : memref<8192xf32, #tpu.memory_space<vmem>>, vector<16xf32>,
        tpu.vector_store %arg14[%swap3A_490], %broadcast_in_dim3A_165 {strides = array<i32>} : memref<8192xf32, #tpu.memory_space<vmem>>, vector<16xf32>,
        %add3A_492 = arith.constant 112 : i32
        %add3A_493 = arith.addi %add3A_432, %add3A_492 : i32
        %swap3A_494 = arith.index_cast %add3A_493 : i32 to index
        %swap3A_495 = tpu.vector_load %arg16[%swap3A_494] {strides = array<i32>} : memref<8192xf32, #tpu.memory_space<vmem>>, vector<16xf32>,
        tpu.vector_store %arg16[%swap3A_494], %broadcast_in_dim3A_168 {strides = array<i32>} : memref<8192xf32, #tpu.memory_space<vmem>>, vector<16xf32>,
      }
      %scan3A_174 = arith.constant 8 : i32
      %slice3A_175 = vector.extract_strided_slice %gather3A_146 {offsets = [2], sizes = [1], strides = [1]} : vector<16xf32> to vector<1xf32>
      %squeeze3A_176 = vector.extract %slice3A_175[0] : f32 from vector<1xf32>
      %broadcast_in_dim3A_177 = vector.broadcast %squeeze3A_176 : f32 to vector<16xf32>
      %slice3A_178 = vector.extract_strided_slice %gather3A_153 {offsets = [2], sizes = [1], strides = [1]} : vector<16xf32> to vector<1xf32>
      %squeeze3A_179 = vector.extract %slice3A_178[0] : f32 from vector<1xf32>
      %broadcast_in_dim3A_180 = vector.broadcast %squeeze3A_179 : f32 to vector<16xf32>
      %scan3A_181 = arith.constant 0 : i32
      %scan3A_182 = arith.constant 0 : i32
      %scan3A_183 = arith.constant 8 : i32
      %scan3A_184 = arith.addi %scan3A_182, %scan3A_183 : i32
      %scan3A_185 = arith.constant 1 : i32
      scf.for %scan3A_428 = %scan3A_182 to %scan3A_184 step %scan3A_185  : i32 {
        %mul3A_429 = arith.constant 1024 : i32
        %mul3A_430 = arith.muli %scan3A_428, %mul3A_429 : i32
        %add3A_431 = arith.constant 256 : i32
        %add3A_432 = arith.addi %mul3A_430, %add3A_431 : i32
        %add3A_433 = arith.constant 0 : i32
        %add3A_434 = arith.addi %add3A_432, %add3A_433 : i32
        %swap3A = arith.index_cast %add3A_434 : i32 to index
        %swap3A_435 = tpu.vector_load %arg14[%swap3A] {strides = array<i32>} : memref<8192xf32, #tpu.memory_space<vmem>>, vector<16xf32>,
        tpu.vector_store %arg14[%swap3A], %broadcast_in_dim3A_177 {strides = array<i32>} : memref<8192xf32, #tpu.memory_space<vmem>>, vector<16xf32>,
        %add3A_436 = arith.constant 0 : i32
        %add3A_437 = arith.addi %add3A_432, %add3A_436 : i32
        %swap3A_438 = arith.index_cast %add3A_437 : i32 to index
        %swap3A_439 = tpu.vector_load %arg16[%swap3A_438] {strides = array<i32>} : memref<8192xf32, #tpu.memory_space<vmem>>, vector<16xf32>,
        tpu.vector_store %arg16[%swap3A_438], %broadcast_in_dim3A_180 {strides = array<i32>} : memref<8192xf32, #tpu.memory_space<vmem>>, vector<16xf32>,
        %add3A_440 = arith.constant 16 : i32
        %add3A_441 = arith.addi %add3A_432, %add3A_440 : i32
        %swap3A_442 = arith.index_cast %add3A_441 : i32 to index
        %swap3A_443 = tpu.vector_load %arg14[%swap3A_442] {strides = array<i32>} : memref<8192xf32, #tpu.memory_space<vmem>>, vector<16xf32>,
        tpu.vector_store %arg14[%swap3A_442], %broadcast_in_dim3A_177 {strides = array<i32>} : memref<8192xf32, #tpu.memory_space<vmem>>, vector<16xf32>,
        %add3A_444 = arith.constant 16 : i32
        %add3A_445 = arith.addi %add3A_432, %add3A_444 : i32
        %swap3A_446 = arith.index_cast %add3A_445 : i32 to index
        %swap3A_447 = tpu.vector_load %arg16[%swap3A_446] {strides = array<i32>} : memref<8192xf32, #tpu.memory_space<vmem>>, vector<16xf32>,
        tpu.vector_store %arg16[%swap3A_446], %broadcast_in_dim3A_180 {strides = array<i32>} : memref<8192xf32, #tpu.memory_space<vmem>>, vector<16xf32>,
        %add3A_448 = arith.constant 32 : i32
        %add3A_449 = arith.addi %add3A_432, %add3A_448 : i32
        %swap3A_450 = arith.index_cast %add3A_449 : i32 to index
        %swap3A_451 = tpu.vector_load %arg14[%swap3A_450] {strides = array<i32>} : memref<8192xf32, #tpu.memory_space<vmem>>, vector<16xf32>,
        tpu.vector_store %arg14[%swap3A_450], %broadcast_in_dim3A_177 {strides = array<i32>} : memref<8192xf32, #tpu.memory_space<vmem>>, vector<16xf32>,
        %add3A_452 = arith.constant 32 : i32
        %add3A_453 = arith.addi %add3A_432, %add3A_452 : i32
        %swap3A_454 = arith.index_cast %add3A_453 : i32 to index
        %swap3A_455 = tpu.vector_load %arg16[%swap3A_454] {strides = array<i32>} : memref<8192xf32, #tpu.memory_space<vmem>>, vector<16xf32>,
        tpu.vector_store %arg16[%swap3A_454], %broadcast_in_dim3A_180 {strides = array<i32>} : memref<8192xf32, #tpu.memory_space<vmem>>, vector<16xf32>,
        %add3A_456 = arith.constant 48 : i32
        %add3A_457 = arith.addi %add3A_432, %add3A_456 : i32
        %swap3A_458 = arith.index_cast %add3A_457 : i32 to index
        %swap3A_459 = tpu.vector_load %arg14[%swap3A_458] {strides = array<i32>} : memref<8192xf32, #tpu.memory_space<vmem>>, vector<16xf32>,
        tpu.vector_store %arg14[%swap3A_458], %broadcast_in_dim3A_177 {strides = array<i32>} : memref<8192xf32, #tpu.memory_space<vmem>>, vector<16xf32>,
        %add3A_460 = arith.constant 48 : i32
        %add3A_461 = arith.addi %add3A_432, %add3A_460 : i32
        %swap3A_462 = arith.index_cast %add3A_461 : i32 to index
        %swap3A_463 = tpu.vector_load %arg16[%swap3A_462] {strides = array<i32>} : memref<8192xf32, #tpu.memory_space<vmem>>, vector<16xf32>,
        tpu.vector_store %arg16[%swap3A_462], %broadcast_in_dim3A_180 {strides = array<i32>} : memref<8192xf32, #tpu.memory_space<vmem>>, vector<16xf32>,
        %add3A_464 = arith.constant 64 : i32
        %add3A_465 = arith.addi %add3A_432, %add3A_464 : i32
        %swap3A_466 = arith.index_cast %add3A_465 : i32 to index
        %swap3A_467 = tpu.vector_load %arg14[%swap3A_466] {strides = array<i32>} : memref<8192xf32, #tpu.memory_space<vmem>>, vector<16xf32>,
        tpu.vector_store %arg14[%swap3A_466], %broadcast_in_dim3A_177 {strides = array<i32>} : memref<8192xf32, #tpu.memory_space<vmem>>, vector<16xf32>,
        %add3A_468 = arith.constant 64 : i32
        %add3A_469 = arith.addi %add3A_432, %add3A_468 : i32
        %swap3A_470 = arith.index_cast %add3A_469 : i32 to index
        %swap3A_471 = tpu.vector_load %arg16[%swap3A_470] {strides = array<i32>} : memref<8192xf32, #tpu.memory_space<vmem>>, vector<16xf32>,
        tpu.vector_store %arg16[%swap3A_470], %broadcast_in_dim3A_180 {strides = array<i32>} : memref<8192xf32, #tpu.memory_space<vmem>>, vector<16xf32>,
        %add3A_472 = arith.constant 80 : i32
        %add3A_473 = arith.addi %add3A_432, %add3A_472 : i32
        %swap3A_474 = arith.index_cast %add3A_473 : i32 to index
        %swap3A_475 = tpu.vector_load %arg14[%swap3A_474] {strides = array<i32>} : memref<8192xf32, #tpu.memory_space<vmem>>, vector<16xf32>,
        tpu.vector_store %arg14[%swap3A_474], %broadcast_in_dim3A_177 {strides = array<i32>} : memref<8192xf32, #tpu.memory_space<vmem>>, vector<16xf32>,
        %add3A_476 = arith.constant 80 : i32
        %add3A_477 = arith.addi %add3A_432, %add3A_476 : i32
        %swap3A_478 = arith.index_cast %add3A_477 : i32 to index
        %swap3A_479 = tpu.vector_load %arg16[%swap3A_478] {strides = array<i32>} : memref<8192xf32, #tpu.memory_space<vmem>>, vector<16xf32>,
        tpu.vector_store %arg16[%swap3A_478], %broadcast_in_dim3A_180 {strides = array<i32>} : memref<8192xf32, #tpu.memory_space<vmem>>, vector<16xf32>,
        %add3A_480 = arith.constant 96 : i32
        %add3A_481 = arith.addi %add3A_432, %add3A_480 : i32
        %swap3A_482 = arith.index_cast %add3A_481 : i32 to index
        %swap3A_483 = tpu.vector_load %arg14[%swap3A_482] {strides = array<i32>} : memref<8192xf32, #tpu.memory_space<vmem>>, vector<16xf32>,
        tpu.vector_store %arg14[%swap3A_482], %broadcast_in_dim3A_177 {strides = array<i32>} : memref<8192xf32, #tpu.memory_space<vmem>>, vector<16xf32>,
        %add3A_484 = arith.constant 96 : i32
        %add3A_485 = arith.addi %add3A_432, %add3A_484 : i32
        %swap3A_486 = arith.index_cast %add3A_485 : i32 to index
        %swap3A_487 = tpu.vector_load %arg16[%swap3A_486] {strides = array<i32>} : memref<8192xf32, #tpu.memory_space<vmem>>, vector<16xf32>,
        tpu.vector_store %arg16[%swap3A_486], %broadcast_in_dim3A_180 {strides = array<i32>} : memref<8192xf32, #tpu.memory_space<vmem>>, vector<16xf32>,
        %add3A_488 = arith.constant 112 : i32
        %add3A_489 = arith.addi %add3A_432, %add3A_488 : i32
        %swap3A_490 = arith.index_cast %add3A_489 : i32 to index
        %swap3A_491 = tpu.vector_load %arg14[%swap3A_490] {strides = array<i32>} : memref<8192xf32, #tpu.memory_space<vmem>>, vector<16xf32>,
        tpu.vector_store %arg14[%swap3A_490], %broadcast_in_dim3A_177 {strides = array<i32>} : memref<8192xf32, #tpu.memory_space<vmem>>, vector<16xf32>,
        %add3A_492 = arith.constant 112 : i32
        %add3A_493 = arith.addi %add3A_432, %add3A_492 : i32
        %swap3A_494 = arith.index_cast %add3A_493 : i32 to index
        %swap3A_495 = tpu.vector_load %arg16[%swap3A_494] {strides = array<i32>} : memref<8192xf32, #tpu.memory_space<vmem>>, vector<16xf32>,
        tpu.vector_store %arg16[%swap3A_494], %broadcast_in_dim3A_180 {strides = array<i32>} : memref<8192xf32, #tpu.memory_space<vmem>>, vector<16xf32>,
      }
      %scan3A_186 = arith.constant 8 : i32
      %slice3A_187 = vector.extract_strided_slice %gather3A_146 {offsets = [3], sizes = [1], strides = [1]} : vector<16xf32> to vector<1xf32>
      %squeeze3A_188 = vector.extract %slice3A_187[0] : f32 from vector<1xf32>
      %broadcast_in_dim3A_189 = vector.broadcast %squeeze3A_188 : f32 to vector<16xf32>
      %slice3A_190 = vector.extract_strided_slice %gather3A_153 {offsets = [3], sizes = [1], strides = [1]} : vector<16xf32> to vector<1xf32>
      %squeeze3A_191 = vector.extract %slice3A_190[0] : f32 from vector<1xf32>
      %broadcast_in_dim3A_192 = vector.broadcast %squeeze3A_191 : f32 to vector<16xf32>
      %scan3A_193 = arith.constant 0 : i32
      %scan3A_194 = arith.constant 0 : i32
      %scan3A_195 = arith.constant 8 : i32
      %scan3A_196 = arith.addi %scan3A_194, %scan3A_195 : i32
      %scan3A_197 = arith.constant 1 : i32
      scf.for %scan3A_428 = %scan3A_194 to %scan3A_196 step %scan3A_197  : i32 {
        %mul3A_429 = arith.constant 1024 : i32
        %mul3A_430 = arith.muli %scan3A_428, %mul3A_429 : i32
        %add3A_431 = arith.constant 384 : i32
        %add3A_432 = arith.addi %mul3A_430, %add3A_431 : i32
        %add3A_433 = arith.constant 0 : i32
        %add3A_434 = arith.addi %add3A_432, %add3A_433 : i32
        %swap3A = arith.index_cast %add3A_434 : i32 to index
        %swap3A_435 = tpu.vector_load %arg14[%swap3A] {strides = array<i32>} : memref<8192xf32, #tpu.memory_space<vmem>>, vector<16xf32>,
        tpu.vector_store %arg14[%swap3A], %broadcast_in_dim3A_189 {strides = array<i32>} : memref<8192xf32, #tpu.memory_space<vmem>>, vector<16xf32>,
        %add3A_436 = arith.constant 0 : i32
        %add3A_437 = arith.addi %add3A_432, %add3A_436 : i32
        %swap3A_438 = arith.index_cast %add3A_437 : i32 to index
        %swap3A_439 = tpu.vector_load %arg16[%swap3A_438] {strides = array<i32>} : memref<8192xf32, #tpu.memory_space<vmem>>, vector<16xf32>,
        tpu.vector_store %arg16[%swap3A_438], %broadcast_in_dim3A_192 {strides = array<i32>} : memref<8192xf32, #tpu.memory_space<vmem>>, vector<16xf32>,
        %add3A_440 = arith.constant 16 : i32
        %add3A_441 = arith.addi %add3A_432, %add3A_440 : i32
        %swap3A_442 = arith.index_cast %add3A_441 : i32 to index
        %swap3A_443 = tpu.vector_load %arg14[%swap3A_442] {strides = array<i32>} : memref<8192xf32, #tpu.memory_space<vmem>>, vector<16xf32>,
        tpu.vector_store %arg14[%swap3A_442], %broadcast_in_dim3A_189 {strides = array<i32>} : memref<8192xf32, #tpu.memory_space<vmem>>, vector<16xf32>,
        %add3A_444 = arith.constant 16 : i32
        %add3A_445 = arith.addi %add3A_432, %add3A_444 : i32
        %swap3A_446 = arith.index_cast %add3A_445 : i32 to index
        %swap3A_447 = tpu.vector_load %arg16[%swap3A_446] {strides = array<i32>} : memref<8192xf32, #tpu.memory_space<vmem>>, vector<16xf32>,
        tpu.vector_store %arg16[%swap3A_446], %broadcast_in_dim3A_192 {strides = array<i32>} : memref<8192xf32, #tpu.memory_space<vmem>>, vector<16xf32>,
        %add3A_448 = arith.constant 32 : i32
        %add3A_449 = arith.addi %add3A_432, %add3A_448 : i32
        %swap3A_450 = arith.index_cast %add3A_449 : i32 to index
        %swap3A_451 = tpu.vector_load %arg14[%swap3A_450] {strides = array<i32>} : memref<8192xf32, #tpu.memory_space<vmem>>, vector<16xf32>,
        tpu.vector_store %arg14[%swap3A_450], %broadcast_in_dim3A_189 {strides = array<i32>} : memref<8192xf32, #tpu.memory_space<vmem>>, vector<16xf32>,
        %add3A_452 = arith.constant 32 : i32
        %add3A_453 = arith.addi %add3A_432, %add3A_452 : i32
        %swap3A_454 = arith.index_cast %add3A_453 : i32 to index
        %swap3A_455 = tpu.vector_load %arg16[%swap3A_454] {strides = array<i32>} : memref<8192xf32, #tpu.memory_space<vmem>>, vector<16xf32>,
        tpu.vector_store %arg16[%swap3A_454], %broadcast_in_dim3A_192 {strides = array<i32>} : memref<8192xf32, #tpu.memory_space<vmem>>, vector<16xf32>,
        %add3A_456 = arith.constant 48 : i32
        %add3A_457 = arith.addi %add3A_432, %add3A_456 : i32
        %swap3A_458 = arith.index_cast %add3A_457 : i32 to index
        %swap3A_459 = tpu.vector_load %arg14[%swap3A_458] {strides = array<i32>} : memref<8192xf32, #tpu.memory_space<vmem>>, vector<16xf32>,
        tpu.vector_store %arg14[%swap3A_458], %broadcast_in_dim3A_189 {strides = array<i32>} : memref<8192xf32, #tpu.memory_space<vmem>>, vector<16xf32>,
        %add3A_460 = arith.constant 48 : i32
        %add3A_461 = arith.addi %add3A_432, %add3A_460 : i32
        %swap3A_462 = arith.index_cast %add3A_461 : i32 to index
        %swap3A_463 = tpu.vector_load %arg16[%swap3A_462] {strides = array<i32>} : memref<8192xf32, #tpu.memory_space<vmem>>, vector<16xf32>,
        tpu.vector_store %arg16[%swap3A_462], %broadcast_in_dim3A_192 {strides = array<i32>} : memref<8192xf32, #tpu.memory_space<vmem>>, vector<16xf32>,
        %add3A_464 = arith.constant 64 : i32
        %add3A_465 = arith.addi %add3A_432, %add3A_464 : i32
        %swap3A_466 = arith.index_cast %add3A_465 : i32 to index
        %swap3A_467 = tpu.vector_load %arg14[%swap3A_466] {strides = array<i32>} : memref<8192xf32, #tpu.memory_space<vmem>>, vector<16xf32>,
        tpu.vector_store %arg14[%swap3A_466], %broadcast_in_dim3A_189 {strides = array<i32>} : memref<8192xf32, #tpu.memory_space<vmem>>, vector<16xf32>,
        %add3A_468 = arith.constant 64 : i32
        %add3A_469 = arith.addi %add3A_432, %add3A_468 : i32
        %swap3A_470 = arith.index_cast %add3A_469 : i32 to index
        %swap3A_471 = tpu.vector_load %arg16[%swap3A_470] {strides = array<i32>} : memref<8192xf32, #tpu.memory_space<vmem>>, vector<16xf32>,
        tpu.vector_store %arg16[%swap3A_470], %broadcast_in_dim3A_192 {strides = array<i32>} : memref<8192xf32, #tpu.memory_space<vmem>>, vector<16xf32>,
        %add3A_472 = arith.constant 80 : i32
        %add3A_473 = arith.addi %add3A_432, %add3A_472 : i32
        %swap3A_474 = arith.index_cast %add3A_473 : i32 to index
        %swap3A_475 = tpu.vector_load %arg14[%swap3A_474] {strides = array<i32>} : memref<8192xf32, #tpu.memory_space<vmem>>, vector<16xf32>,
        tpu.vector_store %arg14[%swap3A_474], %broadcast_in_dim3A_189 {strides = array<i32>} : memref<8192xf32, #tpu.memory_space<vmem>>, vector<16xf32>,
        %add3A_476 = arith.constant 80 : i32
        %add3A_477 = arith.addi %add3A_432, %add3A_476 : i32
        %swap3A_478 = arith.index_cast %add3A_477 : i32 to index
        %swap3A_479 = tpu.vector_load %arg16[%swap3A_478] {strides = array<i32>} : memref<8192xf32, #tpu.memory_space<vmem>>, vector<16xf32>,
        tpu.vector_store %arg16[%swap3A_478], %broadcast_in_dim3A_192 {strides = array<i32>} : memref<8192xf32, #tpu.memory_space<vmem>>, vector<16xf32>,
        %add3A_480 = arith.constant 96 : i32
        %add3A_481 = arith.addi %add3A_432, %add3A_480 : i32
        %swap3A_482 = arith.index_cast %add3A_481 : i32 to index
        %swap3A_483 = tpu.vector_load %arg14[%swap3A_482] {strides = array<i32>} : memref<8192xf32, #tpu.memory_space<vmem>>, vector<16xf32>,
        tpu.vector_store %arg14[%swap3A_482], %broadcast_in_dim3A_189 {strides = array<i32>} : memref<8192xf32, #tpu.memory_space<vmem>>, vector<16xf32>,
        %add3A_484 = arith.constant 96 : i32
        %add3A_485 = arith.addi %add3A_432, %add3A_484 : i32
        %swap3A_486 = arith.index_cast %add3A_485 : i32 to index
        %swap3A_487 = tpu.vector_load %arg16[%swap3A_486] {strides = array<i32>} : memref<8192xf32, #tpu.memory_space<vmem>>, vector<16xf32>,
        tpu.vector_store %arg16[%swap3A_486], %broadcast_in_dim3A_192 {strides = array<i32>} : memref<8192xf32, #tpu.memory_space<vmem>>, vector<16xf32>,
        %add3A_488 = arith.constant 112 : i32
        %add3A_489 = arith.addi %add3A_432, %add3A_488 : i32
        %swap3A_490 = arith.index_cast %add3A_489 : i32 to index
        %swap3A_491 = tpu.vector_load %arg14[%swap3A_490] {strides = array<i32>} : memref<8192xf32, #tpu.memory_space<vmem>>, vector<16xf32>,
        tpu.vector_store %arg14[%swap3A_490], %broadcast_in_dim3A_189 {strides = array<i32>} : memref<8192xf32, #tpu.memory_space<vmem>>, vector<16xf32>,
        %add3A_492 = arith.constant 112 : i32
        %add3A_493 = arith.addi %add3A_432, %add3A_492 : i32
        %swap3A_494 = arith.index_cast %add3A_493 : i32 to index
        %swap3A_495 = tpu.vector_load %arg16[%swap3A_494] {strides = array<i32>} : memref<8192xf32, #tpu.memory_space<vmem>>, vector<16xf32>,
        tpu.vector_store %arg16[%swap3A_494], %broadcast_in_dim3A_192 {strides = array<i32>} : memref<8192xf32, #tpu.memory_space<vmem>>, vector<16xf32>,
      }
      %scan3A_198 = arith.constant 8 : i32
      %slice3A_199 = vector.extract_strided_slice %gather3A_146 {offsets = [4], sizes = [1], strides = [1]} : vector<16xf32> to vector<1xf32>
      %squeeze3A_200 = vector.extract %slice3A_199[0] : f32 from vector<1xf32>
      %broadcast_in_dim3A_201 = vector.broadcast %squeeze3A_200 : f32 to vector<16xf32>
      %slice3A_202 = vector.extract_strided_slice %gather3A_153 {offsets = [4], sizes = [1], strides = [1]} : vector<16xf32> to vector<1xf32>
      %squeeze3A_203 = vector.extract %slice3A_202[0] : f32 from vector<1xf32>
      %broadcast_in_dim3A_204 = vector.broadcast %squeeze3A_203 : f32 to vector<16xf32>
      %scan3A_205 = arith.constant 0 : i32
      %scan3A_206 = arith.constant 0 : i32
      %scan3A_207 = arith.constant 8 : i32
      %scan3A_208 = arith.addi %scan3A_206, %scan3A_207 : i32
      %scan3A_209 = arith.constant 1 : i32
      scf.for %scan3A_428 = %scan3A_206 to %scan3A_208 step %scan3A_209  : i32 {
        %mul3A_429 = arith.constant 1024 : i32
        %mul3A_430 = arith.muli %scan3A_428, %mul3A_429 : i32
        %add3A_431 = arith.constant 512 : i32
        %add3A_432 = arith.addi %mul3A_430, %add3A_431 : i32
        %add3A_433 = arith.constant 0 : i32
        %add3A_434 = arith.addi %add3A_432, %add3A_433 : i32
        %swap3A = arith.index_cast %add3A_434 : i32 to index
        %swap3A_435 = tpu.vector_load %arg14[%swap3A] {strides = array<i32>} : memref<8192xf32, #tpu.memory_space<vmem>>, vector<16xf32>,
        tpu.vector_store %arg14[%swap3A], %broadcast_in_dim3A_201 {strides = array<i32>} : memref<8192xf32, #tpu.memory_space<vmem>>, vector<16xf32>,
        %add3A_436 = arith.constant 0 : i32
        %add3A_437 = arith.addi %add3A_432, %add3A_436 : i32
        %swap3A_438 = arith.index_cast %add3A_437 : i32 to index
        %swap3A_439 = tpu.vector_load %arg16[%swap3A_438] {strides = array<i32>} : memref<8192xf32, #tpu.memory_space<vmem>>, vector<16xf32>,
        tpu.vector_store %arg16[%swap3A_438], %broadcast_in_dim3A_204 {strides = array<i32>} : memref<8192xf32, #tpu.memory_space<vmem>>, vector<16xf32>,
        %add3A_440 = arith.constant 16 : i32
        %add3A_441 = arith.addi %add3A_432, %add3A_440 : i32
        %swap3A_442 = arith.index_cast %add3A_441 : i32 to index
        %swap3A_443 = tpu.vector_load %arg14[%swap3A_442] {strides = array<i32>} : memref<8192xf32, #tpu.memory_space<vmem>>, vector<16xf32>,
        tpu.vector_store %arg14[%swap3A_442], %broadcast_in_dim3A_201 {strides = array<i32>} : memref<8192xf32, #tpu.memory_space<vmem>>, vector<16xf32>,
        %add3A_444 = arith.constant 16 : i32
        %add3A_445 = arith.addi %add3A_432, %add3A_444 : i32
        %swap3A_446 = arith.index_cast %add3A_445 : i32 to index
        %swap3A_447 = tpu.vector_load %arg16[%swap3A_446] {strides = array<i32>} : memref<8192xf32, #tpu.memory_space<vmem>>, vector<16xf32>,
        tpu.vector_store %arg16[%swap3A_446], %broadcast_in_dim3A_204 {strides = array<i32>} : memref<8192xf32, #tpu.memory_space<vmem>>, vector<16xf32>,
        %add3A_448 = arith.constant 32 : i32
        %add3A_449 = arith.addi %add3A_432, %add3A_448 : i32
        %swap3A_450 = arith.index_cast %add3A_449 : i32 to index
        %swap3A_451 = tpu.vector_load %arg14[%swap3A_450] {strides = array<i32>} : memref<8192xf32, #tpu.memory_space<vmem>>, vector<16xf32>,
        tpu.vector_store %arg14[%swap3A_450], %broadcast_in_dim3A_201 {strides = array<i32>} : memref<8192xf32, #tpu.memory_space<vmem>>, vector<16xf32>,
        %add3A_452 = arith.constant 32 : i32
        %add3A_453 = arith.addi %add3A_432, %add3A_452 : i32
        %swap3A_454 = arith.index_cast %add3A_453 : i32 to index
        %swap3A_455 = tpu.vector_load %arg16[%swap3A_454] {strides = array<i32>} : memref<8192xf32, #tpu.memory_space<vmem>>, vector<16xf32>,
        tpu.vector_store %arg16[%swap3A_454], %broadcast_in_dim3A_204 {strides = array<i32>} : memref<8192xf32, #tpu.memory_space<vmem>>, vector<16xf32>,
        %add3A_456 = arith.constant 48 : i32
        %add3A_457 = arith.addi %add3A_432, %add3A_456 : i32
        %swap3A_458 = arith.index_cast %add3A_457 : i32 to index
        %swap3A_459 = tpu.vector_load %arg14[%swap3A_458] {strides = array<i32>} : memref<8192xf32, #tpu.memory_space<vmem>>, vector<16xf32>,
        tpu.vector_store %arg14[%swap3A_458], %broadcast_in_dim3A_201 {strides = array<i32>} : memref<8192xf32, #tpu.memory_space<vmem>>, vector<16xf32>,
        %add3A_460 = arith.constant 48 : i32
        %add3A_461 = arith.addi %add3A_432, %add3A_460 : i32
        %swap3A_462 = arith.index_cast %add3A_461 : i32 to index
        %swap3A_463 = tpu.vector_load %arg16[%swap3A_462] {strides = array<i32>} : memref<8192xf32, #tpu.memory_space<vmem>>, vector<16xf32>,
        tpu.vector_store %arg16[%swap3A_462], %broadcast_in_dim3A_204 {strides = array<i32>} : memref<8192xf32, #tpu.memory_space<vmem>>, vector<16xf32>,
        %add3A_464 = arith.constant 64 : i32
        %add3A_465 = arith.addi %add3A_432, %add3A_464 : i32
        %swap3A_466 = arith.index_cast %add3A_465 : i32 to index
        %swap3A_467 = tpu.vector_load %arg14[%swap3A_466] {strides = array<i32>} : memref<8192xf32, #tpu.memory_space<vmem>>, vector<16xf32>,
        tpu.vector_store %arg14[%swap3A_466], %broadcast_in_dim3A_201 {strides = array<i32>} : memref<8192xf32, #tpu.memory_space<vmem>>, vector<16xf32>,
        %add3A_468 = arith.constant 64 : i32
        %add3A_469 = arith.addi %add3A_432, %add3A_468 : i32
        %swap3A_470 = arith.index_cast %add3A_469 : i32 to index
        %swap3A_471 = tpu.vector_load %arg16[%swap3A_470] {strides = array<i32>} : memref<8192xf32, #tpu.memory_space<vmem>>, vector<16xf32>,
        tpu.vector_store %arg16[%swap3A_470], %broadcast_in_dim3A_204 {strides = array<i32>} : memref<8192xf32, #tpu.memory_space<vmem>>, vector<16xf32>,
        %add3A_472 = arith.constant 80 : i32
        %add3A_473 = arith.addi %add3A_432, %add3A_472 : i32
        %swap3A_474 = arith.index_cast %add3A_473 : i32 to index
        %swap3A_475 = tpu.vector_load %arg14[%swap3A_474] {strides = array<i32>} : memref<8192xf32, #tpu.memory_space<vmem>>, vector<16xf32>,
        tpu.vector_store %arg14[%swap3A_474], %broadcast_in_dim3A_201 {strides = array<i32>} : memref<8192xf32, #tpu.memory_space<vmem>>, vector<16xf32>,
        %add3A_476 = arith.constant 80 : i32
        %add3A_477 = arith.addi %add3A_432, %add3A_476 : i32
        %swap3A_478 = arith.index_cast %add3A_477 : i32 to index
        %swap3A_479 = tpu.vector_load %arg16[%swap3A_478] {strides = array<i32>} : memref<8192xf32, #tpu.memory_space<vmem>>, vector<16xf32>,
        tpu.vector_store %arg16[%swap3A_478], %broadcast_in_dim3A_204 {strides = array<i32>} : memref<8192xf32, #tpu.memory_space<vmem>>, vector<16xf32>,
        %add3A_480 = arith.constant 96 : i32
        %add3A_481 = arith.addi %add3A_432, %add3A_480 : i32
        %swap3A_482 = arith.index_cast %add3A_481 : i32 to index
        %swap3A_483 = tpu.vector_load %arg14[%swap3A_482] {strides = array<i32>} : memref<8192xf32, #tpu.memory_space<vmem>>, vector<16xf32>,
        tpu.vector_store %arg14[%swap3A_482], %broadcast_in_dim3A_201 {strides = array<i32>} : memref<8192xf32, #tpu.memory_space<vmem>>, vector<16xf32>,
        %add3A_484 = arith.constant 96 : i32
        %add3A_485 = arith.addi %add3A_432, %add3A_484 : i32
        %swap3A_486 = arith.index_cast %add3A_485 : i32 to index
        %swap3A_487 = tpu.vector_load %arg16[%swap3A_486] {strides = array<i32>} : memref<8192xf32, #tpu.memory_space<vmem>>, vector<16xf32>,
        tpu.vector_store %arg16[%swap3A_486], %broadcast_in_dim3A_204 {strides = array<i32>} : memref<8192xf32, #tpu.memory_space<vmem>>, vector<16xf32>,
        %add3A_488 = arith.constant 112 : i32
        %add3A_489 = arith.addi %add3A_432, %add3A_488 : i32
        %swap3A_490 = arith.index_cast %add3A_489 : i32 to index
        %swap3A_491 = tpu.vector_load %arg14[%swap3A_490] {strides = array<i32>} : memref<8192xf32, #tpu.memory_space<vmem>>, vector<16xf32>,
        tpu.vector_store %arg14[%swap3A_490], %broadcast_in_dim3A_201 {strides = array<i32>} : memref<8192xf32, #tpu.memory_space<vmem>>, vector<16xf32>,
        %add3A_492 = arith.constant 112 : i32
        %add3A_493 = arith.addi %add3A_432, %add3A_492 : i32
        %swap3A_494 = arith.index_cast %add3A_493 : i32 to index
        %swap3A_495 = tpu.vector_load %arg16[%swap3A_494] {strides = array<i32>} : memref<8192xf32, #tpu.memory_space<vmem>>, vector<16xf32>,
        tpu.vector_store %arg16[%swap3A_494], %broadcast_in_dim3A_204 {strides = array<i32>} : memref<8192xf32, #tpu.memory_space<vmem>>, vector<16xf32>,
      }
      %scan3A_210 = arith.constant 8 : i32
      %slice3A_211 = vector.extract_strided_slice %gather3A_146 {offsets = [5], sizes = [1], strides = [1]} : vector<16xf32> to vector<1xf32>
      %squeeze3A_212 = vector.extract %slice3A_211[0] : f32 from vector<1xf32>
      %broadcast_in_dim3A_213 = vector.broadcast %squeeze3A_212 : f32 to vector<16xf32>
      %slice3A_214 = vector.extract_strided_slice %gather3A_153 {offsets = [5], sizes = [1], strides = [1]} : vector<16xf32> to vector<1xf32>
      %squeeze3A_215 = vector.extract %slice3A_214[0] : f32 from vector<1xf32>
      %broadcast_in_dim3A_216 = vector.broadcast %squeeze3A_215 : f32 to vector<16xf32>
      %scan3A_217 = arith.constant 0 : i32
      %scan3A_218 = arith.constant 0 : i32
      %scan3A_219 = arith.constant 8 : i32
      %scan3A_220 = arith.addi %scan3A_218, %scan3A_219 : i32
      %scan3A_221 = arith.constant 1 : i32
      scf.for %scan3A_428 = %scan3A_218 to %scan3A_220 step %scan3A_221  : i32 {
        %mul3A_429 = arith.constant 1024 : i32
        %mul3A_430 = arith.muli %scan3A_428, %mul3A_429 : i32
        %add3A_431 = arith.constant 640 : i32
        %add3A_432 = arith.addi %mul3A_430, %add3A_431 : i32
        %add3A_433 = arith.constant 0 : i32
        %add3A_434 = arith.addi %add3A_432, %add3A_433 : i32
        %swap3A = arith.index_cast %add3A_434 : i32 to index
        %swap3A_435 = tpu.vector_load %arg14[%swap3A] {strides = array<i32>} : memref<8192xf32, #tpu.memory_space<vmem>>, vector<16xf32>,
        tpu.vector_store %arg14[%swap3A], %broadcast_in_dim3A_213 {strides = array<i32>} : memref<8192xf32, #tpu.memory_space<vmem>>, vector<16xf32>,
        %add3A_436 = arith.constant 0 : i32
        %add3A_437 = arith.addi %add3A_432, %add3A_436 : i32
        %swap3A_438 = arith.index_cast %add3A_437 : i32 to index
        %swap3A_439 = tpu.vector_load %arg16[%swap3A_438] {strides = array<i32>} : memref<8192xf32, #tpu.memory_space<vmem>>, vector<16xf32>,
        tpu.vector_store %arg16[%swap3A_438], %broadcast_in_dim3A_216 {strides = array<i32>} : memref<8192xf32, #tpu.memory_space<vmem>>, vector<16xf32>,
        %add3A_440 = arith.constant 16 : i32
        %add3A_441 = arith.addi %add3A_432, %add3A_440 : i32
        %swap3A_442 = arith.index_cast %add3A_441 : i32 to index
        %swap3A_443 = tpu.vector_load %arg14[%swap3A_442] {strides = array<i32>} : memref<8192xf32, #tpu.memory_space<vmem>>, vector<16xf32>,
        tpu.vector_store %arg14[%swap3A_442], %broadcast_in_dim3A_213 {strides = array<i32>} : memref<8192xf32, #tpu.memory_space<vmem>>, vector<16xf32>,
        %add3A_444 = arith.constant 16 : i32
        %add3A_445 = arith.addi %add3A_432, %add3A_444 : i32
        %swap3A_446 = arith.index_cast %add3A_445 : i32 to index
        %swap3A_447 = tpu.vector_load %arg16[%swap3A_446] {strides = array<i32>} : memref<8192xf32, #tpu.memory_space<vmem>>, vector<16xf32>,
        tpu.vector_store %arg16[%swap3A_446], %broadcast_in_dim3A_216 {strides = array<i32>} : memref<8192xf32, #tpu.memory_space<vmem>>, vector<16xf32>,
        %add3A_448 = arith.constant 32 : i32
        %add3A_449 = arith.addi %add3A_432, %add3A_448 : i32
        %swap3A_450 = arith.index_cast %add3A_449 : i32 to index
        %swap3A_451 = tpu.vector_load %arg14[%swap3A_450] {strides = array<i32>} : memref<8192xf32, #tpu.memory_space<vmem>>, vector<16xf32>,
        tpu.vector_store %arg14[%swap3A_450], %broadcast_in_dim3A_213 {strides = array<i32>} : memref<8192xf32, #tpu.memory_space<vmem>>, vector<16xf32>,
        %add3A_452 = arith.constant 32 : i32
        %add3A_453 = arith.addi %add3A_432, %add3A_452 : i32
        %swap3A_454 = arith.index_cast %add3A_453 : i32 to index
        %swap3A_455 = tpu.vector_load %arg16[%swap3A_454] {strides = array<i32>} : memref<8192xf32, #tpu.memory_space<vmem>>, vector<16xf32>,
        tpu.vector_store %arg16[%swap3A_454], %broadcast_in_dim3A_216 {strides = array<i32>} : memref<8192xf32, #tpu.memory_space<vmem>>, vector<16xf32>,
        %add3A_456 = arith.constant 48 : i32
        %add3A_457 = arith.addi %add3A_432, %add3A_456 : i32
        %swap3A_458 = arith.index_cast %add3A_457 : i32 to index
        %swap3A_459 = tpu.vector_load %arg14[%swap3A_458] {strides = array<i32>} : memref<8192xf32, #tpu.memory_space<vmem>>, vector<16xf32>,
        tpu.vector_store %arg14[%swap3A_458], %broadcast_in_dim3A_213 {strides = array<i32>} : memref<8192xf32, #tpu.memory_space<vmem>>, vector<16xf32>,
        %add3A_460 = arith.constant 48 : i32
        %add3A_461 = arith.addi %add3A_432, %add3A_460 : i32
        %swap3A_462 = arith.index_cast %add3A_461 : i32 to index
        %swap3A_463 = tpu.vector_load %arg16[%swap3A_462] {strides = array<i32>} : memref<8192xf32, #tpu.memory_space<vmem>>, vector<16xf32>,
        tpu.vector_store %arg16[%swap3A_462], %broadcast_in_dim3A_216 {strides = array<i32>} : memref<8192xf32, #tpu.memory_space<vmem>>, vector<16xf32>,
        %add3A_464 = arith.constant 64 : i32
        %add3A_465 = arith.addi %add3A_432, %add3A_464 : i32
        %swap3A_466 = arith.index_cast %add3A_465 : i32 to index
        %swap3A_467 = tpu.vector_load %arg14[%swap3A_466] {strides = array<i32>} : memref<8192xf32, #tpu.memory_space<vmem>>, vector<16xf32>,
        tpu.vector_store %arg14[%swap3A_466], %broadcast_in_dim3A_213 {strides = array<i32>} : memref<8192xf32, #tpu.memory_space<vmem>>, vector<16xf32>,
        %add3A_468 = arith.constant 64 : i32
        %add3A_469 = arith.addi %add3A_432, %add3A_468 : i32
        %swap3A_470 = arith.index_cast %add3A_469 : i32 to index
        %swap3A_471 = tpu.vector_load %arg16[%swap3A_470] {strides = array<i32>} : memref<8192xf32, #tpu.memory_space<vmem>>, vector<16xf32>,
        tpu.vector_store %arg16[%swap3A_470], %broadcast_in_dim3A_216 {strides = array<i32>} : memref<8192xf32, #tpu.memory_space<vmem>>, vector<16xf32>,
        %add3A_472 = arith.constant 80 : i32
        %add3A_473 = arith.addi %add3A_432, %add3A_472 : i32
        %swap3A_474 = arith.index_cast %add3A_473 : i32 to index
        %swap3A_475 = tpu.vector_load %arg14[%swap3A_474] {strides = array<i32>} : memref<8192xf32, #tpu.memory_space<vmem>>, vector<16xf32>,
        tpu.vector_store %arg14[%swap3A_474], %broadcast_in_dim3A_213 {strides = array<i32>} : memref<8192xf32, #tpu.memory_space<vmem>>, vector<16xf32>,
        %add3A_476 = arith.constant 80 : i32
        %add3A_477 = arith.addi %add3A_432, %add3A_476 : i32
        %swap3A_478 = arith.index_cast %add3A_477 : i32 to index
        %swap3A_479 = tpu.vector_load %arg16[%swap3A_478] {strides = array<i32>} : memref<8192xf32, #tpu.memory_space<vmem>>, vector<16xf32>,
        tpu.vector_store %arg16[%swap3A_478], %broadcast_in_dim3A_216 {strides = array<i32>} : memref<8192xf32, #tpu.memory_space<vmem>>, vector<16xf32>,
        %add3A_480 = arith.constant 96 : i32
        %add3A_481 = arith.addi %add3A_432, %add3A_480 : i32
        %swap3A_482 = arith.index_cast %add3A_481 : i32 to index
        %swap3A_483 = tpu.vector_load %arg14[%swap3A_482] {strides = array<i32>} : memref<8192xf32, #tpu.memory_space<vmem>>, vector<16xf32>,
        tpu.vector_store %arg14[%swap3A_482], %broadcast_in_dim3A_213 {strides = array<i32>} : memref<8192xf32, #tpu.memory_space<vmem>>, vector<16xf32>,
        %add3A_484 = arith.constant 96 : i32
        %add3A_485 = arith.addi %add3A_432, %add3A_484 : i32
        %swap3A_486 = arith.index_cast %add3A_485 : i32 to index
        %swap3A_487 = tpu.vector_load %arg16[%swap3A_486] {strides = array<i32>} : memref<8192xf32, #tpu.memory_space<vmem>>, vector<16xf32>,
        tpu.vector_store %arg16[%swap3A_486], %broadcast_in_dim3A_216 {strides = array<i32>} : memref<8192xf32, #tpu.memory_space<vmem>>, vector<16xf32>,
        %add3A_488 = arith.constant 112 : i32
        %add3A_489 = arith.addi %add3A_432, %add3A_488 : i32
        %swap3A_490 = arith.index_cast %add3A_489 : i32 to index
        %swap3A_491 = tpu.vector_load %arg14[%swap3A_490] {strides = array<i32>} : memref<8192xf32, #tpu.memory_space<vmem>>, vector<16xf32>,
        tpu.vector_store %arg14[%swap3A_490], %broadcast_in_dim3A_213 {strides = array<i32>} : memref<8192xf32, #tpu.memory_space<vmem>>, vector<16xf32>,
        %add3A_492 = arith.constant 112 : i32
        %add3A_493 = arith.addi %add3A_432, %add3A_492 : i32
        %swap3A_494 = arith.index_cast %add3A_493 : i32 to index
        %swap3A_495 = tpu.vector_load %arg16[%swap3A_494] {strides = array<i32>} : memref<8192xf32, #tpu.memory_space<vmem>>, vector<16xf32>,
        tpu.vector_store %arg16[%swap3A_494], %broadcast_in_dim3A_216 {strides = array<i32>} : memref<8192xf32, #tpu.memory_space<vmem>>, vector<16xf32>,
      }
      %scan3A_222 = arith.constant 8 : i32
      %slice3A_223 = vector.extract_strided_slice %gather3A_146 {offsets = [6], sizes = [1], strides = [1]} : vector<16xf32> to vector<1xf32>
      %squeeze3A_224 = vector.extract %slice3A_223[0] : f32 from vector<1xf32>
      %broadcast_in_dim3A_225 = vector.broadcast %squeeze3A_224 : f32 to vector<16xf32>
      %slice3A_226 = vector.extract_strided_slice %gather3A_153 {offsets = [6], sizes = [1], strides = [1]} : vector<16xf32> to vector<1xf32>
      %squeeze3A_227 = vector.extract %slice3A_226[0] : f32 from vector<1xf32>
      %broadcast_in_dim3A_228 = vector.broadcast %squeeze3A_227 : f32 to vector<16xf32>
      %scan3A_229 = arith.constant 0 : i32
      %scan3A_230 = arith.constant 0 : i32
      %scan3A_231 = arith.constant 8 : i32
      %scan3A_232 = arith.addi %scan3A_230, %scan3A_231 : i32
      %scan3A_233 = arith.constant 1 : i32
      scf.for %scan3A_428 = %scan3A_230 to %scan3A_232 step %scan3A_233  : i32 {
        %mul3A_429 = arith.constant 1024 : i32
        %mul3A_430 = arith.muli %scan3A_428, %mul3A_429 : i32
        %add3A_431 = arith.constant 768 : i32
        %add3A_432 = arith.addi %mul3A_430, %add3A_431 : i32
        %add3A_433 = arith.constant 0 : i32
        %add3A_434 = arith.addi %add3A_432, %add3A_433 : i32
        %swap3A = arith.index_cast %add3A_434 : i32 to index
        %swap3A_435 = tpu.vector_load %arg14[%swap3A] {strides = array<i32>} : memref<8192xf32, #tpu.memory_space<vmem>>, vector<16xf32>,
        tpu.vector_store %arg14[%swap3A], %broadcast_in_dim3A_225 {strides = array<i32>} : memref<8192xf32, #tpu.memory_space<vmem>>, vector<16xf32>,
        %add3A_436 = arith.constant 0 : i32
        %add3A_437 = arith.addi %add3A_432, %add3A_436 : i32
        %swap3A_438 = arith.index_cast %add3A_437 : i32 to index
        %swap3A_439 = tpu.vector_load %arg16[%swap3A_438] {strides = array<i32>} : memref<8192xf32, #tpu.memory_space<vmem>>, vector<16xf32>,
        tpu.vector_store %arg16[%swap3A_438], %broadcast_in_dim3A_228 {strides = array<i32>} : memref<8192xf32, #tpu.memory_space<vmem>>, vector<16xf32>,
        %add3A_440 = arith.constant 16 : i32
        %add3A_441 = arith.addi %add3A_432, %add3A_440 : i32
        %swap3A_442 = arith.index_cast %add3A_441 : i32 to index
        %swap3A_443 = tpu.vector_load %arg14[%swap3A_442] {strides = array<i32>} : memref<8192xf32, #tpu.memory_space<vmem>>, vector<16xf32>,
        tpu.vector_store %arg14[%swap3A_442], %broadcast_in_dim3A_225 {strides = array<i32>} : memref<8192xf32, #tpu.memory_space<vmem>>, vector<16xf32>,
        %add3A_444 = arith.constant 16 : i32
        %add3A_445 = arith.addi %add3A_432, %add3A_444 : i32
        %swap3A_446 = arith.index_cast %add3A_445 : i32 to index
        %swap3A_447 = tpu.vector_load %arg16[%swap3A_446] {strides = array<i32>} : memref<8192xf32, #tpu.memory_space<vmem>>, vector<16xf32>,
        tpu.vector_store %arg16[%swap3A_446], %broadcast_in_dim3A_228 {strides = array<i32>} : memref<8192xf32, #tpu.memory_space<vmem>>, vector<16xf32>,
        %add3A_448 = arith.constant 32 : i32
        %add3A_449 = arith.addi %add3A_432, %add3A_448 : i32
        %swap3A_450 = arith.index_cast %add3A_449 : i32 to index
        %swap3A_451 = tpu.vector_load %arg14[%swap3A_450] {strides = array<i32>} : memref<8192xf32, #tpu.memory_space<vmem>>, vector<16xf32>,
        tpu.vector_store %arg14[%swap3A_450], %broadcast_in_dim3A_225 {strides = array<i32>} : memref<8192xf32, #tpu.memory_space<vmem>>, vector<16xf32>,
        %add3A_452 = arith.constant 32 : i32
        %add3A_453 = arith.addi %add3A_432, %add3A_452 : i32
        %swap3A_454 = arith.index_cast %add3A_453 : i32 to index
        %swap3A_455 = tpu.vector_load %arg16[%swap3A_454] {strides = array<i32>} : memref<8192xf32, #tpu.memory_space<vmem>>, vector<16xf32>,
        tpu.vector_store %arg16[%swap3A_454], %broadcast_in_dim3A_228 {strides = array<i32>} : memref<8192xf32, #tpu.memory_space<vmem>>, vector<16xf32>,
        %add3A_456 = arith.constant 48 : i32
        %add3A_457 = arith.addi %add3A_432, %add3A_456 : i32
        %swap3A_458 = arith.index_cast %add3A_457 : i32 to index
        %swap3A_459 = tpu.vector_load %arg14[%swap3A_458] {strides = array<i32>} : memref<8192xf32, #tpu.memory_space<vmem>>, vector<16xf32>,
        tpu.vector_store %arg14[%swap3A_458], %broadcast_in_dim3A_225 {strides = array<i32>} : memref<8192xf32, #tpu.memory_space<vmem>>, vector<16xf32>,
        %add3A_460 = arith.constant 48 : i32
        %add3A_461 = arith.addi %add3A_432, %add3A_460 : i32
        %swap3A_462 = arith.index_cast %add3A_461 : i32 to index
        %swap3A_463 = tpu.vector_load %arg16[%swap3A_462] {strides = array<i32>} : memref<8192xf32, #tpu.memory_space<vmem>>, vector<16xf32>,
        tpu.vector_store %arg16[%swap3A_462], %broadcast_in_dim3A_228 {strides = array<i32>} : memref<8192xf32, #tpu.memory_space<vmem>>, vector<16xf32>,
        %add3A_464 = arith.constant 64 : i32
        %add3A_465 = arith.addi %add3A_432, %add3A_464 : i32
        %swap3A_466 = arith.index_cast %add3A_465 : i32 to index
        %swap3A_467 = tpu.vector_load %arg14[%swap3A_466] {strides = array<i32>} : memref<8192xf32, #tpu.memory_space<vmem>>, vector<16xf32>,
        tpu.vector_store %arg14[%swap3A_466], %broadcast_in_dim3A_225 {strides = array<i32>} : memref<8192xf32, #tpu.memory_space<vmem>>, vector<16xf32>,
        %add3A_468 = arith.constant 64 : i32
        %add3A_469 = arith.addi %add3A_432, %add3A_468 : i32
        %swap3A_470 = arith.index_cast %add3A_469 : i32 to index
        %swap3A_471 = tpu.vector_load %arg16[%swap3A_470] {strides = array<i32>} : memref<8192xf32, #tpu.memory_space<vmem>>, vector<16xf32>,
        tpu.vector_store %arg16[%swap3A_470], %broadcast_in_dim3A_228 {strides = array<i32>} : memref<8192xf32, #tpu.memory_space<vmem>>, vector<16xf32>,
        %add3A_472 = arith.constant 80 : i32
        %add3A_473 = arith.addi %add3A_432, %add3A_472 : i32
        %swap3A_474 = arith.index_cast %add3A_473 : i32 to index
        %swap3A_475 = tpu.vector_load %arg14[%swap3A_474] {strides = array<i32>} : memref<8192xf32, #tpu.memory_space<vmem>>, vector<16xf32>,
        tpu.vector_store %arg14[%swap3A_474], %broadcast_in_dim3A_225 {strides = array<i32>} : memref<8192xf32, #tpu.memory_space<vmem>>, vector<16xf32>,
        %add3A_476 = arith.constant 80 : i32
        %add3A_477 = arith.addi %add3A_432, %add3A_476 : i32
        %swap3A_478 = arith.index_cast %add3A_477 : i32 to index
        %swap3A_479 = tpu.vector_load %arg16[%swap3A_478] {strides = array<i32>} : memref<8192xf32, #tpu.memory_space<vmem>>, vector<16xf32>,
        tpu.vector_store %arg16[%swap3A_478], %broadcast_in_dim3A_228 {strides = array<i32>} : memref<8192xf32, #tpu.memory_space<vmem>>, vector<16xf32>,
        %add3A_480 = arith.constant 96 : i32
        %add3A_481 = arith.addi %add3A_432, %add3A_480 : i32
        %swap3A_482 = arith.index_cast %add3A_481 : i32 to index
        %swap3A_483 = tpu.vector_load %arg14[%swap3A_482] {strides = array<i32>} : memref<8192xf32, #tpu.memory_space<vmem>>, vector<16xf32>,
        tpu.vector_store %arg14[%swap3A_482], %broadcast_in_dim3A_225 {strides = array<i32>} : memref<8192xf32, #tpu.memory_space<vmem>>, vector<16xf32>,
        %add3A_484 = arith.constant 96 : i32
        %add3A_485 = arith.addi %add3A_432, %add3A_484 : i32
        %swap3A_486 = arith.index_cast %add3A_485 : i32 to index
        %swap3A_487 = tpu.vector_load %arg16[%swap3A_486] {strides = array<i32>} : memref<8192xf32, #tpu.memory_space<vmem>>, vector<16xf32>,
        tpu.vector_store %arg16[%swap3A_486], %broadcast_in_dim3A_228 {strides = array<i32>} : memref<8192xf32, #tpu.memory_space<vmem>>, vector<16xf32>,
        %add3A_488 = arith.constant 112 : i32
        %add3A_489 = arith.addi %add3A_432, %add3A_488 : i32
        %swap3A_490 = arith.index_cast %add3A_489 : i32 to index
        %swap3A_491 = tpu.vector_load %arg14[%swap3A_490] {strides = array<i32>} : memref<8192xf32, #tpu.memory_space<vmem>>, vector<16xf32>,
        tpu.vector_store %arg14[%swap3A_490], %broadcast_in_dim3A_225 {strides = array<i32>} : memref<8192xf32, #tpu.memory_space<vmem>>, vector<16xf32>,
        %add3A_492 = arith.constant 112 : i32
        %add3A_493 = arith.addi %add3A_432, %add3A_492 : i32
        %swap3A_494 = arith.index_cast %add3A_493 : i32 to index
        %swap3A_495 = tpu.vector_load %arg16[%swap3A_494] {strides = array<i32>} : memref<8192xf32, #tpu.memory_space<vmem>>, vector<16xf32>,
        tpu.vector_store %arg16[%swap3A_494], %broadcast_in_dim3A_228 {strides = array<i32>} : memref<8192xf32, #tpu.memory_space<vmem>>, vector<16xf32>,
      }
      %scan3A_234 = arith.constant 8 : i32
      %slice3A_235 = vector.extract_strided_slice %gather3A_146 {offsets = [7], sizes = [1], strides = [1]} : vector<16xf32> to vector<1xf32>
      %squeeze3A_236 = vector.extract %slice3A_235[0] : f32 from vector<1xf32>
      %broadcast_in_dim3A_237 = vector.broadcast %squeeze3A_236 : f32 to vector<16xf32>
      %slice3A_238 = vector.extract_strided_slice %gather3A_153 {offsets = [7], sizes = [1], strides = [1]} : vector<16xf32> to vector<1xf32>
      %squeeze3A_239 = vector.extract %slice3A_238[0] : f32 from vector<1xf32>
      %broadcast_in_dim3A_240 = vector.broadcast %squeeze3A_239 : f32 to vector<16xf32>
      %scan3A_241 = arith.constant 0 : i32
      %scan3A_242 = arith.constant 0 : i32
      %scan3A_243 = arith.constant 8 : i32
      %scan3A_244 = arith.addi %scan3A_242, %scan3A_243 : i32
      %scan3A_245 = arith.constant 1 : i32
      scf.for %scan3A_428 = %scan3A_242 to %scan3A_244 step %scan3A_245  : i32 {
        %mul3A_429 = arith.constant 1024 : i32
        %mul3A_430 = arith.muli %scan3A_428, %mul3A_429 : i32
        %add3A_431 = arith.constant 896 : i32
        %add3A_432 = arith.addi %mul3A_430, %add3A_431 : i32
        %add3A_433 = arith.constant 0 : i32
        %add3A_434 = arith.addi %add3A_432, %add3A_433 : i32
        %swap3A = arith.index_cast %add3A_434 : i32 to index
        %swap3A_435 = tpu.vector_load %arg14[%swap3A] {strides = array<i32>} : memref<8192xf32, #tpu.memory_space<vmem>>, vector<16xf32>,
        tpu.vector_store %arg14[%swap3A], %broadcast_in_dim3A_237 {strides = array<i32>} : memref<8192xf32, #tpu.memory_space<vmem>>, vector<16xf32>,
        %add3A_436 = arith.constant 0 : i32
        %add3A_437 = arith.addi %add3A_432, %add3A_436 : i32
        %swap3A_438 = arith.index_cast %add3A_437 : i32 to index
        %swap3A_439 = tpu.vector_load %arg16[%swap3A_438] {strides = array<i32>} : memref<8192xf32, #tpu.memory_space<vmem>>, vector<16xf32>,
        tpu.vector_store %arg16[%swap3A_438], %broadcast_in_dim3A_240 {strides = array<i32>} : memref<8192xf32, #tpu.memory_space<vmem>>, vector<16xf32>,
        %add3A_440 = arith.constant 16 : i32
        %add3A_441 = arith.addi %add3A_432, %add3A_440 : i32
        %swap3A_442 = arith.index_cast %add3A_441 : i32 to index
        %swap3A_443 = tpu.vector_load %arg14[%swap3A_442] {strides = array<i32>} : memref<8192xf32, #tpu.memory_space<vmem>>, vector<16xf32>,
        tpu.vector_store %arg14[%swap3A_442], %broadcast_in_dim3A_237 {strides = array<i32>} : memref<8192xf32, #tpu.memory_space<vmem>>, vector<16xf32>,
        %add3A_444 = arith.constant 16 : i32
        %add3A_445 = arith.addi %add3A_432, %add3A_444 : i32
        %swap3A_446 = arith.index_cast %add3A_445 : i32 to index
        %swap3A_447 = tpu.vector_load %arg16[%swap3A_446] {strides = array<i32>} : memref<8192xf32, #tpu.memory_space<vmem>>, vector<16xf32>,
        tpu.vector_store %arg16[%swap3A_446], %broadcast_in_dim3A_240 {strides = array<i32>} : memref<8192xf32, #tpu.memory_space<vmem>>, vector<16xf32>,
        %add3A_448 = arith.constant 32 : i32
        %add3A_449 = arith.addi %add3A_432, %add3A_448 : i32
        %swap3A_450 = arith.index_cast %add3A_449 : i32 to index
        %swap3A_451 = tpu.vector_load %arg14[%swap3A_450] {strides = array<i32>} : memref<8192xf32, #tpu.memory_space<vmem>>, vector<16xf32>,
        tpu.vector_store %arg14[%swap3A_450], %broadcast_in_dim3A_237 {strides = array<i32>} : memref<8192xf32, #tpu.memory_space<vmem>>, vector<16xf32>,
        %add3A_452 = arith.constant 32 : i32
        %add3A_453 = arith.addi %add3A_432, %add3A_452 : i32
        %swap3A_454 = arith.index_cast %add3A_453 : i32 to index
        %swap3A_455 = tpu.vector_load %arg16[%swap3A_454] {strides = array<i32>} : memref<8192xf32, #tpu.memory_space<vmem>>, vector<16xf32>,
        tpu.vector_store %arg16[%swap3A_454], %broadcast_in_dim3A_240 {strides = array<i32>} : memref<8192xf32, #tpu.memory_space<vmem>>, vector<16xf32>,
        %add3A_456 = arith.constant 48 : i32
        %add3A_457 = arith.addi %add3A_432, %add3A_456 : i32
        %swap3A_458 = arith.index_cast %add3A_457 : i32 to index
        %swap3A_459 = tpu.vector_load %arg14[%swap3A_458] {strides = array<i32>} : memref<8192xf32, #tpu.memory_space<vmem>>, vector<16xf32>,
        tpu.vector_store %arg14[%swap3A_458], %broadcast_in_dim3A_237 {strides = array<i32>} : memref<8192xf32, #tpu.memory_space<vmem>>, vector<16xf32>,
        %add3A_460 = arith.constant 48 : i32
        %add3A_461 = arith.addi %add3A_432, %add3A_460 : i32
        %swap3A_462 = arith.index_cast %add3A_461 : i32 to index
        %swap3A_463 = tpu.vector_load %arg16[%swap3A_462] {strides = array<i32>} : memref<8192xf32, #tpu.memory_space<vmem>>, vector<16xf32>,
        tpu.vector_store %arg16[%swap3A_462], %broadcast_in_dim3A_240 {strides = array<i32>} : memref<8192xf32, #tpu.memory_space<vmem>>, vector<16xf32>,
        %add3A_464 = arith.constant 64 : i32
        %add3A_465 = arith.addi %add3A_432, %add3A_464 : i32
        %swap3A_466 = arith.index_cast %add3A_465 : i32 to index
        %swap3A_467 = tpu.vector_load %arg14[%swap3A_466] {strides = array<i32>} : memref<8192xf32, #tpu.memory_space<vmem>>, vector<16xf32>,
        tpu.vector_store %arg14[%swap3A_466], %broadcast_in_dim3A_237 {strides = array<i32>} : memref<8192xf32, #tpu.memory_space<vmem>>, vector<16xf32>,
        %add3A_468 = arith.constant 64 : i32
        %add3A_469 = arith.addi %add3A_432, %add3A_468 : i32
        %swap3A_470 = arith.index_cast %add3A_469 : i32 to index
        %swap3A_471 = tpu.vector_load %arg16[%swap3A_470] {strides = array<i32>} : memref<8192xf32, #tpu.memory_space<vmem>>, vector<16xf32>,
        tpu.vector_store %arg16[%swap3A_470], %broadcast_in_dim3A_240 {strides = array<i32>} : memref<8192xf32, #tpu.memory_space<vmem>>, vector<16xf32>,
        %add3A_472 = arith.constant 80 : i32
        %add3A_473 = arith.addi %add3A_432, %add3A_472 : i32
        %swap3A_474 = arith.index_cast %add3A_473 : i32 to index
        %swap3A_475 = tpu.vector_load %arg14[%swap3A_474] {strides = array<i32>} : memref<8192xf32, #tpu.memory_space<vmem>>, vector<16xf32>,
        tpu.vector_store %arg14[%swap3A_474], %broadcast_in_dim3A_237 {strides = array<i32>} : memref<8192xf32, #tpu.memory_space<vmem>>, vector<16xf32>,
        %add3A_476 = arith.constant 80 : i32
        %add3A_477 = arith.addi %add3A_432, %add3A_476 : i32
        %swap3A_478 = arith.index_cast %add3A_477 : i32 to index
        %swap3A_479 = tpu.vector_load %arg16[%swap3A_478] {strides = array<i32>} : memref<8192xf32, #tpu.memory_space<vmem>>, vector<16xf32>,
        tpu.vector_store %arg16[%swap3A_478], %broadcast_in_dim3A_240 {strides = array<i32>} : memref<8192xf32, #tpu.memory_space<vmem>>, vector<16xf32>,
        %add3A_480 = arith.constant 96 : i32
        %add3A_481 = arith.addi %add3A_432, %add3A_480 : i32
        %swap3A_482 = arith.index_cast %add3A_481 : i32 to index
        %swap3A_483 = tpu.vector_load %arg14[%swap3A_482] {strides = array<i32>} : memref<8192xf32, #tpu.memory_space<vmem>>, vector<16xf32>,
        tpu.vector_store %arg14[%swap3A_482], %broadcast_in_dim3A_237 {strides = array<i32>} : memref<8192xf32, #tpu.memory_space<vmem>>, vector<16xf32>,
        %add3A_484 = arith.constant 96 : i32
        %add3A_485 = arith.addi %add3A_432, %add3A_484 : i32
        %swap3A_486 = arith.index_cast %add3A_485 : i32 to index
        %swap3A_487 = tpu.vector_load %arg16[%swap3A_486] {strides = array<i32>} : memref<8192xf32, #tpu.memory_space<vmem>>, vector<16xf32>,
        tpu.vector_store %arg16[%swap3A_486], %broadcast_in_dim3A_240 {strides = array<i32>} : memref<8192xf32, #tpu.memory_space<vmem>>, vector<16xf32>,
        %add3A_488 = arith.constant 112 : i32
        %add3A_489 = arith.addi %add3A_432, %add3A_488 : i32
        %swap3A_490 = arith.index_cast %add3A_489 : i32 to index
        %swap3A_491 = tpu.vector_load %arg14[%swap3A_490] {strides = array<i32>} : memref<8192xf32, #tpu.memory_space<vmem>>, vector<16xf32>,
        tpu.vector_store %arg14[%swap3A_490], %broadcast_in_dim3A_237 {strides = array<i32>} : memref<8192xf32, #tpu.memory_space<vmem>>, vector<16xf32>,
        %add3A_492 = arith.constant 112 : i32
        %add3A_493 = arith.addi %add3A_432, %add3A_492 : i32
        %swap3A_494 = arith.index_cast %add3A_493 : i32 to index
        %swap3A_495 = tpu.vector_load %arg16[%swap3A_494] {strides = array<i32>} : memref<8192xf32, #tpu.memory_space<vmem>>, vector<16xf32>,
        tpu.vector_store %arg16[%swap3A_494], %broadcast_in_dim3A_240 {strides = array<i32>} : memref<8192xf32, #tpu.memory_space<vmem>>, vector<16xf32>,
      }
      %scan3A_246 = arith.constant 8 : i32
      %mul3A_247 = arith.constant 524288 : i32
      %mul3A_248 = arith.muli %add3A_80, %mul3A_247 : i32
      %mul3A_249 = arith.constant 8192 : i32
      %mul3A_250 = arith.muli %mul3A_105, %mul3A_249 : i32
      %add3A_251 = arith.addi %mul3A_248, %mul3A_250 : i32
      %dma_start3A = tpu.memref_slice %arg8[%add3A_251] : memref<67633152xf32, #tpu.memory_space<hbm>> -> memref<8192xf32, #tpu.memory_space<hbm>>
      %dma_start3A_252 = tpu.memref_slice %arg8[%add3A_251] : memref<67633152xf32, #tpu.memory_space<hbm>> -> memref<8192xf32, #tpu.memory_space<hbm>>
      tpu.enqueue_dma source(%arg14 : memref<8192xf32, #tpu.memory_space<vmem>>) target(%dma_start3A_252 : memref<8192xf32, #tpu.memory_space<hbm>>) target_semaphore(%arg22 : memref<!tpu.dma_semaphore, #tpu.memory_space<semaphore_mem>>)
      %add3A_253 = arith.constant 1 : i32
      %add3A_254 = arith.addi %add3A_80, %add3A_253 : i32
      %mul3A_255 = arith.constant 524288 : i32
      %mul3A_256 = arith.muli %add3A_254, %mul3A_255 : i32
      %mul3A_257 = arith.constant 8192 : i32
      %mul3A_258 = arith.muli %mul3A_105, %mul3A_257 : i32
      %add3A_259 = arith.addi %mul3A_256, %mul3A_258 : i32
      %dma_start3A_260 = tpu.memref_slice %arg8[%add3A_259] : memref<67633152xf32, #tpu.memory_space<hbm>> -> memref<8192xf32, #tpu.memory_space<hbm>>
      %dma_start3A_261 = tpu.memref_slice %arg8[%add3A_259] : memref<67633152xf32, #tpu.memory_space<hbm>> -> memref<8192xf32, #tpu.memory_space<hbm>>
      tpu.enqueue_dma source(%arg16 : memref<8192xf32, #tpu.memory_space<vmem>>) target(%dma_start3A_261 : memref<8192xf32, #tpu.memory_space<hbm>>) target_semaphore(%arg22 : memref<!tpu.dma_semaphore, #tpu.memory_space<semaphore_mem>>)
      %ge3A_262 = arith.constant 1 : i32
      %ge3A_263 = arith.cmpi sge, %scan3A_103, %ge3A_262 : i32
      %convert_element_type3A_264 = arith.extui %ge3A_263 : i1 to i32
      %cond3A_265 = arith.constant 0 : i32
      %cond3A_266 = arith.cmpi ne, %convert_element_type3A_264, %cond3A_265 : i32
      scf.if %cond3A_266 {
        %dma_wait3A_428 = arith.constant 0 : i32
        %dma_wait3A_429 = tpu.memref_slice %arg8[%dma_wait3A_428] : memref<67633152xf32, #tpu.memory_space<hbm>> -> memref<8192xf32, #tpu.memory_space<hbm>>
        %dma_wait3A_430 = arith.constant 0 : i32
        %dma_wait3A_431 = tpu.memref_slice %arg8[%dma_wait3A_430] : memref<67633152xf32, #tpu.memory_space<hbm>> -> memref<8192xf32, #tpu.memory_space<hbm>>
        tpu.wait_dma2 semaphore(%arg23 : memref<!tpu.dma_semaphore, #tpu.memory_space<semaphore_mem>>) src(%arg15 : memref<8192xf32, #tpu.memory_space<vmem>>) dst(%dma_wait3A_431 : memref<8192xf32, #tpu.memory_space<hbm>>)
        %dma_wait3A_432 = arith.constant 0 : i32
        %dma_wait3A_433 = tpu.memref_slice %arg8[%dma_wait3A_432] : memref<67633152xf32, #tpu.memory_space<hbm>> -> memref<8192xf32, #tpu.memory_space<hbm>>
        %dma_wait3A_434 = arith.constant 0 : i32
        %dma_wait3A_435 = tpu.memref_slice %arg8[%dma_wait3A_434] : memref<67633152xf32, #tpu.memory_space<hbm>> -> memref<8192xf32, #tpu.memory_space<hbm>>
        tpu.wait_dma2 semaphore(%arg23 : memref<!tpu.dma_semaphore, #tpu.memory_space<semaphore_mem>>) src(%arg17 : memref<8192xf32, #tpu.memory_space<vmem>>) dst(%dma_wait3A_435 : memref<8192xf32, #tpu.memory_space<hbm>>)
      } else {
      }
      %jit3A_267 = arith.constant 2 : i32
      %div3A_268 = arith.divsi %add3A_109, %jit3A_267 : i32
      %sign3A_269 = arith.constant 0 : i32
      %sign3A_270 = arith.cmpi sgt, %add3A_109, %sign3A_269 : i32
      %sign3A_271 = arith.extui %sign3A_270 : i1 to i32
      %sign3A_272 = arith.constant 0 : i32
      %sign3A_273 = arith.cmpi slt, %add3A_109, %sign3A_272 : i32
      %sign3A_274 = arith.extui %sign3A_273 : i1 to i32
      %sign3A_275 = arith.subi %sign3A_271, %sign3A_274 : i32
      %sign3A_276 = arith.constant 0 : i32
      %sign3A_277 = arith.cmpi sgt, %jit3A_267, %sign3A_276 : i32
      %sign3A_278 = arith.extui %sign3A_277 : i1 to i32
      %sign3A_279 = arith.constant 0 : i32
      %sign3A_280 = arith.cmpi slt, %jit3A_267, %sign3A_279 : i32
      %sign3A_281 = arith.extui %sign3A_280 : i1 to i32
      %sign3A_282 = arith.subi %sign3A_278, %sign3A_281 : i32
      %ne3A_283 = arith.cmpi ne, %sign3A_275, %sign3A_282 : i32
      %rem3A_284 = arith.remsi %add3A_109, %jit3A_267 : i32
      %ne3A_285 = arith.constant 0 : i32
      %ne3A_286 = arith.cmpi ne, %rem3A_284, %ne3A_285 : i32
      %and3A_287 = arith.andi %ne3A_283, %ne3A_286 : i1
      %sub3A_288 = arith.constant 1 : i32
      %sub3A_289 = arith.subi %div3A_268, %sub3A_288 : i32
      %select_n3A_290 = arith.select %and3A_287, %sub3A_289, %div3A_268 : i32
      %mul3A_291 = arith.constant 8 : i32
      %mul3A_292 = arith.muli %select_n3A_290, %mul3A_291 : i32
      %min3A_293 = arith.constant 7 : i32
      %min3A_294 = vector.broadcast %min3A_293 : i32 to vector<16xi32>
      %min3A_295 = arith.minsi %iota3A, %min3A_294 : vector<16xi32>
      %add3A_296 = vector.broadcast %mul3A_292 : i32 to vector<16xi32>
      %add3A_297 = arith.addi %add3A_296, %min3A_295 : vector<16xi32>
      %mul3A_298 = arith.constant 4 : i32
      %mul3A_299 = vector.broadcast %mul3A_298 : i32 to vector<16xi32>
      %mul3A_300 = arith.muli %add3A_297, %mul3A_299 : vector<16xi32>
      %add3A_301 = vector.broadcast %shift_right_arithmetic3A_72 : i32 to vector<16xi32>
      %add3A_302 = arith.addi %mul3A_300, %add3A_301 : vector<16xi32>
      %gather3A_303 = tpu.vector_load_idx %arg11[%add3A_302] : memref<1024xi32, #tpu.memory_space<vmem>>[vector<16xi32>], vector<16xi32>,
      %mul3A_304 = arith.constant 603 : i32
      %mul3A_305 = arith.muli %and3A_76, %mul3A_304 : i32
      %add3A_306 = vector.broadcast %mul3A_305 : i32 to vector<16xi32>
      %add3A_307 = arith.addi %add3A_306, %gather3A_303 : vector<16xi32>
      %gather3A_308 = tpu.vector_load_idx %arg9[%add3A_307] : memref<9648xf32, #tpu.memory_space<vmem>>[vector<16xi32>], vector<16xf32>,
      %add3A_309 = arith.constant 1 : i32
      %add3A_310 = arith.addi %and3A_76, %add3A_309 : i32
      %mul3A_311 = arith.constant 603 : i32
      %mul3A_312 = arith.muli %add3A_310, %mul3A_311 : i32
      %add3A_313 = vector.broadcast %mul3A_312 : i32 to vector<16xi32>
      %add3A_314 = arith.addi %add3A_313, %gather3A_303 : vector<16xi32>
      %gather3A_315 = tpu.vector_load_idx %arg9[%add3A_314] : memref<9648xf32, #tpu.memory_space<vmem>>[vector<16xi32>], vector<16xf32>,
      %slice3A_316 = vector.extract_strided_slice %gather3A_308 {offsets = [0], sizes = [1], strides = [1]} : vector<16xf32> to vector<1xf32>
      %squeeze3A_317 = vector.extract %slice3A_316[0] : f32 from vector<1xf32>
      %broadcast_in_dim3A_318 = vector.broadcast %squeeze3A_317 : f32 to vector<16xf32>
      %slice3A_319 = vector.extract_strided_slice %gather3A_315 {offsets = [0], sizes = [1], strides = [1]} : vector<16xf32> to vector<1xf32>
      %squeeze3A_320 = vector.extract %slice3A_319[0] : f32 from vector<1xf32>
      %broadcast_in_dim3A_321 = vector.broadcast %squeeze3A_320 : f32 to vector<16xf32>
      %scan3A_322 = arith.constant 0 : i32
      %scan3A_323 = arith.constant 0 : i32
      %scan3A_324 = arith.constant 8 : i32
      %scan3A_325 = arith.addi %scan3A_323, %scan3A_324 : i32
      %scan3A_326 = arith.constant 1 : i32
      scf.for %scan3A_428 = %scan3A_323 to %scan3A_325 step %scan3A_326  : i32 {
        %mul3A_429 = arith.constant 1024 : i32
        %mul3A_430 = arith.muli %scan3A_428, %mul3A_429 : i32
        %add3A_431 = arith.constant 0 : i32
        %add3A_432 = arith.addi %mul3A_430, %add3A_431 : i32
        %add3A_433 = arith.constant 0 : i32
        %add3A_434 = arith.addi %add3A_432, %add3A_433 : i32
        %swap3A = arith.index_cast %add3A_434 : i32 to index
        %swap3A_435 = tpu.vector_load %arg15[%swap3A] {strides = array<i32>} : memref<8192xf32, #tpu.memory_space<vmem>>, vector<16xf32>,
        tpu.vector_store %arg15[%swap3A], %broadcast_in_dim3A_318 {strides = array<i32>} : memref<8192xf32, #tpu.memory_space<vmem>>, vector<16xf32>,
        %add3A_436 = arith.constant 0 : i32
        %add3A_437 = arith.addi %add3A_432, %add3A_436 : i32
        %swap3A_438 = arith.index_cast %add3A_437 : i32 to index
        %swap3A_439 = tpu.vector_load %arg17[%swap3A_438] {strides = array<i32>} : memref<8192xf32, #tpu.memory_space<vmem>>, vector<16xf32>,
        tpu.vector_store %arg17[%swap3A_438], %broadcast_in_dim3A_321 {strides = array<i32>} : memref<8192xf32, #tpu.memory_space<vmem>>, vector<16xf32>,
        %add3A_440 = arith.constant 16 : i32
        %add3A_441 = arith.addi %add3A_432, %add3A_440 : i32
        %swap3A_442 = arith.index_cast %add3A_441 : i32 to index
        %swap3A_443 = tpu.vector_load %arg15[%swap3A_442] {strides = array<i32>} : memref<8192xf32, #tpu.memory_space<vmem>>, vector<16xf32>,
        tpu.vector_store %arg15[%swap3A_442], %broadcast_in_dim3A_318 {strides = array<i32>} : memref<8192xf32, #tpu.memory_space<vmem>>, vector<16xf32>,
        %add3A_444 = arith.constant 16 : i32
        %add3A_445 = arith.addi %add3A_432, %add3A_444 : i32
        %swap3A_446 = arith.index_cast %add3A_445 : i32 to index
        %swap3A_447 = tpu.vector_load %arg17[%swap3A_446] {strides = array<i32>} : memref<8192xf32, #tpu.memory_space<vmem>>, vector<16xf32>,
        tpu.vector_store %arg17[%swap3A_446], %broadcast_in_dim3A_321 {strides = array<i32>} : memref<8192xf32, #tpu.memory_space<vmem>>, vector<16xf32>,
        %add3A_448 = arith.constant 32 : i32
        %add3A_449 = arith.addi %add3A_432, %add3A_448 : i32
        %swap3A_450 = arith.index_cast %add3A_449 : i32 to index
        %swap3A_451 = tpu.vector_load %arg15[%swap3A_450] {strides = array<i32>} : memref<8192xf32, #tpu.memory_space<vmem>>, vector<16xf32>,
        tpu.vector_store %arg15[%swap3A_450], %broadcast_in_dim3A_318 {strides = array<i32>} : memref<8192xf32, #tpu.memory_space<vmem>>, vector<16xf32>,
        %add3A_452 = arith.constant 32 : i32
        %add3A_453 = arith.addi %add3A_432, %add3A_452 : i32
        %swap3A_454 = arith.index_cast %add3A_453 : i32 to index
        %swap3A_455 = tpu.vector_load %arg17[%swap3A_454] {strides = array<i32>} : memref<8192xf32, #tpu.memory_space<vmem>>, vector<16xf32>,
        tpu.vector_store %arg17[%swap3A_454], %broadcast_in_dim3A_321 {strides = array<i32>} : memref<8192xf32, #tpu.memory_space<vmem>>, vector<16xf32>,
        %add3A_456 = arith.constant 48 : i32
        %add3A_457 = arith.addi %add3A_432, %add3A_456 : i32
        %swap3A_458 = arith.index_cast %add3A_457 : i32 to index
        %swap3A_459 = tpu.vector_load %arg15[%swap3A_458] {strides = array<i32>} : memref<8192xf32, #tpu.memory_space<vmem>>, vector<16xf32>,
        tpu.vector_store %arg15[%swap3A_458], %broadcast_in_dim3A_318 {strides = array<i32>} : memref<8192xf32, #tpu.memory_space<vmem>>, vector<16xf32>,
        %add3A_460 = arith.constant 48 : i32
        %add3A_461 = arith.addi %add3A_432, %add3A_460 : i32
        %swap3A_462 = arith.index_cast %add3A_461 : i32 to index
        %swap3A_463 = tpu.vector_load %arg17[%swap3A_462] {strides = array<i32>} : memref<8192xf32, #tpu.memory_space<vmem>>, vector<16xf32>,
        tpu.vector_store %arg17[%swap3A_462], %broadcast_in_dim3A_321 {strides = array<i32>} : memref<8192xf32, #tpu.memory_space<vmem>>, vector<16xf32>,
        %add3A_464 = arith.constant 64 : i32
        %add3A_465 = arith.addi %add3A_432, %add3A_464 : i32
        %swap3A_466 = arith.index_cast %add3A_465 : i32 to index
        %swap3A_467 = tpu.vector_load %arg15[%swap3A_466] {strides = array<i32>} : memref<8192xf32, #tpu.memory_space<vmem>>, vector<16xf32>,
        tpu.vector_store %arg15[%swap3A_466], %broadcast_in_dim3A_318 {strides = array<i32>} : memref<8192xf32, #tpu.memory_space<vmem>>, vector<16xf32>,
        %add3A_468 = arith.constant 64 : i32
        %add3A_469 = arith.addi %add3A_432, %add3A_468 : i32
        %swap3A_470 = arith.index_cast %add3A_469 : i32 to index
        %swap3A_471 = tpu.vector_load %arg17[%swap3A_470] {strides = array<i32>} : memref<8192xf32, #tpu.memory_space<vmem>>, vector<16xf32>,
        tpu.vector_store %arg17[%swap3A_470], %broadcast_in_dim3A_321 {strides = array<i32>} : memref<8192xf32, #tpu.memory_space<vmem>>, vector<16xf32>,
        %add3A_472 = arith.constant 80 : i32
        %add3A_473 = arith.addi %add3A_432, %add3A_472 : i32
        %swap3A_474 = arith.index_cast %add3A_473 : i32 to index
        %swap3A_475 = tpu.vector_load %arg15[%swap3A_474] {strides = array<i32>} : memref<8192xf32, #tpu.memory_space<vmem>>, vector<16xf32>,
        tpu.vector_store %arg15[%swap3A_474], %broadcast_in_dim3A_318 {strides = array<i32>} : memref<8192xf32, #tpu.memory_space<vmem>>, vector<16xf32>,
        %add3A_476 = arith.constant 80 : i32
        %add3A_477 = arith.addi %add3A_432, %add3A_476 : i32
        %swap3A_478 = arith.index_cast %add3A_477 : i32 to index
        %swap3A_479 = tpu.vector_load %arg17[%swap3A_478] {strides = array<i32>} : memref<8192xf32, #tpu.memory_space<vmem>>, vector<16xf32>,
        tpu.vector_store %arg17[%swap3A_478], %broadcast_in_dim3A_321 {strides = array<i32>} : memref<8192xf32, #tpu.memory_space<vmem>>, vector<16xf32>,
        %add3A_480 = arith.constant 96 : i32
        %add3A_481 = arith.addi %add3A_432, %add3A_480 : i32
        %swap3A_482 = arith.index_cast %add3A_481 : i32 to index
        %swap3A_483 = tpu.vector_load %arg15[%swap3A_482] {strides = array<i32>} : memref<8192xf32, #tpu.memory_space<vmem>>, vector<16xf32>,
        tpu.vector_store %arg15[%swap3A_482], %broadcast_in_dim3A_318 {strides = array<i32>} : memref<8192xf32, #tpu.memory_space<vmem>>, vector<16xf32>,
        %add3A_484 = arith.constant 96 : i32
        %add3A_485 = arith.addi %add3A_432, %add3A_484 : i32
        %swap3A_486 = arith.index_cast %add3A_485 : i32 to index
        %swap3A_487 = tpu.vector_load %arg17[%swap3A_486] {strides = array<i32>} : memref<8192xf32, #tpu.memory_space<vmem>>, vector<16xf32>,
        tpu.vector_store %arg17[%swap3A_486], %broadcast_in_dim3A_321 {strides = array<i32>} : memref<8192xf32, #tpu.memory_space<vmem>>, vector<16xf32>,
        %add3A_488 = arith.constant 112 : i32
        %add3A_489 = arith.addi %add3A_432, %add3A_488 : i32
        %swap3A_490 = arith.index_cast %add3A_489 : i32 to index
        %swap3A_491 = tpu.vector_load %arg15[%swap3A_490] {strides = array<i32>} : memref<8192xf32, #tpu.memory_space<vmem>>, vector<16xf32>,
        tpu.vector_store %arg15[%swap3A_490], %broadcast_in_dim3A_318 {strides = array<i32>} : memref<8192xf32, #tpu.memory_space<vmem>>, vector<16xf32>,
        %add3A_492 = arith.constant 112 : i32
        %add3A_493 = arith.addi %add3A_432, %add3A_492 : i32
        %swap3A_494 = arith.index_cast %add3A_493 : i32 to index
        %swap3A_495 = tpu.vector_load %arg17[%swap3A_494] {strides = array<i32>} : memref<8192xf32, #tpu.memory_space<vmem>>, vector<16xf32>,
        tpu.vector_store %arg17[%swap3A_494], %broadcast_in_dim3A_321 {strides = array<i32>} : memref<8192xf32, #tpu.memory_space<vmem>>, vector<16xf32>,
      }
      %scan3A_327 = arith.constant 8 : i32
      %slice3A_328 = vector.extract_strided_slice %gather3A_308 {offsets = [1], sizes = [1], strides = [1]} : vector<16xf32> to vector<1xf32>
      %squeeze3A_329 = vector.extract %slice3A_328[0] : f32 from vector<1xf32>
      %broadcast_in_dim3A_330 = vector.broadcast %squeeze3A_329 : f32 to vector<16xf32>
      %slice3A_331 = vector.extract_strided_slice %gather3A_315 {offsets = [1], sizes = [1], strides = [1]} : vector<16xf32> to vector<1xf32>
      %squeeze3A_332 = vector.extract %slice3A_331[0] : f32 from vector<1xf32>
      %broadcast_in_dim3A_333 = vector.broadcast %squeeze3A_332 : f32 to vector<16xf32>
      %scan3A_334 = arith.constant 0 : i32
      %scan3A_335 = arith.constant 0 : i32
      %scan3A_336 = arith.constant 8 : i32
      %scan3A_337 = arith.addi %scan3A_335, %scan3A_336 : i32
      %scan3A_338 = arith.constant 1 : i32
      scf.for %scan3A_428 = %scan3A_335 to %scan3A_337 step %scan3A_338  : i32 {
        %mul3A_429 = arith.constant 1024 : i32
        %mul3A_430 = arith.muli %scan3A_428, %mul3A_429 : i32
        %add3A_431 = arith.constant 128 : i32
        %add3A_432 = arith.addi %mul3A_430, %add3A_431 : i32
        %add3A_433 = arith.constant 0 : i32
        %add3A_434 = arith.addi %add3A_432, %add3A_433 : i32
        %swap3A = arith.index_cast %add3A_434 : i32 to index
        %swap3A_435 = tpu.vector_load %arg15[%swap3A] {strides = array<i32>} : memref<8192xf32, #tpu.memory_space<vmem>>, vector<16xf32>,
        tpu.vector_store %arg15[%swap3A], %broadcast_in_dim3A_330 {strides = array<i32>} : memref<8192xf32, #tpu.memory_space<vmem>>, vector<16xf32>,
        %add3A_436 = arith.constant 0 : i32
        %add3A_437 = arith.addi %add3A_432, %add3A_436 : i32
        %swap3A_438 = arith.index_cast %add3A_437 : i32 to index
        %swap3A_439 = tpu.vector_load %arg17[%swap3A_438] {strides = array<i32>} : memref<8192xf32, #tpu.memory_space<vmem>>, vector<16xf32>,
        tpu.vector_store %arg17[%swap3A_438], %broadcast_in_dim3A_333 {strides = array<i32>} : memref<8192xf32, #tpu.memory_space<vmem>>, vector<16xf32>,
        %add3A_440 = arith.constant 16 : i32
        %add3A_441 = arith.addi %add3A_432, %add3A_440 : i32
        %swap3A_442 = arith.index_cast %add3A_441 : i32 to index
        %swap3A_443 = tpu.vector_load %arg15[%swap3A_442] {strides = array<i32>} : memref<8192xf32, #tpu.memory_space<vmem>>, vector<16xf32>,
        tpu.vector_store %arg15[%swap3A_442], %broadcast_in_dim3A_330 {strides = array<i32>} : memref<8192xf32, #tpu.memory_space<vmem>>, vector<16xf32>,
        %add3A_444 = arith.constant 16 : i32
        %add3A_445 = arith.addi %add3A_432, %add3A_444 : i32
        %swap3A_446 = arith.index_cast %add3A_445 : i32 to index
        %swap3A_447 = tpu.vector_load %arg17[%swap3A_446] {strides = array<i32>} : memref<8192xf32, #tpu.memory_space<vmem>>, vector<16xf32>,
        tpu.vector_store %arg17[%swap3A_446], %broadcast_in_dim3A_333 {strides = array<i32>} : memref<8192xf32, #tpu.memory_space<vmem>>, vector<16xf32>,
        %add3A_448 = arith.constant 32 : i32
        %add3A_449 = arith.addi %add3A_432, %add3A_448 : i32
        %swap3A_450 = arith.index_cast %add3A_449 : i32 to index
        %swap3A_451 = tpu.vector_load %arg15[%swap3A_450] {strides = array<i32>} : memref<8192xf32, #tpu.memory_space<vmem>>, vector<16xf32>,
        tpu.vector_store %arg15[%swap3A_450], %broadcast_in_dim3A_330 {strides = array<i32>} : memref<8192xf32, #tpu.memory_space<vmem>>, vector<16xf32>,
        %add3A_452 = arith.constant 32 : i32
        %add3A_453 = arith.addi %add3A_432, %add3A_452 : i32
        %swap3A_454 = arith.index_cast %add3A_453 : i32 to index
        %swap3A_455 = tpu.vector_load %arg17[%swap3A_454] {strides = array<i32>} : memref<8192xf32, #tpu.memory_space<vmem>>, vector<16xf32>,
        tpu.vector_store %arg17[%swap3A_454], %broadcast_in_dim3A_333 {strides = array<i32>} : memref<8192xf32, #tpu.memory_space<vmem>>, vector<16xf32>,
        %add3A_456 = arith.constant 48 : i32
        %add3A_457 = arith.addi %add3A_432, %add3A_456 : i32
        %swap3A_458 = arith.index_cast %add3A_457 : i32 to index
        %swap3A_459 = tpu.vector_load %arg15[%swap3A_458] {strides = array<i32>} : memref<8192xf32, #tpu.memory_space<vmem>>, vector<16xf32>,
        tpu.vector_store %arg15[%swap3A_458], %broadcast_in_dim3A_330 {strides = array<i32>} : memref<8192xf32, #tpu.memory_space<vmem>>, vector<16xf32>,
        %add3A_460 = arith.constant 48 : i32
        %add3A_461 = arith.addi %add3A_432, %add3A_460 : i32
        %swap3A_462 = arith.index_cast %add3A_461 : i32 to index
        %swap3A_463 = tpu.vector_load %arg17[%swap3A_462] {strides = array<i32>} : memref<8192xf32, #tpu.memory_space<vmem>>, vector<16xf32>,
        tpu.vector_store %arg17[%swap3A_462], %broadcast_in_dim3A_333 {strides = array<i32>} : memref<8192xf32, #tpu.memory_space<vmem>>, vector<16xf32>,
        %add3A_464 = arith.constant 64 : i32
        %add3A_465 = arith.addi %add3A_432, %add3A_464 : i32
        %swap3A_466 = arith.index_cast %add3A_465 : i32 to index
        %swap3A_467 = tpu.vector_load %arg15[%swap3A_466] {strides = array<i32>} : memref<8192xf32, #tpu.memory_space<vmem>>, vector<16xf32>,
        tpu.vector_store %arg15[%swap3A_466], %broadcast_in_dim3A_330 {strides = array<i32>} : memref<8192xf32, #tpu.memory_space<vmem>>, vector<16xf32>,
        %add3A_468 = arith.constant 64 : i32
        %add3A_469 = arith.addi %add3A_432, %add3A_468 : i32
        %swap3A_470 = arith.index_cast %add3A_469 : i32 to index
        %swap3A_471 = tpu.vector_load %arg17[%swap3A_470] {strides = array<i32>} : memref<8192xf32, #tpu.memory_space<vmem>>, vector<16xf32>,
        tpu.vector_store %arg17[%swap3A_470], %broadcast_in_dim3A_333 {strides = array<i32>} : memref<8192xf32, #tpu.memory_space<vmem>>, vector<16xf32>,
        %add3A_472 = arith.constant 80 : i32
        %add3A_473 = arith.addi %add3A_432, %add3A_472 : i32
        %swap3A_474 = arith.index_cast %add3A_473 : i32 to index
        %swap3A_475 = tpu.vector_load %arg15[%swap3A_474] {strides = array<i32>} : memref<8192xf32, #tpu.memory_space<vmem>>, vector<16xf32>,
        tpu.vector_store %arg15[%swap3A_474], %broadcast_in_dim3A_330 {strides = array<i32>} : memref<8192xf32, #tpu.memory_space<vmem>>, vector<16xf32>,
        %add3A_476 = arith.constant 80 : i32
        %add3A_477 = arith.addi %add3A_432, %add3A_476 : i32
        %swap3A_478 = arith.index_cast %add3A_477 : i32 to index
        %swap3A_479 = tpu.vector_load %arg17[%swap3A_478] {strides = array<i32>} : memref<8192xf32, #tpu.memory_space<vmem>>, vector<16xf32>,
        tpu.vector_store %arg17[%swap3A_478], %broadcast_in_dim3A_333 {strides = array<i32>} : memref<8192xf32, #tpu.memory_space<vmem>>, vector<16xf32>,
        %add3A_480 = arith.constant 96 : i32
        %add3A_481 = arith.addi %add3A_432, %add3A_480 : i32
        %swap3A_482 = arith.index_cast %add3A_481 : i32 to index
        %swap3A_483 = tpu.vector_load %arg15[%swap3A_482] {strides = array<i32>} : memref<8192xf32, #tpu.memory_space<vmem>>, vector<16xf32>,
        tpu.vector_store %arg15[%swap3A_482], %broadcast_in_dim3A_330 {strides = array<i32>} : memref<8192xf32, #tpu.memory_space<vmem>>, vector<16xf32>,
        %add3A_484 = arith.constant 96 : i32
        %add3A_485 = arith.addi %add3A_432, %add3A_484 : i32
        %swap3A_486 = arith.index_cast %add3A_485 : i32 to index
        %swap3A_487 = tpu.vector_load %arg17[%swap3A_486] {strides = array<i32>} : memref<8192xf32, #tpu.memory_space<vmem>>, vector<16xf32>,
        tpu.vector_store %arg17[%swap3A_486], %broadcast_in_dim3A_333 {strides = array<i32>} : memref<8192xf32, #tpu.memory_space<vmem>>, vector<16xf32>,
        %add3A_488 = arith.constant 112 : i32
        %add3A_489 = arith.addi %add3A_432, %add3A_488 : i32
        %swap3A_490 = arith.index_cast %add3A_489 : i32 to index
        %swap3A_491 = tpu.vector_load %arg15[%swap3A_490] {strides = array<i32>} : memref<8192xf32, #tpu.memory_space<vmem>>, vector<16xf32>,
        tpu.vector_store %arg15[%swap3A_490], %broadcast_in_dim3A_330 {strides = array<i32>} : memref<8192xf32, #tpu.memory_space<vmem>>, vector<16xf32>,
        %add3A_492 = arith.constant 112 : i32
        %add3A_493 = arith.addi %add3A_432, %add3A_492 : i32
        %swap3A_494 = arith.index_cast %add3A_493 : i32 to index
        %swap3A_495 = tpu.vector_load %arg17[%swap3A_494] {strides = array<i32>} : memref<8192xf32, #tpu.memory_space<vmem>>, vector<16xf32>,
        tpu.vector_store %arg17[%swap3A_494], %broadcast_in_dim3A_333 {strides = array<i32>} : memref<8192xf32, #tpu.memory_space<vmem>>, vector<16xf32>,
      }
      %scan3A_339 = arith.constant 8 : i32
      %slice3A_340 = vector.extract_strided_slice %gather3A_308 {offsets = [2], sizes = [1], strides = [1]} : vector<16xf32> to vector<1xf32>
      %squeeze3A_341 = vector.extract %slice3A_340[0] : f32 from vector<1xf32>
      %broadcast_in_dim3A_342 = vector.broadcast %squeeze3A_341 : f32 to vector<16xf32>
      %slice3A_343 = vector.extract_strided_slice %gather3A_315 {offsets = [2], sizes = [1], strides = [1]} : vector<16xf32> to vector<1xf32>
      %squeeze3A_344 = vector.extract %slice3A_343[0] : f32 from vector<1xf32>
      %broadcast_in_dim3A_345 = vector.broadcast %squeeze3A_344 : f32 to vector<16xf32>
      %scan3A_346 = arith.constant 0 : i32
      %scan3A_347 = arith.constant 0 : i32
      %scan3A_348 = arith.constant 8 : i32
      %scan3A_349 = arith.addi %scan3A_347, %scan3A_348 : i32
      %scan3A_350 = arith.constant 1 : i32
      scf.for %scan3A_428 = %scan3A_347 to %scan3A_349 step %scan3A_350  : i32 {
        %mul3A_429 = arith.constant 1024 : i32
        %mul3A_430 = arith.muli %scan3A_428, %mul3A_429 : i32
        %add3A_431 = arith.constant 256 : i32
        %add3A_432 = arith.addi %mul3A_430, %add3A_431 : i32
        %add3A_433 = arith.constant 0 : i32
        %add3A_434 = arith.addi %add3A_432, %add3A_433 : i32
        %swap3A = arith.index_cast %add3A_434 : i32 to index
        %swap3A_435 = tpu.vector_load %arg15[%swap3A] {strides = array<i32>} : memref<8192xf32, #tpu.memory_space<vmem>>, vector<16xf32>,
        tpu.vector_store %arg15[%swap3A], %broadcast_in_dim3A_342 {strides = array<i32>} : memref<8192xf32, #tpu.memory_space<vmem>>, vector<16xf32>,
        %add3A_436 = arith.constant 0 : i32
        %add3A_437 = arith.addi %add3A_432, %add3A_436 : i32
        %swap3A_438 = arith.index_cast %add3A_437 : i32 to index
        %swap3A_439 = tpu.vector_load %arg17[%swap3A_438] {strides = array<i32>} : memref<8192xf32, #tpu.memory_space<vmem>>, vector<16xf32>,
        tpu.vector_store %arg17[%swap3A_438], %broadcast_in_dim3A_345 {strides = array<i32>} : memref<8192xf32, #tpu.memory_space<vmem>>, vector<16xf32>,
        %add3A_440 = arith.constant 16 : i32
        %add3A_441 = arith.addi %add3A_432, %add3A_440 : i32
        %swap3A_442 = arith.index_cast %add3A_441 : i32 to index
        %swap3A_443 = tpu.vector_load %arg15[%swap3A_442] {strides = array<i32>} : memref<8192xf32, #tpu.memory_space<vmem>>, vector<16xf32>,
        tpu.vector_store %arg15[%swap3A_442], %broadcast_in_dim3A_342 {strides = array<i32>} : memref<8192xf32, #tpu.memory_space<vmem>>, vector<16xf32>,
        %add3A_444 = arith.constant 16 : i32
        %add3A_445 = arith.addi %add3A_432, %add3A_444 : i32
        %swap3A_446 = arith.index_cast %add3A_445 : i32 to index
        %swap3A_447 = tpu.vector_load %arg17[%swap3A_446] {strides = array<i32>} : memref<8192xf32, #tpu.memory_space<vmem>>, vector<16xf32>,
        tpu.vector_store %arg17[%swap3A_446], %broadcast_in_dim3A_345 {strides = array<i32>} : memref<8192xf32, #tpu.memory_space<vmem>>, vector<16xf32>,
        %add3A_448 = arith.constant 32 : i32
        %add3A_449 = arith.addi %add3A_432, %add3A_448 : i32
        %swap3A_450 = arith.index_cast %add3A_449 : i32 to index
        %swap3A_451 = tpu.vector_load %arg15[%swap3A_450] {strides = array<i32>} : memref<8192xf32, #tpu.memory_space<vmem>>, vector<16xf32>,
        tpu.vector_store %arg15[%swap3A_450], %broadcast_in_dim3A_342 {strides = array<i32>} : memref<8192xf32, #tpu.memory_space<vmem>>, vector<16xf32>,
        %add3A_452 = arith.constant 32 : i32
        %add3A_453 = arith.addi %add3A_432, %add3A_452 : i32
        %swap3A_454 = arith.index_cast %add3A_453 : i32 to index
        %swap3A_455 = tpu.vector_load %arg17[%swap3A_454] {strides = array<i32>} : memref<8192xf32, #tpu.memory_space<vmem>>, vector<16xf32>,
        tpu.vector_store %arg17[%swap3A_454], %broadcast_in_dim3A_345 {strides = array<i32>} : memref<8192xf32, #tpu.memory_space<vmem>>, vector<16xf32>,
        %add3A_456 = arith.constant 48 : i32
        %add3A_457 = arith.addi %add3A_432, %add3A_456 : i32
        %swap3A_458 = arith.index_cast %add3A_457 : i32 to index
        %swap3A_459 = tpu.vector_load %arg15[%swap3A_458] {strides = array<i32>} : memref<8192xf32, #tpu.memory_space<vmem>>, vector<16xf32>,
        tpu.vector_store %arg15[%swap3A_458], %broadcast_in_dim3A_342 {strides = array<i32>} : memref<8192xf32, #tpu.memory_space<vmem>>, vector<16xf32>,
        %add3A_460 = arith.constant 48 : i32
        %add3A_461 = arith.addi %add3A_432, %add3A_460 : i32
        %swap3A_462 = arith.index_cast %add3A_461 : i32 to index
        %swap3A_463 = tpu.vector_load %arg17[%swap3A_462] {strides = array<i32>} : memref<8192xf32, #tpu.memory_space<vmem>>, vector<16xf32>,
        tpu.vector_store %arg17[%swap3A_462], %broadcast_in_dim3A_345 {strides = array<i32>} : memref<8192xf32, #tpu.memory_space<vmem>>, vector<16xf32>,
        %add3A_464 = arith.constant 64 : i32
        %add3A_465 = arith.addi %add3A_432, %add3A_464 : i32
        %swap3A_466 = arith.index_cast %add3A_465 : i32 to index
        %swap3A_467 = tpu.vector_load %arg15[%swap3A_466] {strides = array<i32>} : memref<8192xf32, #tpu.memory_space<vmem>>, vector<16xf32>,
        tpu.vector_store %arg15[%swap3A_466], %broadcast_in_dim3A_342 {strides = array<i32>} : memref<8192xf32, #tpu.memory_space<vmem>>, vector<16xf32>,
        %add3A_468 = arith.constant 64 : i32
        %add3A_469 = arith.addi %add3A_432, %add3A_468 : i32
        %swap3A_470 = arith.index_cast %add3A_469 : i32 to index
        %swap3A_471 = tpu.vector_load %arg17[%swap3A_470] {strides = array<i32>} : memref<8192xf32, #tpu.memory_space<vmem>>, vector<16xf32>,
        tpu.vector_store %arg17[%swap3A_470], %broadcast_in_dim3A_345 {strides = array<i32>} : memref<8192xf32, #tpu.memory_space<vmem>>, vector<16xf32>,
        %add3A_472 = arith.constant 80 : i32
        %add3A_473 = arith.addi %add3A_432, %add3A_472 : i32
        %swap3A_474 = arith.index_cast %add3A_473 : i32 to index
        %swap3A_475 = tpu.vector_load %arg15[%swap3A_474] {strides = array<i32>} : memref<8192xf32, #tpu.memory_space<vmem>>, vector<16xf32>,
        tpu.vector_store %arg15[%swap3A_474], %broadcast_in_dim3A_342 {strides = array<i32>} : memref<8192xf32, #tpu.memory_space<vmem>>, vector<16xf32>,
        %add3A_476 = arith.constant 80 : i32
        %add3A_477 = arith.addi %add3A_432, %add3A_476 : i32
        %swap3A_478 = arith.index_cast %add3A_477 : i32 to index
        %swap3A_479 = tpu.vector_load %arg17[%swap3A_478] {strides = array<i32>} : memref<8192xf32, #tpu.memory_space<vmem>>, vector<16xf32>,
        tpu.vector_store %arg17[%swap3A_478], %broadcast_in_dim3A_345 {strides = array<i32>} : memref<8192xf32, #tpu.memory_space<vmem>>, vector<16xf32>,
        %add3A_480 = arith.constant 96 : i32
        %add3A_481 = arith.addi %add3A_432, %add3A_480 : i32
        %swap3A_482 = arith.index_cast %add3A_481 : i32 to index
        %swap3A_483 = tpu.vector_load %arg15[%swap3A_482] {strides = array<i32>} : memref<8192xf32, #tpu.memory_space<vmem>>, vector<16xf32>,
        tpu.vector_store %arg15[%swap3A_482], %broadcast_in_dim3A_342 {strides = array<i32>} : memref<8192xf32, #tpu.memory_space<vmem>>, vector<16xf32>,
        %add3A_484 = arith.constant 96 : i32
        %add3A_485 = arith.addi %add3A_432, %add3A_484 : i32
        %swap3A_486 = arith.index_cast %add3A_485 : i32 to index
        %swap3A_487 = tpu.vector_load %arg17[%swap3A_486] {strides = array<i32>} : memref<8192xf32, #tpu.memory_space<vmem>>, vector<16xf32>,
        tpu.vector_store %arg17[%swap3A_486], %broadcast_in_dim3A_345 {strides = array<i32>} : memref<8192xf32, #tpu.memory_space<vmem>>, vector<16xf32>,
        %add3A_488 = arith.constant 112 : i32
        %add3A_489 = arith.addi %add3A_432, %add3A_488 : i32
        %swap3A_490 = arith.index_cast %add3A_489 : i32 to index
        %swap3A_491 = tpu.vector_load %arg15[%swap3A_490] {strides = array<i32>} : memref<8192xf32, #tpu.memory_space<vmem>>, vector<16xf32>,
        tpu.vector_store %arg15[%swap3A_490], %broadcast_in_dim3A_342 {strides = array<i32>} : memref<8192xf32, #tpu.memory_space<vmem>>, vector<16xf32>,
        %add3A_492 = arith.constant 112 : i32
        %add3A_493 = arith.addi %add3A_432, %add3A_492 : i32
        %swap3A_494 = arith.index_cast %add3A_493 : i32 to index
        %swap3A_495 = tpu.vector_load %arg17[%swap3A_494] {strides = array<i32>} : memref<8192xf32, #tpu.memory_space<vmem>>, vector<16xf32>,
        tpu.vector_store %arg17[%swap3A_494], %broadcast_in_dim3A_345 {strides = array<i32>} : memref<8192xf32, #tpu.memory_space<vmem>>, vector<16xf32>,
      }
      %scan3A_351 = arith.constant 8 : i32
      %slice3A_352 = vector.extract_strided_slice %gather3A_308 {offsets = [3], sizes = [1], strides = [1]} : vector<16xf32> to vector<1xf32>
      %squeeze3A_353 = vector.extract %slice3A_352[0] : f32 from vector<1xf32>
      %broadcast_in_dim3A_354 = vector.broadcast %squeeze3A_353 : f32 to vector<16xf32>
      %slice3A_355 = vector.extract_strided_slice %gather3A_315 {offsets = [3], sizes = [1], strides = [1]} : vector<16xf32> to vector<1xf32>
      %squeeze3A_356 = vector.extract %slice3A_355[0] : f32 from vector<1xf32>
      %broadcast_in_dim3A_357 = vector.broadcast %squeeze3A_356 : f32 to vector<16xf32>
      %scan3A_358 = arith.constant 0 : i32
      %scan3A_359 = arith.constant 0 : i32
      %scan3A_360 = arith.constant 8 : i32
      %scan3A_361 = arith.addi %scan3A_359, %scan3A_360 : i32
      %scan3A_362 = arith.constant 1 : i32
      scf.for %scan3A_428 = %scan3A_359 to %scan3A_361 step %scan3A_362  : i32 {
        %mul3A_429 = arith.constant 1024 : i32
        %mul3A_430 = arith.muli %scan3A_428, %mul3A_429 : i32
        %add3A_431 = arith.constant 384 : i32
        %add3A_432 = arith.addi %mul3A_430, %add3A_431 : i32
        %add3A_433 = arith.constant 0 : i32
        %add3A_434 = arith.addi %add3A_432, %add3A_433 : i32
        %swap3A = arith.index_cast %add3A_434 : i32 to index
        %swap3A_435 = tpu.vector_load %arg15[%swap3A] {strides = array<i32>} : memref<8192xf32, #tpu.memory_space<vmem>>, vector<16xf32>,
        tpu.vector_store %arg15[%swap3A], %broadcast_in_dim3A_354 {strides = array<i32>} : memref<8192xf32, #tpu.memory_space<vmem>>, vector<16xf32>,
        %add3A_436 = arith.constant 0 : i32
        %add3A_437 = arith.addi %add3A_432, %add3A_436 : i32
        %swap3A_438 = arith.index_cast %add3A_437 : i32 to index
        %swap3A_439 = tpu.vector_load %arg17[%swap3A_438] {strides = array<i32>} : memref<8192xf32, #tpu.memory_space<vmem>>, vector<16xf32>,
        tpu.vector_store %arg17[%swap3A_438], %broadcast_in_dim3A_357 {strides = array<i32>} : memref<8192xf32, #tpu.memory_space<vmem>>, vector<16xf32>,
        %add3A_440 = arith.constant 16 : i32
        %add3A_441 = arith.addi %add3A_432, %add3A_440 : i32
        %swap3A_442 = arith.index_cast %add3A_441 : i32 to index
        %swap3A_443 = tpu.vector_load %arg15[%swap3A_442] {strides = array<i32>} : memref<8192xf32, #tpu.memory_space<vmem>>, vector<16xf32>,
        tpu.vector_store %arg15[%swap3A_442], %broadcast_in_dim3A_354 {strides = array<i32>} : memref<8192xf32, #tpu.memory_space<vmem>>, vector<16xf32>,
        %add3A_444 = arith.constant 16 : i32
        %add3A_445 = arith.addi %add3A_432, %add3A_444 : i32
        %swap3A_446 = arith.index_cast %add3A_445 : i32 to index
        %swap3A_447 = tpu.vector_load %arg17[%swap3A_446] {strides = array<i32>} : memref<8192xf32, #tpu.memory_space<vmem>>, vector<16xf32>,
        tpu.vector_store %arg17[%swap3A_446], %broadcast_in_dim3A_357 {strides = array<i32>} : memref<8192xf32, #tpu.memory_space<vmem>>, vector<16xf32>,
        %add3A_448 = arith.constant 32 : i32
        %add3A_449 = arith.addi %add3A_432, %add3A_448 : i32
        %swap3A_450 = arith.index_cast %add3A_449 : i32 to index
        %swap3A_451 = tpu.vector_load %arg15[%swap3A_450] {strides = array<i32>} : memref<8192xf32, #tpu.memory_space<vmem>>, vector<16xf32>,
        tpu.vector_store %arg15[%swap3A_450], %broadcast_in_dim3A_354 {strides = array<i32>} : memref<8192xf32, #tpu.memory_space<vmem>>, vector<16xf32>,
        %add3A_452 = arith.constant 32 : i32
        %add3A_453 = arith.addi %add3A_432, %add3A_452 : i32
        %swap3A_454 = arith.index_cast %add3A_453 : i32 to index
        %swap3A_455 = tpu.vector_load %arg17[%swap3A_454] {strides = array<i32>} : memref<8192xf32, #tpu.memory_space<vmem>>, vector<16xf32>,
        tpu.vector_store %arg17[%swap3A_454], %broadcast_in_dim3A_357 {strides = array<i32>} : memref<8192xf32, #tpu.memory_space<vmem>>, vector<16xf32>,
        %add3A_456 = arith.constant 48 : i32
        %add3A_457 = arith.addi %add3A_432, %add3A_456 : i32
        %swap3A_458 = arith.index_cast %add3A_457 : i32 to index
        %swap3A_459 = tpu.vector_load %arg15[%swap3A_458] {strides = array<i32>} : memref<8192xf32, #tpu.memory_space<vmem>>, vector<16xf32>,
        tpu.vector_store %arg15[%swap3A_458], %broadcast_in_dim3A_354 {strides = array<i32>} : memref<8192xf32, #tpu.memory_space<vmem>>, vector<16xf32>,
        %add3A_460 = arith.constant 48 : i32
        %add3A_461 = arith.addi %add3A_432, %add3A_460 : i32
        %swap3A_462 = arith.index_cast %add3A_461 : i32 to index
        %swap3A_463 = tpu.vector_load %arg17[%swap3A_462] {strides = array<i32>} : memref<8192xf32, #tpu.memory_space<vmem>>, vector<16xf32>,
        tpu.vector_store %arg17[%swap3A_462], %broadcast_in_dim3A_357 {strides = array<i32>} : memref<8192xf32, #tpu.memory_space<vmem>>, vector<16xf32>,
        %add3A_464 = arith.constant 64 : i32
        %add3A_465 = arith.addi %add3A_432, %add3A_464 : i32
        %swap3A_466 = arith.index_cast %add3A_465 : i32 to index
        %swap3A_467 = tpu.vector_load %arg15[%swap3A_466] {strides = array<i32>} : memref<8192xf32, #tpu.memory_space<vmem>>, vector<16xf32>,
        tpu.vector_store %arg15[%swap3A_466], %broadcast_in_dim3A_354 {strides = array<i32>} : memref<8192xf32, #tpu.memory_space<vmem>>, vector<16xf32>,
        %add3A_468 = arith.constant 64 : i32
        %add3A_469 = arith.addi %add3A_432, %add3A_468 : i32
        %swap3A_470 = arith.index_cast %add3A_469 : i32 to index
        %swap3A_471 = tpu.vector_load %arg17[%swap3A_470] {strides = array<i32>} : memref<8192xf32, #tpu.memory_space<vmem>>, vector<16xf32>,
        tpu.vector_store %arg17[%swap3A_470], %broadcast_in_dim3A_357 {strides = array<i32>} : memref<8192xf32, #tpu.memory_space<vmem>>, vector<16xf32>,
        %add3A_472 = arith.constant 80 : i32
        %add3A_473 = arith.addi %add3A_432, %add3A_472 : i32
        %swap3A_474 = arith.index_cast %add3A_473 : i32 to index
        %swap3A_475 = tpu.vector_load %arg15[%swap3A_474] {strides = array<i32>} : memref<8192xf32, #tpu.memory_space<vmem>>, vector<16xf32>,
        tpu.vector_store %arg15[%swap3A_474], %broadcast_in_dim3A_354 {strides = array<i32>} : memref<8192xf32, #tpu.memory_space<vmem>>, vector<16xf32>,
        %add3A_476 = arith.constant 80 : i32
        %add3A_477 = arith.addi %add3A_432, %add3A_476 : i32
        %swap3A_478 = arith.index_cast %add3A_477 : i32 to index
        %swap3A_479 = tpu.vector_load %arg17[%swap3A_478] {strides = array<i32>} : memref<8192xf32, #tpu.memory_space<vmem>>, vector<16xf32>,
        tpu.vector_store %arg17[%swap3A_478], %broadcast_in_dim3A_357 {strides = array<i32>} : memref<8192xf32, #tpu.memory_space<vmem>>, vector<16xf32>,
        %add3A_480 = arith.constant 96 : i32
        %add3A_481 = arith.addi %add3A_432, %add3A_480 : i32
        %swap3A_482 = arith.index_cast %add3A_481 : i32 to index
        %swap3A_483 = tpu.vector_load %arg15[%swap3A_482] {strides = array<i32>} : memref<8192xf32, #tpu.memory_space<vmem>>, vector<16xf32>,
        tpu.vector_store %arg15[%swap3A_482], %broadcast_in_dim3A_354 {strides = array<i32>} : memref<8192xf32, #tpu.memory_space<vmem>>, vector<16xf32>,
        %add3A_484 = arith.constant 96 : i32
        %add3A_485 = arith.addi %add3A_432, %add3A_484 : i32
        %swap3A_486 = arith.index_cast %add3A_485 : i32 to index
        %swap3A_487 = tpu.vector_load %arg17[%swap3A_486] {strides = array<i32>} : memref<8192xf32, #tpu.memory_space<vmem>>, vector<16xf32>,
        tpu.vector_store %arg17[%swap3A_486], %broadcast_in_dim3A_357 {strides = array<i32>} : memref<8192xf32, #tpu.memory_space<vmem>>, vector<16xf32>,
        %add3A_488 = arith.constant 112 : i32
        %add3A_489 = arith.addi %add3A_432, %add3A_488 : i32
        %swap3A_490 = arith.index_cast %add3A_489 : i32 to index
        %swap3A_491 = tpu.vector_load %arg15[%swap3A_490] {strides = array<i32>} : memref<8192xf32, #tpu.memory_space<vmem>>, vector<16xf32>,
        tpu.vector_store %arg15[%swap3A_490], %broadcast_in_dim3A_354 {strides = array<i32>} : memref<8192xf32, #tpu.memory_space<vmem>>, vector<16xf32>,
        %add3A_492 = arith.constant 112 : i32
        %add3A_493 = arith.addi %add3A_432, %add3A_492 : i32
        %swap3A_494 = arith.index_cast %add3A_493 : i32 to index
        %swap3A_495 = tpu.vector_load %arg17[%swap3A_494] {strides = array<i32>} : memref<8192xf32, #tpu.memory_space<vmem>>, vector<16xf32>,
        tpu.vector_store %arg17[%swap3A_494], %broadcast_in_dim3A_357 {strides = array<i32>} : memref<8192xf32, #tpu.memory_space<vmem>>, vector<16xf32>,
      }
      %scan3A_363 = arith.constant 8 : i32
      %slice3A_364 = vector.extract_strided_slice %gather3A_308 {offsets = [4], sizes = [1], strides = [1]} : vector<16xf32> to vector<1xf32>
      %squeeze3A_365 = vector.extract %slice3A_364[0] : f32 from vector<1xf32>
      %broadcast_in_dim3A_366 = vector.broadcast %squeeze3A_365 : f32 to vector<16xf32>
      %slice3A_367 = vector.extract_strided_slice %gather3A_315 {offsets = [4], sizes = [1], strides = [1]} : vector<16xf32> to vector<1xf32>
      %squeeze3A_368 = vector.extract %slice3A_367[0] : f32 from vector<1xf32>
      %broadcast_in_dim3A_369 = vector.broadcast %squeeze3A_368 : f32 to vector<16xf32>
      %scan3A_370 = arith.constant 0 : i32
      %scan3A_371 = arith.constant 0 : i32
      %scan3A_372 = arith.constant 8 : i32
      %scan3A_373 = arith.addi %scan3A_371, %scan3A_372 : i32
      %scan3A_374 = arith.constant 1 : i32
      scf.for %scan3A_428 = %scan3A_371 to %scan3A_373 step %scan3A_374  : i32 {
        %mul3A_429 = arith.constant 1024 : i32
        %mul3A_430 = arith.muli %scan3A_428, %mul3A_429 : i32
        %add3A_431 = arith.constant 512 : i32
        %add3A_432 = arith.addi %mul3A_430, %add3A_431 : i32
        %add3A_433 = arith.constant 0 : i32
        %add3A_434 = arith.addi %add3A_432, %add3A_433 : i32
        %swap3A = arith.index_cast %add3A_434 : i32 to index
        %swap3A_435 = tpu.vector_load %arg15[%swap3A] {strides = array<i32>} : memref<8192xf32, #tpu.memory_space<vmem>>, vector<16xf32>,
        tpu.vector_store %arg15[%swap3A], %broadcast_in_dim3A_366 {strides = array<i32>} : memref<8192xf32, #tpu.memory_space<vmem>>, vector<16xf32>,
        %add3A_436 = arith.constant 0 : i32
        %add3A_437 = arith.addi %add3A_432, %add3A_436 : i32
        %swap3A_438 = arith.index_cast %add3A_437 : i32 to index
        %swap3A_439 = tpu.vector_load %arg17[%swap3A_438] {strides = array<i32>} : memref<8192xf32, #tpu.memory_space<vmem>>, vector<16xf32>,
        tpu.vector_store %arg17[%swap3A_438], %broadcast_in_dim3A_369 {strides = array<i32>} : memref<8192xf32, #tpu.memory_space<vmem>>, vector<16xf32>,
        %add3A_440 = arith.constant 16 : i32
        %add3A_441 = arith.addi %add3A_432, %add3A_440 : i32
        %swap3A_442 = arith.index_cast %add3A_441 : i32 to index
        %swap3A_443 = tpu.vector_load %arg15[%swap3A_442] {strides = array<i32>} : memref<8192xf32, #tpu.memory_space<vmem>>, vector<16xf32>,
        tpu.vector_store %arg15[%swap3A_442], %broadcast_in_dim3A_366 {strides = array<i32>} : memref<8192xf32, #tpu.memory_space<vmem>>, vector<16xf32>,
        %add3A_444 = arith.constant 16 : i32
        %add3A_445 = arith.addi %add3A_432, %add3A_444 : i32
        %swap3A_446 = arith.index_cast %add3A_445 : i32 to index
        %swap3A_447 = tpu.vector_load %arg17[%swap3A_446] {strides = array<i32>} : memref<8192xf32, #tpu.memory_space<vmem>>, vector<16xf32>,
        tpu.vector_store %arg17[%swap3A_446], %broadcast_in_dim3A_369 {strides = array<i32>} : memref<8192xf32, #tpu.memory_space<vmem>>, vector<16xf32>,
        %add3A_448 = arith.constant 32 : i32
        %add3A_449 = arith.addi %add3A_432, %add3A_448 : i32
        %swap3A_450 = arith.index_cast %add3A_449 : i32 to index
        %swap3A_451 = tpu.vector_load %arg15[%swap3A_450] {strides = array<i32>} : memref<8192xf32, #tpu.memory_space<vmem>>, vector<16xf32>,
        tpu.vector_store %arg15[%swap3A_450], %broadcast_in_dim3A_366 {strides = array<i32>} : memref<8192xf32, #tpu.memory_space<vmem>>, vector<16xf32>,
        %add3A_452 = arith.constant 32 : i32
        %add3A_453 = arith.addi %add3A_432, %add3A_452 : i32
        %swap3A_454 = arith.index_cast %add3A_453 : i32 to index
        %swap3A_455 = tpu.vector_load %arg17[%swap3A_454] {strides = array<i32>} : memref<8192xf32, #tpu.memory_space<vmem>>, vector<16xf32>,
        tpu.vector_store %arg17[%swap3A_454], %broadcast_in_dim3A_369 {strides = array<i32>} : memref<8192xf32, #tpu.memory_space<vmem>>, vector<16xf32>,
        %add3A_456 = arith.constant 48 : i32
        %add3A_457 = arith.addi %add3A_432, %add3A_456 : i32
        %swap3A_458 = arith.index_cast %add3A_457 : i32 to index
        %swap3A_459 = tpu.vector_load %arg15[%swap3A_458] {strides = array<i32>} : memref<8192xf32, #tpu.memory_space<vmem>>, vector<16xf32>,
        tpu.vector_store %arg15[%swap3A_458], %broadcast_in_dim3A_366 {strides = array<i32>} : memref<8192xf32, #tpu.memory_space<vmem>>, vector<16xf32>,
        %add3A_460 = arith.constant 48 : i32
        %add3A_461 = arith.addi %add3A_432, %add3A_460 : i32
        %swap3A_462 = arith.index_cast %add3A_461 : i32 to index
        %swap3A_463 = tpu.vector_load %arg17[%swap3A_462] {strides = array<i32>} : memref<8192xf32, #tpu.memory_space<vmem>>, vector<16xf32>,
        tpu.vector_store %arg17[%swap3A_462], %broadcast_in_dim3A_369 {strides = array<i32>} : memref<8192xf32, #tpu.memory_space<vmem>>, vector<16xf32>,
        %add3A_464 = arith.constant 64 : i32
        %add3A_465 = arith.addi %add3A_432, %add3A_464 : i32
        %swap3A_466 = arith.index_cast %add3A_465 : i32 to index
        %swap3A_467 = tpu.vector_load %arg15[%swap3A_466] {strides = array<i32>} : memref<8192xf32, #tpu.memory_space<vmem>>, vector<16xf32>,
        tpu.vector_store %arg15[%swap3A_466], %broadcast_in_dim3A_366 {strides = array<i32>} : memref<8192xf32, #tpu.memory_space<vmem>>, vector<16xf32>,
        %add3A_468 = arith.constant 64 : i32
        %add3A_469 = arith.addi %add3A_432, %add3A_468 : i32
        %swap3A_470 = arith.index_cast %add3A_469 : i32 to index
        %swap3A_471 = tpu.vector_load %arg17[%swap3A_470] {strides = array<i32>} : memref<8192xf32, #tpu.memory_space<vmem>>, vector<16xf32>,
        tpu.vector_store %arg17[%swap3A_470], %broadcast_in_dim3A_369 {strides = array<i32>} : memref<8192xf32, #tpu.memory_space<vmem>>, vector<16xf32>,
        %add3A_472 = arith.constant 80 : i32
        %add3A_473 = arith.addi %add3A_432, %add3A_472 : i32
        %swap3A_474 = arith.index_cast %add3A_473 : i32 to index
        %swap3A_475 = tpu.vector_load %arg15[%swap3A_474] {strides = array<i32>} : memref<8192xf32, #tpu.memory_space<vmem>>, vector<16xf32>,
        tpu.vector_store %arg15[%swap3A_474], %broadcast_in_dim3A_366 {strides = array<i32>} : memref<8192xf32, #tpu.memory_space<vmem>>, vector<16xf32>,
        %add3A_476 = arith.constant 80 : i32
        %add3A_477 = arith.addi %add3A_432, %add3A_476 : i32
        %swap3A_478 = arith.index_cast %add3A_477 : i32 to index
        %swap3A_479 = tpu.vector_load %arg17[%swap3A_478] {strides = array<i32>} : memref<8192xf32, #tpu.memory_space<vmem>>, vector<16xf32>,
        tpu.vector_store %arg17[%swap3A_478], %broadcast_in_dim3A_369 {strides = array<i32>} : memref<8192xf32, #tpu.memory_space<vmem>>, vector<16xf32>,
        %add3A_480 = arith.constant 96 : i32
        %add3A_481 = arith.addi %add3A_432, %add3A_480 : i32
        %swap3A_482 = arith.index_cast %add3A_481 : i32 to index
        %swap3A_483 = tpu.vector_load %arg15[%swap3A_482] {strides = array<i32>} : memref<8192xf32, #tpu.memory_space<vmem>>, vector<16xf32>,
        tpu.vector_store %arg15[%swap3A_482], %broadcast_in_dim3A_366 {strides = array<i32>} : memref<8192xf32, #tpu.memory_space<vmem>>, vector<16xf32>,
        %add3A_484 = arith.constant 96 : i32
        %add3A_485 = arith.addi %add3A_432, %add3A_484 : i32
        %swap3A_486 = arith.index_cast %add3A_485 : i32 to index
        %swap3A_487 = tpu.vector_load %arg17[%swap3A_486] {strides = array<i32>} : memref<8192xf32, #tpu.memory_space<vmem>>, vector<16xf32>,
        tpu.vector_store %arg17[%swap3A_486], %broadcast_in_dim3A_369 {strides = array<i32>} : memref<8192xf32, #tpu.memory_space<vmem>>, vector<16xf32>,
        %add3A_488 = arith.constant 112 : i32
        %add3A_489 = arith.addi %add3A_432, %add3A_488 : i32
        %swap3A_490 = arith.index_cast %add3A_489 : i32 to index
        %swap3A_491 = tpu.vector_load %arg15[%swap3A_490] {strides = array<i32>} : memref<8192xf32, #tpu.memory_space<vmem>>, vector<16xf32>,
        tpu.vector_store %arg15[%swap3A_490], %broadcast_in_dim3A_366 {strides = array<i32>} : memref<8192xf32, #tpu.memory_space<vmem>>, vector<16xf32>,
        %add3A_492 = arith.constant 112 : i32
        %add3A_493 = arith.addi %add3A_432, %add3A_492 : i32
        %swap3A_494 = arith.index_cast %add3A_493 : i32 to index
        %swap3A_495 = tpu.vector_load %arg17[%swap3A_494] {strides = array<i32>} : memref<8192xf32, #tpu.memory_space<vmem>>, vector<16xf32>,
        tpu.vector_store %arg17[%swap3A_494], %broadcast_in_dim3A_369 {strides = array<i32>} : memref<8192xf32, #tpu.memory_space<vmem>>, vector<16xf32>,
      }
      %scan3A_375 = arith.constant 8 : i32
      %slice3A_376 = vector.extract_strided_slice %gather3A_308 {offsets = [5], sizes = [1], strides = [1]} : vector<16xf32> to vector<1xf32>
      %squeeze3A_377 = vector.extract %slice3A_376[0] : f32 from vector<1xf32>
      %broadcast_in_dim3A_378 = vector.broadcast %squeeze3A_377 : f32 to vector<16xf32>
      %slice3A_379 = vector.extract_strided_slice %gather3A_315 {offsets = [5], sizes = [1], strides = [1]} : vector<16xf32> to vector<1xf32>
      %squeeze3A_380 = vector.extract %slice3A_379[0] : f32 from vector<1xf32>
      %broadcast_in_dim3A_381 = vector.broadcast %squeeze3A_380 : f32 to vector<16xf32>
      %scan3A_382 = arith.constant 0 : i32
      %scan3A_383 = arith.constant 0 : i32
      %scan3A_384 = arith.constant 8 : i32
      %scan3A_385 = arith.addi %scan3A_383, %scan3A_384 : i32
      %scan3A_386 = arith.constant 1 : i32
      scf.for %scan3A_428 = %scan3A_383 to %scan3A_385 step %scan3A_386  : i32 {
        %mul3A_429 = arith.constant 1024 : i32
        %mul3A_430 = arith.muli %scan3A_428, %mul3A_429 : i32
        %add3A_431 = arith.constant 640 : i32
        %add3A_432 = arith.addi %mul3A_430, %add3A_431 : i32
        %add3A_433 = arith.constant 0 : i32
        %add3A_434 = arith.addi %add3A_432, %add3A_433 : i32
        %swap3A = arith.index_cast %add3A_434 : i32 to index
        %swap3A_435 = tpu.vector_load %arg15[%swap3A] {strides = array<i32>} : memref<8192xf32, #tpu.memory_space<vmem>>, vector<16xf32>,
        tpu.vector_store %arg15[%swap3A], %broadcast_in_dim3A_378 {strides = array<i32>} : memref<8192xf32, #tpu.memory_space<vmem>>, vector<16xf32>,
        %add3A_436 = arith.constant 0 : i32
        %add3A_437 = arith.addi %add3A_432, %add3A_436 : i32
        %swap3A_438 = arith.index_cast %add3A_437 : i32 to index
        %swap3A_439 = tpu.vector_load %arg17[%swap3A_438] {strides = array<i32>} : memref<8192xf32, #tpu.memory_space<vmem>>, vector<16xf32>,
        tpu.vector_store %arg17[%swap3A_438], %broadcast_in_dim3A_381 {strides = array<i32>} : memref<8192xf32, #tpu.memory_space<vmem>>, vector<16xf32>,
        %add3A_440 = arith.constant 16 : i32
        %add3A_441 = arith.addi %add3A_432, %add3A_440 : i32
        %swap3A_442 = arith.index_cast %add3A_441 : i32 to index
        %swap3A_443 = tpu.vector_load %arg15[%swap3A_442] {strides = array<i32>} : memref<8192xf32, #tpu.memory_space<vmem>>, vector<16xf32>,
        tpu.vector_store %arg15[%swap3A_442], %broadcast_in_dim3A_378 {strides = array<i32>} : memref<8192xf32, #tpu.memory_space<vmem>>, vector<16xf32>,
        %add3A_444 = arith.constant 16 : i32
        %add3A_445 = arith.addi %add3A_432, %add3A_444 : i32
        %swap3A_446 = arith.index_cast %add3A_445 : i32 to index
        %swap3A_447 = tpu.vector_load %arg17[%swap3A_446] {strides = array<i32>} : memref<8192xf32, #tpu.memory_space<vmem>>, vector<16xf32>,
        tpu.vector_store %arg17[%swap3A_446], %broadcast_in_dim3A_381 {strides = array<i32>} : memref<8192xf32, #tpu.memory_space<vmem>>, vector<16xf32>,
        %add3A_448 = arith.constant 32 : i32
        %add3A_449 = arith.addi %add3A_432, %add3A_448 : i32
        %swap3A_450 = arith.index_cast %add3A_449 : i32 to index
        %swap3A_451 = tpu.vector_load %arg15[%swap3A_450] {strides = array<i32>} : memref<8192xf32, #tpu.memory_space<vmem>>, vector<16xf32>,
        tpu.vector_store %arg15[%swap3A_450], %broadcast_in_dim3A_378 {strides = array<i32>} : memref<8192xf32, #tpu.memory_space<vmem>>, vector<16xf32>,
        %add3A_452 = arith.constant 32 : i32
        %add3A_453 = arith.addi %add3A_432, %add3A_452 : i32
        %swap3A_454 = arith.index_cast %add3A_453 : i32 to index
        %swap3A_455 = tpu.vector_load %arg17[%swap3A_454] {strides = array<i32>} : memref<8192xf32, #tpu.memory_space<vmem>>, vector<16xf32>,
        tpu.vector_store %arg17[%swap3A_454], %broadcast_in_dim3A_381 {strides = array<i32>} : memref<8192xf32, #tpu.memory_space<vmem>>, vector<16xf32>,
        %add3A_456 = arith.constant 48 : i32
        %add3A_457 = arith.addi %add3A_432, %add3A_456 : i32
        %swap3A_458 = arith.index_cast %add3A_457 : i32 to index
        %swap3A_459 = tpu.vector_load %arg15[%swap3A_458] {strides = array<i32>} : memref<8192xf32, #tpu.memory_space<vmem>>, vector<16xf32>,
        tpu.vector_store %arg15[%swap3A_458], %broadcast_in_dim3A_378 {strides = array<i32>} : memref<8192xf32, #tpu.memory_space<vmem>>, vector<16xf32>,
        %add3A_460 = arith.constant 48 : i32
        %add3A_461 = arith.addi %add3A_432, %add3A_460 : i32
        %swap3A_462 = arith.index_cast %add3A_461 : i32 to index
        %swap3A_463 = tpu.vector_load %arg17[%swap3A_462] {strides = array<i32>} : memref<8192xf32, #tpu.memory_space<vmem>>, vector<16xf32>,
        tpu.vector_store %arg17[%swap3A_462], %broadcast_in_dim3A_381 {strides = array<i32>} : memref<8192xf32, #tpu.memory_space<vmem>>, vector<16xf32>,
        %add3A_464 = arith.constant 64 : i32
        %add3A_465 = arith.addi %add3A_432, %add3A_464 : i32
        %swap3A_466 = arith.index_cast %add3A_465 : i32 to index
        %swap3A_467 = tpu.vector_load %arg15[%swap3A_466] {strides = array<i32>} : memref<8192xf32, #tpu.memory_space<vmem>>, vector<16xf32>,
        tpu.vector_store %arg15[%swap3A_466], %broadcast_in_dim3A_378 {strides = array<i32>} : memref<8192xf32, #tpu.memory_space<vmem>>, vector<16xf32>,
        %add3A_468 = arith.constant 64 : i32
        %add3A_469 = arith.addi %add3A_432, %add3A_468 : i32
        %swap3A_470 = arith.index_cast %add3A_469 : i32 to index
        %swap3A_471 = tpu.vector_load %arg17[%swap3A_470] {strides = array<i32>} : memref<8192xf32, #tpu.memory_space<vmem>>, vector<16xf32>,
        tpu.vector_store %arg17[%swap3A_470], %broadcast_in_dim3A_381 {strides = array<i32>} : memref<8192xf32, #tpu.memory_space<vmem>>, vector<16xf32>,
        %add3A_472 = arith.constant 80 : i32
        %add3A_473 = arith.addi %add3A_432, %add3A_472 : i32
        %swap3A_474 = arith.index_cast %add3A_473 : i32 to index
        %swap3A_475 = tpu.vector_load %arg15[%swap3A_474] {strides = array<i32>} : memref<8192xf32, #tpu.memory_space<vmem>>, vector<16xf32>,
        tpu.vector_store %arg15[%swap3A_474], %broadcast_in_dim3A_378 {strides = array<i32>} : memref<8192xf32, #tpu.memory_space<vmem>>, vector<16xf32>,
        %add3A_476 = arith.constant 80 : i32
        %add3A_477 = arith.addi %add3A_432, %add3A_476 : i32
        %swap3A_478 = arith.index_cast %add3A_477 : i32 to index
        %swap3A_479 = tpu.vector_load %arg17[%swap3A_478] {strides = array<i32>} : memref<8192xf32, #tpu.memory_space<vmem>>, vector<16xf32>,
        tpu.vector_store %arg17[%swap3A_478], %broadcast_in_dim3A_381 {strides = array<i32>} : memref<8192xf32, #tpu.memory_space<vmem>>, vector<16xf32>,
        %add3A_480 = arith.constant 96 : i32
        %add3A_481 = arith.addi %add3A_432, %add3A_480 : i32
        %swap3A_482 = arith.index_cast %add3A_481 : i32 to index
        %swap3A_483 = tpu.vector_load %arg15[%swap3A_482] {strides = array<i32>} : memref<8192xf32, #tpu.memory_space<vmem>>, vector<16xf32>,
        tpu.vector_store %arg15[%swap3A_482], %broadcast_in_dim3A_378 {strides = array<i32>} : memref<8192xf32, #tpu.memory_space<vmem>>, vector<16xf32>,
        %add3A_484 = arith.constant 96 : i32
        %add3A_485 = arith.addi %add3A_432, %add3A_484 : i32
        %swap3A_486 = arith.index_cast %add3A_485 : i32 to index
        %swap3A_487 = tpu.vector_load %arg17[%swap3A_486] {strides = array<i32>} : memref<8192xf32, #tpu.memory_space<vmem>>, vector<16xf32>,
        tpu.vector_store %arg17[%swap3A_486], %broadcast_in_dim3A_381 {strides = array<i32>} : memref<8192xf32, #tpu.memory_space<vmem>>, vector<16xf32>,
        %add3A_488 = arith.constant 112 : i32
        %add3A_489 = arith.addi %add3A_432, %add3A_488 : i32
        %swap3A_490 = arith.index_cast %add3A_489 : i32 to index
        %swap3A_491 = tpu.vector_load %arg15[%swap3A_490] {strides = array<i32>} : memref<8192xf32, #tpu.memory_space<vmem>>, vector<16xf32>,
        tpu.vector_store %arg15[%swap3A_490], %broadcast_in_dim3A_378 {strides = array<i32>} : memref<8192xf32, #tpu.memory_space<vmem>>, vector<16xf32>,
        %add3A_492 = arith.constant 112 : i32
        %add3A_493 = arith.addi %add3A_432, %add3A_492 : i32
        %swap3A_494 = arith.index_cast %add3A_493 : i32 to index
        %swap3A_495 = tpu.vector_load %arg17[%swap3A_494] {strides = array<i32>} : memref<8192xf32, #tpu.memory_space<vmem>>, vector<16xf32>,
        tpu.vector_store %arg17[%swap3A_494], %broadcast_in_dim3A_381 {strides = array<i32>} : memref<8192xf32, #tpu.memory_space<vmem>>, vector<16xf32>,
      }
      %scan3A_387 = arith.constant 8 : i32
      %slice3A_388 = vector.extract_strided_slice %gather3A_308 {offsets = [6], sizes = [1], strides = [1]} : vector<16xf32> to vector<1xf32>
      %squeeze3A_389 = vector.extract %slice3A_388[0] : f32 from vector<1xf32>
      %broadcast_in_dim3A_390 = vector.broadcast %squeeze3A_389 : f32 to vector<16xf32>
      %slice3A_391 = vector.extract_strided_slice %gather3A_315 {offsets = [6], sizes = [1], strides = [1]} : vector<16xf32> to vector<1xf32>
      %squeeze3A_392 = vector.extract %slice3A_391[0] : f32 from vector<1xf32>
      %broadcast_in_dim3A_393 = vector.broadcast %squeeze3A_392 : f32 to vector<16xf32>
      %scan3A_394 = arith.constant 0 : i32
      %scan3A_395 = arith.constant 0 : i32
      %scan3A_396 = arith.constant 8 : i32
      %scan3A_397 = arith.addi %scan3A_395, %scan3A_396 : i32
      %scan3A_398 = arith.constant 1 : i32
      scf.for %scan3A_428 = %scan3A_395 to %scan3A_397 step %scan3A_398  : i32 {
        %mul3A_429 = arith.constant 1024 : i32
        %mul3A_430 = arith.muli %scan3A_428, %mul3A_429 : i32
        %add3A_431 = arith.constant 768 : i32
        %add3A_432 = arith.addi %mul3A_430, %add3A_431 : i32
        %add3A_433 = arith.constant 0 : i32
        %add3A_434 = arith.addi %add3A_432, %add3A_433 : i32
        %swap3A = arith.index_cast %add3A_434 : i32 to index
        %swap3A_435 = tpu.vector_load %arg15[%swap3A] {strides = array<i32>} : memref<8192xf32, #tpu.memory_space<vmem>>, vector<16xf32>,
        tpu.vector_store %arg15[%swap3A], %broadcast_in_dim3A_390 {strides = array<i32>} : memref<8192xf32, #tpu.memory_space<vmem>>, vector<16xf32>,
        %add3A_436 = arith.constant 0 : i32
        %add3A_437 = arith.addi %add3A_432, %add3A_436 : i32
        %swap3A_438 = arith.index_cast %add3A_437 : i32 to index
        %swap3A_439 = tpu.vector_load %arg17[%swap3A_438] {strides = array<i32>} : memref<8192xf32, #tpu.memory_space<vmem>>, vector<16xf32>,
        tpu.vector_store %arg17[%swap3A_438], %broadcast_in_dim3A_393 {strides = array<i32>} : memref<8192xf32, #tpu.memory_space<vmem>>, vector<16xf32>,
        %add3A_440 = arith.constant 16 : i32
        %add3A_441 = arith.addi %add3A_432, %add3A_440 : i32
        %swap3A_442 = arith.index_cast %add3A_441 : i32 to index
        %swap3A_443 = tpu.vector_load %arg15[%swap3A_442] {strides = array<i32>} : memref<8192xf32, #tpu.memory_space<vmem>>, vector<16xf32>,
        tpu.vector_store %arg15[%swap3A_442], %broadcast_in_dim3A_390 {strides = array<i32>} : memref<8192xf32, #tpu.memory_space<vmem>>, vector<16xf32>,
        %add3A_444 = arith.constant 16 : i32
        %add3A_445 = arith.addi %add3A_432, %add3A_444 : i32
        %swap3A_446 = arith.index_cast %add3A_445 : i32 to index
        %swap3A_447 = tpu.vector_load %arg17[%swap3A_446] {strides = array<i32>} : memref<8192xf32, #tpu.memory_space<vmem>>, vector<16xf32>,
        tpu.vector_store %arg17[%swap3A_446], %broadcast_in_dim3A_393 {strides = array<i32>} : memref<8192xf32, #tpu.memory_space<vmem>>, vector<16xf32>,
        %add3A_448 = arith.constant 32 : i32
        %add3A_449 = arith.addi %add3A_432, %add3A_448 : i32
        %swap3A_450 = arith.index_cast %add3A_449 : i32 to index
        %swap3A_451 = tpu.vector_load %arg15[%swap3A_450] {strides = array<i32>} : memref<8192xf32, #tpu.memory_space<vmem>>, vector<16xf32>,
        tpu.vector_store %arg15[%swap3A_450], %broadcast_in_dim3A_390 {strides = array<i32>} : memref<8192xf32, #tpu.memory_space<vmem>>, vector<16xf32>,
        %add3A_452 = arith.constant 32 : i32
        %add3A_453 = arith.addi %add3A_432, %add3A_452 : i32
        %swap3A_454 = arith.index_cast %add3A_453 : i32 to index
        %swap3A_455 = tpu.vector_load %arg17[%swap3A_454] {strides = array<i32>} : memref<8192xf32, #tpu.memory_space<vmem>>, vector<16xf32>,
        tpu.vector_store %arg17[%swap3A_454], %broadcast_in_dim3A_393 {strides = array<i32>} : memref<8192xf32, #tpu.memory_space<vmem>>, vector<16xf32>,
        %add3A_456 = arith.constant 48 : i32
        %add3A_457 = arith.addi %add3A_432, %add3A_456 : i32
        %swap3A_458 = arith.index_cast %add3A_457 : i32 to index
        %swap3A_459 = tpu.vector_load %arg15[%swap3A_458] {strides = array<i32>} : memref<8192xf32, #tpu.memory_space<vmem>>, vector<16xf32>,
        tpu.vector_store %arg15[%swap3A_458], %broadcast_in_dim3A_390 {strides = array<i32>} : memref<8192xf32, #tpu.memory_space<vmem>>, vector<16xf32>,
        %add3A_460 = arith.constant 48 : i32
        %add3A_461 = arith.addi %add3A_432, %add3A_460 : i32
        %swap3A_462 = arith.index_cast %add3A_461 : i32 to index
        %swap3A_463 = tpu.vector_load %arg17[%swap3A_462] {strides = array<i32>} : memref<8192xf32, #tpu.memory_space<vmem>>, vector<16xf32>,
        tpu.vector_store %arg17[%swap3A_462], %broadcast_in_dim3A_393 {strides = array<i32>} : memref<8192xf32, #tpu.memory_space<vmem>>, vector<16xf32>,
        %add3A_464 = arith.constant 64 : i32
        %add3A_465 = arith.addi %add3A_432, %add3A_464 : i32
        %swap3A_466 = arith.index_cast %add3A_465 : i32 to index
        %swap3A_467 = tpu.vector_load %arg15[%swap3A_466] {strides = array<i32>} : memref<8192xf32, #tpu.memory_space<vmem>>, vector<16xf32>,
        tpu.vector_store %arg15[%swap3A_466], %broadcast_in_dim3A_390 {strides = array<i32>} : memref<8192xf32, #tpu.memory_space<vmem>>, vector<16xf32>,
        %add3A_468 = arith.constant 64 : i32
        %add3A_469 = arith.addi %add3A_432, %add3A_468 : i32
        %swap3A_470 = arith.index_cast %add3A_469 : i32 to index
        %swap3A_471 = tpu.vector_load %arg17[%swap3A_470] {strides = array<i32>} : memref<8192xf32, #tpu.memory_space<vmem>>, vector<16xf32>,
        tpu.vector_store %arg17[%swap3A_470], %broadcast_in_dim3A_393 {strides = array<i32>} : memref<8192xf32, #tpu.memory_space<vmem>>, vector<16xf32>,
        %add3A_472 = arith.constant 80 : i32
        %add3A_473 = arith.addi %add3A_432, %add3A_472 : i32
        %swap3A_474 = arith.index_cast %add3A_473 : i32 to index
        %swap3A_475 = tpu.vector_load %arg15[%swap3A_474] {strides = array<i32>} : memref<8192xf32, #tpu.memory_space<vmem>>, vector<16xf32>,
        tpu.vector_store %arg15[%swap3A_474], %broadcast_in_dim3A_390 {strides = array<i32>} : memref<8192xf32, #tpu.memory_space<vmem>>, vector<16xf32>,
        %add3A_476 = arith.constant 80 : i32
        %add3A_477 = arith.addi %add3A_432, %add3A_476 : i32
        %swap3A_478 = arith.index_cast %add3A_477 : i32 to index
        %swap3A_479 = tpu.vector_load %arg17[%swap3A_478] {strides = array<i32>} : memref<8192xf32, #tpu.memory_space<vmem>>, vector<16xf32>,
        tpu.vector_store %arg17[%swap3A_478], %broadcast_in_dim3A_393 {strides = array<i32>} : memref<8192xf32, #tpu.memory_space<vmem>>, vector<16xf32>,
        %add3A_480 = arith.constant 96 : i32
        %add3A_481 = arith.addi %add3A_432, %add3A_480 : i32
        %swap3A_482 = arith.index_cast %add3A_481 : i32 to index
        %swap3A_483 = tpu.vector_load %arg15[%swap3A_482] {strides = array<i32>} : memref<8192xf32, #tpu.memory_space<vmem>>, vector<16xf32>,
        tpu.vector_store %arg15[%swap3A_482], %broadcast_in_dim3A_390 {strides = array<i32>} : memref<8192xf32, #tpu.memory_space<vmem>>, vector<16xf32>,
        %add3A_484 = arith.constant 96 : i32
        %add3A_485 = arith.addi %add3A_432, %add3A_484 : i32
        %swap3A_486 = arith.index_cast %add3A_485 : i32 to index
        %swap3A_487 = tpu.vector_load %arg17[%swap3A_486] {strides = array<i32>} : memref<8192xf32, #tpu.memory_space<vmem>>, vector<16xf32>,
        tpu.vector_store %arg17[%swap3A_486], %broadcast_in_dim3A_393 {strides = array<i32>} : memref<8192xf32, #tpu.memory_space<vmem>>, vector<16xf32>,
        %add3A_488 = arith.constant 112 : i32
        %add3A_489 = arith.addi %add3A_432, %add3A_488 : i32
        %swap3A_490 = arith.index_cast %add3A_489 : i32 to index
        %swap3A_491 = tpu.vector_load %arg15[%swap3A_490] {strides = array<i32>} : memref<8192xf32, #tpu.memory_space<vmem>>, vector<16xf32>,
        tpu.vector_store %arg15[%swap3A_490], %broadcast_in_dim3A_390 {strides = array<i32>} : memref<8192xf32, #tpu.memory_space<vmem>>, vector<16xf32>,
        %add3A_492 = arith.constant 112 : i32
        %add3A_493 = arith.addi %add3A_432, %add3A_492 : i32
        %swap3A_494 = arith.index_cast %add3A_493 : i32 to index
        %swap3A_495 = tpu.vector_load %arg17[%swap3A_494] {strides = array<i32>} : memref<8192xf32, #tpu.memory_space<vmem>>, vector<16xf32>,
        tpu.vector_store %arg17[%swap3A_494], %broadcast_in_dim3A_393 {strides = array<i32>} : memref<8192xf32, #tpu.memory_space<vmem>>, vector<16xf32>,
      }
      %scan3A_399 = arith.constant 8 : i32
      %slice3A_400 = vector.extract_strided_slice %gather3A_308 {offsets = [7], sizes = [1], strides = [1]} : vector<16xf32> to vector<1xf32>
      %squeeze3A_401 = vector.extract %slice3A_400[0] : f32 from vector<1xf32>
      %broadcast_in_dim3A_402 = vector.broadcast %squeeze3A_401 : f32 to vector<16xf32>
      %slice3A_403 = vector.extract_strided_slice %gather3A_315 {offsets = [7], sizes = [1], strides = [1]} : vector<16xf32> to vector<1xf32>
      %squeeze3A_404 = vector.extract %slice3A_403[0] : f32 from vector<1xf32>
      %broadcast_in_dim3A_405 = vector.broadcast %squeeze3A_404 : f32 to vector<16xf32>
      %scan3A_406 = arith.constant 0 : i32
      %scan3A_407 = arith.constant 0 : i32
      %scan3A_408 = arith.constant 8 : i32
      %scan3A_409 = arith.addi %scan3A_407, %scan3A_408 : i32
      %scan3A_410 = arith.constant 1 : i32
      scf.for %scan3A_428 = %scan3A_407 to %scan3A_409 step %scan3A_410  : i32 {
        %mul3A_429 = arith.constant 1024 : i32
        %mul3A_430 = arith.muli %scan3A_428, %mul3A_429 : i32
        %add3A_431 = arith.constant 896 : i32
        %add3A_432 = arith.addi %mul3A_430, %add3A_431 : i32
        %add3A_433 = arith.constant 0 : i32
        %add3A_434 = arith.addi %add3A_432, %add3A_433 : i32
        %swap3A = arith.index_cast %add3A_434 : i32 to index
        %swap3A_435 = tpu.vector_load %arg15[%swap3A] {strides = array<i32>} : memref<8192xf32, #tpu.memory_space<vmem>>, vector<16xf32>,
        tpu.vector_store %arg15[%swap3A], %broadcast_in_dim3A_402 {strides = array<i32>} : memref<8192xf32, #tpu.memory_space<vmem>>, vector<16xf32>,
        %add3A_436 = arith.constant 0 : i32
        %add3A_437 = arith.addi %add3A_432, %add3A_436 : i32
        %swap3A_438 = arith.index_cast %add3A_437 : i32 to index
        %swap3A_439 = tpu.vector_load %arg17[%swap3A_438] {strides = array<i32>} : memref<8192xf32, #tpu.memory_space<vmem>>, vector<16xf32>,
        tpu.vector_store %arg17[%swap3A_438], %broadcast_in_dim3A_405 {strides = array<i32>} : memref<8192xf32, #tpu.memory_space<vmem>>, vector<16xf32>,
        %add3A_440 = arith.constant 16 : i32
        %add3A_441 = arith.addi %add3A_432, %add3A_440 : i32
        %swap3A_442 = arith.index_cast %add3A_441 : i32 to index
        %swap3A_443 = tpu.vector_load %arg15[%swap3A_442] {strides = array<i32>} : memref<8192xf32, #tpu.memory_space<vmem>>, vector<16xf32>,
        tpu.vector_store %arg15[%swap3A_442], %broadcast_in_dim3A_402 {strides = array<i32>} : memref<8192xf32, #tpu.memory_space<vmem>>, vector<16xf32>,
        %add3A_444 = arith.constant 16 : i32
        %add3A_445 = arith.addi %add3A_432, %add3A_444 : i32
        %swap3A_446 = arith.index_cast %add3A_445 : i32 to index
        %swap3A_447 = tpu.vector_load %arg17[%swap3A_446] {strides = array<i32>} : memref<8192xf32, #tpu.memory_space<vmem>>, vector<16xf32>,
        tpu.vector_store %arg17[%swap3A_446], %broadcast_in_dim3A_405 {strides = array<i32>} : memref<8192xf32, #tpu.memory_space<vmem>>, vector<16xf32>,
        %add3A_448 = arith.constant 32 : i32
        %add3A_449 = arith.addi %add3A_432, %add3A_448 : i32
        %swap3A_450 = arith.index_cast %add3A_449 : i32 to index
        %swap3A_451 = tpu.vector_load %arg15[%swap3A_450] {strides = array<i32>} : memref<8192xf32, #tpu.memory_space<vmem>>, vector<16xf32>,
        tpu.vector_store %arg15[%swap3A_450], %broadcast_in_dim3A_402 {strides = array<i32>} : memref<8192xf32, #tpu.memory_space<vmem>>, vector<16xf32>,
        %add3A_452 = arith.constant 32 : i32
        %add3A_453 = arith.addi %add3A_432, %add3A_452 : i32
        %swap3A_454 = arith.index_cast %add3A_453 : i32 to index
        %swap3A_455 = tpu.vector_load %arg17[%swap3A_454] {strides = array<i32>} : memref<8192xf32, #tpu.memory_space<vmem>>, vector<16xf32>,
        tpu.vector_store %arg17[%swap3A_454], %broadcast_in_dim3A_405 {strides = array<i32>} : memref<8192xf32, #tpu.memory_space<vmem>>, vector<16xf32>,
        %add3A_456 = arith.constant 48 : i32
        %add3A_457 = arith.addi %add3A_432, %add3A_456 : i32
        %swap3A_458 = arith.index_cast %add3A_457 : i32 to index
        %swap3A_459 = tpu.vector_load %arg15[%swap3A_458] {strides = array<i32>} : memref<8192xf32, #tpu.memory_space<vmem>>, vector<16xf32>,
        tpu.vector_store %arg15[%swap3A_458], %broadcast_in_dim3A_402 {strides = array<i32>} : memref<8192xf32, #tpu.memory_space<vmem>>, vector<16xf32>,
        %add3A_460 = arith.constant 48 : i32
        %add3A_461 = arith.addi %add3A_432, %add3A_460 : i32
        %swap3A_462 = arith.index_cast %add3A_461 : i32 to index
        %swap3A_463 = tpu.vector_load %arg17[%swap3A_462] {strides = array<i32>} : memref<8192xf32, #tpu.memory_space<vmem>>, vector<16xf32>,
        tpu.vector_store %arg17[%swap3A_462], %broadcast_in_dim3A_405 {strides = array<i32>} : memref<8192xf32, #tpu.memory_space<vmem>>, vector<16xf32>,
        %add3A_464 = arith.constant 64 : i32
        %add3A_465 = arith.addi %add3A_432, %add3A_464 : i32
        %swap3A_466 = arith.index_cast %add3A_465 : i32 to index
        %swap3A_467 = tpu.vector_load %arg15[%swap3A_466] {strides = array<i32>} : memref<8192xf32, #tpu.memory_space<vmem>>, vector<16xf32>,
        tpu.vector_store %arg15[%swap3A_466], %broadcast_in_dim3A_402 {strides = array<i32>} : memref<8192xf32, #tpu.memory_space<vmem>>, vector<16xf32>,
        %add3A_468 = arith.constant 64 : i32
        %add3A_469 = arith.addi %add3A_432, %add3A_468 : i32
        %swap3A_470 = arith.index_cast %add3A_469 : i32 to index
        %swap3A_471 = tpu.vector_load %arg17[%swap3A_470] {strides = array<i32>} : memref<8192xf32, #tpu.memory_space<vmem>>, vector<16xf32>,
        tpu.vector_store %arg17[%swap3A_470], %broadcast_in_dim3A_405 {strides = array<i32>} : memref<8192xf32, #tpu.memory_space<vmem>>, vector<16xf32>,
        %add3A_472 = arith.constant 80 : i32
        %add3A_473 = arith.addi %add3A_432, %add3A_472 : i32
        %swap3A_474 = arith.index_cast %add3A_473 : i32 to index
        %swap3A_475 = tpu.vector_load %arg15[%swap3A_474] {strides = array<i32>} : memref<8192xf32, #tpu.memory_space<vmem>>, vector<16xf32>,
        tpu.vector_store %arg15[%swap3A_474], %broadcast_in_dim3A_402 {strides = array<i32>} : memref<8192xf32, #tpu.memory_space<vmem>>, vector<16xf32>,
        %add3A_476 = arith.constant 80 : i32
        %add3A_477 = arith.addi %add3A_432, %add3A_476 : i32
        %swap3A_478 = arith.index_cast %add3A_477 : i32 to index
        %swap3A_479 = tpu.vector_load %arg17[%swap3A_478] {strides = array<i32>} : memref<8192xf32, #tpu.memory_space<vmem>>, vector<16xf32>,
        tpu.vector_store %arg17[%swap3A_478], %broadcast_in_dim3A_405 {strides = array<i32>} : memref<8192xf32, #tpu.memory_space<vmem>>, vector<16xf32>,
        %add3A_480 = arith.constant 96 : i32
        %add3A_481 = arith.addi %add3A_432, %add3A_480 : i32
        %swap3A_482 = arith.index_cast %add3A_481 : i32 to index
        %swap3A_483 = tpu.vector_load %arg15[%swap3A_482] {strides = array<i32>} : memref<8192xf32, #tpu.memory_space<vmem>>, vector<16xf32>,
        tpu.vector_store %arg15[%swap3A_482], %broadcast_in_dim3A_402 {strides = array<i32>} : memref<8192xf32, #tpu.memory_space<vmem>>, vector<16xf32>,
        %add3A_484 = arith.constant 96 : i32
        %add3A_485 = arith.addi %add3A_432, %add3A_484 : i32
        %swap3A_486 = arith.index_cast %add3A_485 : i32 to index
        %swap3A_487 = tpu.vector_load %arg17[%swap3A_486] {strides = array<i32>} : memref<8192xf32, #tpu.memory_space<vmem>>, vector<16xf32>,
        tpu.vector_store %arg17[%swap3A_486], %broadcast_in_dim3A_405 {strides = array<i32>} : memref<8192xf32, #tpu.memory_space<vmem>>, vector<16xf32>,
        %add3A_488 = arith.constant 112 : i32
        %add3A_489 = arith.addi %add3A_432, %add3A_488 : i32
        %swap3A_490 = arith.index_cast %add3A_489 : i32 to index
        %swap3A_491 = tpu.vector_load %arg15[%swap3A_490] {strides = array<i32>} : memref<8192xf32, #tpu.memory_space<vmem>>, vector<16xf32>,
        tpu.vector_store %arg15[%swap3A_490], %broadcast_in_dim3A_402 {strides = array<i32>} : memref<8192xf32, #tpu.memory_space<vmem>>, vector<16xf32>,
        %add3A_492 = arith.constant 112 : i32
        %add3A_493 = arith.addi %add3A_432, %add3A_492 : i32
        %swap3A_494 = arith.index_cast %add3A_493 : i32 to index
        %swap3A_495 = tpu.vector_load %arg17[%swap3A_494] {strides = array<i32>} : memref<8192xf32, #tpu.memory_space<vmem>>, vector<16xf32>,
        tpu.vector_store %arg17[%swap3A_494], %broadcast_in_dim3A_405 {strides = array<i32>} : memref<8192xf32, #tpu.memory_space<vmem>>, vector<16xf32>,
      }
      %scan3A_411 = arith.constant 8 : i32
      %mul3A_412 = arith.constant 524288 : i32
      %mul3A_413 = arith.muli %add3A_80, %mul3A_412 : i32
      %mul3A_414 = arith.constant 8192 : i32
      %mul3A_415 = arith.muli %add3A_109, %mul3A_414 : i32
      %add3A_416 = arith.addi %mul3A_413, %mul3A_415 : i32
      %dma_start3A_417 = tpu.memref_slice %arg8[%add3A_416] : memref<67633152xf32, #tpu.memory_space<hbm>> -> memref<8192xf32, #tpu.memory_space<hbm>>
      %dma_start3A_418 = tpu.memref_slice %arg8[%add3A_416] : memref<67633152xf32, #tpu.memory_space<hbm>> -> memref<8192xf32, #tpu.memory_space<hbm>>
      tpu.enqueue_dma source(%arg15 : memref<8192xf32, #tpu.memory_space<vmem>>) target(%dma_start3A_418 : memref<8192xf32, #tpu.memory_space<hbm>>) target_semaphore(%arg23 : memref<!tpu.dma_semaphore, #tpu.memory_space<semaphore_mem>>)
      %add3A_419 = arith.constant 1 : i32
      %add3A_420 = arith.addi %add3A_80, %add3A_419 : i32
      %mul3A_421 = arith.constant 524288 : i32
      %mul3A_422 = arith.muli %add3A_420, %mul3A_421 : i32
      %mul3A_423 = arith.constant 8192 : i32
      %mul3A_424 = arith.muli %add3A_109, %mul3A_423 : i32
      %add3A_425 = arith.addi %mul3A_422, %mul3A_424 : i32
      %dma_start3A_426 = tpu.memref_slice %arg8[%add3A_425] : memref<67633152xf32, #tpu.memory_space<hbm>> -> memref<8192xf32, #tpu.memory_space<hbm>>
      %dma_start3A_427 = tpu.memref_slice %arg8[%add3A_425] : memref<67633152xf32, #tpu.memory_space<hbm>> -> memref<8192xf32, #tpu.memory_space<hbm>>
      tpu.enqueue_dma source(%arg17 : memref<8192xf32, #tpu.memory_space<vmem>>) target(%dma_start3A_427 : memref<8192xf32, #tpu.memory_space<hbm>>) target_semaphore(%arg23 : memref<!tpu.dma_semaphore, #tpu.memory_space<semaphore_mem>>)
    }
    %scan3A_86 = arith.constant 32 : i32
    %dma_wait3A_87 = arith.constant 0 : i32
    %dma_wait3A_88 = tpu.memref_slice %arg8[%dma_wait3A_87] : memref<67633152xf32, #tpu.memory_space<hbm>> -> memref<8192xf32, #tpu.memory_space<hbm>>
    %dma_wait3A_89 = arith.constant 0 : i32
    %dma_wait3A_90 = tpu.memref_slice %arg8[%dma_wait3A_89] : memref<67633152xf32, #tpu.memory_space<hbm>> -> memref<8192xf32, #tpu.memory_space<hbm>>
    tpu.wait_dma2 semaphore(%arg22 : memref<!tpu.dma_semaphore, #tpu.memory_space<semaphore_mem>>) src(%arg14 : memref<8192xf32, #tpu.memory_space<vmem>>) dst(%dma_wait3A_90 : memref<8192xf32, #tpu.memory_space<hbm>>)
    %dma_wait3A_91 = arith.constant 0 : i32
    %dma_wait3A_92 = tpu.memref_slice %arg8[%dma_wait3A_91] : memref<67633152xf32, #tpu.memory_space<hbm>> -> memref<8192xf32, #tpu.memory_space<hbm>>
    %dma_wait3A_93 = arith.constant 0 : i32
    %dma_wait3A_94 = tpu.memref_slice %arg8[%dma_wait3A_93] : memref<67633152xf32, #tpu.memory_space<hbm>> -> memref<8192xf32, #tpu.memory_space<hbm>>
    tpu.wait_dma2 semaphore(%arg22 : memref<!tpu.dma_semaphore, #tpu.memory_space<semaphore_mem>>) src(%arg16 : memref<8192xf32, #tpu.memory_space<vmem>>) dst(%dma_wait3A_94 : memref<8192xf32, #tpu.memory_space<hbm>>)
    %dma_wait3A_95 = arith.constant 0 : i32
    %dma_wait3A_96 = tpu.memref_slice %arg8[%dma_wait3A_95] : memref<67633152xf32, #tpu.memory_space<hbm>> -> memref<8192xf32, #tpu.memory_space<hbm>>
    %dma_wait3A_97 = arith.constant 0 : i32
    %dma_wait3A_98 = tpu.memref_slice %arg8[%dma_wait3A_97] : memref<67633152xf32, #tpu.memory_space<hbm>> -> memref<8192xf32, #tpu.memory_space<hbm>>
    tpu.wait_dma2 semaphore(%arg23 : memref<!tpu.dma_semaphore, #tpu.memory_space<semaphore_mem>>) src(%arg15 : memref<8192xf32, #tpu.memory_space<vmem>>) dst(%dma_wait3A_98 : memref<8192xf32, #tpu.memory_space<hbm>>)
    %dma_wait3A_99 = arith.constant 0 : i32
    %dma_wait3A_100 = tpu.memref_slice %arg8[%dma_wait3A_99] : memref<67633152xf32, #tpu.memory_space<hbm>> -> memref<8192xf32, #tpu.memory_space<hbm>>
    %dma_wait3A_101 = arith.constant 0 : i32
    %dma_wait3A_102 = tpu.memref_slice %arg8[%dma_wait3A_101] : memref<67633152xf32, #tpu.memory_space<hbm>> -> memref<8192xf32, #tpu.memory_space<hbm>>
    tpu.wait_dma2 semaphore(%arg23 : memref<!tpu.dma_semaphore, #tpu.memory_space<semaphore_mem>>) src(%arg17 : memref<8192xf32, #tpu.memory_space<vmem>>) dst(%dma_wait3A_102 : memref<8192xf32, #tpu.memory_space<hbm>>)
    return
  }
}

module attributes {stable_mosaic.version = 14 : i64} {
  func.func @_mask_body(%arg0: i32, %arg1: memref<8x2048xi32, #tpu.memory_space<vmem>>, %arg2: memref<8x2048xi32, #tpu.memory_space<vmem>>) attributes {dimension_semantics = [#tpu.dimension_semantics<arbitrary>], iteration_bounds = array<i64: 32>, scalar_prefetch = 0 : i64, scratch_operands = 0 : i64, tpu.core_type = #tpu.core_type<tc>, window_params = [{transform_indices = @transform_0, window_bounds = array<i64: 8, 2048>}, {transform_indices = @transform_1, window_bounds = array<i64: 8, 2048>}]} {
    %get3A = arith.constant 0 : index
    %get3A_0 = arith.constant 0 : index
    %get3A_1 = vector.load %arg1[%get3A, %get3A_0] : memref<8x2048xi32, #tpu.memory_space<vmem>>, vector<8x2048xi32>
    %ne3A = arith.constant 0 : i32
    %ne3A_2 = vector.broadcast %ne3A : i32 to vector<8x2048xi32>
    %ne3A_3 = arith.cmpi ne, %get3A_1, %ne3A_2 : vector<8x2048xi32>
    %swap3A = arith.constant 0 : index
    %swap3A_4 = arith.constant 0 : index
    %swap3A_5 = vector.load %arg2[%swap3A, %swap3A_4] : memref<8x2048xi32, #tpu.memory_space<vmem>>, vector<8x2048xi32>
    %swap3A_6 = arith.extui %ne3A_3 : vector<8x2048xi1> to vector<8x2048xi32>
    %swap3A_7 = arith.constant dense<0> : vector<8x2048xi32>
    %swap3A_8 = arith.cmpi ne, %swap3A_5, %swap3A_7 : vector<8x2048xi32>
    tpu.vector_store %arg2[%swap3A, %swap3A_4], %swap3A_6 {strides = array<i32>} : memref<8x2048xi32, #tpu.memory_space<vmem>>, vector<8x2048xi32>,
    return
  }
  func.func @transform_0(%arg0: i32) -> (i32, i32) {
    %c0_i32 = arith.constant 0 : i32
    %c0_i32_0 = arith.constant 0 : i32
    return %arg0, %c0_i32 : i32, i32
  }
  func.func @transform_1(%arg0: i32) -> (i32, i32) {
    %c0_i32 = arith.constant 0 : i32
    %c0_i32_0 = arith.constant 0 : i32
    return %arg0, %c0_i32 : i32, i32
  }
}

</mosaic_0001>

<sc_bundles>
// kernel: kernel.4.cloned.1.call-start
scs
__scs_entry_jumppad:
0x0: {  	(pc) =	sbr.rel $0x88, $3  }
0x1: {  	(tag) =	ssettag $0x0;
	lr =	simm.s32 $0x1  }
0x2: {  	[smem:$0x3F98] =	sst lr;
	_ =	strace $0xD0000000  }
0x3: {  	_ = 	snop  }
0x4: {  	_ = 	snop  }
0x5: {  	_ = 	snop  }
0x6: {  	_ = 	snop  }
0x7: {  	_ = 	snop  }
__scs_overlays_trampoline_lowered:
0x8: {  	[smem:$0x3FA7] =	sst s0  }
0x9: {  	[smem:$0x3FA8] =	sst s1  }
0xa: {  	[smem:$0x3FA9] =	sst s2  }
0xb: {  	[smem:$0x3FAA] =	sst s3  }
0xc: {  	[smem:$0x3FAB] =	sst s4  }
0xd: {  	[smem:$0x3FAC] =	sst s5  }
0xe: {  	[smem:$0x3FAD] =	sst s6  }
0xf: {  	[smem:$0x3FAE] =	sst s7  }
0x10: {  	[smem:$0x3FAF] =	sst s8  }
0x11: {  	[smem:$0x3FB0] =	sst s9;
	s0 =	simm.s32 @!p0 $0x0  }
0x12: {  	s1 =	sld [smem:$0x3F96];
	s0 =	simm.s32 @p0 $0x1  }
0x13: {  	[smem:$0x3FB1] =	sst s0;
	s0 =	simm.s32 @!p1 $0x0  }
0x14: {  	s2 =	sld [smem:$0x3F95];
	s0 =	simm.s32 @p1 $0x1  }
0x15: {  	[smem:$0x3FB2] =	sst s0;
	s0 =	simm.s32 @!p2 $0x0  }
0x16: {  	s3 =	sld [smem:$0x3FDB];
	s0 =	simm.s32 @p2 $0x1  }
0x17: {  	s4 =	simm.s32 $0x1BF5;
	[smem:$0x3FB4] =	sst s0  }
0x18: {  	s0 =	sld [smem:$0x3F97];
	_ =	swait.ge [sflag:s4], $0x0  }
0x19: {  	s7 =	sld [smem:$0x3F98]  }
0x1a: {  	s8 =	sadd.s32 $0xFFFFE003, lr  }
0x1b: {  	s9 =	sadd.s32 $0xFFFFFEF7, lr;
	s5 =	simm.s32 $0xFFFFFFFF;
	p2 =	slt.u32 s8, $0xFFFFF086  }
0x1c: {  	p1 =	slt.u32 s9, $0xF7A;
	s5 =	simm.s32 @!p2 $0x0  }
0x1d: {  	s5 =	simm.s32 @p1 $0x1;
	p0 =	seq.s32 s7, s2  }
0x1e: {  	s7 =	smul.u32 @!p0 $0xF7A, s2;
	p2 =	seq.s32 @!p0 s5, $0x0  }
0x1f: {  	s9 =	smul.u32 $0xF7A, s1;
	s8 =	simm.s32 @!p0 $0x1BF5;
	p2 =	por !p2, p0  }
0x20: {  	[sflag:s8] =	ssyncset.s32 @!p0 $0xFFFFF086;
	s6 =	sadd.s32 @!p0 s3, s7;
	s7 =	simm.s32 @!p0 $0x108  }
0x21: {  	s3 =	sadd.s32 s3, s9;
	s6 =	sadd.s32 @!p0 $0x88, s6;
	s7 =	simm.s32 @p2 $0x1082  }
0x22: {  	[simem:s7], [sflag:s8] =	dma.local @!p0 [hbm:s6], $0xF7A  }
0x23: {  	s9 =	sor.u32 $0xD0000000, s2;
	s6 =	simm.s32 $0x108;
	_ =	swait.ge @!p0 [sflag:s8], $0x0  }
0x24: {  	s3 =	sadd.s32 $0x88, s3;
	s6 =	simm.s32 @!p1 $0x1082;
	[sflag:s4] =	ssyncset.s32 $0xFFFFF086  }
0x25: {  	[simem:s6], [sflag:s4] =	dma.local [hbm:s3], $0xF7A  }
0x26: {  	[smem:$0x3F98] =	sst s1;
	(tag) =	ssettag s2;
	_ =	strace s9  }
0x27: {  	s1 =	sld [smem:$0x3FA8]  }
0x28: {  	s2 =	sld [smem:$0x3FA9]  }
0x29: {  	s4 =	sld [smem:$0x3FAB]  }
0x2a: {  	p0 =	seq.s32 s5, $0x0;
	s5 =	sld [smem:$0x3FAC]  }
0x2b: {  	s6 =	sld [smem:$0x3FAD]  }
0x2c: {  	s7 =	sld [smem:$0x3FAE]  }
0x2d: {  	s3 =	simm.s32 $0x108;
	s8 =	sld [smem:$0x3FAF]  }
0x2e: {  	s3 =	simm.s32 @!p0 $0x1082;
	s9 =	sld [smem:$0x3FB0]  }
0x2f: {  	lr =	sadd.s32 s0, s3;
	s0 =	sld [smem:$0x3FA7]  }
0x30: {  	s3 =	sld [smem:$0x3FAA]  }
0x31: {  	[smem:$0x3FB3] =	sst s10  }
0x32: {  	s10 =	sld [smem:$0x3FB1];
	_ =	sdelay $0x3  }
0x33: {  	p0 =	seq.s32 s10, $0x1;
	s10 =	sld [smem:$0x3FB3];
	_ =	sdelay $0x3  }
0x34: {  	[smem:$0x3FB3] =	sst s10  }
0x35: {  	s10 =	sld [smem:$0x3FB2];
	_ =	sdelay $0x3  }
0x36: {  	p1 =	seq.s32 s10, $0x1;
	s10 =	sld [smem:$0x3FB3];
	_ =	sdelay $0x3  }
0x37: {  	[smem:$0x3FB3] =	sst s10  }
0x38: {  	s10 =	sld [smem:$0x3FB4]  }
0x39: {  	_ = 	snop;
	(pc) =	sbr.ind lr, $3  }
0x3a: {  	_ = 	snop  }
0x3b: {  	_ = 	snop  }
0x3c: {  	p2 =	seq.s32 s10, $0x1;
	s10 =	sld [smem:$0x3FB3]  }
0x3d: {  	_ =	shalt  }
0x3e: {  	_ =	shalt  }
0x3f: {  	_ =	shalt  }
0x40: {  	_ =	shalt  }
0x41: {  	_ =	shalt  }
0x42: {  	_ =	shalt  }
0x43: {  	_ =	shalt  }
0x44: {  	_ =	shalt  }
0x45: {  	_ =	shalt  }
0x46: {  	_ =	shalt  }
0x47: {  	_ =	shalt  }
0x48: {  	_ =	shalt  }
0x49: {  	_ =	shalt  }
0x4a: {  	_ =	shalt  }
0x4b: {  	_ =	shalt  }
0x4c: {  	_ =	shalt  }
0x4d: {  	_ =	shalt  }
0x4e: {  	_ =	shalt  }
0x4f: {  	_ =	shalt  }
0x50: {  	_ =	shalt  }
0x51: {  	_ =	shalt  }
0x52: {  	_ =	shalt  }
0x53: {  	_ =	shalt  }
0x54: {  	_ =	shalt  }
0x55: {  	_ =	shalt  }
0x56: {  	_ =	shalt  }
0x57: {  	_ =	shalt  }
0x58: {  	_ =	shalt  }
0x59: {  	_ =	shalt  }
0x5a: {  	_ =	shalt  }
0x5b: {  	_ =	shalt  }
0x5c: {  	_ =	shalt  }
0x5d: {  	_ =	shalt  }
0x5e: {  	_ =	shalt  }
0x5f: {  	_ =	shalt  }
0x60: {  	_ =	shalt  }
0x61: {  	_ =	shalt  }
0x62: {  	_ =	shalt  }
0x63: {  	_ =	shalt  }
0x64: {  	_ =	shalt  }
0x65: {  	_ =	shalt  }
0x66: {  	_ =	shalt  }
0x67: {  	_ =	shalt  }
0x68: {  	_ =	shalt  }
0x69: {  	_ =	shalt  }
0x6a: {  	_ =	shalt  }
0x6b: {  	_ =	shalt  }
0x6c: {  	_ =	shalt  }
0x6d: {  	_ =	shalt  }
0x6e: {  	_ =	shalt  }
0x6f: {  	_ =	shalt  }
0x70: {  	_ =	shalt  }
0x71: {  	_ =	shalt  }
0x72: {  	_ =	shalt  }
0x73: {  	_ =	shalt  }
0x74: {  	_ =	shalt  }
0x75: {  	_ =	shalt  }
0x76: {  	_ =	shalt  }
0x77: {  	_ =	shalt  }
0x78: {  	_ =	shalt  }
0x79: {  	_ =	shalt  }
0x7a: {  	_ =	shalt  }
0x7b: {  	_ =	shalt  }
0x7c: {  	_ =	shalt  }
0x7d: {  	_ =	shalt  }
0x7e: {  	_ =	shalt  }
0x7f: {  	_ =	shalt  }
0x80: {  	_ =	shalt  }
0x81: {  	_ =	shalt  }
0x82: {  	_ =	shalt  }
0x83: {  	_ =	shalt  }
0x84: {  	_ =	shalt  }
0x85: {  	_ =	shalt  }
0x86: {  	_ =	shalt  }
0x87: {  	_ =	shalt  }
.Lfunc_end0:
.L_simem_size_0:
called_computation_lowered:
.L_overlay_start_0:
0x88: {  	s2 =	sld [smem:$0x3FD9]  }
0x89: {  	s3 =	sld [smem:$0x3FFE];
	_ =	sdelay $0x1  }
0x8a: {  	s1 =	srdreg.scid  }
0x8b: {  	s0 =	sand.u32 $0x1, s1  }
0x8c: {  	s14 =	sshll.u32 s0, $0xA;
	s2 =	sadd.s32 s3, s2  }
0x8d: {  	s2 =	sadd.s32 s2, s14  }
0x8e: {  	[smem:$0x3FBF] =	sst s2  }
0x8f: {  	_ = 	snop  }
0x90: {  	s2 =	sld [smem:$0x3FD0]  }
0x91: {  	s15 =	sld [smem:$0x3FC9]  }
0x92: {  	s4 =	sld [smem:$0x3FC8]  }
0x93: {  	s6 =	simm.s32 $0xA;
	s7 =	simm.s32 $0x10;
	s5 =	sld [smem:$0x3FC7]  }
0x94: {  	[smem:s7], [sflag:s6] =	dma.local [hbm:s2], $0x1  }
0x95: {  	_ =	swait.eq [sflag:s6], $0x1  }
0x96: {  	[sflag:s6] =	ssyncset.done $0x0  }
0x97: {  	[sflag:s6] =	ssyncadd.s32 $0xFFFFFFFF  }
0x98: {  	s16 =	sld [smem:$0x10];
	(tm) =	ssettm $0x1  }
0x99: {  	s17 =	sld [smem:$0x3FFB];
	_ =	sdelay $0x3  }
0x9a: {  	_ =	strace s17  }
0x9b: {  	s6 =	sld [smem:$0x3FFC];
	_ =	sdelay $0x3  }
0x9c: {  	_ =	strace s6  }
0x9d: {  	s6 =	sld [smem:$0x3FFD];
	_ =	sdelay $0x3  }
0x9e: {  	_ =	strace s6  }
0x9f: {  	_ =	strace $0x8FFFFFFF  }
0xa0: {  	s18 =	sld [smem:$0x3FDB];
	_ =	sdelay $0x1  }
0xa1: {  	s19 =	simm.s32 $_scs_section_size  }
0xa2: {  	s8 =	simm.s32 $_size__tile_overlayer_lowered;
	s9 =	simm.s32 $_tile_overlayer_lowered  }
0xa3: {  	s22 =	simm.s32 $0x1BFF;
	s21 =	sshll.u32 s9, $0x1;
	s6 =	sadd.s32 s19, s18  }
0xa4: {  	s10 =	simm.s32 $0x0;
	s20 =	sshll.u32 s8, $0x1;
	s8 =	sadd.s32 s21, s6  }
0xa5: {  	[timem:s10], [sflag:s22] =	dma.local [hbm:s8], s20  }
0xa6: {  	_ =	swait.ge [sflag:s22], s20  }
0xa7: {  	s7 =	ssub.s32 $0x0, s20;
	[sflag:s22] =	ssyncset.done $0x0  }
0xa8: {  	[sflag:s22] =	ssyncadd.s32 s7;
	_ =	sdelay $0x1  }
0xa9: {  	s23 =	simm.s32 $0x1B8B  }
0xaa: {  	_ =	swait.ge [sflag:s23], $0x1  }
0xab: {  	[sflag:s23] =	ssyncset.done $0x0  }
0xac: {  	s25 =	simm.s32 $0x1B8E;
	s24 =	sld [smem:$0x3FFE];
	[sflag:s23] =	ssyncadd.s32 $0xFFFFFFFF  }
0xad: {  	s26 =	simm.s32 $execute0_lowered;
	[smem:$0x3FD2] =	sst s25  }
0xae: {  	s8 =	sshll.u32 s26, $0x1;
	_ =	strace $0x80000046;
	[dreg:$0x1] =	wrdreg $0xFFFFFFFF  }
0xaf: {  	s28 =	simm.s32 $_size_execute0_lowered;
	s6 =	sadd.s32 s6, s8;
	[dreg:$0x0] =	wrdreg $0x0  }
0xb0: {  	s8 =	sshll.u32 s28, $0x1;
	[dreg:$0x2] =	wrdreg s6  }
0xb1: {  	[dreg:$0x3] =	wrdreg s8  }
0xb2: {  	[dreg:$0x4] =	wrdreg $0xC0  }
0xb3: {  	_ =	task [dreg:s10], $0x5FFFF  }
0xb4: {  	[dreg:$0x1] =	wrdreg $0xFFFFFFFF  }
0xb5: {  	[dreg:$0x0] =	wrdreg $0x60  }
0xb6: {  	[dreg:$0x2] =	wrdreg s24  }
0xb7: {  	[dreg:$0x3] =	wrdreg s15  }
0xb8: {  	[dreg:$0x4] =	wrdreg s4  }
0xb9: {  	[dreg:$0x5] =	wrdreg s5  }
0xba: {  	[dreg:$0x6] =	wrdreg s16  }
0xbb: {  	[dreg:$0x7] =	wrdreg $0x9  }
0xbc: {  	_ =	task.clear_ibuf [dreg:s10], $0x8FFFF;
	_ =	strace $0x90000046  }
0xbd: {  	s29 =	simm.s32 $0x9;
	_ =	strace $0x80000048  }
0xbe: {  	_ =	swait.ge [sflag:s29], $0x1  }
0xbf: {  	[sflag:s29] =	ssyncadd.s32 $0xFFFFFFFF  }
0xc0: {  	_ =	strace $0x90000048  }
0xc1: {  	_ =	sfence  }
0xc2: {  	s30 =	sld [smem:$0x0];
	_ =	sdelay $0x2  }
0xc3: {  	s31 =	sshll.u32 s1, $0xD;
	s1 =	sshrl.u32 s1, $0x2  }
0xc4: {  	s3 =	sand.u32 $0x4000, s31;
	s1 =	sadd.s32 s1, s30  }
0xc5: {  	s0 =	sor.u32 s3, s0;
	s1 =	sshll.u32 s1, $0x11  }
0xc6: {  	s0 =	sor.u32 s1, s0  }
0xc7: {  	s0 =	sadd.s32 $0x8F2B, s0  }
0xc8: {  	[sflag:s0] =	ssyncadd.remote.s32 $0x1  }
0xc9: {  	_ =	sfence.sel $0xFFFF  }
0xca: {  	[dreg:$0x0] =	wrdreg $0xFFFFFFFF;
	(pc) =	sbr.abs _section_cstart, $3  }
0xcb: {  	[dreg:$0x1] =	wrdreg $0xFFFFFFFF  }
0xcc: {  	_ =	task.clear_ibuf [dreg:s10], $0x2FFFF;
	_ =	strace $0x9FFFFFFF  }
0xcd: {  	(tm) =	ssettm $0x7FFFFFFF  }
tec
execute0_lowered:
.L_overlay_start_1:
0x0: {  	(tag) =	ssettag $0x1  }
0x1: {  	s0 =	rddreg [dreg:$0x0]  }
0x2: {  	s1 =	rddreg [dreg:$0x1]  }
0x3: {  	s2 =	rddreg [dreg:$0x2]  }
0x4: {  	s3 =	rddreg [dreg:$0x3]  }
0x5: {  	s4 =	rddreg [dreg:$0x4]  }
0x6: {  	s6 =	simm.s32 $0x0;
	s5 =	srdreg.scid;
	s13 =	stileid.u32  }
0x7: {  	p1 =	por $0x0, $0x0;
	p5 =	por $0x0, $0x0;
	s28 =	simm.s32 $0x6B00  }
0x8: {  	s29 =	simm.s32 $0xAB00;
	s30 =	simm.s32 $0x2;
	s31 =	simm.s32 $0x4  }
0x9: {  	[smem:$0x7FF] =	sst s6;
	s5 =	sand.u32 $0x1, s5;
	s7 =	sadd.s32 $0x600, s0  }
0xa: {  	s8 =	sshll.u32 s13, $0x1;
	s9 =	sadd.s32 $0xE00, s0;
	s0 =	sadd.s32 $0xC00, s0  }
0xb: {  	s16 =	sshll.u32 s13, $0x15;
	_ =	strace $0x80000047;
	[dreg:$0x6] =	wrdreg s7  }
0xc: {  	s17 =	ssub.s32 $0x2, s5;
	[dreg:$0x7] =	wrdreg s9;
	s9 =	sor.u32 s5, s8  }
0xd: {  	[dreg:$0x8] =	wrdreg s0;
	s8 =	sshrl.u32 s13, $0x2;
	s5 =	sshll.u32 s5, $0x14  }
0xe: {  	s13 =	sadd.s32 $0x400000, s4;
	s10 =	sshrl.u32 s17, $0x1;
	s19 =	sand.u32 $0x7, s9  }
0xf: {  	s20 =	sshll.u32 s9, $0x1;
	p2 =	seq.s32 s8, $0x1;
	p4 =	seq.s32 s8, $0x2  }
0x10: {  	p3 =	sne.s32 s8, $0x3;
	p0 =	seq.s32 s8, $0x3;
	s11 =	sshll.u32 s9, $0x14  }
0x11: {  	s5 =	sor.u32 s5, s16;
	p6 =	seq.s32 s8, $0x0;
	s18 =	ssub.s32 s17, s10  }
0x12: {  	s7 =	smul.u32 $0x4B6, s19;
	s12 =	sor.u32 $0x80000, s11;
	s10 =	sand.u32 $0xE, s20  }
0x13: {  	s17 =	smov.u32 s1;
	s22 =	sor.u32 $0x2080000, s5;
	s23 =	sadd.s32 $0x2100000, s5  }
0x14: {  	s25 =	sor.u32 $0x2082000, s5;
	p1 =	por @!p6 p3, p3;
	p3 =	por $0x0, $0x0  }
0x15: {  	p5 =	por @!p6 p4, p4;
	p4 =	por $0x0, $0x0;
	s20 =	sadd.s32 $0x400400, s4  }
0x16: {  	s10 =	smul.u32 $0x25B, s10;
	s0 =	smax.u32 s18, $0x1;
	s17 =	smov.u32 @p0 s3  }
0x17: {  	s18 =	sadd.s32 $0x2102000, s5;
	s24 =	sshrl.u32 s23, $0x3;
	p4 =	por @!p6 p2, p2  }
0x18: {  	s23 =	simm.s32 $0x2700;
	p3 =	por @!p6 p0, p0;
	p0 =	sne.s32 s9, $0x1  }
0x19: {  	s14 =	sadd.s32 $0x81, s7;
	s15 =	sadd.s32 $0x99, s7;
	[dreg:$0xa] =	wrdreg s0  }
0x1a: {  	s21 =	sadd.s32 $0x19A, s7;
	[dreg:$0x9] =	wrdreg s17;
	s0 =	sshrl.u32 s22, $0x3  }
0x1b: {  	v6 =	vimm.s32 $0xC080400;
	s18 =	sshrl.u32 s18, $0x3;
	s17 =	sadd.s32 s24, s4;
	s5 =	simm.s32 @!p4 $0x0  }
0x1c: {  	v7 =	vimm.s32 $0x1C181410;
	v8 =	vunpack.c.0.s8.s32 v6;
	s22 =	simm.s32 $0x2600;
	s24 =	simm.s32 $0x3;
	s16 =	sadd.s32 s0, s4  }
0x1d: {  	vm0 =	vcmask $0xF00;
	v10 =	vunpack.c.0.s8.s32 v7;
	s18 =	sadd.s32 s18, s4;
	s0 =	sshrl.u32 s25, $0x3;
	s26 =	sadd.s32 $0x25B, s10  }
0x1e: {  	vm15 =	vcmask $0x1F10;
	v11 =	vnsel vm0, $0x1C, v8;
	s5 =	simm.s32 @p4 $0x1;
	s25 =	simm.s32 $0x0;
	s19 =	sadd.s32 s0, s4  }
0x1f: {  	v4 =	vmov s8;
	v10 =	vsel vm15, v10, v11;
	s0 =	simm.s32 @!p5 $0x0;
	[smem:$0x7FC] =	sst s5;
	s5 =	simm.s32 @!p6 $0x0  }
0x20: {  	v0 =	vmov s7;
	v1 =	vmov s14;
	v6 =	vmov s26;
	s26 =	simm.s32 $0x1;
	s0 =	simm.s32 @p5 $0x1;
	p5 =	sne.s32 s8, $0x0  }
0x21: {  	v2 =	vmov s15;
	v3 =	vmov s21;
	v5 =	vmov s10;
	s5 =	simm.s32 @p6 $0x1;
	p6 =	sne.s32 s9, $0x0;
	[smem:$0x7FB] =	sst s0  }
0x22: {  	v7 =	vadd.s32 $0x25B, v0;
	v8 =	vadd.s32 $0x25B, v2;
	v9 =	vadd.s32 $0x25B, v3;
	[smem:$0x7FD] =	sst s5;
	s0 =	simm.s32 $0x8B00;
	s5 =	simm.s32 $0xCB00  }
.LBB2_1:
0x23: {  	s7 =	rddreg [dreg:$0x6];
	s8 =	simm.s32 $0x5  }
0x24: {  	[tilespmem:s6], [sflag:$0x5] =	stream.linear.gather [hbm4b:s7+s6], $0x2600, $0x38;
	[tilespmem:$0x12B00] =	vst v63  }
0x25: {  	_ =	swait.ge [sflag:s8], $0x2600  }
0x26: {  	[sflag:s8] =	ssyncset.done $0x0  }
0x27: {  	s21 =	rddreg [dreg:$0x7];
	[sflag:s8] =	ssyncadd.s32 $0xFFFFDA00  }
0x28: {  	[tilespmem:s22], [sflag:$0x5] =	stream.linear.gather [hbm4b:s21+s6], $0x100, $0x38;
	[tilespmem:$0x12B00] =	vst v63  }
0x29: {  	_ =	swait.ge [sflag:s8], $0x100  }
0x2a: {  	[sflag:s8] =	ssyncset.done $0x0  }
0x2b: {  	s10 =	rddreg [dreg:$0x8];
	[sflag:s8] =	ssyncadd.s32 $0xFFFFFF00  }
0x2c: {  	[tilespmem:s23], [sflag:$0x5] =	stream.linear.gather [hbm4b:s10+s6], $0x400, $0x38;
	[tilespmem:$0x12B00] =	vst v63  }
0x2d: {  	_ =	swait.ge [sflag:s8], $0x400  }
0x2e: {  	s14 =	sld [smem:$0x7FD];
	_ =	sdelay $0x2  }
0x2f: {  	[sflag:s8] =	ssyncset.done $0x0;
	s7 =	rddreg [dreg:$0x9];
	p2 =	seq.s32 s14, $0x1  }
0x30: {  	s15 =	simm.s32 $0x2B00;
	[sflag:s8] =	ssyncadd.s32 $0xFFFFFC00;
	s7 =	smov.u32 @p2 s2  }
0x31: {  	[tilespmem:s15], [sflag:$0x1] =	stream.linear.gather [hbm4b:s7+s6], $0x2000, $0x38;
	[tilespmem:$0x12B00] =	vst v63  }
0x32: {  	s21 =	simm.s32 $0x4B00;
	s7 =	sadd.s32 $0x400, s7  }
0x33: {  	[tilespmem:s21], [sflag:$0x2] =	stream.linear.gather [hbm4b:s7+s6], $0x2000, $0x38;
	[tilespmem:$0x12B00] =	vst v63  }
0x34: {  	s7 =	simm.s32 $0x0  }
.LBB2_2:
0x35: {  	_ =	swait.ge [sflag:s26], $0x2000  }
0x36: {  	p2 =	seq.s32 s7, $0x0;
	[sflag:s26] =	ssyncset.done $0x0  }
0x37: {  	s8 =	simm.s32 @!p2 $0x3;
	[sflag:s26] =	ssyncadd.s32 $0xFFFFE000  }
0x38: {  	_ =	swait.ge @!p2 [sflag:s8], $0x2000  }
0x39: {  	[sflag:s8] =	ssyncset.done @!p2 $0x0  }
0x3a: {  	[sflag:s8] =	ssyncadd.s32 @!p2 $0xFFFFE000  }
0x3b: {  	p4 =	sne.s32 @!p2 s9, $0x0;
	_ =	swait.ge @!p2 [sflag:s8], $0x2000  }
.Ltmp0:
0x3c: {  	p4 =	por p4, p2;
	[sflag:s8] =	ssyncset.done @!p2 $0x0;
	(pc) =	sbr.rel @p5 .LBB2_6-.Ltmp0, $4  }
0x3d: {  	[sflag:s8] =	ssyncadd.s32 @!p2 $0xFFFFE000;
	s8 =	simm.s32 @!p4 $0x3  }
0x3e: {  	_ =	swait.ge @!p4 [sflag:s8], $0x2000  }
0x3f: {  	[sflag:s8] =	ssyncset.done @!p4 $0x0  }
0x40: {  	[sflag:s8] =	ssyncadd.s32 @!p4 $0xFFFFE000  }
0x41: {  	s8 =	simm.s32 $0x0  }
0x42: {  	v12 =	vld [tilespmem:s8+$0x2B00];
	_ =	sdelay $0x4  }
0x43: {  	v11 =	vadd.s32 v0, v12;
	_ =	sdelay $0x4  }
0x44: {  	v11 =	vld.idx.msk [tilespmem:v11+s6+$0x0], $0xffff  }
0x45: {  	v12 =	vadd.s32 v7, v12  }
0x46: {  	s10 =	simm.s32 $0x10;
	s14 =	simm.s32 $0x80  }
.LBB2_4:
0x47: {  	p4 =	sne.s32 s14, $0x7FC0;
	v13 =	vld [tilespmem:s10+$0x2B00];
	_ =	sdelay $0x1  }
0x48: {  	[tilespmem:s8+$0x6B00] =	vst v11  }
0x49: {  	v11 =	vld.idx.msk [tilespmem:v12+s6+$0x0], $0xffff;
	_ =	sdelay $0x1  }
0x4a: {  	v12 =	vadd.s32 v0, v13;
	_ =	sdelay $0x3  }
.Ltmp1:
0x4b: {  	[tilespmem:s8+$0xAB00] =	vst v11;
	s8 =	smov.u32 s10;
	(pc) =	sbr.rel @p4 .LBB2_4-.Ltmp1, $3  }
0x4c: {  	v11 =	vld.idx.msk [tilespmem:v12+s6+$0x0], $0xffff;
	_ =	sdelay $0x1  }
0x4d: {  	v12 =	vadd.s32 v7, v13  }
0x4e: {  	s10 =	sshra.s32 s14, $0x2;
	s14 =	sadd.s32 $0x40, s14  }
0x4f: {  	v13 =	vld [tilespmem:s10+$0x2B00];
	_ =	sdelay $0x2  }
0x50: {  	[tilespmem:s8+$0x6B00] =	vst v11  }
0x51: {  	v11 =	vld.idx.msk [tilespmem:v12+s6+$0x0], $0xffff  }
0x52: {  	v62 =	vadd.s32 v0, v13;
	_ =	sdelay $0x3  }
0x53: {  	[tilespmem:s8+$0xAB00] =	vst v11  }
0x54: {  	v11 =	vld.idx.msk [tilespmem:v62+s6+$0x0], $0xffff  }
0x55: {  	v63 =	vadd.s32 v7, v13;
	_ =	sdelay $0x3  }
0x56: {  	[tilespmem:s10+$0x6B00] =	vst v11  }
0x57: {  	v11 =	vld.idx.msk [tilespmem:v63+s6+$0x0], $0xffff;
	_ =	sdelay $0x4  }
0x58: {  	[tilespmem:s10+$0xAB00] =	vst v11  }
.LBB2_6:
0x59: {  	s8 =	sld [smem:$0x7FC];
	_ =	sdelay $0x2  }
0x5a: {  	p4 =	seq.s32 s8, $0x1  }
.Ltmp2:
0x5b: {  	_ = 	snop;
	(pc) =	sbr.rel @!p4 .LBB2_10-.Ltmp2, $1  }
0x5c: {  	_ =	sdelay $0x3  }
0x5d: {  	s10 =	simm.s32 $0x0  }
0x5e: {  	v11 =	vld [tilespmem:s10+$0x2B00];
	_ =	sdelay $0x4  }
0x5f: {  	v12 =	vmul.u32 $0xAAAB, v11;
	_ =	sdelay $0x1  }
0x60: {  	v12 =	vshra.s32 v12, $0x14  }
0x61: {  	v12 =	vmul.u32 $0xFFFFFFE8, v12  }
0x62: {  	v11 =	vadd.s32 v1, v11  }
0x63: {  	v11 =	vadd.s32 v12, v11  }
0x64: {  	s8 =	simm.s32 $0x10  }
0x65: {  	v12 =	vld [tilespmem:s8+$0x2B00];
	_ =	sdelay $0x2  }
0x66: {  	v13 =	vld.idx.msk [tilespmem:v11+s6+$0x0], $0xffff  }
0x67: {  	v11 =	vadd.s32 $0x25B, v11  }
0x68: {  	v14 =	vmul.u32 $0xAAAB, v12;
	_ =	sdelay $0x1  }
0x69: {  	v14 =	vshra.s32 v14, $0x14  }
0x6a: {  	v14 =	vmul.u32 $0xFFFFFFE8, v14;
	[tilespmem:s10+$0x6B00] =	vst v13  }
0x6b: {  	v13 =	vadd.s32 v1, v12;
	v12 =	vld.idx.msk [tilespmem:v11+s6+$0x0], $0xffff  }
0x6c: {  	v11 =	vadd.s32 v14, v13;
	_ =	sdelay $0x2  }
0x6d: {  	s14 =	simm.s32 $0x20;
	s15 =	simm.s32 $0xC0  }
.LBB2_8:
0x6e: {  	p4 =	sne.s32 s15, $0x7FC0;
	v13 =	vld [tilespmem:s14+$0x2B00];
	[tilespmem:s10+$0xAB00] =	vst v12;
	s10 =	smov.u32 s8;
	s8 =	smov.u32 s14  }
0x6f: {  	v12 =	vld.idx.msk [tilespmem:v11+s6+$0x0], $0xffff;
	_ =	sdelay $0x1  }
0x70: {  	v11 =	vadd.s32 $0x25B, v11;
	_ =	sdelay $0x1  }
0x71: {  	v14 =	vmul.u32 $0xAAAB, v13;
	_ =	sdelay $0x1  }
0x72: {  	v14 =	vshra.s32 v14, $0x14;
	[tilespmem:s10+$0x6B00] =	vst v12  }
0x73: {  	v14 =	vmul.u32 $0xFFFFFFE8, v14;
	v12 =	vld.idx.msk [tilespmem:v11+s6+$0x0], $0xffff  }
.Ltmp3:
0x74: {  	v11 =	vadd.s32 v1, v13;
	(pc) =	sbr.rel @p4 .LBB2_8-.Ltmp3, $2  }
0x75: {  	v11 =	vadd.s32 v14, v11;
	_ =	sdelay $0x2  }
0x76: {  	s14 =	sshra.s32 s15, $0x2;
	s15 =	sadd.s32 $0x40, s15  }
0x77: {  	_ = 	snop  }
0x78: {  	v13 =	vld [tilespmem:s14+$0x2B00];
	_ =	sdelay $0x1  }
0x79: {  	[tilespmem:s10+$0xAB00] =	vst v12  }
0x7a: {  	v12 =	vld.idx.msk [tilespmem:v11+s6+$0x0], $0xffff  }
0x7b: {  	v11 =	vadd.s32 $0x25B, v11  }
0x7c: {  	v14 =	vmul.u32 $0xAAAB, v13;
	_ =	sdelay $0x1  }
0x7d: {  	v14 =	vshra.s32 v14, $0x14  }
0x7e: {  	[tilespmem:s8+$0x6B00] =	vst v12;
	v63 =	vmul.u32 $0xFFFFFFE8, v14  }
0x7f: {  	v13 =	vadd.s32 v1, v13;
	v11 =	vld.idx.msk [tilespmem:v11+s6+$0x0], $0xffff  }
0x80: {  	v12 =	vadd.s32 v63, v13;
	_ =	sdelay $0x3  }
0x81: {  	[tilespmem:s8+$0xAB00] =	vst v11  }
0x82: {  	v11 =	vld.idx.msk [tilespmem:v12+s6+$0x0], $0xffff  }
0x83: {  	v12 =	vadd.s32 $0x25B, v12;
	_ =	sdelay $0x3  }
0x84: {  	[tilespmem:s14+$0x6B00] =	vst v11  }
0x85: {  	v11 =	vld.idx.msk [tilespmem:v12+s6+$0x0], $0xffff;
	_ =	sdelay $0x4  }
0x86: {  	[tilespmem:s14+$0xAB00] =	vst v11  }
.LBB2_10:
0x87: {  	s8 =	sld [smem:$0x7FB];
	_ =	sdelay $0x2  }
0x88: {  	p4 =	seq.s32 s8, $0x1  }
.Ltmp4:
0x89: {  	_ = 	snop;
	(pc) =	sbr.rel @!p4 .LBB2_14-.Ltmp4, $1  }
0x8a: {  	_ =	sdelay $0x3  }
0x8b: {  	s10 =	simm.s32 $0x0  }
0x8c: {  	v11 =	vld [tilespmem:s10+$0x2B00];
	_ =	sdelay $0x4  }
0x8d: {  	v11 =	vmul.u32 $0xAAAB, v11;
	_ =	sdelay $0x1  }
0x8e: {  	v11 =	vshra.s32 v11, $0x14  }
0x8f: {  	vm0 =	vlt.s32 v11, $0x100  }
0x90: {  	v11 =	vnsel vm0, $0x100, v11  }
0x91: {  	v12 =	vadd.s32 v2, v11  }
0x92: {  	s8 =	simm.s32 $0x10  }
0x93: {  	v13 =	vld [tilespmem:s8+$0x2B00];
	_ =	sdelay $0x2  }
0x94: {  	v12 =	vld.idx.msk [tilespmem:v12+s6+$0x0], $0xffff  }
0x95: {  	v14 =	vadd.s32 v8, v11  }
0x96: {  	v11 =	vmul.u32 $0xAAAB, v13;
	_ =	sdelay $0x1  }
0x97: {  	v11 =	vshra.s32 v11, $0x14  }
0x98: {  	vm15 =	vlt.s32 v11, $0x100;
	[tilespmem:s10+$0x6B00] =	vst v12  }
0x99: {  	v11 =	vnsel vm15, $0x100, v11;
	v12 =	vld.idx.msk [tilespmem:v14+s6+$0x0], $0xffff  }
0x9a: {  	v13 =	vadd.s32 v2, v11;
	_ =	sdelay $0x2  }
0x9b: {  	s14 =	simm.s32 $0x20;
	s15 =	simm.s32 $0xC0  }
.LBB2_12:
0x9c: {  	p4 =	sne.s32 s15, $0x7FC0;
	v14 =	vld [tilespmem:s14+$0x2B00];
	[tilespmem:s10+$0xAB00] =	vst v12;
	s10 =	smov.u32 s8;
	s8 =	smov.u32 s14  }
0x9d: {  	v12 =	vld.idx.msk [tilespmem:v13+s6+$0x0], $0xffff;
	_ =	sdelay $0x1  }
0x9e: {  	v11 =	vadd.s32 v8, v11;
	_ =	sdelay $0x1  }
0x9f: {  	v13 =	vmul.u32 $0xAAAB, v14;
	_ =	sdelay $0x1  }
0xa0: {  	v13 =	vshra.s32 v13, $0x14;
	[tilespmem:s10+$0x6B00] =	vst v12  }
0xa1: {  	vm0 =	vlt.s32 v13, $0x100;
	v12 =	vld.idx.msk [tilespmem:v11+s6+$0x0], $0xffff  }
.Ltmp5:
0xa2: {  	v11 =	vnsel vm0, $0x100, v13;
	(pc) =	sbr.rel @p4 .LBB2_12-.Ltmp5, $2  }
0xa3: {  	v13 =	vadd.s32 v2, v11;
	_ =	sdelay $0x2  }
0xa4: {  	s14 =	sshra.s32 s15, $0x2;
	s15 =	sadd.s32 $0x40, s15  }
0xa5: {  	_ = 	snop  }
0xa6: {  	v14 =	vld [tilespmem:s14+$0x2B00];
	_ =	sdelay $0x1  }
0xa7: {  	[tilespmem:s10+$0xAB00] =	vst v12  }
0xa8: {  	v12 =	vld.idx.msk [tilespmem:v13+s6+$0x0], $0xffff  }
0xa9: {  	v11 =	vadd.s32 v8, v11  }
0xaa: {  	v62 =	vmul.u32 $0xAAAB, v14;
	_ =	sdelay $0x1  }
0xab: {  	v13 =	vshra.s32 v62, $0x14  }
0xac: {  	[tilespmem:s8+$0x6B00] =	vst v12;
	vm0 =	vlt.s32 v13, $0x100  }
0xad: {  	v11 =	vld.idx.msk [tilespmem:v11+s6+$0x0], $0xffff;
	v63 =	vnsel vm0, $0x100, v13  }
0xae: {  	v13 =	vadd.s32 v2, v63;
	_ =	sdelay $0x3  }
0xaf: {  	[tilespmem:s8+$0xAB00] =	vst v11  }
0xb0: {  	v11 =	vld.idx.msk [tilespmem:v13+s6+$0x0], $0xffff  }
0xb1: {  	v12 =	vadd.s32 v8, v63;
	_ =	sdelay $0x3  }
0xb2: {  	[tilespmem:s14+$0x6B00] =	vst v11  }
0xb3: {  	v11 =	vld.idx.msk [tilespmem:v12+s6+$0x0], $0xffff;
	_ =	sdelay $0x4  }
0xb4: {  	[tilespmem:s14+$0xAB00] =	vst v11  }
.LBB2_14:
.Ltmp6:
0xb5: {  	(pc) =	sbr.rel @!p3 .LBB2_18-.Ltmp6, $1  }
0xb6: {  	_ =	sdelay $0x3  }
0xb7: {  	s8 =	simm.s32 $0x0  }
0xb8: {  	v11 =	vld [tilespmem:s8+$0x2B00];
	_ =	sdelay $0x4  }
0xb9: {  	vm0 =	vlt.s32 v11, $0xC0  }
0xba: {  	v11 =	vnsel vm0, $0xC0, v11  }
0xbb: {  	v12 =	vadd.s32 v3, v11;
	_ =	sdelay $0x4  }
0xbc: {  	s10 =	simm.s32 $0x10;
	s14 =	simm.s32 $0x80;
	v12 =	vld.idx.msk [tilespmem:v12+s6+$0x0], $0xffff  }
.LBB2_16:
0xbd: {  	p4 =	sne.s32 s14, $0x7FC0;
	v13 =	vld [tilespmem:s10+$0x2B00];
	v11 =	vadd.s32 v9, v11;
	_ =	sdelay $0x3  }
0xbe: {  	[tilespmem:s8+$0x6B00] =	vst v12  }
0xbf: {  	vm0 =	vlt.s32 v13, $0xC0;
	v12 =	vld.idx.msk [tilespmem:v11+s6+$0x0], $0xffff  }
0xc0: {  	v11 =	vnsel vm0, $0xC0, v13  }
0xc1: {  	v13 =	vadd.s32 v3, v11;
	_ =	sdelay $0x1  }
.Ltmp7:
0xc2: {  	(pc) =	sbr.rel @p4 .LBB2_16-.Ltmp7, $4  }
0xc3: {  	_ = 	snop  }
0xc4: {  	[tilespmem:s8+$0xAB00] =	vst v12;
	s8 =	smov.u32 s10  }
0xc5: {  	v12 =	vld.idx.msk [tilespmem:v13+s6+$0x0], $0xffff  }
0xc6: {  	s10 =	sshra.s32 s14, $0x2;
	s14 =	sadd.s32 $0x40, s14  }
0xc7: {  	v13 =	vld [tilespmem:s10+$0x2B00]  }
0xc8: {  	v11 =	vadd.s32 v9, v11;
	_ =	sdelay $0x3  }
0xc9: {  	[tilespmem:s8+$0x6B00] =	vst v12;
	vm0 =	vlt.s32 v13, $0xC0  }
0xca: {  	v11 =	vld.idx.msk [tilespmem:v11+s6+$0x0], $0xffff;
	v63 =	vnsel vm0, $0xC0, v13  }
0xcb: {  	v13 =	vadd.s32 v3, v63;
	_ =	sdelay $0x3  }
0xcc: {  	[tilespmem:s8+$0xAB00] =	vst v11  }
0xcd: {  	v11 =	vld.idx.msk [tilespmem:v13+s6+$0x0], $0xffff  }
0xce: {  	v12 =	vadd.s32 v9, v63;
	_ =	sdelay $0x3  }
0xcf: {  	[tilespmem:s10+$0x6B00] =	vst v11  }
0xd0: {  	v11 =	vld.idx.msk [tilespmem:v12+s6+$0x0], $0xffff;
	_ =	sdelay $0x4  }
0xd1: {  	[tilespmem:s10+$0xAB00] =	vst v11  }
.LBB2_18:
.Ltmp8:
0xd2: {  	(pc) =	sbr.rel @p6 .LBB2_22-.Ltmp8, $1  }
0xd3: {  	_ =	sdelay $0x3  }
0xd4: {  	s8 =	simm.s32 $0x0  }
0xd5: {  	v11 =	vld [tilespmem:s8+$0x2B00];
	_ =	sdelay $0x7  }
0xd6: {  	s10 =	simm.s32 $0x10;
	s14 =	simm.s32 $0x80;
	v11 =	vld.idx.msk [tilespmem:v11+s22+$0x0], $0xffff  }
.LBB2_20:
0xd7: {  	p4 =	sne.s32 s14, $0x7FC0;
	v12 =	vld [tilespmem:s10+$0x2B00];
	_ =	sdelay $0x3  }
.Ltmp9:
0xd8: {  	(pc) =	sbr.rel @p4 .LBB2_20-.Ltmp9, $2  }
0xd9: {  	[tilespmem:s8+$0xEB00] =	vst v11;
	s8 =	smov.u32 s10;
	_ =	sdelay $0x2  }
0xda: {  	s10 =	sshra.s32 s14, $0x2;
	s14 =	sadd.s32 $0x40, s14;
	v11 =	vld.idx.msk [tilespmem:v12+s22+$0x0], $0xffff  }
0xdb: {  	v12 =	vld [tilespmem:s10+$0x2B00];
	_ =	sdelay $0x6  }
0xdc: {  	[tilespmem:s8+$0xEB00] =	vst v11  }
0xdd: {  	v11 =	vld.idx.msk [tilespmem:v12+s22+$0x0], $0xffff;
	_ =	sdelay $0x4  }
0xde: {  	[tilespmem:s10+$0xEB00] =	vst v11  }
.LBB2_22:
0xdf: {  	s8 =	sshll.u32 s7, $0xE  }
0xe0: {  	s10 =	sor.u32 s11, s8  }
0xe1: {  	s10 =	sshrl.u32 s10, $0x3  }
0xe2: {  	s21 =	sor.u32 s12, s8;
	s10 =	sadd.s32 s4, s10  }
0xe3: {  	[hbm4b:s10+s6] =	stream.linear.scatter [tilespmem:s28], [sflag:$0x3], $0x2000, $0x38;
	[tilespmem:$0x12B00] =	vst v63  }
0xe4: {  	p4 =	sne.s32 s7, $0x1F;
	s10 =	sshrl.u32 s21, $0x3  }
.Ltmp10:
0xe5: {  	s10 =	sadd.s32 s4, s10;
	(pc) =	sbr.rel @p4 .LBB2_24-.Ltmp10, $4  }
0xe6: {  	[hbm4b:s10+s6] =	stream.linear.scatter [tilespmem:s29], [sflag:$0x3], $0x2000, $0x38;
	[tilespmem:$0x12B00] =	vst v63  }
0xe7: {  	s10 =	sshll.u32 @!p6 s7, $0xB  }
0xe8: {  	s14 =	simm.s32 @!p6 $0x0;
	s15 =	simm.s32 @!p6 $0xEB00;
	s10 =	sadd.s32 @!p6 s10, s13  }
0xe9: {  	[hbm4b:s10+s14] =	stream.linear.scatter @!p6 [tilespmem:s15], [sflag:$0x3], $0x2000, $0x38;
	[tilespmem:$0x12B00] =	vst v63  }
.Ltmp11:
0xea: {  	(pc) =	sbr.rel .LBB2_25-.Ltmp11, $4  }
0xeb: {  	_ = 	snop  }
0xec: {  	_ =	swait.ge [sflag:s30], $0x2000  }
0xed: {  	[sflag:s30] =	ssyncset.done $0x0  }
0xee: {  	[sflag:s30] =	ssyncadd.s32 $0xFFFFE000  }
.LBB2_24:
0xef: {  	s10 =	sadd.s32 $0x4000, s8  }
0xf0: {  	s14 =	sshrl.u32 @!p5 s10, $0x3  }
0xf1: {  	s15 =	simm.s32 @!p5 $0x0;
	s21 =	simm.s32 @!p5 $0x2B00;
	s14 =	sadd.s32 @!p5 s2, s14  }
0xf2: {  	[tilespmem:s21], [sflag:$0x1] =	stream.linear.gather @!p5 [hbm4b:s14+s15], $0x2000, $0x38;
	[tilespmem:$0x12B00] =	vst v63  }
0xf3: {  	s14 =	sshrl.u32 @p1 s10, $0x3;
	s15 =	simm.s32 @p1 $0x0;
	s10 =	sshrl.u32 @p3 s10, $0x3  }
0xf4: {  	s21 =	simm.s32 @p1 $0x2B00;
	s14 =	sadd.s32 @p1 s1, s14;
	s10 =	sadd.s32 @p3 s3, s10  }
0xf5: {  	[tilespmem:s21], [sflag:$0x1] =	stream.linear.gather @p1 [hbm4b:s14+s15], $0x2000, $0x38;
	[tilespmem:$0x12B00] =	vst v63  }
.Ltmp12:
0xf6: {  	s14 =	simm.s32 @p3 $0x0;
	s15 =	simm.s32 @p3 $0x2B00;
	(pc) =	sbr.rel @p2 .LBB2_26-.Ltmp12, $4  }
0xf7: {  	[tilespmem:s15], [sflag:$0x1] =	stream.linear.gather @p3 [hbm4b:s10+s14], $0x2000, $0x38;
	[tilespmem:$0x12B00] =	vst v63  }
0xf8: {  	_ =	swait.ge [sflag:s30], $0x2000  }
0xf9: {  	[sflag:s30] =	ssyncset.done $0x0  }
0xfa: {  	[sflag:s30] =	ssyncadd.s32 $0xFFFFE000  }
.LBB2_25:
0xfb: {  	_ =	swait.ge [sflag:s31], $0x2000  }
0xfc: {  	[sflag:s31] =	ssyncset.done $0x0  }
0xfd: {  	[sflag:s31] =	ssyncadd.s32 $0xFFFFE000  }
0xfe: {  	_ =	swait.ge [sflag:s31], $0x2000  }
0xff: {  	[sflag:s31] =	ssyncset.done $0x0  }
0x100: {  	s10 =	simm.s32 @!p0 $0x4;
	[sflag:s31] =	ssyncadd.s32 $0xFFFFE000  }
0x101: {  	_ =	swait.ge @!p0 [sflag:s10], $0x2000  }
0x102: {  	[sflag:s10] =	ssyncset.done @!p0 $0x0  }
0x103: {  	[sflag:s10] =	ssyncadd.s32 @!p0 $0xFFFFE000  }
.LBB2_26:
.Ltmp13:
0x104: {  	(pc) =	sbr.rel @p5 .LBB2_30-.Ltmp13, $1  }
0x105: {  	_ =	sdelay $0x3  }
0x106: {  	s10 =	simm.s32 $0x0  }
0x107: {  	v12 =	vld [tilespmem:s10+$0x4B00];
	_ =	sdelay $0x4  }
0x108: {  	v11 =	vadd.s32 v0, v12;
	_ =	sdelay $0x4  }
0x109: {  	v11 =	vld.idx.msk [tilespmem:v11+s6+$0x0], $0xffff  }
0x10a: {  	v12 =	vadd.s32 v7, v12  }
0x10b: {  	s14 =	simm.s32 $0x10;
	s15 =	simm.s32 $0x80  }
.LBB2_28:
0x10c: {  	p2 =	sne.s32 s15, $0x7FC0;
	v13 =	vld [tilespmem:s14+$0x4B00];
	_ =	sdelay $0x1  }
0x10d: {  	[tilespmem:s10+$0x8B00] =	vst v11  }
0x10e: {  	v11 =	vld.idx.msk [tilespmem:v12+s6+$0x0], $0xffff;
	_ =	sdelay $0x1  }
0x10f: {  	v12 =	vadd.s32 v0, v13;
	_ =	sdelay $0x3  }
.Ltmp14:
0x110: {  	[tilespmem:s10+$0xCB00] =	vst v11;
	s10 =	smov.u32 s14;
	(pc) =	sbr.rel @p2 .LBB2_28-.Ltmp14, $3  }
0x111: {  	v11 =	vld.idx.msk [tilespmem:v12+s6+$0x0], $0xffff;
	_ =	sdelay $0x1  }
0x112: {  	v12 =	vadd.s32 v7, v13  }
0x113: {  	s14 =	sshra.s32 s15, $0x2;
	s15 =	sadd.s32 $0x40, s15  }
0x114: {  	v13 =	vld [tilespmem:s14+$0x4B00];
	_ =	sdelay $0x2  }
0x115: {  	[tilespmem:s10+$0x8B00] =	vst v11  }
0x116: {  	v11 =	vld.idx.msk [tilespmem:v12+s6+$0x0], $0xffff  }
0x117: {  	v62 =	vadd.s32 v0, v13;
	_ =	sdelay $0x3  }
0x118: {  	[tilespmem:s10+$0xCB00] =	vst v11  }
0x119: {  	v11 =	vld.idx.msk [tilespmem:v62+s6+$0x0], $0xffff  }
0x11a: {  	v63 =	vadd.s32 v7, v13;
	_ =	sdelay $0x3  }
0x11b: {  	[tilespmem:s14+$0x8B00] =	vst v11  }
0x11c: {  	v11 =	vld.idx.msk [tilespmem:v63+s6+$0x0], $0xffff;
	_ =	sdelay $0x4  }
0x11d: {  	[tilespmem:s14+$0xCB00] =	vst v11  }
.LBB2_30:
0x11e: {  	s10 =	sld [smem:$0x7FC];
	_ =	sdelay $0x2  }
0x11f: {  	p2 =	seq.s32 s10, $0x1  }
.Ltmp15:
0x120: {  	_ = 	snop;
	(pc) =	sbr.rel @!p2 .LBB2_34-.Ltmp15, $1  }
0x121: {  	_ =	sdelay $0x3  }
0x122: {  	s15 =	simm.s32 $0x0  }
0x123: {  	v11 =	vld [tilespmem:s15+$0x4B00];
	_ =	sdelay $0x4  }
0x124: {  	v12 =	vmul.u32 $0xAAAB, v11;
	_ =	sdelay $0x1  }
0x125: {  	v12 =	vshra.s32 v12, $0x14  }
0x126: {  	v12 =	vmul.u32 $0xFFFFFFE8, v12  }
0x127: {  	v11 =	vadd.s32 v1, v11  }
0x128: {  	v11 =	vadd.s32 v12, v11  }
0x129: {  	s10 =	simm.s32 $0x10  }
0x12a: {  	v12 =	vld [tilespmem:s10+$0x4B00];
	_ =	sdelay $0x2  }
0x12b: {  	v13 =	vld.idx.msk [tilespmem:v11+s6+$0x0], $0xffff  }
0x12c: {  	v11 =	vadd.s32 $0x25B, v11  }
0x12d: {  	v14 =	vmul.u32 $0xAAAB, v12;
	_ =	sdelay $0x1  }
0x12e: {  	v14 =	vshra.s32 v14, $0x14  }
0x12f: {  	v14 =	vmul.u32 $0xFFFFFFE8, v14;
	[tilespmem:s15+$0x8B00] =	vst v13  }
0x130: {  	v13 =	vadd.s32 v1, v12;
	v12 =	vld.idx.msk [tilespmem:v11+s6+$0x0], $0xffff  }
0x131: {  	v11 =	vadd.s32 v14, v13;
	_ =	sdelay $0x2  }
0x132: {  	s21 =	simm.s32 $0x20;
	s14 =	simm.s32 $0xC0  }
.LBB2_32:
0x133: {  	p2 =	sne.s32 s14, $0x7FC0;
	v13 =	vld [tilespmem:s21+$0x4B00];
	[tilespmem:s15+$0xCB00] =	vst v12;
	s15 =	smov.u32 s10;
	s10 =	smov.u32 s21  }
0x134: {  	v12 =	vld.idx.msk [tilespmem:v11+s6+$0x0], $0xffff;
	_ =	sdelay $0x1  }
0x135: {  	v11 =	vadd.s32 $0x25B, v11;
	_ =	sdelay $0x1  }
0x136: {  	v14 =	vmul.u32 $0xAAAB, v13;
	_ =	sdelay $0x1  }
0x137: {  	v14 =	vshra.s32 v14, $0x14;
	[tilespmem:s15+$0x8B00] =	vst v12  }
0x138: {  	v14 =	vmul.u32 $0xFFFFFFE8, v14;
	v12 =	vld.idx.msk [tilespmem:v11+s6+$0x0], $0xffff  }
.Ltmp16:
0x139: {  	v11 =	vadd.s32 v1, v13;
	(pc) =	sbr.rel @p2 .LBB2_32-.Ltmp16, $2  }
0x13a: {  	v11 =	vadd.s32 v14, v11;
	_ =	sdelay $0x2  }
0x13b: {  	s21 =	sshra.s32 s14, $0x2;
	s14 =	sadd.s32 $0x40, s14  }
0x13c: {  	_ = 	snop  }
0x13d: {  	v13 =	vld [tilespmem:s21+$0x4B00];
	_ =	sdelay $0x1  }
0x13e: {  	[tilespmem:s15+$0xCB00] =	vst v12  }
0x13f: {  	v12 =	vld.idx.msk [tilespmem:v11+s6+$0x0], $0xffff  }
0x140: {  	v11 =	vadd.s32 $0x25B, v11  }
0x141: {  	v14 =	vmul.u32 $0xAAAB, v13;
	_ =	sdelay $0x1  }
0x142: {  	v14 =	vshra.s32 v14, $0x14  }
0x143: {  	[tilespmem:s10+$0x8B00] =	vst v12;
	v63 =	vmul.u32 $0xFFFFFFE8, v14  }
0x144: {  	v13 =	vadd.s32 v1, v13;
	v11 =	vld.idx.msk [tilespmem:v11+s6+$0x0], $0xffff  }
0x145: {  	v12 =	vadd.s32 v63, v13;
	_ =	sdelay $0x3  }
0x146: {  	[tilespmem:s10+$0xCB00] =	vst v11  }
0x147: {  	v11 =	vld.idx.msk [tilespmem:v12+s6+$0x0], $0xffff  }
0x148: {  	v12 =	vadd.s32 $0x25B, v12;
	_ =	sdelay $0x3  }
0x149: {  	[tilespmem:s21+$0x8B00] =	vst v11  }
0x14a: {  	v11 =	vld.idx.msk [tilespmem:v12+s6+$0x0], $0xffff;
	_ =	sdelay $0x4  }
0x14b: {  	[tilespmem:s21+$0xCB00] =	vst v11  }
.LBB2_34:
0x14c: {  	s10 =	sld [smem:$0x7FB];
	_ =	sdelay $0x2  }
0x14d: {  	p2 =	seq.s32 s10, $0x1  }
.Ltmp17:
0x14e: {  	_ = 	snop;
	(pc) =	sbr.rel @!p2 .LBB2_38-.Ltmp17, $1  }
0x14f: {  	_ =	sdelay $0x3  }
0x150: {  	s15 =	simm.s32 $0x0  }
0x151: {  	v11 =	vld [tilespmem:s15+$0x4B00];
	_ =	sdelay $0x4  }
0x152: {  	v11 =	vmul.u32 $0xAAAB, v11;
	_ =	sdelay $0x1  }
0x153: {  	v11 =	vshra.s32 v11, $0x14  }
0x154: {  	vm0 =	vlt.s32 v11, $0x100  }
0x155: {  	v11 =	vnsel vm0, $0x100, v11  }
0x156: {  	v12 =	vadd.s32 v2, v11  }
0x157: {  	s10 =	simm.s32 $0x10  }
0x158: {  	v13 =	vld [tilespmem:s10+$0x4B00];
	_ =	sdelay $0x2  }
0x159: {  	v12 =	vld.idx.msk [tilespmem:v12+s6+$0x0], $0xffff  }
0x15a: {  	v14 =	vadd.s32 v8, v11  }
0x15b: {  	v11 =	vmul.u32 $0xAAAB, v13;
	_ =	sdelay $0x1  }
0x15c: {  	v11 =	vshra.s32 v11, $0x14  }
0x15d: {  	vm15 =	vlt.s32 v11, $0x100;
	[tilespmem:s15+$0x8B00] =	vst v12  }
0x15e: {  	v11 =	vnsel vm15, $0x100, v11;
	v12 =	vld.idx.msk [tilespmem:v14+s6+$0x0], $0xffff  }
0x15f: {  	v13 =	vadd.s32 v2, v11;
	_ =	sdelay $0x2  }
0x160: {  	s21 =	simm.s32 $0x20;
	s14 =	simm.s32 $0xC0  }
.LBB2_36:
0x161: {  	p2 =	sne.s32 s14, $0x7FC0;
	v14 =	vld [tilespmem:s21+$0x4B00];
	[tilespmem:s15+$0xCB00] =	vst v12;
	s15 =	smov.u32 s10;
	s10 =	smov.u32 s21  }
0x162: {  	v12 =	vld.idx.msk [tilespmem:v13+s6+$0x0], $0xffff;
	_ =	sdelay $0x1  }
0x163: {  	v11 =	vadd.s32 v8, v11;
	_ =	sdelay $0x1  }
0x164: {  	v13 =	vmul.u32 $0xAAAB, v14;
	_ =	sdelay $0x1  }
0x165: {  	v13 =	vshra.s32 v13, $0x14;
	[tilespmem:s15+$0x8B00] =	vst v12  }
0x166: {  	vm0 =	vlt.s32 v13, $0x100;
	v12 =	vld.idx.msk [tilespmem:v11+s6+$0x0], $0xffff  }
.Ltmp18:
0x167: {  	v11 =	vnsel vm0, $0x100, v13;
	(pc) =	sbr.rel @p2 .LBB2_36-.Ltmp18, $2  }
0x168: {  	v13 =	vadd.s32 v2, v11;
	_ =	sdelay $0x2  }
0x169: {  	s21 =	sshra.s32 s14, $0x2;
	s14 =	sadd.s32 $0x40, s14  }
0x16a: {  	_ = 	snop  }
0x16b: {  	v14 =	vld [tilespmem:s21+$0x4B00];
	_ =	sdelay $0x1  }
0x16c: {  	[tilespmem:s15+$0xCB00] =	vst v12  }
0x16d: {  	v12 =	vld.idx.msk [tilespmem:v13+s6+$0x0], $0xffff  }
0x16e: {  	v11 =	vadd.s32 v8, v11  }
0x16f: {  	v62 =	vmul.u32 $0xAAAB, v14;
	_ =	sdelay $0x1  }
0x170: {  	v13 =	vshra.s32 v62, $0x14  }
0x171: {  	[tilespmem:s10+$0x8B00] =	vst v12;
	vm0 =	vlt.s32 v13, $0x100  }
0x172: {  	v11 =	vld.idx.msk [tilespmem:v11+s6+$0x0], $0xffff;
	v63 =	vnsel vm0, $0x100, v13  }
0x173: {  	v13 =	vadd.s32 v2, v63;
	_ =	sdelay $0x3  }
0x174: {  	[tilespmem:s10+$0xCB00] =	vst v11  }
0x175: {  	v11 =	vld.idx.msk [tilespmem:v13+s6+$0x0], $0xffff  }
0x176: {  	v12 =	vadd.s32 v8, v63;
	_ =	sdelay $0x3  }
0x177: {  	[tilespmem:s21+$0x8B00] =	vst v11  }
0x178: {  	v11 =	vld.idx.msk [tilespmem:v12+s6+$0x0], $0xffff;
	_ =	sdelay $0x4  }
0x179: {  	[tilespmem:s21+$0xCB00] =	vst v11  }
.LBB2_38:
.Ltmp19:
0x17a: {  	(pc) =	sbr.rel @!p3 .LBB2_42-.Ltmp19, $1  }
0x17b: {  	_ =	sdelay $0x3  }
0x17c: {  	s10 =	simm.s32 $0x0  }
0x17d: {  	v11 =	vld [tilespmem:s10+$0x4B00];
	_ =	sdelay $0x4  }
0x17e: {  	vm0 =	vlt.s32 v11, $0xC0  }
0x17f: {  	v11 =	vnsel vm0, $0xC0, v11  }
0x180: {  	v12 =	vadd.s32 v3, v11;
	_ =	sdelay $0x4  }
0x181: {  	s15 =	simm.s32 $0x10;
	s14 =	simm.s32 $0x80;
	v12 =	vld.idx.msk [tilespmem:v12+s6+$0x0], $0xffff  }
.LBB2_40:
0x182: {  	p2 =	sne.s32 s14, $0x7FC0;
	v13 =	vld [tilespmem:s15+$0x4B00];
	v11 =	vadd.s32 v9, v11;
	_ =	sdelay $0x3  }
0x183: {  	[tilespmem:s10+$0x8B00] =	vst v12  }
0x184: {  	vm0 =	vlt.s32 v13, $0xC0;
	v12 =	vld.idx.msk [tilespmem:v11+s6+$0x0], $0xffff  }
0x185: {  	v11 =	vnsel vm0, $0xC0, v13  }
0x186: {  	v13 =	vadd.s32 v3, v11;
	_ =	sdelay $0x1  }
.Ltmp20:
0x187: {  	(pc) =	sbr.rel @p2 .LBB2_40-.Ltmp20, $4  }
0x188: {  	_ = 	snop  }
0x189: {  	[tilespmem:s10+$0xCB00] =	vst v12;
	s10 =	smov.u32 s15  }
0x18a: {  	v12 =	vld.idx.msk [tilespmem:v13+s6+$0x0], $0xffff  }
0x18b: {  	s15 =	sshra.s32 s14, $0x2;
	s14 =	sadd.s32 $0x40, s14  }
0x18c: {  	v13 =	vld [tilespmem:s15+$0x4B00]  }
0x18d: {  	v11 =	vadd.s32 v9, v11;
	_ =	sdelay $0x3  }
0x18e: {  	[tilespmem:s10+$0x8B00] =	vst v12;
	vm0 =	vlt.s32 v13, $0xC0  }
0x18f: {  	v11 =	vld.idx.msk [tilespmem:v11+s6+$0x0], $0xffff;
	v63 =	vnsel vm0, $0xC0, v13  }
0x190: {  	v13 =	vadd.s32 v3, v63;
	_ =	sdelay $0x3  }
0x191: {  	[tilespmem:s10+$0xCB00] =	vst v11  }
0x192: {  	v11 =	vld.idx.msk [tilespmem:v13+s6+$0x0], $0xffff  }
0x193: {  	v12 =	vadd.s32 v9, v63;
	_ =	sdelay $0x3  }
0x194: {  	[tilespmem:s15+$0x8B00] =	vst v11  }
0x195: {  	v11 =	vld.idx.msk [tilespmem:v12+s6+$0x0], $0xffff;
	_ =	sdelay $0x4  }
0x196: {  	[tilespmem:s15+$0xCB00] =	vst v11  }
.LBB2_42:
.Ltmp21:
0x197: {  	(pc) =	sbr.rel @p0 .LBB2_46-.Ltmp21, $1  }
0x198: {  	_ =	sdelay $0x3  }
0x199: {  	s10 =	simm.s32 $0x0  }
0x19a: {  	v11 =	vld [tilespmem:s10+$0x4B00];
	_ =	sdelay $0x7  }
0x19b: {  	s14 =	simm.s32 $0x10;
	s15 =	simm.s32 $0x80;
	v11 =	vld.idx.msk [tilespmem:v11+s22+$0x0], $0xffff  }
.LBB2_44:
0x19c: {  	p2 =	sne.s32 s15, $0x7FC0;
	v12 =	vld [tilespmem:s14+$0x4B00];
	_ =	sdelay $0x3  }
.Ltmp22:
0x19d: {  	(pc) =	sbr.rel @p2 .LBB2_44-.Ltmp22, $2  }
0x19e: {  	[tilespmem:s10+$0x10B00] =	vst v11;
	s10 =	smov.u32 s14;
	_ =	sdelay $0x2  }
0x19f: {  	s14 =	sshra.s32 s15, $0x2;
	s15 =	sadd.s32 $0x40, s15;
	v11 =	vld.idx.msk [tilespmem:v12+s22+$0x0], $0xffff  }
0x1a0: {  	v12 =	vld [tilespmem:s14+$0x4B00];
	_ =	sdelay $0x6  }
0x1a1: {  	[tilespmem:s10+$0x10B00] =	vst v11  }
0x1a2: {  	v11 =	vld.idx.msk [tilespmem:v12+s22+$0x0], $0xffff;
	_ =	sdelay $0x4  }
0x1a3: {  	[tilespmem:s14+$0x10B00] =	vst v11  }
.LBB2_46:
0x1a4: {  	s10 =	sor.u32 $0x2000, s8  }
0x1a5: {  	s14 =	sor.u32 s11, s10  }
0x1a6: {  	s10 =	sor.u32 s12, s10;
	s14 =	sshrl.u32 s14, $0x3  }
0x1a7: {  	p2 =	seq.s32 s7, $0x1F;
	s10 =	sshrl.u32 s10, $0x3;
	s14 =	sadd.s32 s4, s14  }
0x1a8: {  	[hbm4b:s14+s6] =	stream.linear.scatter [tilespmem:s0], [sflag:$0x4], $0x2000, $0x38;
	[tilespmem:$0x12B00] =	vst v63  }
.Ltmp23:
0x1a9: {  	s10 =	sadd.s32 s4, s10;
	(pc) =	sbr.rel @p2 .LBB2_48-.Ltmp23, $4  }
0x1aa: {  	[hbm4b:s10+s6] =	stream.linear.scatter [tilespmem:s5], [sflag:$0x4], $0x2000, $0x38;
	[tilespmem:$0x12B00] =	vst v63  }
0x1ab: {  	s10 =	sshll.u32 @!p0 s7, $0xB  }
0x1ac: {  	s15 =	simm.s32 @!p0 $0x10B00;
	s14 =	simm.s32 @!p0 $0x0;
	s10 =	sadd.s32 @!p0 s10, s20  }
0x1ad: {  	[hbm4b:s10+s14] =	stream.linear.scatter @!p0 [tilespmem:s15], [sflag:$0x4], $0x2000, $0x38;
	[tilespmem:$0x12B00] =	vst v63  }
0x1ae: {  	s8 =	sadd.s32 $0x6000, s8  }
0x1af: {  	s14 =	simm.s32 @!p5 $0x0;
	s10 =	sshrl.u32 @!p5 s8, $0x3  }
0x1b0: {  	s15 =	simm.s32 @!p5 $0x4B00;
	s7 =	sadd.s32 $0x1, s7;
	s10 =	sadd.s32 @!p5 s2, s10  }
0x1b1: {  	[tilespmem:s15], [sflag:$0x2] =	stream.linear.gather @!p5 [hbm4b:s10+s14], $0x2000, $0x38;
	[tilespmem:$0x12B00] =	vst v63  }
.Ltmp24:
0x1b2: {  	s10 =	sshrl.u32 @p1 s8, $0x3;
	s14 =	simm.s32 @p1 $0x0;
	(pc) =	sbr.rel .LBB2_2-.Ltmp24, $4  }
0x1b3: {  	s15 =	simm.s32 @p1 $0x4B00;
	s8 =	sshrl.u32 @p3 s8, $0x3;
	s10 =	sadd.s32 @p1 s1, s10  }
0x1b4: {  	[tilespmem:s15], [sflag:$0x2] =	stream.linear.gather @p1 [hbm4b:s10+s14], $0x2000, $0x38;
	[tilespmem:$0x12B00] =	vst v63  }
0x1b5: {  	s8 =	sadd.s32 @p3 s3, s8;
	s10 =	simm.s32 @p3 $0x0;
	s14 =	simm.s32 @p3 $0x4B00  }
0x1b6: {  	[tilespmem:s14], [sflag:$0x2] =	stream.linear.gather @p3 [hbm4b:s8+s10], $0x2000, $0x38;
	[tilespmem:$0x12B00] =	vst v63  }
.LBB2_48:
0x1b7: {  	_ =	swait.ge [sflag:s24], $0x2000  }
0x1b8: {  	[sflag:s24] =	ssyncset.done $0x0  }
0x1b9: {  	[sflag:s24] =	ssyncadd.s32 $0xFFFFE000  }
0x1ba: {  	_ =	swait.ge [sflag:s24], $0x2000  }
0x1bb: {  	[sflag:s24] =	ssyncset.done $0x0  }
0x1bc: {  	s7 =	simm.s32 @!p6 $0x3;
	[sflag:s24] =	ssyncadd.s32 $0xFFFFE000  }
0x1bd: {  	_ =	swait.ge @!p6 [sflag:s7], $0x2000  }
0x1be: {  	[sflag:s7] =	ssyncset.done @!p6 $0x0  }
0x1bf: {  	[sflag:s7] =	ssyncadd.s32 @!p6 $0xFFFFE000  }
0x1c0: {  	_ =	swait.ge [sflag:s31], $0x2000  }
0x1c1: {  	[sflag:s31] =	ssyncset.done $0x0  }
0x1c2: {  	[sflag:s31] =	ssyncadd.s32 $0xFFFFE000  }
0x1c3: {  	_ =	swait.ge [sflag:s31], $0x2000  }
0x1c4: {  	[sflag:s31] =	ssyncset.done $0x0  }
0x1c5: {  	s7 =	simm.s32 @!p0 $0x4;
	[sflag:s31] =	ssyncadd.s32 $0xFFFFE000  }
0x1c6: {  	_ =	swait.ge @!p0 [sflag:s7], $0x2000  }
0x1c7: {  	[sflag:s7] =	ssyncset.done @!p0 $0x0  }
0x1c8: {  	s8 =	simm.s32 $0x0;
	[sflag:s7] =	ssyncadd.s32 @!p0 $0xFFFFE000;
	s7 =	simm.s32 $0x0  }
.LBB2_49:
0x1c9: {  	p2 =	seq.s32 s8, $0x0;
	v11 =	vmov s7  }
0x1ca: {  	s10 =	simm.s32 @!p2 $0x3;
	v11 =	vshll.u32 v11, $0x2  }
0x1cb: {  	_ =	swait.ge @!p2 [sflag:s10], $0x2000;
	v11 =	vor.u32 v10, v11  }
0x1cc: {  	[sflag:s10] =	ssyncset.done @!p2 $0x0;
	v11 =	vor.u32 v4, v11  }
0x1cd: {  	[sflag:s10] =	ssyncadd.s32 @!p2 $0xFFFFE000  }
0x1ce: {  	_ =	swait.ge @!p2 [sflag:s10], $0x2000  }
0x1cf: {  	[sflag:s10] =	ssyncset.done @!p2 $0x0  }
0x1d0: {  	[sflag:s10] =	ssyncadd.s32 @!p2 $0xFFFFE000  }
0x1d1: {  	v12 =	vld.idx.msk [tilespmem:v11+s23+$0x0], $0xffff;
	_ =	sdelay $0x4  }
0x1d2: {  	v13 =	vadd.s32 v5, v12  }
0x1d3: {  	v14 =	vadd.s32 v6, v12;
	_ =	sdelay $0x3  }
0x1d4: {  	v36 =	vld.idx.msk [tilespmem:v13+s6+$0x0], $0xffff  }
0x1d5: {  	v37 =	vld.idx.msk [tilespmem:v14+s6+$0x0], $0xffff;
	_ =	sdelay $0x3  }
0x1d6: {  	v15 =	vbroadcast v36, $0x0  }
0x1d7: {  	v14 =	vbroadcast v37, $0x0  }
0x1d8: {  	[tilespmem:$0x6B00] =	vst v15  }
0x1d9: {  	[tilespmem:$0xAB00] =	vst v14  }
0x1da: {  	[tilespmem:$0x6B10] =	vst v15  }
0x1db: {  	[tilespmem:$0xAB10] =	vst v14  }
0x1dc: {  	[tilespmem:$0x6B20] =	vst v15  }
0x1dd: {  	[tilespmem:$0xAB20] =	vst v14  }
0x1de: {  	[tilespmem:$0x6B30] =	vst v15  }
0x1df: {  	[tilespmem:$0xAB30] =	vst v14  }
0x1e0: {  	[tilespmem:$0x6B40] =	vst v15  }
0x1e1: {  	[tilespmem:$0xAB40] =	vst v14  }
0x1e2: {  	[tilespmem:$0x6B50] =	vst v15  }
0x1e3: {  	[tilespmem:$0xAB50] =	vst v14  }
0x1e4: {  	[tilespmem:$0x6B60] =	vst v15  }
0x1e5: {  	[tilespmem:$0xAB60] =	vst v14  }
0x1e6: {  	[tilespmem:$0x6B70] =	vst v15  }
0x1e7: {  	[tilespmem:$0xAB70] =	vst v14  }
0x1e8: {  	[tilespmem:$0x6F00] =	vst v15  }
0x1e9: {  	[tilespmem:$0xAF00] =	vst v14  }
0x1ea: {  	[tilespmem:$0x6F10] =	vst v15  }
0x1eb: {  	[tilespmem:$0xAF10] =	vst v14  }
0x1ec: {  	[tilespmem:$0x6F20] =	vst v15  }
0x1ed: {  	[tilespmem:$0xAF20] =	vst v14  }
0x1ee: {  	[tilespmem:$0x6F30] =	vst v15  }
0x1ef: {  	[tilespmem:$0xAF30] =	vst v14  }
0x1f0: {  	[tilespmem:$0x6F40] =	vst v15  }
0x1f1: {  	[tilespmem:$0xAF40] =	vst v14  }
0x1f2: {  	[tilespmem:$0x6F50] =	vst v15  }
0x1f3: {  	[tilespmem:$0xAF50] =	vst v14  }
0x1f4: {  	[tilespmem:$0x6F60] =	vst v15  }
0x1f5: {  	[tilespmem:$0xAF60] =	vst v14  }
0x1f6: {  	[tilespmem:$0x6F70] =	vst v15  }
0x1f7: {  	[tilespmem:$0xAF70] =	vst v14  }
0x1f8: {  	[tilespmem:$0x7300] =	vst v15  }
0x1f9: {  	[tilespmem:$0xB300] =	vst v14  }
0x1fa: {  	[tilespmem:$0x7310] =	vst v15  }
0x1fb: {  	[tilespmem:$0xB310] =	vst v14  }
0x1fc: {  	[tilespmem:$0x7320] =	vst v15  }
0x1fd: {  	[tilespmem:$0xB320] =	vst v14  }
0x1fe: {  	[tilespmem:$0x7330] =	vst v15  }
0x1ff: {  	[tilespmem:$0xB330] =	vst v14  }
0x200: {  	[tilespmem:$0x7340] =	vst v15  }
0x201: {  	[tilespmem:$0xB340] =	vst v14  }
0x202: {  	[tilespmem:$0x7350] =	vst v15  }
0x203: {  	[tilespmem:$0xB350] =	vst v14  }
0x204: {  	[tilespmem:$0x7360] =	vst v15  }
0x205: {  	[tilespmem:$0xB360] =	vst v14  }
0x206: {  	[tilespmem:$0x7370] =	vst v15  }
0x207: {  	[tilespmem:$0xB370] =	vst v14  }
0x208: {  	[tilespmem:$0x7700] =	vst v15  }
0x209: {  	[tilespmem:$0xB700] =	vst v14  }
0x20a: {  	[tilespmem:$0x7710] =	vst v15  }
0x20b: {  	[tilespmem:$0xB710] =	vst v14  }
0x20c: {  	[tilespmem:$0x7720] =	vst v15  }
0x20d: {  	[tilespmem:$0xB720] =	vst v14  }
0x20e: {  	[tilespmem:$0x7730] =	vst v15  }
0x20f: {  	[tilespmem:$0xB730] =	vst v14  }
0x210: {  	[tilespmem:$0x7740] =	vst v15  }
0x211: {  	[tilespmem:$0xB740] =	vst v14  }
0x212: {  	[tilespmem:$0x7750] =	vst v15  }
0x213: {  	[tilespmem:$0xB750] =	vst v14  }
0x214: {  	[tilespmem:$0x7760] =	vst v15  }
0x215: {  	[tilespmem:$0xB760] =	vst v14  }
0x216: {  	[tilespmem:$0x7770] =	vst v15  }
0x217: {  	[tilespmem:$0xB770] =	vst v14  }
0x218: {  	[tilespmem:$0x7B00] =	vst v15  }
0x219: {  	[tilespmem:$0xBB00] =	vst v14  }
0x21a: {  	[tilespmem:$0x7B10] =	vst v15  }
0x21b: {  	[tilespmem:$0xBB10] =	vst v14  }
0x21c: {  	[tilespmem:$0x7B20] =	vst v15  }
0x21d: {  	[tilespmem:$0xBB20] =	vst v14  }
0x21e: {  	[tilespmem:$0x7B30] =	vst v15  }
0x21f: {  	[tilespmem:$0xBB30] =	vst v14  }
0x220: {  	[tilespmem:$0x7B40] =	vst v15  }
0x221: {  	[tilespmem:$0xBB40] =	vst v14  }
0x222: {  	[tilespmem:$0x7B50] =	vst v15  }
0x223: {  	[tilespmem:$0xBB50] =	vst v14  }
0x224: {  	[tilespmem:$0x7B60] =	vst v15  }
0x225: {  	[tilespmem:$0xBB60] =	vst v14  }
0x226: {  	[tilespmem:$0x7B70] =	vst v15  }
0x227: {  	[tilespmem:$0xBB70] =	vst v14  }
0x228: {  	[tilespmem:$0x7F00] =	vst v15  }
0x229: {  	[tilespmem:$0xBF00] =	vst v14  }
0x22a: {  	[tilespmem:$0x7F10] =	vst v15  }
0x22b: {  	[tilespmem:$0xBF10] =	vst v14  }
0x22c: {  	[tilespmem:$0x7F20] =	vst v15  }
0x22d: {  	[tilespmem:$0xBF20] =	vst v14  }
0x22e: {  	[tilespmem:$0x7F30] =	vst v15  }
0x22f: {  	[tilespmem:$0xBF30] =	vst v14  }
0x230: {  	[tilespmem:$0x7F40] =	vst v15  }
0x231: {  	[tilespmem:$0xBF40] =	vst v14  }
0x232: {  	[tilespmem:$0x7F50] =	vst v15  }
0x233: {  	[tilespmem:$0xBF50] =	vst v14  }
0x234: {  	[tilespmem:$0x7F60] =	vst v15  }
0x235: {  	[tilespmem:$0xBF60] =	vst v14  }
0x236: {  	[tilespmem:$0x7F70] =	vst v15  }
0x237: {  	[tilespmem:$0xBF70] =	vst v14  }
0x238: {  	[tilespmem:$0x8300] =	vst v15  }
0x239: {  	[tilespmem:$0xC300] =	vst v14  }
0x23a: {  	[tilespmem:$0x8310] =	vst v15  }
0x23b: {  	[tilespmem:$0xC310] =	vst v14  }
0x23c: {  	[tilespmem:$0x8320] =	vst v15  }
0x23d: {  	[tilespmem:$0xC320] =	vst v14  }
0x23e: {  	[tilespmem:$0x8330] =	vst v15  }
0x23f: {  	[tilespmem:$0xC330] =	vst v14  }
0x240: {  	[tilespmem:$0x8340] =	vst v15  }
0x241: {  	[tilespmem:$0xC340] =	vst v14  }
0x242: {  	[tilespmem:$0x8350] =	vst v15  }
0x243: {  	[tilespmem:$0xC350] =	vst v14  }
0x244: {  	[tilespmem:$0x8360] =	vst v15  }
0x245: {  	[tilespmem:$0xC360] =	vst v14  }
0x246: {  	[tilespmem:$0x8370] =	vst v15  }
0x247: {  	[tilespmem:$0xC370] =	vst v14  }
0x248: {  	[tilespmem:$0x8700] =	vst v15  }
0x249: {  	[tilespmem:$0xC700] =	vst v14  }
0x24a: {  	[tilespmem:$0x8710] =	vst v15  }
0x24b: {  	[tilespmem:$0xC710] =	vst v14  }
0x24c: {  	[tilespmem:$0x8720] =	vst v15  }
0x24d: {  	[tilespmem:$0xC720] =	vst v14  }
0x24e: {  	[tilespmem:$0x8730] =	vst v15  }
0x24f: {  	[tilespmem:$0xC730] =	vst v14  }
0x250: {  	[tilespmem:$0x8740] =	vst v15  }
0x251: {  	[tilespmem:$0xC740] =	vst v14  }
0x252: {  	[tilespmem:$0x8750] =	vst v15  }
0x253: {  	[tilespmem:$0xC750] =	vst v14  }
0x254: {  	[tilespmem:$0x8760] =	vst v15  }
0x255: {  	[tilespmem:$0xC760] =	vst v14  }
0x256: {  	v38 =	vbroadcast v36, $0x1;
	[tilespmem:$0x8770] =	vst v15  }
0x257: {  	v39 =	vbroadcast v37, $0x1;
	[tilespmem:$0xC770] =	vst v14  }
0x258: {  	[tilespmem:$0x6B80] =	vst v38  }
0x259: {  	[tilespmem:$0xAB80] =	vst v39  }
0x25a: {  	[tilespmem:$0x6B90] =	vst v38  }
0x25b: {  	[tilespmem:$0xAB90] =	vst v39  }
0x25c: {  	[tilespmem:$0x6BA0] =	vst v38  }
0x25d: {  	[tilespmem:$0xABA0] =	vst v39  }
0x25e: {  	[tilespmem:$0x6BB0] =	vst v38  }
0x25f: {  	[tilespmem:$0xABB0] =	vst v39  }
0x260: {  	[tilespmem:$0x6BC0] =	vst v38  }
0x261: {  	[tilespmem:$0xABC0] =	vst v39  }
0x262: {  	[tilespmem:$0x6BD0] =	vst v38  }
0x263: {  	[tilespmem:$0xABD0] =	vst v39  }
0x264: {  	[tilespmem:$0x6BE0] =	vst v38  }
0x265: {  	[tilespmem:$0xABE0] =	vst v39  }
0x266: {  	[tilespmem:$0x6BF0] =	vst v38  }
0x267: {  	[tilespmem:$0xABF0] =	vst v39  }
0x268: {  	[tilespmem:$0x6F80] =	vst v38  }
0x269: {  	[tilespmem:$0xAF80] =	vst v39  }
0x26a: {  	[tilespmem:$0x6F90] =	vst v38  }
0x26b: {  	[tilespmem:$0xAF90] =	vst v39  }
0x26c: {  	[tilespmem:$0x6FA0] =	vst v38  }
0x26d: {  	[tilespmem:$0xAFA0] =	vst v39  }
0x26e: {  	[tilespmem:$0x6FB0] =	vst v38  }
0x26f: {  	[tilespmem:$0xAFB0] =	vst v39  }
0x270: {  	[tilespmem:$0x6FC0] =	vst v38  }
0x271: {  	[tilespmem:$0xAFC0] =	vst v39  }
0x272: {  	[tilespmem:$0x6FD0] =	vst v38  }
0x273: {  	[tilespmem:$0xAFD0] =	vst v39  }
0x274: {  	[tilespmem:$0x6FE0] =	vst v38  }
0x275: {  	[tilespmem:$0xAFE0] =	vst v39  }
0x276: {  	[tilespmem:$0x6FF0] =	vst v38  }
0x277: {  	[tilespmem:$0xAFF0] =	vst v39  }
0x278: {  	[tilespmem:$0x7380] =	vst v38  }
0x279: {  	[tilespmem:$0xB380] =	vst v39  }
0x27a: {  	[tilespmem:$0x7390] =	vst v38  }
0x27b: {  	[tilespmem:$0xB390] =	vst v39  }
0x27c: {  	[tilespmem:$0x73A0] =	vst v38  }
0x27d: {  	[tilespmem:$0xB3A0] =	vst v39  }
0x27e: {  	[tilespmem:$0x73B0] =	vst v38  }
0x27f: {  	[tilespmem:$0xB3B0] =	vst v39  }
0x280: {  	[tilespmem:$0x73C0] =	vst v38  }
0x281: {  	[tilespmem:$0xB3C0] =	vst v39  }
0x282: {  	[tilespmem:$0x73D0] =	vst v38  }
0x283: {  	[tilespmem:$0xB3D0] =	vst v39  }
0x284: {  	[tilespmem:$0x73E0] =	vst v38  }
0x285: {  	[tilespmem:$0xB3E0] =	vst v39  }
0x286: {  	[tilespmem:$0x73F0] =	vst v38  }
0x287: {  	[tilespmem:$0xB3F0] =	vst v39  }
0x288: {  	[tilespmem:$0x7780] =	vst v38  }
0x289: {  	[tilespmem:$0xB780] =	vst v39  }
0x28a: {  	[tilespmem:$0x7790] =	vst v38  }
0x28b: {  	[tilespmem:$0xB790] =	vst v39  }
0x28c: {  	[tilespmem:$0x77A0] =	vst v38  }
0x28d: {  	[tilespmem:$0xB7A0] =	vst v39  }
0x28e: {  	[tilespmem:$0x77B0] =	vst v38  }
0x28f: {  	[tilespmem:$0xB7B0] =	vst v39  }
0x290: {  	[tilespmem:$0x77C0] =	vst v38  }
0x291: {  	[tilespmem:$0xB7C0] =	vst v39  }
0x292: {  	[tilespmem:$0x77D0] =	vst v38  }
0x293: {  	[tilespmem:$0xB7D0] =	vst v39  }
0x294: {  	[tilespmem:$0x77E0] =	vst v38  }
0x295: {  	[tilespmem:$0xB7E0] =	vst v39  }
0x296: {  	[tilespmem:$0x77F0] =	vst v38  }
0x297: {  	[tilespmem:$0xB7F0] =	vst v39  }
0x298: {  	[tilespmem:$0x7B80] =	vst v38  }
0x299: {  	[tilespmem:$0xBB80] =	vst v39  }
0x29a: {  	[tilespmem:$0x7B90] =	vst v38  }
0x29b: {  	[tilespmem:$0xBB90] =	vst v39  }
0x29c: {  	[tilespmem:$0x7BA0] =	vst v38  }
0x29d: {  	[tilespmem:$0xBBA0] =	vst v39  }
0x29e: {  	[tilespmem:$0x7BB0] =	vst v38  }
0x29f: {  	[tilespmem:$0xBBB0] =	vst v39  }
0x2a0: {  	[tilespmem:$0x7BC0] =	vst v38  }
0x2a1: {  	[tilespmem:$0xBBC0] =	vst v39  }
0x2a2: {  	[tilespmem:$0x7BD0] =	vst v38  }
0x2a3: {  	[tilespmem:$0xBBD0] =	vst v39  }
0x2a4: {  	[tilespmem:$0x7BE0] =	vst v38  }
0x2a5: {  	[tilespmem:$0xBBE0] =	vst v39  }
0x2a6: {  	[tilespmem:$0x7BF0] =	vst v38  }
0x2a7: {  	[tilespmem:$0xBBF0] =	vst v39  }
0x2a8: {  	[tilespmem:$0x7F80] =	vst v38  }
0x2a9: {  	[tilespmem:$0xBF80] =	vst v39  }
0x2aa: {  	[tilespmem:$0x7F90] =	vst v38  }
0x2ab: {  	[tilespmem:$0xBF90] =	vst v39  }
0x2ac: {  	[tilespmem:$0x7FA0] =	vst v38  }
0x2ad: {  	[tilespmem:$0xBFA0] =	vst v39  }
0x2ae: {  	[tilespmem:$0x7FB0] =	vst v38  }
0x2af: {  	[tilespmem:$0xBFB0] =	vst v39  }
0x2b0: {  	[tilespmem:$0x7FC0] =	vst v38  }
0x2b1: {  	[tilespmem:$0xBFC0] =	vst v39  }
0x2b2: {  	[tilespmem:$0x7FD0] =	vst v38  }
0x2b3: {  	[tilespmem:$0xBFD0] =	vst v39  }
0x2b4: {  	[tilespmem:$0x7FE0] =	vst v38  }
0x2b5: {  	[tilespmem:$0xBFE0] =	vst v39  }
0x2b6: {  	[tilespmem:$0x7FF0] =	vst v38  }
0x2b7: {  	[tilespmem:$0xBFF0] =	vst v39  }
0x2b8: {  	[tilespmem:$0x8380] =	vst v38  }
0x2b9: {  	[tilespmem:$0xC380] =	vst v39  }
0x2ba: {  	[tilespmem:$0x8390] =	vst v38  }
0x2bb: {  	[tilespmem:$0xC390] =	vst v39  }
0x2bc: {  	[tilespmem:$0x83A0] =	vst v38  }
0x2bd: {  	[tilespmem:$0xC3A0] =	vst v39  }
0x2be: {  	[tilespmem:$0x83B0] =	vst v38  }
0x2bf: {  	[tilespmem:$0xC3B0] =	vst v39  }
0x2c0: {  	[tilespmem:$0x83C0] =	vst v38  }
0x2c1: {  	[tilespmem:$0xC3C0] =	vst v39  }
0x2c2: {  	[tilespmem:$0x83D0] =	vst v38  }
0x2c3: {  	[tilespmem:$0xC3D0] =	vst v39  }
0x2c4: {  	[tilespmem:$0x83E0] =	vst v38  }
0x2c5: {  	[tilespmem:$0xC3E0] =	vst v39  }
0x2c6: {  	[tilespmem:$0x83F0] =	vst v38  }
0x2c7: {  	[tilespmem:$0xC3F0] =	vst v39  }
0x2c8: {  	[tilespmem:$0x8780] =	vst v38  }
0x2c9: {  	[tilespmem:$0xC780] =	vst v39  }
0x2ca: {  	[tilespmem:$0x8790] =	vst v38  }
0x2cb: {  	[tilespmem:$0xC790] =	vst v39  }
0x2cc: {  	[tilespmem:$0x87A0] =	vst v38  }
0x2cd: {  	[tilespmem:$0xC7A0] =	vst v39  }
0x2ce: {  	[tilespmem:$0x87B0] =	vst v38  }
0x2cf: {  	[tilespmem:$0xC7B0] =	vst v39  }
0x2d0: {  	[tilespmem:$0x87C0] =	vst v38  }
0x2d1: {  	[tilespmem:$0xC7C0] =	vst v39  }
0x2d2: {  	[tilespmem:$0x87D0] =	vst v38  }
0x2d3: {  	[tilespmem:$0xC7D0] =	vst v39  }
0x2d4: {  	[tilespmem:$0x87E0] =	vst v38  }
0x2d5: {  	[tilespmem:$0xC7E0] =	vst v39  }
0x2d6: {  	v16 =	vbroadcast v37, $0x3;
	[tilespmem:$0x87F0] =	vst v38  }
0x2d7: {  	[tilespmem:$0xC7F0] =	vst v39  }
0x2d8: {  	[tilespmem:$0xAC80] =	vst v16  }
0x2d9: {  	[tilespmem:$0xAC90] =	vst v16  }
0x2da: {  	[tilespmem:$0xACA0] =	vst v16  }
0x2db: {  	[tilespmem:$0xACB0] =	vst v16  }
0x2dc: {  	[tilespmem:$0xACC0] =	vst v16  }
0x2dd: {  	[tilespmem:$0xACD0] =	vst v16  }
0x2de: {  	[tilespmem:$0xACE0] =	vst v16  }
0x2df: {  	[tilespmem:$0xACF0] =	vst v16  }
0x2e0: {  	[tilespmem:$0xB080] =	vst v16  }
0x2e1: {  	[tilespmem:$0xB090] =	vst v16  }
0x2e2: {  	[tilespmem:$0xB0A0] =	vst v16  }
0x2e3: {  	[tilespmem:$0xB0B0] =	vst v16  }
0x2e4: {  	[tilespmem:$0xB0C0] =	vst v16  }
0x2e5: {  	[tilespmem:$0xB0D0] =	vst v16  }
0x2e6: {  	[tilespmem:$0xB0E0] =	vst v16  }
0x2e7: {  	[tilespmem:$0xB0F0] =	vst v16  }
0x2e8: {  	[tilespmem:$0xB480] =	vst v16  }
0x2e9: {  	[tilespmem:$0xB490] =	vst v16  }
0x2ea: {  	[tilespmem:$0xB4A0] =	vst v16  }
0x2eb: {  	[tilespmem:$0xB4B0] =	vst v16  }
0x2ec: {  	[tilespmem:$0xB4C0] =	vst v16  }
0x2ed: {  	[tilespmem:$0xB4D0] =	vst v16  }
0x2ee: {  	[tilespmem:$0xB4E0] =	vst v16  }
0x2ef: {  	[tilespmem:$0xB4F0] =	vst v16  }
0x2f0: {  	[tilespmem:$0xB880] =	vst v16  }
0x2f1: {  	[tilespmem:$0xB890] =	vst v16  }
0x2f2: {  	[tilespmem:$0xB8A0] =	vst v16  }
0x2f3: {  	[tilespmem:$0xB8B0] =	vst v16  }
0x2f4: {  	[tilespmem:$0xB8C0] =	vst v16  }
0x2f5: {  	[tilespmem:$0xB8D0] =	vst v16  }
0x2f6: {  	[tilespmem:$0xB8E0] =	vst v16  }
0x2f7: {  	[tilespmem:$0xB8F0] =	vst v16  }
0x2f8: {  	[tilespmem:$0xBC80] =	vst v16  }
0x2f9: {  	[tilespmem:$0xBC90] =	vst v16  }
0x2fa: {  	[tilespmem:$0xBCA0] =	vst v16  }
0x2fb: {  	[tilespmem:$0xBCB0] =	vst v16  }
0x2fc: {  	[tilespmem:$0xBCC0] =	vst v16  }
0x2fd: {  	[tilespmem:$0xBCD0] =	vst v16  }
0x2fe: {  	[tilespmem:$0xBCE0] =	vst v16  }
0x2ff: {  	[tilespmem:$0xBCF0] =	vst v16  }
0x300: {  	[tilespmem:$0xC080] =	vst v16  }
0x301: {  	[tilespmem:$0xC090] =	vst v16  }
0x302: {  	[tilespmem:$0xC0A0] =	vst v16  }
0x303: {  	[tilespmem:$0xC0B0] =	vst v16  }
0x304: {  	[tilespmem:$0xC0C0] =	vst v16  }
0x305: {  	[tilespmem:$0xC0D0] =	vst v16  }
0x306: {  	[tilespmem:$0xC0E0] =	vst v16  }
0x307: {  	[tilespmem:$0xC0F0] =	vst v16  }
0x308: {  	[tilespmem:$0xC480] =	vst v16  }
0x309: {  	[tilespmem:$0xC490] =	vst v16  }
0x30a: {  	[tilespmem:$0xC4A0] =	vst v16  }
0x30b: {  	[tilespmem:$0xC4B0] =	vst v16  }
0x30c: {  	[tilespmem:$0xC4C0] =	vst v16  }
0x30d: {  	[tilespmem:$0xC4D0] =	vst v16  }
0x30e: {  	[tilespmem:$0xC4E0] =	vst v16  }
0x30f: {  	[tilespmem:$0xC4F0] =	vst v16  }
0x310: {  	v17 =	vbroadcast v36, $0x3;
	[tilespmem:$0xC880] =	vst v16  }
0x311: {  	v43 =	vbroadcast v37, $0x2;
	[tilespmem:$0xC890] =	vst v16  }
0x312: {  	[tilespmem:$0x88F0] =	vst v17  }
0x313: {  	[tilespmem:$0xAC00] =	vst v43  }
0x314: {  	[tilespmem:$0xB840] =	vst v43  }
0x315: {  	[tilespmem:$0xB860] =	vst v43  }
0x316: {  	[tilespmem:$0xB830] =	vst v43  }
0x317: {  	[tilespmem:$0xB870] =	vst v43  }
0x318: {  	[tilespmem:$0xB820] =	vst v43  }
0x319: {  	[tilespmem:$0xBC00] =	vst v43  }
0x31a: {  	[tilespmem:$0xB810] =	vst v43  }
0x31b: {  	[tilespmem:$0xBC10] =	vst v43  }
0x31c: {  	[tilespmem:$0xB800] =	vst v43  }
0x31d: {  	[tilespmem:$0xBC20] =	vst v43  }
0x31e: {  	[tilespmem:$0xB470] =	vst v43  }
0x31f: {  	[tilespmem:$0xBC30] =	vst v43  }
0x320: {  	[tilespmem:$0xB460] =	vst v43  }
0x321: {  	[tilespmem:$0xBC40] =	vst v43  }
0x322: {  	[tilespmem:$0xB450] =	vst v43  }
0x323: {  	[tilespmem:$0xBC50] =	vst v43  }
0x324: {  	[tilespmem:$0xB440] =	vst v43  }
0x325: {  	[tilespmem:$0xBC60] =	vst v43  }
0x326: {  	[tilespmem:$0xB430] =	vst v43  }
0x327: {  	[tilespmem:$0xBC70] =	vst v43  }
0x328: {  	[tilespmem:$0xB420] =	vst v43  }
0x329: {  	[tilespmem:$0xC000] =	vst v43  }
0x32a: {  	[tilespmem:$0xB410] =	vst v43  }
0x32b: {  	[tilespmem:$0xC010] =	vst v43  }
0x32c: {  	[tilespmem:$0xB400] =	vst v43  }
0x32d: {  	[tilespmem:$0xC020] =	vst v43  }
0x32e: {  	[tilespmem:$0xB070] =	vst v43  }
0x32f: {  	[tilespmem:$0xC030] =	vst v43  }
0x330: {  	[tilespmem:$0xB060] =	vst v43  }
0x331: {  	[tilespmem:$0xC040] =	vst v43  }
0x332: {  	[tilespmem:$0xB050] =	vst v43  }
0x333: {  	[tilespmem:$0xC050] =	vst v43  }
0x334: {  	[tilespmem:$0xB040] =	vst v43  }
0x335: {  	[tilespmem:$0xC060] =	vst v43  }
0x336: {  	[tilespmem:$0xB030] =	vst v43  }
0x337: {  	[tilespmem:$0xC070] =	vst v43  }
0x338: {  	[tilespmem:$0xB020] =	vst v43  }
0x339: {  	[tilespmem:$0xC400] =	vst v43  }
0x33a: {  	[tilespmem:$0xB010] =	vst v43  }
0x33b: {  	[tilespmem:$0xC410] =	vst v43  }
0x33c: {  	[tilespmem:$0xB000] =	vst v43  }
0x33d: {  	[tilespmem:$0xC420] =	vst v43  }
0x33e: {  	[tilespmem:$0xAC70] =	vst v43  }
0x33f: {  	[tilespmem:$0xC430] =	vst v43  }
0x340: {  	[tilespmem:$0xAC60] =	vst v43  }
0x341: {  	[tilespmem:$0xC440] =	vst v43  }
0x342: {  	[tilespmem:$0xAC50] =	vst v43  }
0x343: {  	[tilespmem:$0xC450] =	vst v43  }
0x344: {  	[tilespmem:$0xAC40] =	vst v43  }
0x345: {  	[tilespmem:$0xC460] =	vst v43  }
0x346: {  	[tilespmem:$0xAC30] =	vst v43  }
0x347: {  	[tilespmem:$0xC470] =	vst v43  }
0x348: {  	[tilespmem:$0xAC20] =	vst v43  }
0x349: {  	[tilespmem:$0xC800] =	vst v43  }
0x34a: {  	[tilespmem:$0xAC10] =	vst v43  }
0x34b: {  	[tilespmem:$0xC810] =	vst v43  }
0x34c: {  	v42 =	vbroadcast v36, $0x2;
	[tilespmem:$0xC8E0] =	vst v16  }
0x34d: {  	[tilespmem:$0xC820] =	vst v43  }
0x34e: {  	[tilespmem:$0x8830] =	vst v42  }
0x34f: {  	[tilespmem:$0xC830] =	vst v43  }
0x350: {  	[tilespmem:$0x8840] =	vst v42  }
0x351: {  	[tilespmem:$0xC840] =	vst v43  }
0x352: {  	[tilespmem:$0x8850] =	vst v42  }
0x353: {  	[tilespmem:$0xC850] =	vst v43  }
0x354: {  	[tilespmem:$0x8860] =	vst v42  }
0x355: {  	[tilespmem:$0xC860] =	vst v43  }
0x356: {  	[tilespmem:$0x8870] =	vst v42  }
0x357: {  	[tilespmem:$0xC870] =	vst v43  }
0x358: {  	[tilespmem:$0x8820] =	vst v42  }
0x359: {  	[tilespmem:$0x8810] =	vst v42  }
0x35a: {  	[tilespmem:$0x6C90] =	vst v17  }
0x35b: {  	[tilespmem:$0x6C80] =	vst v17  }
0x35c: {  	[tilespmem:$0x6CA0] =	vst v17  }
0x35d: {  	[tilespmem:$0x8800] =	vst v42  }
0x35e: {  	[tilespmem:$0x6CB0] =	vst v17  }
0x35f: {  	[tilespmem:$0x8470] =	vst v42  }
0x360: {  	[tilespmem:$0x6CC0] =	vst v17  }
0x361: {  	[tilespmem:$0x8460] =	vst v42  }
0x362: {  	[tilespmem:$0x6CD0] =	vst v17  }
0x363: {  	[tilespmem:$0x8450] =	vst v42  }
0x364: {  	[tilespmem:$0x6CE0] =	vst v17  }
0x365: {  	[tilespmem:$0x8440] =	vst v42  }
0x366: {  	[tilespmem:$0x6CF0] =	vst v17  }
0x367: {  	[tilespmem:$0x8430] =	vst v42  }
0x368: {  	[tilespmem:$0x7080] =	vst v17  }
0x369: {  	[tilespmem:$0x8420] =	vst v42  }
0x36a: {  	[tilespmem:$0x7090] =	vst v17  }
0x36b: {  	[tilespmem:$0x8410] =	vst v42  }
0x36c: {  	[tilespmem:$0x70A0] =	vst v17  }
0x36d: {  	[tilespmem:$0x8400] =	vst v42  }
0x36e: {  	[tilespmem:$0x70B0] =	vst v17  }
0x36f: {  	[tilespmem:$0x8070] =	vst v42  }
0x370: {  	[tilespmem:$0x70C0] =	vst v17  }
0x371: {  	[tilespmem:$0x8060] =	vst v42  }
0x372: {  	[tilespmem:$0x70D0] =	vst v17  }
0x373: {  	[tilespmem:$0x8050] =	vst v42  }
0x374: {  	[tilespmem:$0x70E0] =	vst v17  }
0x375: {  	[tilespmem:$0x8040] =	vst v42  }
0x376: {  	[tilespmem:$0x70F0] =	vst v17  }
0x377: {  	[tilespmem:$0x8030] =	vst v42  }
0x378: {  	[tilespmem:$0x7480] =	vst v17  }
0x379: {  	[tilespmem:$0x8020] =	vst v42  }
0x37a: {  	[tilespmem:$0x7490] =	vst v17  }
0x37b: {  	[tilespmem:$0x8010] =	vst v42  }
0x37c: {  	[tilespmem:$0x74A0] =	vst v17  }
0x37d: {  	[tilespmem:$0x8000] =	vst v42  }
0x37e: {  	[tilespmem:$0x74B0] =	vst v17  }
0x37f: {  	[tilespmem:$0x7C70] =	vst v42  }
0x380: {  	[tilespmem:$0x74C0] =	vst v17  }
0x381: {  	[tilespmem:$0x7C60] =	vst v42  }
0x382: {  	[tilespmem:$0x74D0] =	vst v17  }
0x383: {  	[tilespmem:$0x7C50] =	vst v42  }
0x384: {  	[tilespmem:$0x74E0] =	vst v17  }
0x385: {  	[tilespmem:$0x7C40] =	vst v42  }
0x386: {  	[tilespmem:$0x74F0] =	vst v17  }
0x387: {  	[tilespmem:$0x7C30] =	vst v42  }
0x388: {  	[tilespmem:$0x7880] =	vst v17  }
0x389: {  	[tilespmem:$0x7C20] =	vst v42  }
0x38a: {  	[tilespmem:$0x7890] =	vst v17  }
0x38b: {  	[tilespmem:$0x7C10] =	vst v42  }
0x38c: {  	[tilespmem:$0x78A0] =	vst v17  }
0x38d: {  	[tilespmem:$0x7C00] =	vst v42  }
0x38e: {  	[tilespmem:$0x78B0] =	vst v17  }
0x38f: {  	[tilespmem:$0x7870] =	vst v42  }
0x390: {  	[tilespmem:$0x78C0] =	vst v17  }
0x391: {  	[tilespmem:$0x7860] =	vst v42  }
0x392: {  	[tilespmem:$0x78D0] =	vst v17  }
0x393: {  	[tilespmem:$0x7850] =	vst v42  }
0x394: {  	[tilespmem:$0x78E0] =	vst v17  }
0x395: {  	[tilespmem:$0x7840] =	vst v42  }
0x396: {  	[tilespmem:$0x78F0] =	vst v17  }
0x397: {  	[tilespmem:$0x7830] =	vst v42  }
0x398: {  	[tilespmem:$0x7C80] =	vst v17  }
0x399: {  	[tilespmem:$0x7820] =	vst v42  }
0x39a: {  	[tilespmem:$0x7C90] =	vst v17  }
0x39b: {  	[tilespmem:$0x7810] =	vst v42  }
0x39c: {  	[tilespmem:$0x7CA0] =	vst v17  }
0x39d: {  	[tilespmem:$0x7800] =	vst v42  }
0x39e: {  	[tilespmem:$0x7CB0] =	vst v17  }
0x39f: {  	[tilespmem:$0x7470] =	vst v42  }
0x3a0: {  	[tilespmem:$0x7CC0] =	vst v17  }
0x3a1: {  	[tilespmem:$0x7460] =	vst v42  }
0x3a2: {  	[tilespmem:$0x7CD0] =	vst v17  }
0x3a3: {  	[tilespmem:$0x7450] =	vst v42  }
0x3a4: {  	[tilespmem:$0x7CE0] =	vst v17  }
0x3a5: {  	[tilespmem:$0x7440] =	vst v42  }
0x3a6: {  	[tilespmem:$0x7CF0] =	vst v17  }
0x3a7: {  	[tilespmem:$0x7430] =	vst v42  }
0x3a8: {  	[tilespmem:$0x8080] =	vst v17  }
0x3a9: {  	[tilespmem:$0x7420] =	vst v42  }
0x3aa: {  	[tilespmem:$0x8090] =	vst v17  }
0x3ab: {  	[tilespmem:$0x7410] =	vst v42  }
0x3ac: {  	[tilespmem:$0x80A0] =	vst v17  }
0x3ad: {  	[tilespmem:$0x7400] =	vst v42  }
0x3ae: {  	[tilespmem:$0x80B0] =	vst v17  }
0x3af: {  	[tilespmem:$0x7070] =	vst v42  }
0x3b0: {  	[tilespmem:$0x80C0] =	vst v17  }
0x3b1: {  	[tilespmem:$0x7060] =	vst v42  }
0x3b2: {  	[tilespmem:$0x80D0] =	vst v17  }
0x3b3: {  	[tilespmem:$0x7050] =	vst v42  }
0x3b4: {  	[tilespmem:$0x80E0] =	vst v17  }
0x3b5: {  	[tilespmem:$0x7040] =	vst v42  }
0x3b6: {  	[tilespmem:$0x80F0] =	vst v17  }
0x3b7: {  	[tilespmem:$0x7030] =	vst v42  }
0x3b8: {  	[tilespmem:$0x8480] =	vst v17  }
0x3b9: {  	[tilespmem:$0x7020] =	vst v42  }
0x3ba: {  	[tilespmem:$0x8490] =	vst v17  }
0x3bb: {  	[tilespmem:$0x7010] =	vst v42  }
0x3bc: {  	[tilespmem:$0x84A0] =	vst v17  }
0x3bd: {  	[tilespmem:$0x7000] =	vst v42  }
0x3be: {  	[tilespmem:$0x84B0] =	vst v17  }
0x3bf: {  	[tilespmem:$0x6C70] =	vst v42  }
0x3c0: {  	[tilespmem:$0x84C0] =	vst v17  }
0x3c1: {  	[tilespmem:$0x6C60] =	vst v42  }
0x3c2: {  	[tilespmem:$0x84D0] =	vst v17  }
0x3c3: {  	[tilespmem:$0x6C50] =	vst v42  }
0x3c4: {  	[tilespmem:$0x84E0] =	vst v17  }
0x3c5: {  	[tilespmem:$0x6C40] =	vst v42  }
0x3c6: {  	[tilespmem:$0x84F0] =	vst v17  }
0x3c7: {  	[tilespmem:$0x6C30] =	vst v42  }
0x3c8: {  	[tilespmem:$0x8880] =	vst v17  }
0x3c9: {  	[tilespmem:$0x6C20] =	vst v42  }
0x3ca: {  	[tilespmem:$0x8890] =	vst v17  }
0x3cb: {  	[tilespmem:$0x6C10] =	vst v42  }
0x3cc: {  	[tilespmem:$0x88A0] =	vst v17  }
0x3cd: {  	[tilespmem:$0x6C00] =	vst v42  }
0x3ce: {  	[tilespmem:$0x88B0] =	vst v17  }
0x3cf: {  	[tilespmem:$0xC8B0] =	vst v16  }
0x3d0: {  	[tilespmem:$0x88C0] =	vst v17  }
0x3d1: {  	[tilespmem:$0xC8C0] =	vst v16  }
0x3d2: {  	[tilespmem:$0x88D0] =	vst v17  }
0x3d3: {  	[tilespmem:$0xC8D0] =	vst v16  }
0x3d4: {  	[tilespmem:$0x88E0] =	vst v17  }
0x3d5: {  	v40 =	vbroadcast v36, $0x4;
	[tilespmem:$0xC8F0] =	vst v16  }
0x3d6: {  	[tilespmem:$0xB850] =	vst v43  }
0x3d7: {  	v41 =	vbroadcast v37, $0x4;
	[tilespmem:$0x6D00] =	vst v40  }
0x3d8: {  	[tilespmem:$0xC8A0] =	vst v16  }
0x3d9: {  	[tilespmem:$0xAD00] =	vst v41  }
0x3da: {  	[tilespmem:$0x6D10] =	vst v40  }
0x3db: {  	[tilespmem:$0xAD10] =	vst v41  }
0x3dc: {  	[tilespmem:$0x6D20] =	vst v40  }
0x3dd: {  	[tilespmem:$0xAD20] =	vst v41  }
0x3de: {  	[tilespmem:$0x6D30] =	vst v40  }
0x3df: {  	[tilespmem:$0xAD30] =	vst v41  }
0x3e0: {  	[tilespmem:$0x6D40] =	vst v40  }
0x3e1: {  	[tilespmem:$0xAD40] =	vst v41  }
0x3e2: {  	[tilespmem:$0x6D50] =	vst v40  }
0x3e3: {  	[tilespmem:$0xAD50] =	vst v41  }
0x3e4: {  	[tilespmem:$0x6D60] =	vst v40  }
0x3e5: {  	[tilespmem:$0xAD60] =	vst v41  }
0x3e6: {  	[tilespmem:$0x6D70] =	vst v40  }
0x3e7: {  	[tilespmem:$0xAD70] =	vst v41  }
0x3e8: {  	[tilespmem:$0x7100] =	vst v40  }
0x3e9: {  	[tilespmem:$0xB100] =	vst v41  }
0x3ea: {  	[tilespmem:$0x7110] =	vst v40  }
0x3eb: {  	[tilespmem:$0xB110] =	vst v41  }
0x3ec: {  	[tilespmem:$0x7120] =	vst v40  }
0x3ed: {  	[tilespmem:$0xB120] =	vst v41  }
0x3ee: {  	[tilespmem:$0x7130] =	vst v40  }
0x3ef: {  	[tilespmem:$0xB130] =	vst v41  }
0x3f0: {  	[tilespmem:$0x7140] =	vst v40  }
0x3f1: {  	[tilespmem:$0xB140] =	vst v41  }
0x3f2: {  	[tilespmem:$0x7150] =	vst v40  }
0x3f3: {  	[tilespmem:$0xB150] =	vst v41  }
0x3f4: {  	[tilespmem:$0x7160] =	vst v40  }
0x3f5: {  	[tilespmem:$0xB160] =	vst v41  }
0x3f6: {  	[tilespmem:$0x7170] =	vst v40  }
0x3f7: {  	[tilespmem:$0xB170] =	vst v41  }
0x3f8: {  	[tilespmem:$0x7500] =	vst v40  }
0x3f9: {  	[tilespmem:$0xB500] =	vst v41  }
0x3fa: {  	[tilespmem:$0x7510] =	vst v40  }
0x3fb: {  	[tilespmem:$0xB510] =	vst v41  }
0x3fc: {  	[tilespmem:$0x7520] =	vst v40  }
0x3fd: {  	[tilespmem:$0xB520] =	vst v41  }
0x3fe: {  	[tilespmem:$0x7530] =	vst v40  }
0x3ff: {  	[tilespmem:$0xB530] =	vst v41  }
0x400: {  	[tilespmem:$0x7540] =	vst v40  }
0x401: {  	[tilespmem:$0xB540] =	vst v41  }
0x402: {  	[tilespmem:$0x7550] =	vst v40  }
0x403: {  	[tilespmem:$0xB550] =	vst v41  }
0x404: {  	[tilespmem:$0x7560] =	vst v40  }
0x405: {  	[tilespmem:$0xB560] =	vst v41  }
0x406: {  	[tilespmem:$0x7570] =	vst v40  }
0x407: {  	[tilespmem:$0xB570] =	vst v41  }
0x408: {  	[tilespmem:$0x7900] =	vst v40  }
0x409: {  	[tilespmem:$0xB900] =	vst v41  }
0x40a: {  	[tilespmem:$0x7910] =	vst v40  }
0x40b: {  	[tilespmem:$0xB910] =	vst v41  }
0x40c: {  	[tilespmem:$0x7920] =	vst v40  }
0x40d: {  	[tilespmem:$0xB920] =	vst v41  }
0x40e: {  	[tilespmem:$0x7930] =	vst v40  }
0x40f: {  	[tilespmem:$0xB930] =	vst v41  }
0x410: {  	[tilespmem:$0x7940] =	vst v40  }
0x411: {  	[tilespmem:$0xB940] =	vst v41  }
0x412: {  	[tilespmem:$0x7950] =	vst v40  }
0x413: {  	[tilespmem:$0xB950] =	vst v41  }
0x414: {  	[tilespmem:$0x7960] =	vst v40  }
0x415: {  	[tilespmem:$0xB960] =	vst v41  }
0x416: {  	[tilespmem:$0x7970] =	vst v40  }
0x417: {  	[tilespmem:$0xB970] =	vst v41  }
0x418: {  	[tilespmem:$0x7D00] =	vst v40  }
0x419: {  	[tilespmem:$0xBD00] =	vst v41  }
0x41a: {  	[tilespmem:$0x7D10] =	vst v40  }
0x41b: {  	[tilespmem:$0xBD10] =	vst v41  }
0x41c: {  	[tilespmem:$0x7D20] =	vst v40  }
0x41d: {  	[tilespmem:$0xBD20] =	vst v41  }
0x41e: {  	[tilespmem:$0x7D30] =	vst v40  }
0x41f: {  	[tilespmem:$0xBD30] =	vst v41  }
0x420: {  	[tilespmem:$0x7D40] =	vst v40  }
0x421: {  	[tilespmem:$0xBD40] =	vst v41  }
0x422: {  	[tilespmem:$0x7D50] =	vst v40  }
0x423: {  	[tilespmem:$0xBD50] =	vst v41  }
0x424: {  	[tilespmem:$0x7D60] =	vst v40  }
0x425: {  	[tilespmem:$0xBD60] =	vst v41  }
0x426: {  	[tilespmem:$0x7D70] =	vst v40  }
0x427: {  	[tilespmem:$0xBD70] =	vst v41  }
0x428: {  	[tilespmem:$0x8100] =	vst v40  }
0x429: {  	[tilespmem:$0xC100] =	vst v41  }
0x42a: {  	[tilespmem:$0x8110] =	vst v40  }
0x42b: {  	[tilespmem:$0xC110] =	vst v41  }
0x42c: {  	[tilespmem:$0x8120] =	vst v40  }
0x42d: {  	[tilespmem:$0xC120] =	vst v41  }
0x42e: {  	[tilespmem:$0x8130] =	vst v40  }
0x42f: {  	[tilespmem:$0xC130] =	vst v41  }
0x430: {  	[tilespmem:$0x8140] =	vst v40  }
0x431: {  	[tilespmem:$0xC140] =	vst v41  }
0x432: {  	[tilespmem:$0x8150] =	vst v40  }
0x433: {  	[tilespmem:$0xC150] =	vst v41  }
0x434: {  	[tilespmem:$0x8160] =	vst v40  }
0x435: {  	[tilespmem:$0xC160] =	vst v41  }
0x436: {  	[tilespmem:$0x8170] =	vst v40  }
0x437: {  	[tilespmem:$0xC170] =	vst v41  }
0x438: {  	[tilespmem:$0x8500] =	vst v40  }
0x439: {  	[tilespmem:$0xC500] =	vst v41  }
0x43a: {  	[tilespmem:$0x8510] =	vst v40  }
0x43b: {  	[tilespmem:$0xC510] =	vst v41  }
0x43c: {  	[tilespmem:$0x8520] =	vst v40  }
0x43d: {  	[tilespmem:$0xC520] =	vst v41  }
0x43e: {  	[tilespmem:$0x8530] =	vst v40  }
0x43f: {  	[tilespmem:$0xC530] =	vst v41  }
0x440: {  	[tilespmem:$0x8540] =	vst v40  }
0x441: {  	[tilespmem:$0xC540] =	vst v41  }
0x442: {  	[tilespmem:$0x8550] =	vst v40  }
0x443: {  	[tilespmem:$0xC550] =	vst v41  }
0x444: {  	[tilespmem:$0x8560] =	vst v40  }
0x445: {  	[tilespmem:$0xC560] =	vst v41  }
0x446: {  	[tilespmem:$0x8570] =	vst v40  }
0x447: {  	[tilespmem:$0xC570] =	vst v41  }
0x448: {  	[tilespmem:$0x8900] =	vst v40  }
0x449: {  	[tilespmem:$0xC900] =	vst v41  }
0x44a: {  	[tilespmem:$0x8910] =	vst v40  }
0x44b: {  	[tilespmem:$0xC910] =	vst v41  }
0x44c: {  	[tilespmem:$0x8920] =	vst v40  }
0x44d: {  	[tilespmem:$0xC920] =	vst v41  }
0x44e: {  	[tilespmem:$0x8930] =	vst v40  }
0x44f: {  	[tilespmem:$0xC930] =	vst v41  }
0x450: {  	[tilespmem:$0x8940] =	vst v40  }
0x451: {  	[tilespmem:$0xC940] =	vst v41  }
0x452: {  	[tilespmem:$0x8950] =	vst v40  }
0x453: {  	[tilespmem:$0xC950] =	vst v41  }
0x454: {  	[tilespmem:$0x8960] =	vst v40  }
0x455: {  	[tilespmem:$0xC960] =	vst v41  }
0x456: {  	v44 =	vbroadcast v36, $0x5;
	[tilespmem:$0x8970] =	vst v40  }
0x457: {  	v45 =	vbroadcast v37, $0x5;
	[tilespmem:$0xC970] =	vst v41  }
0x458: {  	[tilespmem:$0x6D80] =	vst v44  }
0x459: {  	[tilespmem:$0xAD80] =	vst v45  }
0x45a: {  	[tilespmem:$0x6D90] =	vst v44  }
0x45b: {  	[tilespmem:$0xAD90] =	vst v45  }
0x45c: {  	[tilespmem:$0x6DA0] =	vst v44  }
0x45d: {  	[tilespmem:$0xADA0] =	vst v45  }
0x45e: {  	[tilespmem:$0x6DB0] =	vst v44  }
0x45f: {  	[tilespmem:$0xADB0] =	vst v45  }
0x460: {  	[tilespmem:$0x6DC0] =	vst v44  }
0x461: {  	[tilespmem:$0xADC0] =	vst v45  }
0x462: {  	[tilespmem:$0x6DD0] =	vst v44  }
0x463: {  	[tilespmem:$0xADD0] =	vst v45  }
0x464: {  	[tilespmem:$0x6DE0] =	vst v44  }
0x465: {  	[tilespmem:$0xADE0] =	vst v45  }
0x466: {  	[tilespmem:$0x6DF0] =	vst v44  }
0x467: {  	[tilespmem:$0xADF0] =	vst v45  }
0x468: {  	[tilespmem:$0x7180] =	vst v44  }
0x469: {  	[tilespmem:$0xB180] =	vst v45  }
0x46a: {  	[tilespmem:$0x7190] =	vst v44  }
0x46b: {  	[tilespmem:$0xB190] =	vst v45  }
0x46c: {  	[tilespmem:$0x71A0] =	vst v44  }
0x46d: {  	[tilespmem:$0xB1A0] =	vst v45  }
0x46e: {  	[tilespmem:$0x71B0] =	vst v44  }
0x46f: {  	[tilespmem:$0xB1B0] =	vst v45  }
0x470: {  	[tilespmem:$0x71C0] =	vst v44  }
0x471: {  	[tilespmem:$0xB1C0] =	vst v45  }
0x472: {  	[tilespmem:$0x71D0] =	vst v44  }
0x473: {  	[tilespmem:$0xB1D0] =	vst v45  }
0x474: {  	[tilespmem:$0x71E0] =	vst v44  }
0x475: {  	[tilespmem:$0xB1E0] =	vst v45  }
0x476: {  	[tilespmem:$0x71F0] =	vst v44  }
0x477: {  	[tilespmem:$0xB1F0] =	vst v45  }
0x478: {  	[tilespmem:$0x7580] =	vst v44  }
0x479: {  	[tilespmem:$0xB580] =	vst v45  }
0x47a: {  	[tilespmem:$0x7590] =	vst v44  }
0x47b: {  	[tilespmem:$0xB590] =	vst v45  }
0x47c: {  	[tilespmem:$0x75A0] =	vst v44  }
0x47d: {  	[tilespmem:$0xB5A0] =	vst v45  }
0x47e: {  	[tilespmem:$0x75B0] =	vst v44  }
0x47f: {  	[tilespmem:$0xB5B0] =	vst v45  }
0x480: {  	[tilespmem:$0x75C0] =	vst v44  }
0x481: {  	[tilespmem:$0xB5C0] =	vst v45  }
0x482: {  	[tilespmem:$0x75D0] =	vst v44  }
0x483: {  	[tilespmem:$0xB5D0] =	vst v45  }
0x484: {  	[tilespmem:$0x75E0] =	vst v44  }
0x485: {  	[tilespmem:$0xB5E0] =	vst v45  }
0x486: {  	[tilespmem:$0x75F0] =	vst v44  }
0x487: {  	[tilespmem:$0xB5F0] =	vst v45  }
0x488: {  	[tilespmem:$0x7980] =	vst v44  }
0x489: {  	[tilespmem:$0xB980] =	vst v45  }
0x48a: {  	[tilespmem:$0x7990] =	vst v44  }
0x48b: {  	[tilespmem:$0xB990] =	vst v45  }
0x48c: {  	[tilespmem:$0x79A0] =	vst v44  }
0x48d: {  	[tilespmem:$0xB9A0] =	vst v45  }
0x48e: {  	[tilespmem:$0x79B0] =	vst v44  }
0x48f: {  	[tilespmem:$0xB9B0] =	vst v45  }
0x490: {  	[tilespmem:$0x79C0] =	vst v44  }
0x491: {  	[tilespmem:$0xB9C0] =	vst v45  }
0x492: {  	[tilespmem:$0x79D0] =	vst v44  }
0x493: {  	[tilespmem:$0xB9D0] =	vst v45  }
0x494: {  	[tilespmem:$0x79E0] =	vst v44  }
0x495: {  	[tilespmem:$0xB9E0] =	vst v45  }
0x496: {  	[tilespmem:$0x79F0] =	vst v44  }
0x497: {  	[tilespmem:$0xB9F0] =	vst v45  }
0x498: {  	[tilespmem:$0x7D80] =	vst v44  }
0x499: {  	[tilespmem:$0xBD80] =	vst v45  }
0x49a: {  	[tilespmem:$0x7D90] =	vst v44  }
0x49b: {  	[tilespmem:$0xBD90] =	vst v45  }
0x49c: {  	[tilespmem:$0x7DA0] =	vst v44  }
0x49d: {  	[tilespmem:$0xBDA0] =	vst v45  }
0x49e: {  	[tilespmem:$0x7DB0] =	vst v44  }
0x49f: {  	[tilespmem:$0xBDB0] =	vst v45  }
0x4a0: {  	[tilespmem:$0x7DC0] =	vst v44  }
0x4a1: {  	[tilespmem:$0xBDC0] =	vst v45  }
0x4a2: {  	[tilespmem:$0x7DD0] =	vst v44  }
0x4a3: {  	[tilespmem:$0xBDD0] =	vst v45  }
0x4a4: {  	[tilespmem:$0x7DE0] =	vst v44  }
0x4a5: {  	[tilespmem:$0xBDE0] =	vst v45  }
0x4a6: {  	[tilespmem:$0x7DF0] =	vst v44  }
0x4a7: {  	[tilespmem:$0xBDF0] =	vst v45  }
0x4a8: {  	[tilespmem:$0x8180] =	vst v44  }
0x4a9: {  	[tilespmem:$0xC180] =	vst v45  }
0x4aa: {  	[tilespmem:$0x8190] =	vst v44  }
0x4ab: {  	[tilespmem:$0xC190] =	vst v45  }
0x4ac: {  	[tilespmem:$0x81A0] =	vst v44  }
0x4ad: {  	[tilespmem:$0xC1A0] =	vst v45  }
0x4ae: {  	[tilespmem:$0x81B0] =	vst v44  }
0x4af: {  	[tilespmem:$0xC1B0] =	vst v45  }
0x4b0: {  	[tilespmem:$0x81C0] =	vst v44  }
0x4b1: {  	[tilespmem:$0xC1C0] =	vst v45  }
0x4b2: {  	[tilespmem:$0x81D0] =	vst v44  }
0x4b3: {  	[tilespmem:$0xC1D0] =	vst v45  }
0x4b4: {  	[tilespmem:$0x81E0] =	vst v44  }
0x4b5: {  	[tilespmem:$0xC1E0] =	vst v45  }
0x4b6: {  	[tilespmem:$0x81F0] =	vst v44  }
0x4b7: {  	[tilespmem:$0xC1F0] =	vst v45  }
0x4b8: {  	[tilespmem:$0x8580] =	vst v44  }
0x4b9: {  	[tilespmem:$0xC580] =	vst v45  }
0x4ba: {  	[tilespmem:$0x8590] =	vst v44  }
0x4bb: {  	[tilespmem:$0xC590] =	vst v45  }
0x4bc: {  	[tilespmem:$0x85A0] =	vst v44  }
0x4bd: {  	[tilespmem:$0xC5A0] =	vst v45  }
0x4be: {  	[tilespmem:$0x85B0] =	vst v44  }
0x4bf: {  	[tilespmem:$0xC5B0] =	vst v45  }
0x4c0: {  	[tilespmem:$0x85C0] =	vst v44  }
0x4c1: {  	[tilespmem:$0xC5C0] =	vst v45  }
0x4c2: {  	[tilespmem:$0x85D0] =	vst v44  }
0x4c3: {  	[tilespmem:$0xC5D0] =	vst v45  }
0x4c4: {  	[tilespmem:$0x85E0] =	vst v44  }
0x4c5: {  	[tilespmem:$0xC5E0] =	vst v45  }
0x4c6: {  	[tilespmem:$0x85F0] =	vst v44  }
0x4c7: {  	[tilespmem:$0xC5F0] =	vst v45  }
0x4c8: {  	[tilespmem:$0x8980] =	vst v44  }
0x4c9: {  	[tilespmem:$0xC980] =	vst v45  }
0x4ca: {  	[tilespmem:$0x8990] =	vst v44  }
0x4cb: {  	[tilespmem:$0xC990] =	vst v45  }
0x4cc: {  	[tilespmem:$0x89A0] =	vst v44  }
0x4cd: {  	[tilespmem:$0xC9A0] =	vst v45  }
0x4ce: {  	[tilespmem:$0x89B0] =	vst v44  }
0x4cf: {  	[tilespmem:$0xC9B0] =	vst v45  }
0x4d0: {  	[tilespmem:$0x89C0] =	vst v44  }
0x4d1: {  	[tilespmem:$0xC9C0] =	vst v45  }
0x4d2: {  	[tilespmem:$0x89D0] =	vst v44  }
0x4d3: {  	[tilespmem:$0xC9D0] =	vst v45  }
0x4d4: {  	[tilespmem:$0x89E0] =	vst v44  }
0x4d5: {  	[tilespmem:$0xC9E0] =	vst v45  }
0x4d6: {  	v46 =	vbroadcast v36, $0x6;
	[tilespmem:$0x89F0] =	vst v44  }
0x4d7: {  	v47 =	vbroadcast v37, $0x6;
	[tilespmem:$0xC9F0] =	vst v45  }
0x4d8: {  	[tilespmem:$0x6E00] =	vst v46  }
0x4d9: {  	[tilespmem:$0xAE00] =	vst v47  }
0x4da: {  	[tilespmem:$0x6E10] =	vst v46  }
0x4db: {  	[tilespmem:$0xAE10] =	vst v47  }
0x4dc: {  	[tilespmem:$0x6E20] =	vst v46  }
0x4dd: {  	[tilespmem:$0xAE20] =	vst v47  }
0x4de: {  	[tilespmem:$0x6E30] =	vst v46  }
0x4df: {  	[tilespmem:$0xAE30] =	vst v47  }
0x4e0: {  	[tilespmem:$0x6E40] =	vst v46  }
0x4e1: {  	[tilespmem:$0xAE40] =	vst v47  }
0x4e2: {  	[tilespmem:$0x6E50] =	vst v46  }
0x4e3: {  	[tilespmem:$0xAE50] =	vst v47  }
0x4e4: {  	[tilespmem:$0x6E60] =	vst v46  }
0x4e5: {  	[tilespmem:$0xAE60] =	vst v47  }
0x4e6: {  	[tilespmem:$0x6E70] =	vst v46  }
0x4e7: {  	[tilespmem:$0xAE70] =	vst v47  }
0x4e8: {  	[tilespmem:$0x7200] =	vst v46  }
0x4e9: {  	[tilespmem:$0xB200] =	vst v47  }
0x4ea: {  	[tilespmem:$0x7210] =	vst v46  }
0x4eb: {  	[tilespmem:$0xB210] =	vst v47  }
0x4ec: {  	[tilespmem:$0x7220] =	vst v46  }
0x4ed: {  	[tilespmem:$0xB220] =	vst v47  }
0x4ee: {  	[tilespmem:$0x7230] =	vst v46  }
0x4ef: {  	[tilespmem:$0xB230] =	vst v47  }
0x4f0: {  	[tilespmem:$0x7240] =	vst v46  }
0x4f1: {  	[tilespmem:$0xB240] =	vst v47  }
0x4f2: {  	[tilespmem:$0x7250] =	vst v46  }
0x4f3: {  	[tilespmem:$0xB250] =	vst v47  }
0x4f4: {  	[tilespmem:$0x7260] =	vst v46  }
0x4f5: {  	[tilespmem:$0xB260] =	vst v47  }
0x4f6: {  	[tilespmem:$0x7270] =	vst v46  }
0x4f7: {  	[tilespmem:$0xB270] =	vst v47  }
0x4f8: {  	[tilespmem:$0x7600] =	vst v46  }
0x4f9: {  	[tilespmem:$0xB600] =	vst v47  }
0x4fa: {  	[tilespmem:$0x7610] =	vst v46  }
0x4fb: {  	[tilespmem:$0xB610] =	vst v47  }
0x4fc: {  	[tilespmem:$0x7620] =	vst v46  }
0x4fd: {  	[tilespmem:$0xB620] =	vst v47  }
0x4fe: {  	[tilespmem:$0x7630] =	vst v46  }
0x4ff: {  	[tilespmem:$0xB630] =	vst v47  }
0x500: {  	[tilespmem:$0x7640] =	vst v46  }
0x501: {  	[tilespmem:$0xB640] =	vst v47  }
0x502: {  	[tilespmem:$0x7650] =	vst v46  }
0x503: {  	[tilespmem:$0xB650] =	vst v47  }
0x504: {  	[tilespmem:$0x7660] =	vst v46  }
0x505: {  	[tilespmem:$0xB660] =	vst v47  }
0x506: {  	[tilespmem:$0xCA60] =	vst v47  }
0x507: {  	[tilespmem:$0x8A60] =	vst v46  }
0x508: {  	[tilespmem:$0x7A00] =	vst v46  }
0x509: {  	[tilespmem:$0xBA00] =	vst v47  }
0x50a: {  	[tilespmem:$0x7A10] =	vst v46  }
0x50b: {  	[tilespmem:$0xBA10] =	vst v47  }
0x50c: {  	[tilespmem:$0x7A20] =	vst v46  }
0x50d: {  	[tilespmem:$0xBA20] =	vst v47  }
0x50e: {  	[tilespmem:$0x7A30] =	vst v46  }
0x50f: {  	[tilespmem:$0xBA30] =	vst v47  }
0x510: {  	[tilespmem:$0x7A40] =	vst v46  }
0x511: {  	[tilespmem:$0xBA40] =	vst v47  }
0x512: {  	[tilespmem:$0x7A50] =	vst v46  }
0x513: {  	[tilespmem:$0xBA50] =	vst v47  }
0x514: {  	[tilespmem:$0x7A60] =	vst v46  }
0x515: {  	[tilespmem:$0xBA60] =	vst v47  }
0x516: {  	[tilespmem:$0x7A70] =	vst v46  }
0x517: {  	[tilespmem:$0xBA70] =	vst v47  }
0x518: {  	[tilespmem:$0x7E00] =	vst v46  }
0x519: {  	[tilespmem:$0xBE00] =	vst v47  }
0x51a: {  	[tilespmem:$0x7E10] =	vst v46  }
0x51b: {  	[tilespmem:$0xBE10] =	vst v47  }
0x51c: {  	[tilespmem:$0x7E20] =	vst v46  }
0x51d: {  	[tilespmem:$0xBE20] =	vst v47  }
0x51e: {  	[tilespmem:$0x7E30] =	vst v46  }
0x51f: {  	[tilespmem:$0xBE30] =	vst v47  }
0x520: {  	[tilespmem:$0x7E40] =	vst v46  }
0x521: {  	[tilespmem:$0xBE40] =	vst v47  }
0x522: {  	[tilespmem:$0x7E50] =	vst v46  }
0x523: {  	[tilespmem:$0xBE50] =	vst v47  }
0x524: {  	[tilespmem:$0x7E60] =	vst v46  }
0x525: {  	[tilespmem:$0xBE60] =	vst v47  }
0x526: {  	[tilespmem:$0x7E70] =	vst v46  }
0x527: {  	[tilespmem:$0xBE70] =	vst v47  }
0x528: {  	[tilespmem:$0x8200] =	vst v46  }
0x529: {  	[tilespmem:$0xC200] =	vst v47  }
0x52a: {  	[tilespmem:$0x8210] =	vst v46  }
0x52b: {  	[tilespmem:$0xC210] =	vst v47  }
0x52c: {  	[tilespmem:$0x8220] =	vst v46  }
0x52d: {  	[tilespmem:$0xC220] =	vst v47  }
0x52e: {  	[tilespmem:$0x8230] =	vst v46  }
0x52f: {  	[tilespmem:$0xC230] =	vst v47  }
0x530: {  	[tilespmem:$0x8240] =	vst v46  }
0x531: {  	[tilespmem:$0xC240] =	vst v47  }
0x532: {  	[tilespmem:$0x8250] =	vst v46  }
0x533: {  	[tilespmem:$0xC250] =	vst v47  }
0x534: {  	[tilespmem:$0x8260] =	vst v46  }
0x535: {  	[tilespmem:$0xC260] =	vst v47  }
0x536: {  	[tilespmem:$0x8270] =	vst v46  }
0x537: {  	[tilespmem:$0xC270] =	vst v47  }
0x538: {  	[tilespmem:$0x8600] =	vst v46  }
0x539: {  	[tilespmem:$0xC600] =	vst v47  }
0x53a: {  	[tilespmem:$0x8610] =	vst v46  }
0x53b: {  	[tilespmem:$0xC610] =	vst v47  }
0x53c: {  	[tilespmem:$0x8620] =	vst v46  }
0x53d: {  	[tilespmem:$0xC620] =	vst v47  }
0x53e: {  	[tilespmem:$0x8630] =	vst v46  }
0x53f: {  	[tilespmem:$0xC630] =	vst v47  }
0x540: {  	[tilespmem:$0x8640] =	vst v46  }
0x541: {  	[tilespmem:$0xC640] =	vst v47  }
0x542: {  	[tilespmem:$0x8650] =	vst v46  }
0x543: {  	[tilespmem:$0xC650] =	vst v47  }
0x544: {  	[tilespmem:$0x8660] =	vst v46  }
0x545: {  	[tilespmem:$0xC660] =	vst v47  }
0x546: {  	[tilespmem:$0x8670] =	vst v46  }
0x547: {  	[tilespmem:$0xC670] =	vst v47  }
0x548: {  	[tilespmem:$0x8A00] =	vst v46  }
0x549: {  	[tilespmem:$0xCA00] =	vst v47  }
0x54a: {  	[tilespmem:$0x8A10] =	vst v46  }
0x54b: {  	[tilespmem:$0xCA10] =	vst v47  }
0x54c: {  	[tilespmem:$0x8A20] =	vst v46  }
0x54d: {  	[tilespmem:$0xCA20] =	vst v47  }
0x54e: {  	[tilespmem:$0x8A30] =	vst v46  }
0x54f: {  	[tilespmem:$0xCA30] =	vst v47  }
0x550: {  	[tilespmem:$0x8A40] =	vst v46  }
0x551: {  	[tilespmem:$0xCA40] =	vst v47  }
0x552: {  	[tilespmem:$0x8A50] =	vst v46  }
0x553: {  	[tilespmem:$0xCA50] =	vst v47  }
0x554: {  	v13 =	vbroadcast v37, $0x7;
	[tilespmem:$0x8A70] =	vst v46  }
0x555: {  	[tilespmem:$0xB670] =	vst v47  }
0x556: {  	v12 =	vbroadcast v36, $0x7;
	[tilespmem:$0xCAF0] =	vst v13  }
0x557: {  	[tilespmem:$0xCA70] =	vst v47  }
0x558: {  	[tilespmem:$0x6E80] =	vst v12  }
0x559: {  	[tilespmem:$0xAE80] =	vst v13  }
0x55a: {  	[tilespmem:$0x6E90] =	vst v12  }
0x55b: {  	[tilespmem:$0xAE90] =	vst v13  }
0x55c: {  	[tilespmem:$0x6EA0] =	vst v12  }
0x55d: {  	[tilespmem:$0xAEA0] =	vst v13  }
0x55e: {  	[tilespmem:$0x6EB0] =	vst v12  }
0x55f: {  	[tilespmem:$0xAEB0] =	vst v13  }
0x560: {  	[tilespmem:$0x6EC0] =	vst v12  }
0x561: {  	[tilespmem:$0xAEC0] =	vst v13  }
0x562: {  	[tilespmem:$0x6ED0] =	vst v12  }
0x563: {  	[tilespmem:$0xAED0] =	vst v13  }
0x564: {  	[tilespmem:$0x6EE0] =	vst v12  }
0x565: {  	[tilespmem:$0xAEE0] =	vst v13  }
0x566: {  	[tilespmem:$0x6EF0] =	vst v12  }
0x567: {  	[tilespmem:$0xAEF0] =	vst v13  }
0x568: {  	[tilespmem:$0x7280] =	vst v12  }
0x569: {  	[tilespmem:$0xB280] =	vst v13  }
0x56a: {  	[tilespmem:$0x7290] =	vst v12  }
0x56b: {  	[tilespmem:$0xB290] =	vst v13  }
0x56c: {  	[tilespmem:$0x72A0] =	vst v12  }
0x56d: {  	[tilespmem:$0xB2A0] =	vst v13  }
0x56e: {  	[tilespmem:$0x72B0] =	vst v12  }
0x56f: {  	[tilespmem:$0xB2B0] =	vst v13  }
0x570: {  	[tilespmem:$0x72C0] =	vst v12  }
0x571: {  	[tilespmem:$0xB2C0] =	vst v13  }
0x572: {  	[tilespmem:$0x72D0] =	vst v12  }
0x573: {  	[tilespmem:$0xB2D0] =	vst v13  }
0x574: {  	[tilespmem:$0x72E0] =	vst v12  }
0x575: {  	[tilespmem:$0xB2E0] =	vst v13  }
0x576: {  	[tilespmem:$0x72F0] =	vst v12  }
0x577: {  	[tilespmem:$0xB2F0] =	vst v13  }
0x578: {  	[tilespmem:$0x7680] =	vst v12  }
0x579: {  	[tilespmem:$0xB680] =	vst v13  }
0x57a: {  	[tilespmem:$0x7690] =	vst v12  }
0x57b: {  	[tilespmem:$0xB690] =	vst v13  }
0x57c: {  	[tilespmem:$0x76A0] =	vst v12  }
0x57d: {  	[tilespmem:$0xB6A0] =	vst v13  }
0x57e: {  	[tilespmem:$0x76B0] =	vst v12  }
0x57f: {  	[tilespmem:$0xB6B0] =	vst v13  }
0x580: {  	[tilespmem:$0x76C0] =	vst v12  }
0x581: {  	[tilespmem:$0xB6C0] =	vst v13  }
0x582: {  	[tilespmem:$0x76D0] =	vst v12  }
0x583: {  	[tilespmem:$0xB6D0] =	vst v13  }
0x584: {  	[tilespmem:$0x76E0] =	vst v12  }
0x585: {  	[tilespmem:$0xB6E0] =	vst v13  }
0x586: {  	[tilespmem:$0x76F0] =	vst v12  }
0x587: {  	[tilespmem:$0xB6F0] =	vst v13  }
0x588: {  	[tilespmem:$0x7A80] =	vst v12  }
0x589: {  	[tilespmem:$0xBA80] =	vst v13  }
0x58a: {  	[tilespmem:$0x7A90] =	vst v12  }
0x58b: {  	[tilespmem:$0xBA90] =	vst v13  }
0x58c: {  	[tilespmem:$0x7AA0] =	vst v12  }
0x58d: {  	[tilespmem:$0xBAA0] =	vst v13  }
0x58e: {  	[tilespmem:$0x7AB0] =	vst v12  }
0x58f: {  	[tilespmem:$0xBAB0] =	vst v13  }
0x590: {  	[tilespmem:$0x7AC0] =	vst v12  }
0x591: {  	[tilespmem:$0xBAC0] =	vst v13  }
0x592: {  	[tilespmem:$0x7AD0] =	vst v12  }
0x593: {  	[tilespmem:$0xBAD0] =	vst v13  }
0x594: {  	[tilespmem:$0x7AE0] =	vst v12  }
0x595: {  	[tilespmem:$0xBAE0] =	vst v13  }
0x596: {  	[tilespmem:$0x7AF0] =	vst v12  }
0x597: {  	[tilespmem:$0xBAF0] =	vst v13  }
0x598: {  	[tilespmem:$0x7E80] =	vst v12  }
0x599: {  	[tilespmem:$0xBE80] =	vst v13  }
0x59a: {  	[tilespmem:$0x7E90] =	vst v12  }
0x59b: {  	[tilespmem:$0xBE90] =	vst v13  }
0x59c: {  	[tilespmem:$0x7EA0] =	vst v12  }
0x59d: {  	[tilespmem:$0xBEA0] =	vst v13  }
0x59e: {  	[tilespmem:$0x7EB0] =	vst v12  }
0x59f: {  	[tilespmem:$0xBEB0] =	vst v13  }
0x5a0: {  	[tilespmem:$0x7EC0] =	vst v12  }
0x5a1: {  	[tilespmem:$0xBEC0] =	vst v13  }
0x5a2: {  	[tilespmem:$0x7ED0] =	vst v12  }
0x5a3: {  	[tilespmem:$0xBED0] =	vst v13  }
0x5a4: {  	[tilespmem:$0x7EE0] =	vst v12  }
0x5a5: {  	[tilespmem:$0xBEE0] =	vst v13  }
0x5a6: {  	[tilespmem:$0x7EF0] =	vst v12  }
0x5a7: {  	[tilespmem:$0xBEF0] =	vst v13  }
0x5a8: {  	[tilespmem:$0x8280] =	vst v12  }
0x5a9: {  	[tilespmem:$0xC280] =	vst v13  }
0x5aa: {  	[tilespmem:$0x8290] =	vst v12  }
0x5ab: {  	[tilespmem:$0xC290] =	vst v13  }
0x5ac: {  	[tilespmem:$0x82A0] =	vst v12  }
0x5ad: {  	[tilespmem:$0xC2A0] =	vst v13  }
0x5ae: {  	[tilespmem:$0x82B0] =	vst v12  }
0x5af: {  	[tilespmem:$0xC2B0] =	vst v13  }
0x5b0: {  	[tilespmem:$0x82C0] =	vst v12  }
0x5b1: {  	[tilespmem:$0xC2C0] =	vst v13  }
0x5b2: {  	[tilespmem:$0x82D0] =	vst v12  }
0x5b3: {  	[tilespmem:$0xC2D0] =	vst v13  }
0x5b4: {  	[tilespmem:$0x82E0] =	vst v12  }
0x5b5: {  	[tilespmem:$0xC2E0] =	vst v13  }
0x5b6: {  	[tilespmem:$0x82F0] =	vst v12  }
0x5b7: {  	[tilespmem:$0xC2F0] =	vst v13  }
0x5b8: {  	[tilespmem:$0x8680] =	vst v12  }
0x5b9: {  	[tilespmem:$0xC680] =	vst v13  }
0x5ba: {  	[tilespmem:$0x8690] =	vst v12  }
0x5bb: {  	[tilespmem:$0xC690] =	vst v13  }
0x5bc: {  	[tilespmem:$0x86A0] =	vst v12  }
0x5bd: {  	[tilespmem:$0xC6A0] =	vst v13  }
0x5be: {  	[tilespmem:$0x86B0] =	vst v12  }
0x5bf: {  	[tilespmem:$0xC6B0] =	vst v13  }
0x5c0: {  	[tilespmem:$0x86C0] =	vst v12  }
0x5c1: {  	[tilespmem:$0xC6C0] =	vst v13  }
0x5c2: {  	[tilespmem:$0x86D0] =	vst v12  }
0x5c3: {  	[tilespmem:$0xC6D0] =	vst v13  }
0x5c4: {  	[tilespmem:$0x86E0] =	vst v12  }
0x5c5: {  	[tilespmem:$0xC6E0] =	vst v13  }
0x5c6: {  	[tilespmem:$0x86F0] =	vst v12  }
0x5c7: {  	[tilespmem:$0xC6F0] =	vst v13  }
0x5c8: {  	[tilespmem:$0x8A80] =	vst v12  }
0x5c9: {  	[tilespmem:$0xCA80] =	vst v13  }
0x5ca: {  	[tilespmem:$0x8A90] =	vst v12  }
0x5cb: {  	[tilespmem:$0xCA90] =	vst v13  }
0x5cc: {  	[tilespmem:$0x8AA0] =	vst v12  }
0x5cd: {  	[tilespmem:$0xCAA0] =	vst v13  }
0x5ce: {  	[tilespmem:$0x8AB0] =	vst v12  }
0x5cf: {  	[tilespmem:$0xCAB0] =	vst v13  }
0x5d0: {  	[tilespmem:$0x8AC0] =	vst v12  }
0x5d1: {  	[tilespmem:$0xCAC0] =	vst v13  }
0x5d2: {  	[tilespmem:$0x8AD0] =	vst v12  }
0x5d3: {  	[tilespmem:$0xCAD0] =	vst v13  }
0x5d4: {  	[tilespmem:$0x8AE0] =	vst v12  }
0x5d5: {  	[tilespmem:$0xCAE0] =	vst v13  }
0x5d6: {  	[tilespmem:$0x8AF0] =	vst v12  }
0x5d7: {  	s21 =	sadd.s32 s8, s16;
	[tilespmem:$0x7670] =	vst v46  }
0x5d8: {  	[hbm4b:s21+s6] =	stream.linear.scatter [tilespmem:s28], [sflag:$0x3], $0x2000, $0x38;
	[tilespmem:$0x12B00] =	vst v63  }
0x5d9: {  	s14 =	sadd.s32 s8, s17;
	s10 =	simm.s32 @!p2 $0x4  }
0x5da: {  	[hbm4b:s14+s6] =	stream.linear.scatter [tilespmem:s29], [sflag:$0x3], $0x2000, $0x38;
	[tilespmem:$0x12B00] =	vst v63  }
0x5db: {  	_ =	swait.ge @!p2 [sflag:s10], $0x2000  }
0x5dc: {  	[sflag:s10] =	ssyncset.done @!p2 $0x0  }
0x5dd: {  	[sflag:s10] =	ssyncadd.s32 @!p2 $0xFFFFE000  }
0x5de: {  	_ =	swait.ge @!p2 [sflag:s10], $0x2000  }
0x5df: {  	[sflag:s10] =	ssyncset.done @!p2 $0x0  }
0x5e0: {  	[sflag:s10] =	ssyncadd.s32 @!p2 $0xFFFFE000  }
0x5e1: {  	v11 =	vld.idx.msk [tilespmem:v11+s23+$0x0], $0xffff;
	_ =	sdelay $0x4  }
0x5e2: {  	v48 =	vadd.s32 v5, v11  }
0x5e3: {  	v49 =	vadd.s32 v6, v11;
	_ =	sdelay $0x3  }
0x5e4: {  	v11 =	vld.idx.msk [tilespmem:v48+s6+$0x0], $0xffff  }
0x5e5: {  	v50 =	vld.idx.msk [tilespmem:v49+s6+$0x0], $0xffff;
	_ =	sdelay $0x3  }
0x5e6: {  	v51 =	vbroadcast v11, $0x0  }
0x5e7: {  	v13 =	vbroadcast v50, $0x0  }
0x5e8: {  	[tilespmem:$0x8B00] =	vst v51  }
0x5e9: {  	[tilespmem:$0xCB00] =	vst v13  }
0x5ea: {  	[tilespmem:$0x8B10] =	vst v51  }
0x5eb: {  	[tilespmem:$0xCB10] =	vst v13  }
0x5ec: {  	[tilespmem:$0x8B20] =	vst v51  }
0x5ed: {  	[tilespmem:$0xCB20] =	vst v13  }
0x5ee: {  	[tilespmem:$0x8B30] =	vst v51  }
0x5ef: {  	[tilespmem:$0xCB30] =	vst v13  }
0x5f0: {  	[tilespmem:$0x8B40] =	vst v51  }
0x5f1: {  	[tilespmem:$0xCB40] =	vst v13  }
0x5f2: {  	[tilespmem:$0x8B50] =	vst v51  }
0x5f3: {  	[tilespmem:$0xCB50] =	vst v13  }
0x5f4: {  	[tilespmem:$0x8B60] =	vst v51  }
0x5f5: {  	[tilespmem:$0xCB60] =	vst v13  }
0x5f6: {  	[tilespmem:$0x8B70] =	vst v51  }
0x5f7: {  	[tilespmem:$0xCB70] =	vst v13  }
0x5f8: {  	[tilespmem:$0x8F00] =	vst v51  }
0x5f9: {  	[tilespmem:$0xCF00] =	vst v13  }
0x5fa: {  	[tilespmem:$0x8F10] =	vst v51  }
0x5fb: {  	[tilespmem:$0xCF10] =	vst v13  }
0x5fc: {  	[tilespmem:$0x8F20] =	vst v51  }
0x5fd: {  	[tilespmem:$0xCF20] =	vst v13  }
0x5fe: {  	[tilespmem:$0x8F30] =	vst v51  }
0x5ff: {  	[tilespmem:$0xCF30] =	vst v13  }
0x600: {  	[tilespmem:$0x8F40] =	vst v51  }
0x601: {  	[tilespmem:$0xCF40] =	vst v13  }
0x602: {  	[tilespmem:$0x8F50] =	vst v51  }
0x603: {  	[tilespmem:$0xCF50] =	vst v13  }
0x604: {  	[tilespmem:$0x8F60] =	vst v51  }
0x605: {  	[tilespmem:$0xCF60] =	vst v13  }
0x606: {  	[tilespmem:$0x8F70] =	vst v51  }
0x607: {  	[tilespmem:$0xCF70] =	vst v13  }
0x608: {  	[tilespmem:$0x9300] =	vst v51  }
0x609: {  	[tilespmem:$0xD300] =	vst v13  }
0x60a: {  	[tilespmem:$0x9310] =	vst v51  }
0x60b: {  	[tilespmem:$0xD310] =	vst v13  }
0x60c: {  	[tilespmem:$0x9320] =	vst v51  }
0x60d: {  	[tilespmem:$0xD320] =	vst v13  }
0x60e: {  	[tilespmem:$0x9330] =	vst v51  }
0x60f: {  	[tilespmem:$0xD330] =	vst v13  }
0x610: {  	[tilespmem:$0x9340] =	vst v51  }
0x611: {  	[tilespmem:$0xD340] =	vst v13  }
0x612: {  	[tilespmem:$0x9350] =	vst v51  }
0x613: {  	[tilespmem:$0xD350] =	vst v13  }
0x614: {  	[tilespmem:$0x9360] =	vst v51  }
0x615: {  	[tilespmem:$0xD360] =	vst v13  }
0x616: {  	[tilespmem:$0x9370] =	vst v51  }
0x617: {  	[tilespmem:$0xD370] =	vst v13  }
0x618: {  	[tilespmem:$0x9700] =	vst v51  }
0x619: {  	[tilespmem:$0xD700] =	vst v13  }
0x61a: {  	[tilespmem:$0x9710] =	vst v51  }
0x61b: {  	[tilespmem:$0xD710] =	vst v13  }
0x61c: {  	[tilespmem:$0x9720] =	vst v51  }
0x61d: {  	[tilespmem:$0xD720] =	vst v13  }
0x61e: {  	[tilespmem:$0x9730] =	vst v51  }
0x61f: {  	[tilespmem:$0xD730] =	vst v13  }
0x620: {  	[tilespmem:$0x9740] =	vst v51  }
0x621: {  	[tilespmem:$0xD740] =	vst v13  }
0x622: {  	[tilespmem:$0x9750] =	vst v51  }
0x623: {  	[tilespmem:$0xD750] =	vst v13  }
0x624: {  	[tilespmem:$0x9760] =	vst v51  }
0x625: {  	[tilespmem:$0xD760] =	vst v13  }
0x626: {  	[tilespmem:$0x9770] =	vst v51  }
0x627: {  	[tilespmem:$0xD770] =	vst v13  }
0x628: {  	[tilespmem:$0x9B00] =	vst v51  }
0x629: {  	[tilespmem:$0xDB00] =	vst v13  }
0x62a: {  	[tilespmem:$0x9B10] =	vst v51  }
0x62b: {  	[tilespmem:$0xDB10] =	vst v13  }
0x62c: {  	[tilespmem:$0x9B20] =	vst v51  }
0x62d: {  	[tilespmem:$0xDB20] =	vst v13  }
0x62e: {  	[tilespmem:$0x9B30] =	vst v51  }
0x62f: {  	[tilespmem:$0xDB30] =	vst v13  }
0x630: {  	[tilespmem:$0x9B40] =	vst v51  }
0x631: {  	[tilespmem:$0xDB40] =	vst v13  }
0x632: {  	[tilespmem:$0x9B50] =	vst v51  }
0x633: {  	[tilespmem:$0xDB50] =	vst v13  }
0x634: {  	[tilespmem:$0x9B60] =	vst v51  }
0x635: {  	[tilespmem:$0xDB60] =	vst v13  }
0x636: {  	[tilespmem:$0x9B70] =	vst v51  }
0x637: {  	[tilespmem:$0xDB70] =	vst v13  }
0x638: {  	[tilespmem:$0x9F00] =	vst v51  }
0x639: {  	[tilespmem:$0xDF00] =	vst v13  }
0x63a: {  	[tilespmem:$0x9F10] =	vst v51  }
0x63b: {  	[tilespmem:$0xDF10] =	vst v13  }
0x63c: {  	[tilespmem:$0x9F20] =	vst v51  }
0x63d: {  	[tilespmem:$0xDF20] =	vst v13  }
0x63e: {  	[tilespmem:$0x9F30] =	vst v51  }
0x63f: {  	[tilespmem:$0xDF30] =	vst v13  }
0x640: {  	[tilespmem:$0x9F40] =	vst v51  }
0x641: {  	[tilespmem:$0xDF40] =	vst v13  }
0x642: {  	[tilespmem:$0x9F50] =	vst v51  }
0x643: {  	[tilespmem:$0xDF50] =	vst v13  }
0x644: {  	[tilespmem:$0x9F60] =	vst v51  }
0x645: {  	[tilespmem:$0xDF60] =	vst v13  }
0x646: {  	[tilespmem:$0x9F70] =	vst v51  }
0x647: {  	[tilespmem:$0xDF70] =	vst v13  }
0x648: {  	[tilespmem:$0xA300] =	vst v51  }
0x649: {  	[tilespmem:$0xE300] =	vst v13  }
0x64a: {  	[tilespmem:$0xA310] =	vst v51  }
0x64b: {  	[tilespmem:$0xE310] =	vst v13  }
0x64c: {  	[tilespmem:$0xA320] =	vst v51  }
0x64d: {  	[tilespmem:$0xE320] =	vst v13  }
0x64e: {  	[tilespmem:$0xA330] =	vst v51  }
0x64f: {  	[tilespmem:$0xE330] =	vst v13  }
0x650: {  	[tilespmem:$0xA340] =	vst v51  }
0x651: {  	[tilespmem:$0xE340] =	vst v13  }
0x652: {  	[tilespmem:$0xA350] =	vst v51  }
0x653: {  	[tilespmem:$0xE350] =	vst v13  }
0x654: {  	[tilespmem:$0xA360] =	vst v51  }
0x655: {  	[tilespmem:$0xE360] =	vst v13  }
0x656: {  	[tilespmem:$0xA370] =	vst v51  }
0x657: {  	[tilespmem:$0xE370] =	vst v13  }
0x658: {  	[tilespmem:$0xA700] =	vst v51  }
0x659: {  	[tilespmem:$0xE700] =	vst v13  }
0x65a: {  	[tilespmem:$0xA710] =	vst v51  }
0x65b: {  	[tilespmem:$0xE710] =	vst v13  }
0x65c: {  	[tilespmem:$0xA720] =	vst v51  }
0x65d: {  	[tilespmem:$0xE720] =	vst v13  }
0x65e: {  	[tilespmem:$0xA730] =	vst v51  }
0x65f: {  	[tilespmem:$0xE730] =	vst v13  }
0x660: {  	[tilespmem:$0xA740] =	vst v51  }
0x661: {  	[tilespmem:$0xE740] =	vst v13  }
0x662: {  	[tilespmem:$0xA750] =	vst v51  }
0x663: {  	[tilespmem:$0xE750] =	vst v13  }
0x664: {  	[tilespmem:$0xA760] =	vst v51  }
0x665: {  	[tilespmem:$0xE760] =	vst v13  }
0x666: {  	v52 =	vbroadcast v11, $0x1;
	[tilespmem:$0xA770] =	vst v51  }
0x667: {  	v53 =	vbroadcast v50, $0x1;
	[tilespmem:$0xE770] =	vst v13  }
0x668: {  	[tilespmem:$0x8B80] =	vst v52  }
0x669: {  	[tilespmem:$0xCB80] =	vst v53  }
0x66a: {  	[tilespmem:$0x8B90] =	vst v52  }
0x66b: {  	[tilespmem:$0xCB90] =	vst v53  }
0x66c: {  	[tilespmem:$0x8BA0] =	vst v52  }
0x66d: {  	[tilespmem:$0xCBA0] =	vst v53  }
0x66e: {  	[tilespmem:$0x8BB0] =	vst v52  }
0x66f: {  	[tilespmem:$0xCBB0] =	vst v53  }
0x670: {  	[tilespmem:$0x8BC0] =	vst v52  }
0x671: {  	[tilespmem:$0xCBC0] =	vst v53  }
0x672: {  	[tilespmem:$0x8BD0] =	vst v52  }
0x673: {  	[tilespmem:$0xCBD0] =	vst v53  }
0x674: {  	[tilespmem:$0x8BE0] =	vst v52  }
0x675: {  	[tilespmem:$0xCBE0] =	vst v53  }
0x676: {  	[tilespmem:$0x8BF0] =	vst v52  }
0x677: {  	[tilespmem:$0xCBF0] =	vst v53  }
0x678: {  	[tilespmem:$0x8F80] =	vst v52  }
0x679: {  	[tilespmem:$0xCF80] =	vst v53  }
0x67a: {  	[tilespmem:$0x8F90] =	vst v52  }
0x67b: {  	[tilespmem:$0xCF90] =	vst v53  }
0x67c: {  	[tilespmem:$0x8FA0] =	vst v52  }
0x67d: {  	[tilespmem:$0xCFA0] =	vst v53  }
0x67e: {  	[tilespmem:$0x8FB0] =	vst v52  }
0x67f: {  	[tilespmem:$0xCFB0] =	vst v53  }
0x680: {  	[tilespmem:$0x8FC0] =	vst v52  }
0x681: {  	[tilespmem:$0xCFC0] =	vst v53  }
0x682: {  	[tilespmem:$0x8FD0] =	vst v52  }
0x683: {  	[tilespmem:$0xCFD0] =	vst v53  }
0x684: {  	[tilespmem:$0x8FE0] =	vst v52  }
0x685: {  	[tilespmem:$0xCFE0] =	vst v53  }
0x686: {  	[tilespmem:$0x8FF0] =	vst v52  }
0x687: {  	[tilespmem:$0xCFF0] =	vst v53  }
0x688: {  	[tilespmem:$0x9380] =	vst v52  }
0x689: {  	[tilespmem:$0xD380] =	vst v53  }
0x68a: {  	[tilespmem:$0x9390] =	vst v52  }
0x68b: {  	[tilespmem:$0xD390] =	vst v53  }
0x68c: {  	[tilespmem:$0x93A0] =	vst v52  }
0x68d: {  	[tilespmem:$0xD3A0] =	vst v53  }
0x68e: {  	[tilespmem:$0x93B0] =	vst v52  }
0x68f: {  	[tilespmem:$0xD3B0] =	vst v53  }
0x690: {  	[tilespmem:$0x93C0] =	vst v52  }
0x691: {  	[tilespmem:$0xD3C0] =	vst v53  }
0x692: {  	[tilespmem:$0x93D0] =	vst v52  }
0x693: {  	[tilespmem:$0xD3D0] =	vst v53  }
0x694: {  	[tilespmem:$0x93E0] =	vst v52  }
0x695: {  	[tilespmem:$0xD3E0] =	vst v53  }
0x696: {  	[tilespmem:$0x93F0] =	vst v52  }
0x697: {  	[tilespmem:$0xD3F0] =	vst v53  }
0x698: {  	[tilespmem:$0x9780] =	vst v52  }
0x699: {  	[tilespmem:$0xD780] =	vst v53  }
0x69a: {  	[tilespmem:$0x9790] =	vst v52  }
0x69b: {  	[tilespmem:$0xD790] =	vst v53  }
0x69c: {  	[tilespmem:$0x97A0] =	vst v52  }
0x69d: {  	[tilespmem:$0xD7A0] =	vst v53  }
0x69e: {  	[tilespmem:$0x97B0] =	vst v52  }
0x69f: {  	[tilespmem:$0xD7B0] =	vst v53  }
0x6a0: {  	[tilespmem:$0x97C0] =	vst v52  }
0x6a1: {  	[tilespmem:$0xD7C0] =	vst v53  }
0x6a2: {  	[tilespmem:$0x97D0] =	vst v52  }
0x6a3: {  	[tilespmem:$0xD7D0] =	vst v53  }
0x6a4: {  	[tilespmem:$0x97E0] =	vst v52  }
0x6a5: {  	[tilespmem:$0xD7E0] =	vst v53  }
0x6a6: {  	[tilespmem:$0x97F0] =	vst v52  }
0x6a7: {  	[tilespmem:$0xD7F0] =	vst v53  }
0x6a8: {  	[tilespmem:$0x9B80] =	vst v52  }
0x6a9: {  	[tilespmem:$0xDB80] =	vst v53  }
0x6aa: {  	[tilespmem:$0x9B90] =	vst v52  }
0x6ab: {  	[tilespmem:$0xDB90] =	vst v53  }
0x6ac: {  	[tilespmem:$0x9BA0] =	vst v52  }
0x6ad: {  	[tilespmem:$0xDBA0] =	vst v53  }
0x6ae: {  	[tilespmem:$0x9BB0] =	vst v52  }
0x6af: {  	[tilespmem:$0xDBB0] =	vst v53  }
0x6b0: {  	[tilespmem:$0x9BC0] =	vst v52  }
0x6b1: {  	[tilespmem:$0xDBC0] =	vst v53  }
0x6b2: {  	[tilespmem:$0x9BD0] =	vst v52  }
0x6b3: {  	[tilespmem:$0xDBD0] =	vst v53  }
0x6b4: {  	[tilespmem:$0x9BE0] =	vst v52  }
0x6b5: {  	[tilespmem:$0xDBE0] =	vst v53  }
0x6b6: {  	[tilespmem:$0x9BF0] =	vst v52  }
0x6b7: {  	[tilespmem:$0xDBF0] =	vst v53  }
0x6b8: {  	[tilespmem:$0x9F80] =	vst v52  }
0x6b9: {  	[tilespmem:$0xDF80] =	vst v53  }
0x6ba: {  	[tilespmem:$0x9F90] =	vst v52  }
0x6bb: {  	[tilespmem:$0xDF90] =	vst v53  }
0x6bc: {  	[tilespmem:$0x9FA0] =	vst v52  }
0x6bd: {  	[tilespmem:$0xDFA0] =	vst v53  }
0x6be: {  	[tilespmem:$0x9FB0] =	vst v52  }
0x6bf: {  	[tilespmem:$0xDFB0] =	vst v53  }
0x6c0: {  	[tilespmem:$0x9FC0] =	vst v52  }
0x6c1: {  	[tilespmem:$0xDFC0] =	vst v53  }
0x6c2: {  	[tilespmem:$0x9FD0] =	vst v52  }
0x6c3: {  	[tilespmem:$0xDFD0] =	vst v53  }
0x6c4: {  	[tilespmem:$0x9FE0] =	vst v52  }
0x6c5: {  	[tilespmem:$0xDFE0] =	vst v53  }
0x6c6: {  	[tilespmem:$0x9FF0] =	vst v52  }
0x6c7: {  	[tilespmem:$0xDFF0] =	vst v53  }
0x6c8: {  	[tilespmem:$0xA380] =	vst v52  }
0x6c9: {  	[tilespmem:$0xE380] =	vst v53  }
0x6ca: {  	[tilespmem:$0xA390] =	vst v52  }
0x6cb: {  	[tilespmem:$0xE390] =	vst v53  }
0x6cc: {  	[tilespmem:$0xA3A0] =	vst v52  }
0x6cd: {  	[tilespmem:$0xE3A0] =	vst v53  }
0x6ce: {  	[tilespmem:$0xA3B0] =	vst v52  }
0x6cf: {  	[tilespmem:$0xE3B0] =	vst v53  }
0x6d0: {  	[tilespmem:$0xA3C0] =	vst v52  }
0x6d1: {  	[tilespmem:$0xE3C0] =	vst v53  }
0x6d2: {  	[tilespmem:$0xA3D0] =	vst v52  }
0x6d3: {  	[tilespmem:$0xE3D0] =	vst v53  }
0x6d4: {  	[tilespmem:$0xA3E0] =	vst v52  }
0x6d5: {  	[tilespmem:$0xE3E0] =	vst v53  }
0x6d6: {  	[tilespmem:$0xA3F0] =	vst v52  }
0x6d7: {  	[tilespmem:$0xE3F0] =	vst v53  }
0x6d8: {  	[tilespmem:$0xA780] =	vst v52  }
0x6d9: {  	[tilespmem:$0xE780] =	vst v53  }
0x6da: {  	[tilespmem:$0xA790] =	vst v52  }
0x6db: {  	[tilespmem:$0xE790] =	vst v53  }
0x6dc: {  	[tilespmem:$0xA7A0] =	vst v52  }
0x6dd: {  	[tilespmem:$0xE7A0] =	vst v53  }
0x6de: {  	[tilespmem:$0xA7B0] =	vst v52  }
0x6df: {  	[tilespmem:$0xE7B0] =	vst v53  }
0x6e0: {  	[tilespmem:$0xA7C0] =	vst v52  }
0x6e1: {  	[tilespmem:$0xE7C0] =	vst v53  }
0x6e2: {  	[tilespmem:$0xA7D0] =	vst v52  }
0x6e3: {  	[tilespmem:$0xE7D0] =	vst v53  }
0x6e4: {  	[tilespmem:$0xA7E0] =	vst v52  }
0x6e5: {  	[tilespmem:$0xE7E0] =	vst v53  }
0x6e6: {  	v54 =	vbroadcast v11, $0x3;
	[tilespmem:$0xA7F0] =	vst v52  }
0x6e7: {  	[tilespmem:$0xE7F0] =	vst v53  }
0x6e8: {  	[tilespmem:$0x8C80] =	vst v54  }
0x6e9: {  	[tilespmem:$0x8C90] =	vst v54  }
0x6ea: {  	[tilespmem:$0x8CA0] =	vst v54  }
0x6eb: {  	[tilespmem:$0x8CB0] =	vst v54  }
0x6ec: {  	[tilespmem:$0x8CC0] =	vst v54  }
0x6ed: {  	[tilespmem:$0x8CD0] =	vst v54  }
0x6ee: {  	[tilespmem:$0x8CE0] =	vst v54  }
0x6ef: {  	[tilespmem:$0x8CF0] =	vst v54  }
0x6f0: {  	[tilespmem:$0x9080] =	vst v54  }
0x6f1: {  	[tilespmem:$0x9090] =	vst v54  }
0x6f2: {  	[tilespmem:$0x90A0] =	vst v54  }
0x6f3: {  	[tilespmem:$0x90B0] =	vst v54  }
0x6f4: {  	[tilespmem:$0x90C0] =	vst v54  }
0x6f5: {  	[tilespmem:$0x90D0] =	vst v54  }
0x6f6: {  	[tilespmem:$0x90E0] =	vst v54  }
0x6f7: {  	[tilespmem:$0x90F0] =	vst v54  }
0x6f8: {  	[tilespmem:$0x9480] =	vst v54  }
0x6f9: {  	[tilespmem:$0x9490] =	vst v54  }
0x6fa: {  	[tilespmem:$0x94A0] =	vst v54  }
0x6fb: {  	[tilespmem:$0x94B0] =	vst v54  }
0x6fc: {  	[tilespmem:$0x94C0] =	vst v54  }
0x6fd: {  	[tilespmem:$0x94D0] =	vst v54  }
0x6fe: {  	[tilespmem:$0x94E0] =	vst v54  }
0x6ff: {  	v57 =	vbroadcast v50, $0x3;
	[tilespmem:$0x94F0] =	vst v54  }
0x700: {  	v59 =	vbroadcast v11, $0x2;
	[tilespmem:$0x9880] =	vst v54  }
0x701: {  	[tilespmem:$0xE8E0] =	vst v57  }
0x702: {  	[tilespmem:$0x8C00] =	vst v59  }
0x703: {  	[tilespmem:$0x9040] =	vst v59  }
0x704: {  	[tilespmem:$0x9060] =	vst v59  }
0x705: {  	[tilespmem:$0x9030] =	vst v59  }
0x706: {  	[tilespmem:$0x9070] =	vst v59  }
0x707: {  	[tilespmem:$0x9020] =	vst v59  }
0x708: {  	[tilespmem:$0x9400] =	vst v59  }
0x709: {  	[tilespmem:$0x9010] =	vst v59  }
0x70a: {  	[tilespmem:$0x9410] =	vst v59  }
0x70b: {  	[tilespmem:$0x9000] =	vst v59  }
0x70c: {  	[tilespmem:$0x9420] =	vst v59  }
0x70d: {  	[tilespmem:$0x8C70] =	vst v59  }
0x70e: {  	[tilespmem:$0x9430] =	vst v59  }
0x70f: {  	[tilespmem:$0x8C60] =	vst v59  }
0x710: {  	[tilespmem:$0x9440] =	vst v59  }
0x711: {  	[tilespmem:$0x8C50] =	vst v59  }
0x712: {  	[tilespmem:$0x9450] =	vst v59  }
0x713: {  	[tilespmem:$0x8C40] =	vst v59  }
0x714: {  	[tilespmem:$0x9460] =	vst v59  }
0x715: {  	[tilespmem:$0x8C30] =	vst v59  }
0x716: {  	[tilespmem:$0x9470] =	vst v59  }
0x717: {  	[tilespmem:$0x8C20] =	vst v59  }
0x718: {  	[tilespmem:$0x9800] =	vst v59  }
0x719: {  	[tilespmem:$0x8C10] =	vst v59  }
0x71a: {  	[tilespmem:$0x9810] =	vst v59  }
0x71b: {  	v58 =	vbroadcast v50, $0x2;
	[tilespmem:$0xA8E0] =	vst v54  }
0x71c: {  	[tilespmem:$0x9820] =	vst v59  }
0x71d: {  	[tilespmem:$0xD820] =	vst v58  }
0x71e: {  	[tilespmem:$0x9830] =	vst v59  }
0x71f: {  	[tilespmem:$0xD830] =	vst v58  }
0x720: {  	[tilespmem:$0x9840] =	vst v59  }
0x721: {  	[tilespmem:$0xD840] =	vst v58  }
0x722: {  	[tilespmem:$0x9850] =	vst v59  }
0x723: {  	[tilespmem:$0xD850] =	vst v58  }
0x724: {  	[tilespmem:$0x9860] =	vst v59  }
0x725: {  	[tilespmem:$0xD860] =	vst v58  }
0x726: {  	[tilespmem:$0x9870] =	vst v59  }
0x727: {  	[tilespmem:$0xD870] =	vst v58  }
0x728: {  	[tilespmem:$0x9C00] =	vst v59  }
0x729: {  	[tilespmem:$0xDC00] =	vst v58  }
0x72a: {  	[tilespmem:$0x9C10] =	vst v59  }
0x72b: {  	[tilespmem:$0xDC10] =	vst v58  }
0x72c: {  	[tilespmem:$0x9C20] =	vst v59  }
0x72d: {  	[tilespmem:$0xDC20] =	vst v58  }
0x72e: {  	[tilespmem:$0x9C30] =	vst v59  }
0x72f: {  	[tilespmem:$0xDC30] =	vst v58  }
0x730: {  	[tilespmem:$0x9C40] =	vst v59  }
0x731: {  	[tilespmem:$0xDC40] =	vst v58  }
0x732: {  	[tilespmem:$0x9C50] =	vst v59  }
0x733: {  	[tilespmem:$0xDC50] =	vst v58  }
0x734: {  	[tilespmem:$0x9C60] =	vst v59  }
0x735: {  	[tilespmem:$0xDC60] =	vst v58  }
0x736: {  	[tilespmem:$0x9C70] =	vst v59  }
0x737: {  	[tilespmem:$0xDC70] =	vst v58  }
0x738: {  	[tilespmem:$0xA000] =	vst v59  }
0x739: {  	[tilespmem:$0xE000] =	vst v58  }
0x73a: {  	[tilespmem:$0xA010] =	vst v59  }
0x73b: {  	[tilespmem:$0xE010] =	vst v58  }
0x73c: {  	[tilespmem:$0xA020] =	vst v59  }
0x73d: {  	[tilespmem:$0xE020] =	vst v58  }
0x73e: {  	[tilespmem:$0xA030] =	vst v59  }
0x73f: {  	[tilespmem:$0xE030] =	vst v58  }
0x740: {  	[tilespmem:$0xA040] =	vst v59  }
0x741: {  	[tilespmem:$0xE040] =	vst v58  }
0x742: {  	[tilespmem:$0xA050] =	vst v59  }
0x743: {  	[tilespmem:$0xE050] =	vst v58  }
0x744: {  	[tilespmem:$0xA060] =	vst v59  }
0x745: {  	[tilespmem:$0xE060] =	vst v58  }
0x746: {  	[tilespmem:$0xA070] =	vst v59  }
0x747: {  	[tilespmem:$0xE070] =	vst v58  }
0x748: {  	[tilespmem:$0xA400] =	vst v59  }
0x749: {  	[tilespmem:$0xE400] =	vst v58  }
0x74a: {  	[tilespmem:$0xA410] =	vst v59  }
0x74b: {  	[tilespmem:$0xE410] =	vst v58  }
0x74c: {  	[tilespmem:$0xA420] =	vst v59  }
0x74d: {  	[tilespmem:$0xE420] =	vst v58  }
0x74e: {  	[tilespmem:$0xA430] =	vst v59  }
0x74f: {  	[tilespmem:$0xE430] =	vst v58  }
0x750: {  	[tilespmem:$0xA440] =	vst v59  }
0x751: {  	[tilespmem:$0xE440] =	vst v58  }
0x752: {  	[tilespmem:$0xA450] =	vst v59  }
0x753: {  	[tilespmem:$0xE450] =	vst v58  }
0x754: {  	[tilespmem:$0xA460] =	vst v59  }
0x755: {  	[tilespmem:$0xE460] =	vst v58  }
0x756: {  	[tilespmem:$0xA470] =	vst v59  }
0x757: {  	[tilespmem:$0xE470] =	vst v58  }
0x758: {  	[tilespmem:$0xA800] =	vst v59  }
0x759: {  	[tilespmem:$0xE800] =	vst v58  }
0x75a: {  	[tilespmem:$0xA810] =	vst v59  }
0x75b: {  	[tilespmem:$0xE810] =	vst v58  }
0x75c: {  	[tilespmem:$0xA820] =	vst v59  }
0x75d: {  	[tilespmem:$0xE820] =	vst v58  }
0x75e: {  	[tilespmem:$0xA830] =	vst v59  }
0x75f: {  	[tilespmem:$0xE830] =	vst v58  }
0x760: {  	[tilespmem:$0xA840] =	vst v59  }
0x761: {  	[tilespmem:$0xE840] =	vst v58  }
0x762: {  	[tilespmem:$0xA850] =	vst v59  }
0x763: {  	[tilespmem:$0xE850] =	vst v58  }
0x764: {  	[tilespmem:$0xA860] =	vst v59  }
0x765: {  	[tilespmem:$0xE860] =	vst v58  }
0x766: {  	[tilespmem:$0xA870] =	vst v59  }
0x767: {  	[tilespmem:$0xE870] =	vst v58  }
0x768: {  	[tilespmem:$0xD810] =	vst v58  }
0x769: {  	[tilespmem:$0xCC80] =	vst v57  }
0x76a: {  	[tilespmem:$0xD800] =	vst v58  }
0x76b: {  	[tilespmem:$0xCC90] =	vst v57  }
0x76c: {  	[tilespmem:$0xD470] =	vst v58  }
0x76d: {  	[tilespmem:$0xCCA0] =	vst v57  }
0x76e: {  	[tilespmem:$0xD460] =	vst v58  }
0x76f: {  	[tilespmem:$0xCCB0] =	vst v57  }
0x770: {  	[tilespmem:$0xD450] =	vst v58  }
0x771: {  	[tilespmem:$0xCCC0] =	vst v57  }
0x772: {  	[tilespmem:$0xD440] =	vst v58  }
0x773: {  	[tilespmem:$0xCCD0] =	vst v57  }
0x774: {  	[tilespmem:$0xD430] =	vst v58  }
0x775: {  	[tilespmem:$0xCCE0] =	vst v57  }
0x776: {  	[tilespmem:$0xD420] =	vst v58  }
0x777: {  	[tilespmem:$0xCCF0] =	vst v57  }
0x778: {  	[tilespmem:$0xD410] =	vst v58  }
0x779: {  	[tilespmem:$0xD080] =	vst v57  }
0x77a: {  	[tilespmem:$0xD400] =	vst v58  }
0x77b: {  	[tilespmem:$0xD090] =	vst v57  }
0x77c: {  	[tilespmem:$0xD070] =	vst v58  }
0x77d: {  	[tilespmem:$0xD0A0] =	vst v57  }
0x77e: {  	[tilespmem:$0xD060] =	vst v58  }
0x77f: {  	[tilespmem:$0xD0B0] =	vst v57  }
0x780: {  	[tilespmem:$0xD050] =	vst v58  }
0x781: {  	[tilespmem:$0xD0C0] =	vst v57  }
0x782: {  	[tilespmem:$0xD040] =	vst v58  }
0x783: {  	[tilespmem:$0xD0D0] =	vst v57  }
0x784: {  	[tilespmem:$0xD030] =	vst v58  }
0x785: {  	[tilespmem:$0xD0E0] =	vst v57  }
0x786: {  	[tilespmem:$0xD020] =	vst v58  }
0x787: {  	[tilespmem:$0xD0F0] =	vst v57  }
0x788: {  	[tilespmem:$0xD010] =	vst v58  }
0x789: {  	[tilespmem:$0xD480] =	vst v57  }
0x78a: {  	[tilespmem:$0xD000] =	vst v58  }
0x78b: {  	[tilespmem:$0xD490] =	vst v57  }
0x78c: {  	[tilespmem:$0xCC70] =	vst v58  }
0x78d: {  	[tilespmem:$0xD4A0] =	vst v57  }
0x78e: {  	[tilespmem:$0xCC60] =	vst v58  }
0x78f: {  	[tilespmem:$0xD4B0] =	vst v57  }
0x790: {  	[tilespmem:$0xCC50] =	vst v58  }
0x791: {  	[tilespmem:$0xD4C0] =	vst v57  }
0x792: {  	[tilespmem:$0xCC40] =	vst v58  }
0x793: {  	[tilespmem:$0xD4D0] =	vst v57  }
0x794: {  	[tilespmem:$0xCC30] =	vst v58  }
0x795: {  	[tilespmem:$0xD4E0] =	vst v57  }
0x796: {  	[tilespmem:$0xCC20] =	vst v58  }
0x797: {  	[tilespmem:$0xD4F0] =	vst v57  }
0x798: {  	[tilespmem:$0xCC10] =	vst v58  }
0x799: {  	[tilespmem:$0xD880] =	vst v57  }
0x79a: {  	[tilespmem:$0xCC00] =	vst v58  }
0x79b: {  	[tilespmem:$0xD890] =	vst v57  }
0x79c: {  	[tilespmem:$0x98A0] =	vst v54  }
0x79d: {  	[tilespmem:$0xD8A0] =	vst v57  }
0x79e: {  	[tilespmem:$0x98B0] =	vst v54  }
0x79f: {  	[tilespmem:$0xD8B0] =	vst v57  }
0x7a0: {  	[tilespmem:$0x98C0] =	vst v54  }
0x7a1: {  	[tilespmem:$0xD8C0] =	vst v57  }
0x7a2: {  	[tilespmem:$0x98D0] =	vst v54  }
0x7a3: {  	[tilespmem:$0xD8D0] =	vst v57  }
0x7a4: {  	[tilespmem:$0x98E0] =	vst v54  }
0x7a5: {  	[tilespmem:$0xD8E0] =	vst v57  }
0x7a6: {  	[tilespmem:$0x98F0] =	vst v54  }
0x7a7: {  	[tilespmem:$0xD8F0] =	vst v57  }
0x7a8: {  	[tilespmem:$0x9C80] =	vst v54  }
0x7a9: {  	[tilespmem:$0xDC80] =	vst v57  }
0x7aa: {  	[tilespmem:$0x9C90] =	vst v54  }
0x7ab: {  	[tilespmem:$0xDC90] =	vst v57  }
0x7ac: {  	[tilespmem:$0x9CA0] =	vst v54  }
0x7ad: {  	[tilespmem:$0xDCA0] =	vst v57  }
0x7ae: {  	[tilespmem:$0x9CB0] =	vst v54  }
0x7af: {  	[tilespmem:$0xDCB0] =	vst v57  }
0x7b0: {  	[tilespmem:$0x9CC0] =	vst v54  }
0x7b1: {  	[tilespmem:$0xDCC0] =	vst v57  }
0x7b2: {  	[tilespmem:$0x9CD0] =	vst v54  }
0x7b3: {  	[tilespmem:$0xDCD0] =	vst v57  }
0x7b4: {  	[tilespmem:$0x9CE0] =	vst v54  }
0x7b5: {  	[tilespmem:$0xDCE0] =	vst v57  }
0x7b6: {  	[tilespmem:$0x9CF0] =	vst v54  }
0x7b7: {  	[tilespmem:$0xDCF0] =	vst v57  }
0x7b8: {  	[tilespmem:$0xA080] =	vst v54  }
0x7b9: {  	[tilespmem:$0xE080] =	vst v57  }
0x7ba: {  	[tilespmem:$0xA090] =	vst v54  }
0x7bb: {  	[tilespmem:$0xE090] =	vst v57  }
0x7bc: {  	[tilespmem:$0xA0A0] =	vst v54  }
0x7bd: {  	[tilespmem:$0xE0A0] =	vst v57  }
0x7be: {  	[tilespmem:$0xA0B0] =	vst v54  }
0x7bf: {  	[tilespmem:$0xE0B0] =	vst v57  }
0x7c0: {  	[tilespmem:$0xA0C0] =	vst v54  }
0x7c1: {  	[tilespmem:$0xE0C0] =	vst v57  }
0x7c2: {  	[tilespmem:$0xA0D0] =	vst v54  }
0x7c3: {  	[tilespmem:$0xE0D0] =	vst v57  }
0x7c4: {  	[tilespmem:$0xA0E0] =	vst v54  }
0x7c5: {  	[tilespmem:$0xE0E0] =	vst v57  }
0x7c6: {  	[tilespmem:$0xA0F0] =	vst v54  }
0x7c7: {  	[tilespmem:$0xE0F0] =	vst v57  }
0x7c8: {  	[tilespmem:$0xA480] =	vst v54  }
0x7c9: {  	[tilespmem:$0xE480] =	vst v57  }
0x7ca: {  	[tilespmem:$0xA490] =	vst v54  }
0x7cb: {  	[tilespmem:$0xE490] =	vst v57  }
0x7cc: {  	[tilespmem:$0xA4A0] =	vst v54  }
0x7cd: {  	[tilespmem:$0xE4A0] =	vst v57  }
0x7ce: {  	[tilespmem:$0xA4B0] =	vst v54  }
0x7cf: {  	[tilespmem:$0xE4B0] =	vst v57  }
0x7d0: {  	[tilespmem:$0xA4C0] =	vst v54  }
0x7d1: {  	[tilespmem:$0xE4C0] =	vst v57  }
0x7d2: {  	[tilespmem:$0xA4D0] =	vst v54  }
0x7d3: {  	[tilespmem:$0xE4D0] =	vst v57  }
0x7d4: {  	[tilespmem:$0xA4E0] =	vst v54  }
0x7d5: {  	[tilespmem:$0xE4E0] =	vst v57  }
0x7d6: {  	[tilespmem:$0xA4F0] =	vst v54  }
0x7d7: {  	[tilespmem:$0xE4F0] =	vst v57  }
0x7d8: {  	[tilespmem:$0xA880] =	vst v54  }
0x7d9: {  	[tilespmem:$0xE880] =	vst v57  }
0x7da: {  	[tilespmem:$0xA890] =	vst v54  }
0x7db: {  	[tilespmem:$0xE890] =	vst v57  }
0x7dc: {  	[tilespmem:$0xA8A0] =	vst v54  }
0x7dd: {  	[tilespmem:$0xE8A0] =	vst v57  }
0x7de: {  	[tilespmem:$0xA8B0] =	vst v54  }
0x7df: {  	[tilespmem:$0xE8B0] =	vst v57  }
0x7e0: {  	[tilespmem:$0xA8C0] =	vst v54  }
0x7e1: {  	[tilespmem:$0xE8C0] =	vst v57  }
0x7e2: {  	[tilespmem:$0xA8D0] =	vst v54  }
0x7e3: {  	[tilespmem:$0xE8D0] =	vst v57  }
0x7e4: {  	v55 =	vbroadcast v50, $0x4;
	[tilespmem:$0xA8F0] =	vst v54  }
0x7e5: {  	[tilespmem:$0x9050] =	vst v59  }
0x7e6: {  	v56 =	vbroadcast v11, $0x4;
	[tilespmem:$0xCD00] =	vst v55  }
0x7e7: {  	[tilespmem:$0xE8F0] =	vst v57  }
0x7e8: {  	[tilespmem:$0x8D00] =	vst v56  }
0x7e9: {  	[tilespmem:$0x9890] =	vst v54  }
0x7ea: {  	[tilespmem:$0x8D10] =	vst v56  }
0x7eb: {  	[tilespmem:$0xCD10] =	vst v55  }
0x7ec: {  	[tilespmem:$0x8D20] =	vst v56  }
0x7ed: {  	[tilespmem:$0xCD20] =	vst v55  }
0x7ee: {  	[tilespmem:$0x8D30] =	vst v56  }
0x7ef: {  	[tilespmem:$0xCD30] =	vst v55  }
0x7f0: {  	[tilespmem:$0x8D40] =	vst v56  }
0x7f1: {  	[tilespmem:$0xCD40] =	vst v55  }
0x7f2: {  	[tilespmem:$0x8D50] =	vst v56  }
0x7f3: {  	[tilespmem:$0xCD50] =	vst v55  }
0x7f4: {  	[tilespmem:$0x8D60] =	vst v56  }
0x7f5: {  	[tilespmem:$0xCD60] =	vst v55  }
0x7f6: {  	[tilespmem:$0x8D70] =	vst v56  }
0x7f7: {  	[tilespmem:$0xCD70] =	vst v55  }
0x7f8: {  	[tilespmem:$0x9100] =	vst v56  }
0x7f9: {  	[tilespmem:$0xD100] =	vst v55  }
0x7fa: {  	[tilespmem:$0x9110] =	vst v56  }
0x7fb: {  	[tilespmem:$0xD110] =	vst v55  }
0x7fc: {  	[tilespmem:$0x9120] =	vst v56  }
0x7fd: {  	[tilespmem:$0xD120] =	vst v55  }
0x7fe: {  	[tilespmem:$0x9130] =	vst v56  }
0x7ff: {  	[tilespmem:$0xD130] =	vst v55  }
0x800: {  	[tilespmem:$0x9140] =	vst v56  }
0x801: {  	[tilespmem:$0xD140] =	vst v55  }
0x802: {  	[tilespmem:$0x9150] =	vst v56  }
0x803: {  	[tilespmem:$0xD150] =	vst v55  }
0x804: {  	[tilespmem:$0x9160] =	vst v56  }
0x805: {  	[tilespmem:$0xD160] =	vst v55  }
0x806: {  	[tilespmem:$0x9170] =	vst v56  }
0x807: {  	[tilespmem:$0xD170] =	vst v55  }
0x808: {  	[tilespmem:$0x9500] =	vst v56  }
0x809: {  	[tilespmem:$0xD500] =	vst v55  }
0x80a: {  	[tilespmem:$0x9510] =	vst v56  }
0x80b: {  	[tilespmem:$0xD510] =	vst v55  }
0x80c: {  	[tilespmem:$0x9520] =	vst v56  }
0x80d: {  	[tilespmem:$0xD520] =	vst v55  }
0x80e: {  	[tilespmem:$0x9530] =	vst v56  }
0x80f: {  	[tilespmem:$0xD530] =	vst v55  }
0x810: {  	[tilespmem:$0x9540] =	vst v56  }
0x811: {  	[tilespmem:$0xD540] =	vst v55  }
0x812: {  	[tilespmem:$0x9550] =	vst v56  }
0x813: {  	[tilespmem:$0xD550] =	vst v55  }
0x814: {  	[tilespmem:$0x9560] =	vst v56  }
0x815: {  	[tilespmem:$0xD560] =	vst v55  }
0x816: {  	[tilespmem:$0x9570] =	vst v56  }
0x817: {  	[tilespmem:$0xD570] =	vst v55  }
0x818: {  	[tilespmem:$0x9900] =	vst v56  }
0x819: {  	[tilespmem:$0xD900] =	vst v55  }
0x81a: {  	[tilespmem:$0x9910] =	vst v56  }
0x81b: {  	[tilespmem:$0xD910] =	vst v55  }
0x81c: {  	[tilespmem:$0x9920] =	vst v56  }
0x81d: {  	[tilespmem:$0xD920] =	vst v55  }
0x81e: {  	[tilespmem:$0x9930] =	vst v56  }
0x81f: {  	[tilespmem:$0xD930] =	vst v55  }
0x820: {  	[tilespmem:$0x9940] =	vst v56  }
0x821: {  	[tilespmem:$0xD940] =	vst v55  }
0x822: {  	[tilespmem:$0x9950] =	vst v56  }
0x823: {  	[tilespmem:$0xD950] =	vst v55  }
0x824: {  	[tilespmem:$0x9960] =	vst v56  }
0x825: {  	[tilespmem:$0xD960] =	vst v55  }
0x826: {  	[tilespmem:$0x9970] =	vst v56  }
0x827: {  	[tilespmem:$0xD970] =	vst v55  }
0x828: {  	[tilespmem:$0x9D00] =	vst v56  }
0x829: {  	[tilespmem:$0xDD00] =	vst v55  }
0x82a: {  	[tilespmem:$0x9D10] =	vst v56  }
0x82b: {  	[tilespmem:$0xDD10] =	vst v55  }
0x82c: {  	[tilespmem:$0x9D20] =	vst v56  }
0x82d: {  	[tilespmem:$0xDD20] =	vst v55  }
0x82e: {  	[tilespmem:$0x9D30] =	vst v56  }
0x82f: {  	[tilespmem:$0xDD30] =	vst v55  }
0x830: {  	[tilespmem:$0x9D40] =	vst v56  }
0x831: {  	[tilespmem:$0xDD40] =	vst v55  }
0x832: {  	[tilespmem:$0x9D50] =	vst v56  }
0x833: {  	[tilespmem:$0xDD50] =	vst v55  }
0x834: {  	[tilespmem:$0x9D60] =	vst v56  }
0x835: {  	[tilespmem:$0xDD60] =	vst v55  }
0x836: {  	[tilespmem:$0x9D70] =	vst v56  }
0x837: {  	[tilespmem:$0xDD70] =	vst v55  }
0x838: {  	[tilespmem:$0xA100] =	vst v56  }
0x839: {  	[tilespmem:$0xE100] =	vst v55  }
0x83a: {  	[tilespmem:$0xA110] =	vst v56  }
0x83b: {  	[tilespmem:$0xE110] =	vst v55  }
0x83c: {  	[tilespmem:$0xA120] =	vst v56  }
0x83d: {  	[tilespmem:$0xE120] =	vst v55  }
0x83e: {  	[tilespmem:$0xA130] =	vst v56  }
0x83f: {  	[tilespmem:$0xE130] =	vst v55  }
0x840: {  	[tilespmem:$0xA140] =	vst v56  }
0x841: {  	[tilespmem:$0xE140] =	vst v55  }
0x842: {  	[tilespmem:$0xA150] =	vst v56  }
0x843: {  	[tilespmem:$0xE150] =	vst v55  }
0x844: {  	[tilespmem:$0xA160] =	vst v56  }
0x845: {  	[tilespmem:$0xE160] =	vst v55  }
0x846: {  	[tilespmem:$0xA170] =	vst v56  }
0x847: {  	[tilespmem:$0xE170] =	vst v55  }
0x848: {  	[tilespmem:$0xA500] =	vst v56  }
0x849: {  	[tilespmem:$0xE500] =	vst v55  }
0x84a: {  	[tilespmem:$0xA510] =	vst v56  }
0x84b: {  	[tilespmem:$0xE510] =	vst v55  }
0x84c: {  	[tilespmem:$0xA520] =	vst v56  }
0x84d: {  	[tilespmem:$0xE520] =	vst v55  }
0x84e: {  	[tilespmem:$0xA530] =	vst v56  }
0x84f: {  	[tilespmem:$0xE530] =	vst v55  }
0x850: {  	[tilespmem:$0xA540] =	vst v56  }
0x851: {  	[tilespmem:$0xE540] =	vst v55  }
0x852: {  	[tilespmem:$0xA550] =	vst v56  }
0x853: {  	[tilespmem:$0xE550] =	vst v55  }
0x854: {  	[tilespmem:$0xA560] =	vst v56  }
0x855: {  	[tilespmem:$0xE560] =	vst v55  }
0x856: {  	[tilespmem:$0xA570] =	vst v56  }
0x857: {  	[tilespmem:$0xE570] =	vst v55  }
0x858: {  	[tilespmem:$0xA900] =	vst v56  }
0x859: {  	[tilespmem:$0xE900] =	vst v55  }
0x85a: {  	[tilespmem:$0xA910] =	vst v56  }
0x85b: {  	[tilespmem:$0xE910] =	vst v55  }
0x85c: {  	[tilespmem:$0xA920] =	vst v56  }
0x85d: {  	[tilespmem:$0xE920] =	vst v55  }
0x85e: {  	[tilespmem:$0xA930] =	vst v56  }
0x85f: {  	[tilespmem:$0xE930] =	vst v55  }
0x860: {  	[tilespmem:$0xA940] =	vst v56  }
0x861: {  	[tilespmem:$0xE940] =	vst v55  }
0x862: {  	[tilespmem:$0xA950] =	vst v56  }
0x863: {  	[tilespmem:$0xE950] =	vst v55  }
0x864: {  	[tilespmem:$0xA960] =	vst v56  }
0x865: {  	[tilespmem:$0xE960] =	vst v55  }
0x866: {  	v60 =	vbroadcast v11, $0x5;
	[tilespmem:$0xA970] =	vst v56  }
0x867: {  	v61 =	vbroadcast v50, $0x5;
	[tilespmem:$0xE970] =	vst v55  }
0x868: {  	[tilespmem:$0x8D80] =	vst v60  }
0x869: {  	[tilespmem:$0xCD80] =	vst v61  }
0x86a: {  	[tilespmem:$0x8D90] =	vst v60  }
0x86b: {  	[tilespmem:$0xCD90] =	vst v61  }
0x86c: {  	[tilespmem:$0x8DA0] =	vst v60  }
0x86d: {  	[tilespmem:$0xCDA0] =	vst v61  }
0x86e: {  	[tilespmem:$0x8DB0] =	vst v60  }
0x86f: {  	[tilespmem:$0xCDB0] =	vst v61  }
0x870: {  	[tilespmem:$0x8DC0] =	vst v60  }
0x871: {  	[tilespmem:$0xCDC0] =	vst v61  }
0x872: {  	[tilespmem:$0x8DD0] =	vst v60  }
0x873: {  	[tilespmem:$0xCDD0] =	vst v61  }
0x874: {  	[tilespmem:$0x8DE0] =	vst v60  }
0x875: {  	[tilespmem:$0xCDE0] =	vst v61  }
0x876: {  	[tilespmem:$0x8DF0] =	vst v60  }
0x877: {  	[tilespmem:$0xCDF0] =	vst v61  }
0x878: {  	[tilespmem:$0x9180] =	vst v60  }
0x879: {  	[tilespmem:$0xD180] =	vst v61  }
0x87a: {  	[tilespmem:$0x9190] =	vst v60  }
0x87b: {  	[tilespmem:$0xD190] =	vst v61  }
0x87c: {  	[tilespmem:$0x91A0] =	vst v60  }
0x87d: {  	[tilespmem:$0xD1A0] =	vst v61  }
0x87e: {  	[tilespmem:$0x91B0] =	vst v60  }
0x87f: {  	[tilespmem:$0xD1B0] =	vst v61  }
0x880: {  	[tilespmem:$0x91C0] =	vst v60  }
0x881: {  	[tilespmem:$0xD1C0] =	vst v61  }
0x882: {  	[tilespmem:$0x91D0] =	vst v60  }
0x883: {  	[tilespmem:$0xD1D0] =	vst v61  }
0x884: {  	[tilespmem:$0x91E0] =	vst v60  }
0x885: {  	[tilespmem:$0xD1E0] =	vst v61  }
0x886: {  	[tilespmem:$0x91F0] =	vst v60  }
0x887: {  	[tilespmem:$0xD1F0] =	vst v61  }
0x888: {  	[tilespmem:$0x9580] =	vst v60  }
0x889: {  	[tilespmem:$0xD580] =	vst v61  }
0x88a: {  	[tilespmem:$0x9590] =	vst v60  }
0x88b: {  	[tilespmem:$0xD590] =	vst v61  }
0x88c: {  	[tilespmem:$0x95A0] =	vst v60  }
0x88d: {  	[tilespmem:$0xD5A0] =	vst v61  }
0x88e: {  	[tilespmem:$0x95B0] =	vst v60  }
0x88f: {  	[tilespmem:$0xD5B0] =	vst v61  }
0x890: {  	[tilespmem:$0x95C0] =	vst v60  }
0x891: {  	[tilespmem:$0xD5C0] =	vst v61  }
0x892: {  	[tilespmem:$0x95D0] =	vst v60  }
0x893: {  	[tilespmem:$0xD5D0] =	vst v61  }
0x894: {  	[tilespmem:$0x95E0] =	vst v60  }
0x895: {  	[tilespmem:$0xD5E0] =	vst v61  }
0x896: {  	[tilespmem:$0x95F0] =	vst v60  }
0x897: {  	[tilespmem:$0xD5F0] =	vst v61  }
0x898: {  	[tilespmem:$0x9980] =	vst v60  }
0x899: {  	[tilespmem:$0xD980] =	vst v61  }
0x89a: {  	[tilespmem:$0x9990] =	vst v60  }
0x89b: {  	[tilespmem:$0xD990] =	vst v61  }
0x89c: {  	[tilespmem:$0x99A0] =	vst v60  }
0x89d: {  	[tilespmem:$0xD9A0] =	vst v61  }
0x89e: {  	[tilespmem:$0x99B0] =	vst v60  }
0x89f: {  	[tilespmem:$0xD9B0] =	vst v61  }
0x8a0: {  	[tilespmem:$0x99C0] =	vst v60  }
0x8a1: {  	[tilespmem:$0xD9C0] =	vst v61  }
0x8a2: {  	[tilespmem:$0x99D0] =	vst v60  }
0x8a3: {  	[tilespmem:$0xD9D0] =	vst v61  }
0x8a4: {  	[tilespmem:$0x99E0] =	vst v60  }
0x8a5: {  	[tilespmem:$0xD9E0] =	vst v61  }
0x8a6: {  	[tilespmem:$0x99F0] =	vst v60  }
0x8a7: {  	[tilespmem:$0xD9F0] =	vst v61  }
0x8a8: {  	[tilespmem:$0x9D80] =	vst v60  }
0x8a9: {  	[tilespmem:$0xDD80] =	vst v61  }
0x8aa: {  	[tilespmem:$0x9D90] =	vst v60  }
0x8ab: {  	[tilespmem:$0xDD90] =	vst v61  }
0x8ac: {  	[tilespmem:$0x9DA0] =	vst v60  }
0x8ad: {  	[tilespmem:$0xDDA0] =	vst v61  }
0x8ae: {  	[tilespmem:$0x9DB0] =	vst v60  }
0x8af: {  	[tilespmem:$0xDDB0] =	vst v61  }
0x8b0: {  	[tilespmem:$0x9DC0] =	vst v60  }
0x8b1: {  	[tilespmem:$0xDDC0] =	vst v61  }
0x8b2: {  	[tilespmem:$0x9DD0] =	vst v60  }
0x8b3: {  	[tilespmem:$0xDDD0] =	vst v61  }
0x8b4: {  	[tilespmem:$0x9DE0] =	vst v60  }
0x8b5: {  	[tilespmem:$0xDDE0] =	vst v61  }
0x8b6: {  	[tilespmem:$0x9DF0] =	vst v60  }
0x8b7: {  	[tilespmem:$0xDDF0] =	vst v61  }
0x8b8: {  	[tilespmem:$0xA180] =	vst v60  }
0x8b9: {  	[tilespmem:$0xE180] =	vst v61  }
0x8ba: {  	[tilespmem:$0xA190] =	vst v60  }
0x8bb: {  	[tilespmem:$0xE190] =	vst v61  }
0x8bc: {  	[tilespmem:$0xA1A0] =	vst v60  }
0x8bd: {  	[tilespmem:$0xE1A0] =	vst v61  }
0x8be: {  	[tilespmem:$0xA1B0] =	vst v60  }
0x8bf: {  	[tilespmem:$0xE1B0] =	vst v61  }
0x8c0: {  	[tilespmem:$0xA1C0] =	vst v60  }
0x8c1: {  	[tilespmem:$0xE1C0] =	vst v61  }
0x8c2: {  	[tilespmem:$0xA1D0] =	vst v60  }
0x8c3: {  	[tilespmem:$0xE1D0] =	vst v61  }
0x8c4: {  	[tilespmem:$0xA1E0] =	vst v60  }
0x8c5: {  	[tilespmem:$0xE1E0] =	vst v61  }
0x8c6: {  	[tilespmem:$0xA1F0] =	vst v60  }
0x8c7: {  	[tilespmem:$0xE1F0] =	vst v61  }
0x8c8: {  	[tilespmem:$0xA580] =	vst v60  }
0x8c9: {  	[tilespmem:$0xE580] =	vst v61  }
0x8ca: {  	[tilespmem:$0xA590] =	vst v60  }
0x8cb: {  	[tilespmem:$0xE590] =	vst v61  }
0x8cc: {  	[tilespmem:$0xA5A0] =	vst v60  }
0x8cd: {  	[tilespmem:$0xE5A0] =	vst v61  }
0x8ce: {  	[tilespmem:$0xA5B0] =	vst v60  }
0x8cf: {  	[tilespmem:$0xE5B0] =	vst v61  }
0x8d0: {  	[tilespmem:$0xA5C0] =	vst v60  }
0x8d1: {  	[tilespmem:$0xE5C0] =	vst v61  }
0x8d2: {  	[tilespmem:$0xA5D0] =	vst v60  }
0x8d3: {  	[tilespmem:$0xE5D0] =	vst v61  }
0x8d4: {  	[tilespmem:$0xA5E0] =	vst v60  }
0x8d5: {  	[tilespmem:$0xE5E0] =	vst v61  }
0x8d6: {  	[tilespmem:$0xA5F0] =	vst v60  }
0x8d7: {  	[tilespmem:$0xE5F0] =	vst v61  }
0x8d8: {  	[tilespmem:$0xA980] =	vst v60  }
0x8d9: {  	[tilespmem:$0xE980] =	vst v61  }
0x8da: {  	[tilespmem:$0xA990] =	vst v60  }
0x8db: {  	[tilespmem:$0xE990] =	vst v61  }
0x8dc: {  	[tilespmem:$0xA9A0] =	vst v60  }
0x8dd: {  	[tilespmem:$0xE9A0] =	vst v61  }
0x8de: {  	[tilespmem:$0xA9B0] =	vst v60  }
0x8df: {  	[tilespmem:$0xE9B0] =	vst v61  }
0x8e0: {  	[tilespmem:$0xA9C0] =	vst v60  }
0x8e1: {  	[tilespmem:$0xE9C0] =	vst v61  }
0x8e2: {  	[tilespmem:$0xA9D0] =	vst v60  }
0x8e3: {  	[tilespmem:$0xE9D0] =	vst v61  }
0x8e4: {  	[tilespmem:$0xA9E0] =	vst v60  }
0x8e5: {  	[tilespmem:$0xE9E0] =	vst v61  }
0x8e6: {  	v62 =	vbroadcast v11, $0x6;
	[tilespmem:$0xA9F0] =	vst v60  }
0x8e7: {  	v63 =	vbroadcast v50, $0x6;
	[tilespmem:$0xE9F0] =	vst v61  }
0x8e8: {  	[tilespmem:$0x8E00] =	vst v62  }
0x8e9: {  	[tilespmem:$0xCE00] =	vst v63  }
0x8ea: {  	[tilespmem:$0x8E10] =	vst v62  }
0x8eb: {  	[tilespmem:$0xCE10] =	vst v63  }
0x8ec: {  	[tilespmem:$0x8E20] =	vst v62  }
0x8ed: {  	[tilespmem:$0xCE20] =	vst v63  }
0x8ee: {  	[tilespmem:$0x8E30] =	vst v62  }
0x8ef: {  	[tilespmem:$0xCE30] =	vst v63  }
0x8f0: {  	[tilespmem:$0x8E40] =	vst v62  }
0x8f1: {  	[tilespmem:$0xCE40] =	vst v63  }
0x8f2: {  	[tilespmem:$0x8E50] =	vst v62  }
0x8f3: {  	v11 =	vbroadcast v11, $0x7;
	[tilespmem:$0xCE50] =	vst v63  }
0x8f4: {  	[tilespmem:$0x8E60] =	vst v62  }
0x8f5: {  	[tilespmem:$0xAAF0] =	vst v11  }
0x8f6: {  	[tilespmem:$0xEA70] =	vst v63  }
0x8f7: {  	[tilespmem:$0xCE70] =	vst v63  }
0x8f8: {  	[tilespmem:$0x9200] =	vst v62  }
0x8f9: {  	[tilespmem:$0xD200] =	vst v63  }
0x8fa: {  	[tilespmem:$0x9210] =	vst v62  }
0x8fb: {  	[tilespmem:$0xD210] =	vst v63  }
0x8fc: {  	[tilespmem:$0x9220] =	vst v62  }
0x8fd: {  	[tilespmem:$0xD220] =	vst v63  }
0x8fe: {  	[tilespmem:$0x9230] =	vst v62  }
0x8ff: {  	[tilespmem:$0xD230] =	vst v63  }
0x900: {  	[tilespmem:$0x9240] =	vst v62  }
0x901: {  	[tilespmem:$0xD240] =	vst v63  }
0x902: {  	[tilespmem:$0x9250] =	vst v62  }
0x903: {  	[tilespmem:$0xD250] =	vst v63  }
0x904: {  	[tilespmem:$0x9260] =	vst v62  }
0x905: {  	[tilespmem:$0xD260] =	vst v63  }
0x906: {  	[tilespmem:$0x9270] =	vst v62  }
0x907: {  	[tilespmem:$0xD270] =	vst v63  }
0x908: {  	[tilespmem:$0x9600] =	vst v62  }
0x909: {  	[tilespmem:$0xD600] =	vst v63  }
0x90a: {  	[tilespmem:$0x9610] =	vst v62  }
0x90b: {  	[tilespmem:$0xD610] =	vst v63  }
0x90c: {  	[tilespmem:$0x9620] =	vst v62  }
0x90d: {  	[tilespmem:$0xD620] =	vst v63  }
0x90e: {  	[tilespmem:$0x9630] =	vst v62  }
0x90f: {  	[tilespmem:$0xD630] =	vst v63  }
0x910: {  	[tilespmem:$0x9640] =	vst v62  }
0x911: {  	[tilespmem:$0xD640] =	vst v63  }
0x912: {  	[tilespmem:$0x9650] =	vst v62  }
0x913: {  	[tilespmem:$0xD650] =	vst v63  }
0x914: {  	[tilespmem:$0x9660] =	vst v62  }
0x915: {  	[tilespmem:$0xD660] =	vst v63  }
0x916: {  	[tilespmem:$0x9670] =	vst v62  }
0x917: {  	[tilespmem:$0xD670] =	vst v63  }
0x918: {  	[tilespmem:$0x9A00] =	vst v62  }
0x919: {  	[tilespmem:$0xDA00] =	vst v63  }
0x91a: {  	[tilespmem:$0x9A10] =	vst v62  }
0x91b: {  	[tilespmem:$0xDA10] =	vst v63  }
0x91c: {  	[tilespmem:$0x9A20] =	vst v62  }
0x91d: {  	[tilespmem:$0xDA20] =	vst v63  }
0x91e: {  	[tilespmem:$0x9A30] =	vst v62  }
0x91f: {  	[tilespmem:$0xDA30] =	vst v63  }
0x920: {  	[tilespmem:$0x9A40] =	vst v62  }
0x921: {  	[tilespmem:$0xDA40] =	vst v63  }
0x922: {  	[tilespmem:$0x9A50] =	vst v62  }
0x923: {  	[tilespmem:$0xDA50] =	vst v63  }
0x924: {  	[tilespmem:$0x9A60] =	vst v62  }
0x925: {  	[tilespmem:$0xDA60] =	vst v63  }
0x926: {  	[tilespmem:$0x9A70] =	vst v62  }
0x927: {  	[tilespmem:$0xDA70] =	vst v63  }
0x928: {  	[tilespmem:$0x9E00] =	vst v62  }
0x929: {  	[tilespmem:$0xDE00] =	vst v63  }
0x92a: {  	[tilespmem:$0x9E10] =	vst v62  }
0x92b: {  	[tilespmem:$0xDE10] =	vst v63  }
0x92c: {  	[tilespmem:$0x9E20] =	vst v62  }
0x92d: {  	[tilespmem:$0xDE20] =	vst v63  }
0x92e: {  	[tilespmem:$0x9E30] =	vst v62  }
0x92f: {  	[tilespmem:$0xDE30] =	vst v63  }
0x930: {  	[tilespmem:$0x9E40] =	vst v62  }
0x931: {  	[tilespmem:$0xDE40] =	vst v63  }
0x932: {  	[tilespmem:$0x9E50] =	vst v62  }
0x933: {  	[tilespmem:$0xDE50] =	vst v63  }
0x934: {  	[tilespmem:$0x9E60] =	vst v62  }
0x935: {  	[tilespmem:$0xDE60] =	vst v63  }
0x936: {  	[tilespmem:$0x9E70] =	vst v62  }
0x937: {  	[tilespmem:$0xDE70] =	vst v63  }
0x938: {  	[tilespmem:$0xA200] =	vst v62  }
0x939: {  	[tilespmem:$0xE200] =	vst v63  }
0x93a: {  	[tilespmem:$0xA210] =	vst v62  }
0x93b: {  	[tilespmem:$0xE210] =	vst v63  }
0x93c: {  	[tilespmem:$0xA220] =	vst v62  }
0x93d: {  	[tilespmem:$0xE220] =	vst v63  }
0x93e: {  	[tilespmem:$0xA230] =	vst v62  }
0x93f: {  	[tilespmem:$0xE230] =	vst v63  }
0x940: {  	[tilespmem:$0xA240] =	vst v62  }
0x941: {  	[tilespmem:$0xE240] =	vst v63  }
0x942: {  	[tilespmem:$0xA250] =	vst v62  }
0x943: {  	[tilespmem:$0xE250] =	vst v63  }
0x944: {  	[tilespmem:$0xA260] =	vst v62  }
0x945: {  	[tilespmem:$0xE260] =	vst v63  }
0x946: {  	[tilespmem:$0xA270] =	vst v62  }
0x947: {  	[tilespmem:$0xE270] =	vst v63  }
0x948: {  	[tilespmem:$0xA600] =	vst v62  }
0x949: {  	[tilespmem:$0xE600] =	vst v63  }
0x94a: {  	[tilespmem:$0xA610] =	vst v62  }
0x94b: {  	[tilespmem:$0xE610] =	vst v63  }
0x94c: {  	[tilespmem:$0xA620] =	vst v62  }
0x94d: {  	[tilespmem:$0xE620] =	vst v63  }
0x94e: {  	[tilespmem:$0xA630] =	vst v62  }
0x94f: {  	[tilespmem:$0xE630] =	vst v63  }
0x950: {  	[tilespmem:$0xA640] =	vst v62  }
0x951: {  	[tilespmem:$0xE640] =	vst v63  }
0x952: {  	[tilespmem:$0xA650] =	vst v62  }
0x953: {  	[tilespmem:$0xE650] =	vst v63  }
0x954: {  	[tilespmem:$0xA660] =	vst v62  }
0x955: {  	[tilespmem:$0xE660] =	vst v63  }
0x956: {  	[tilespmem:$0xA670] =	vst v62  }
0x957: {  	[tilespmem:$0xE670] =	vst v63  }
0x958: {  	[tilespmem:$0xAA00] =	vst v62  }
0x959: {  	[tilespmem:$0xEA00] =	vst v63  }
0x95a: {  	[tilespmem:$0xAA10] =	vst v62  }
0x95b: {  	[tilespmem:$0xEA10] =	vst v63  }
0x95c: {  	[tilespmem:$0xAA20] =	vst v62  }
0x95d: {  	[tilespmem:$0xEA20] =	vst v63  }
0x95e: {  	[tilespmem:$0xAA30] =	vst v62  }
0x95f: {  	[tilespmem:$0xEA30] =	vst v63  }
0x960: {  	[tilespmem:$0xAA40] =	vst v62  }
0x961: {  	[tilespmem:$0xEA40] =	vst v63  }
0x962: {  	[tilespmem:$0xAA50] =	vst v62  }
0x963: {  	[tilespmem:$0xEA50] =	vst v63  }
0x964: {  	[tilespmem:$0xAA60] =	vst v62  }
0x965: {  	[tilespmem:$0xEA60] =	vst v63  }
0x966: {  	[tilespmem:$0xAA70] =	vst v62  }
0x967: {  	v12 =	vbroadcast v50, $0x7;
	[tilespmem:$0xAAE0] =	vst v11  }
0x968: {  	[tilespmem:$0x8E80] =	vst v11  }
0x969: {  	[tilespmem:$0xCE80] =	vst v12  }
0x96a: {  	[tilespmem:$0x8E90] =	vst v11  }
0x96b: {  	[tilespmem:$0xCE90] =	vst v12  }
0x96c: {  	[tilespmem:$0x8EA0] =	vst v11  }
0x96d: {  	[tilespmem:$0xCEA0] =	vst v12  }
0x96e: {  	[tilespmem:$0x8EB0] =	vst v11  }
0x96f: {  	[tilespmem:$0xCEB0] =	vst v12  }
0x970: {  	[tilespmem:$0x8EC0] =	vst v11  }
0x971: {  	[tilespmem:$0xCEC0] =	vst v12  }
0x972: {  	[tilespmem:$0x8ED0] =	vst v11  }
0x973: {  	[tilespmem:$0xCED0] =	vst v12  }
0x974: {  	[tilespmem:$0x8EE0] =	vst v11  }
0x975: {  	[tilespmem:$0xCEE0] =	vst v12  }
0x976: {  	[tilespmem:$0x8EF0] =	vst v11  }
0x977: {  	[tilespmem:$0xCEF0] =	vst v12  }
0x978: {  	[tilespmem:$0x9280] =	vst v11  }
0x979: {  	[tilespmem:$0xD280] =	vst v12  }
0x97a: {  	[tilespmem:$0x9290] =	vst v11  }
0x97b: {  	[tilespmem:$0xD290] =	vst v12  }
0x97c: {  	[tilespmem:$0x92A0] =	vst v11  }
0x97d: {  	[tilespmem:$0xD2A0] =	vst v12  }
0x97e: {  	[tilespmem:$0x92B0] =	vst v11  }
0x97f: {  	[tilespmem:$0xD2B0] =	vst v12  }
0x980: {  	[tilespmem:$0x92C0] =	vst v11  }
0x981: {  	[tilespmem:$0xD2C0] =	vst v12  }
0x982: {  	[tilespmem:$0x92D0] =	vst v11  }
0x983: {  	[tilespmem:$0xD2D0] =	vst v12  }
0x984: {  	[tilespmem:$0x92E0] =	vst v11  }
0x985: {  	[tilespmem:$0xD2E0] =	vst v12  }
0x986: {  	[tilespmem:$0x92F0] =	vst v11  }
0x987: {  	[tilespmem:$0xD2F0] =	vst v12  }
0x988: {  	[tilespmem:$0x9680] =	vst v11  }
0x989: {  	[tilespmem:$0xD680] =	vst v12  }
0x98a: {  	[tilespmem:$0x9690] =	vst v11  }
0x98b: {  	[tilespmem:$0xD690] =	vst v12  }
0x98c: {  	[tilespmem:$0x96A0] =	vst v11  }
0x98d: {  	[tilespmem:$0xD6A0] =	vst v12  }
0x98e: {  	[tilespmem:$0x96B0] =	vst v11  }
0x98f: {  	[tilespmem:$0xD6B0] =	vst v12  }
0x990: {  	[tilespmem:$0x96C0] =	vst v11  }
0x991: {  	[tilespmem:$0xD6C0] =	vst v12  }
0x992: {  	[tilespmem:$0x96D0] =	vst v11  }
0x993: {  	[tilespmem:$0xD6D0] =	vst v12  }
0x994: {  	[tilespmem:$0x96E0] =	vst v11  }
0x995: {  	[tilespmem:$0xD6E0] =	vst v12  }
0x996: {  	[tilespmem:$0x96F0] =	vst v11  }
0x997: {  	[tilespmem:$0xD6F0] =	vst v12  }
0x998: {  	[tilespmem:$0x9A80] =	vst v11  }
0x999: {  	[tilespmem:$0xDA80] =	vst v12  }
0x99a: {  	[tilespmem:$0x9A90] =	vst v11  }
0x99b: {  	[tilespmem:$0xDA90] =	vst v12  }
0x99c: {  	[tilespmem:$0x9AA0] =	vst v11  }
0x99d: {  	[tilespmem:$0xDAA0] =	vst v12  }
0x99e: {  	[tilespmem:$0x9AB0] =	vst v11  }
0x99f: {  	[tilespmem:$0xDAB0] =	vst v12  }
0x9a0: {  	[tilespmem:$0x9AC0] =	vst v11  }
0x9a1: {  	[tilespmem:$0xDAC0] =	vst v12  }
0x9a2: {  	[tilespmem:$0x9AD0] =	vst v11  }
0x9a3: {  	[tilespmem:$0xDAD0] =	vst v12  }
0x9a4: {  	[tilespmem:$0x9AE0] =	vst v11  }
0x9a5: {  	[tilespmem:$0xDAE0] =	vst v12  }
0x9a6: {  	[tilespmem:$0x9AF0] =	vst v11  }
0x9a7: {  	[tilespmem:$0xDAF0] =	vst v12  }
0x9a8: {  	[tilespmem:$0x9E80] =	vst v11  }
0x9a9: {  	[tilespmem:$0xDE80] =	vst v12  }
0x9aa: {  	[tilespmem:$0x9E90] =	vst v11  }
0x9ab: {  	[tilespmem:$0xDE90] =	vst v12  }
0x9ac: {  	[tilespmem:$0x9EA0] =	vst v11  }
0x9ad: {  	[tilespmem:$0xDEA0] =	vst v12  }
0x9ae: {  	[tilespmem:$0x9EB0] =	vst v11  }
0x9af: {  	[tilespmem:$0xDEB0] =	vst v12  }
0x9b0: {  	[tilespmem:$0x9EC0] =	vst v11  }
0x9b1: {  	[tilespmem:$0xDEC0] =	vst v12  }
0x9b2: {  	[tilespmem:$0x9ED0] =	vst v11  }
0x9b3: {  	[tilespmem:$0xDED0] =	vst v12  }
0x9b4: {  	[tilespmem:$0x9EE0] =	vst v11  }
0x9b5: {  	[tilespmem:$0xDEE0] =	vst v12  }
0x9b6: {  	[tilespmem:$0x9EF0] =	vst v11  }
0x9b7: {  	[tilespmem:$0xDEF0] =	vst v12  }
0x9b8: {  	[tilespmem:$0xA280] =	vst v11  }
0x9b9: {  	[tilespmem:$0xE280] =	vst v12  }
0x9ba: {  	[tilespmem:$0xA290] =	vst v11  }
0x9bb: {  	[tilespmem:$0xE290] =	vst v12  }
0x9bc: {  	[tilespmem:$0xA2A0] =	vst v11  }
0x9bd: {  	[tilespmem:$0xE2A0] =	vst v12  }
0x9be: {  	[tilespmem:$0xA2B0] =	vst v11  }
0x9bf: {  	[tilespmem:$0xE2B0] =	vst v12  }
0x9c0: {  	[tilespmem:$0xA2C0] =	vst v11  }
0x9c1: {  	[tilespmem:$0xE2C0] =	vst v12  }
0x9c2: {  	[tilespmem:$0xA2D0] =	vst v11  }
0x9c3: {  	[tilespmem:$0xE2D0] =	vst v12  }
0x9c4: {  	[tilespmem:$0xA2E0] =	vst v11  }
0x9c5: {  	[tilespmem:$0xE2E0] =	vst v12  }
0x9c6: {  	[tilespmem:$0xA2F0] =	vst v11  }
0x9c7: {  	[tilespmem:$0xE2F0] =	vst v12  }
0x9c8: {  	[tilespmem:$0xA680] =	vst v11  }
0x9c9: {  	[tilespmem:$0xE680] =	vst v12  }
0x9ca: {  	[tilespmem:$0xA690] =	vst v11  }
0x9cb: {  	[tilespmem:$0xE690] =	vst v12  }
0x9cc: {  	[tilespmem:$0xA6A0] =	vst v11  }
0x9cd: {  	[tilespmem:$0xE6A0] =	vst v12  }
0x9ce: {  	[tilespmem:$0xA6B0] =	vst v11  }
0x9cf: {  	[tilespmem:$0xE6B0] =	vst v12  }
0x9d0: {  	[tilespmem:$0xA6C0] =	vst v11  }
0x9d1: {  	[tilespmem:$0xE6C0] =	vst v12  }
0x9d2: {  	[tilespmem:$0xA6D0] =	vst v11  }
0x9d3: {  	[tilespmem:$0xE6D0] =	vst v12  }
0x9d4: {  	[tilespmem:$0xA6E0] =	vst v11  }
0x9d5: {  	[tilespmem:$0xE6E0] =	vst v12  }
0x9d6: {  	[tilespmem:$0xA6F0] =	vst v11  }
0x9d7: {  	[tilespmem:$0xE6F0] =	vst v12  }
0x9d8: {  	[tilespmem:$0xAA80] =	vst v11  }
0x9d9: {  	[tilespmem:$0xEA80] =	vst v12  }
0x9da: {  	[tilespmem:$0xAA90] =	vst v11  }
0x9db: {  	[tilespmem:$0xEA90] =	vst v12  }
0x9dc: {  	[tilespmem:$0xAAA0] =	vst v11  }
0x9dd: {  	[tilespmem:$0xEAA0] =	vst v12  }
0x9de: {  	[tilespmem:$0xAAB0] =	vst v11  }
0x9df: {  	[tilespmem:$0xEAB0] =	vst v12  }
0x9e0: {  	[tilespmem:$0xAAC0] =	vst v11  }
0x9e1: {  	[tilespmem:$0xEAC0] =	vst v12  }
0x9e2: {  	[tilespmem:$0xAAD0] =	vst v11  }
0x9e3: {  	[tilespmem:$0xEAD0] =	vst v12  }
0x9e4: {  	s15 =	sadd.s32 s8, s19;
	s21 =	sadd.s32 s8, s18;
	s8 =	sadd.s32 $0x800, s8;
	[tilespmem:$0xEAE0] =	vst v12  }
0x9e5: {  	p2 =	sne.s32 s8, $0x10000;
	[tilespmem:$0xCE60] =	vst v63  }
.Ltmp25:
0x9e6: {  	[tilespmem:$0xEAF0] =	vst v12;
	(pc) =	sbr.rel @p2 .LBB2_49-.Ltmp25, $4  }
0x9e7: {  	[tilespmem:$0x8E70] =	vst v62  }
0x9e8: {  	[hbm4b:s15+s6] =	stream.linear.scatter [tilespmem:s0], [sflag:$0x4], $0x2000, $0x38;
	[tilespmem:$0x12B00] =	vst v63  }
0x9e9: {  	s7 =	sadd.s32 $0x8, s7  }
0x9ea: {  	[hbm4b:s21+s6] =	stream.linear.scatter [tilespmem:s5], [sflag:$0x4], $0x2000, $0x38;
	[tilespmem:$0x12B00] =	vst v63  }
0x9eb: {  	_ =	swait.ge [sflag:s24], $0x2000  }
0x9ec: {  	[sflag:s24] =	ssyncset.done $0x0  }
0x9ed: {  	[sflag:s24] =	ssyncadd.s32 $0xFFFFE000  }
0x9ee: {  	_ =	swait.ge [sflag:s24], $0x2000  }
0x9ef: {  	[sflag:s24] =	ssyncset.done $0x0  }
0x9f0: {  	[sflag:s24] =	ssyncadd.s32 $0xFFFFE000  }
0x9f1: {  	_ =	swait.ge [sflag:s31], $0x2000  }
0x9f2: {  	[sflag:s31] =	ssyncset.done $0x0  }
0x9f3: {  	[sflag:s31] =	ssyncadd.s32 $0xFFFFE000  }
0x9f4: {  	_ =	swait.ge [sflag:s31], $0x2000  }
0x9f5: {  	s25 =	sadd.s32 $0x1, s25;
	s7 =	rddreg [dreg:$0xa]  }
0x9f6: {  	p2 =	sne.s32 s25, s7  }
.Ltmp26:
0x9f7: {  	_ = 	snop;
	(pc) =	sbr.rel @p2 .LBB2_1-.Ltmp26, $3  }
0x9f8: {  	_ =	sdelay $0x1  }
0x9f9: {  	[sflag:s31] =	ssyncset.done $0x0  }
0x9fa: {  	[sflag:s31] =	ssyncadd.s32 $0xFFFFE000  }
0x9fb: {  	_ =	sfence.sel $0x180000  }
0x9fc: {  	[bflag:$0x0] =	sbarrier.arrive $0xFFFF  }
0x9fd: {  	_ =	strace $0x90000047  }
0x9fe: {  	s0 =	stileid.u32;
	[bflag:$0x2] =	sbarrier.arrive $0xFFFF  }
0x9ff: {  	p0 =	sne.s32 s0, $0x0;
	s0 =	rddreg [dreg:$0x5]  }
0xa00: {  	s0 =	sadd.s32 @!p0 $0x100000, s0  }
0xa01: {  	[sflag:s0] =	ssyncadd.tile.s32 @!p0 $0x1;
	_ =	shalt  }
.Lfunc_end2:
_tile_overlayer_lowered:
.L_overlay_start_2:
0xa02: {  	(tag) =	ssettag $0x2  }
0xa03: {  	s0 =	rddreg [dreg:$0x0];
	s2 =	stileid.u32  }
0xa04: {  	s1 =	rddreg [dreg:$0x1];
	p0 =	sne.s32 s2, $0x0  }
0xa05: {  	s3 =	rddreg [dreg:$0x2];
	[bflag:$0x3] =	sbarrier.arrive $0xFFFF;
	s2 =	simm.s32 @!p0 $0x1C05  }
0xa06: {  	[timem:s3], [sflag:s2] =	dma.local @!p0 [hbm:s0], s1  }
0xa07: {  	s0 =	simm.s32 @!p0 $0x5  }
0xa08: {  	_ =	swait.ge @!p0 [sflag:s0], s1  }
0xa09: {  	s1 =	ssub.s32 @!p0 $0x0, s1;
	[sflag:s0] =	ssyncset.done @!p0 $0x0  }
0xa0a: {  	[sflag:s0] =	ssyncadd.s32 @!p0 s1  }
0xa0b: {  	[bflag:$0x3] =	sbarrier.arrive $0xFFFF  }
0xa0c: {  	_ =	shalt  }

</sc_bundles>
